<compile_context>
chip_gen: v7x
topology: tpu7x:2x2x1
jax: 0.10.2.dev20260603
libtpu: 0.0.44.dev20260713+nightly
codegen_flags: <defaults>
</compile_context>

<pallas_src>
import functools

import jax
import jax.numpy as jnp
from jax import lax
from jax.experimental import pallas as pl
from jax.experimental.pallas import tpu as pltpu
from jax.experimental.pallas import tpu_sc as plsc

N = 10000
E = 320000
F = 128
CH = 128
NC = 2
NS = 16
NPAD = 10112
ROWS_PER_TILE = NPAD // NS
DUMMY = N

CHUNKS_A = 2560
CPT_A = CHUNKS_A // NS
HALF_E = E // 2
CHUNKS_3H = 1280
CPT_3 = CHUNKS_3H // NS

_mesh = plsc.VectorSubcoreMesh(core_axis_name="c", subcore_axis_name="s",
                               num_cores=NC, num_subcores=NS)


SEC = 16


def _make_agg(cpt, core_stride):
    nsec = cpt // SEC

    def body(t0, t1, srcc, dstc, out0, out1,
             src_v, dst_v, buf0, buf1, acc, g0, g1):
        c = lax.axis_index("c")
        s = lax.axis_index("s")
        base = c * core_stride + s * cpt

        zero16 = jnp.zeros((16,), jnp.float32)

        @pl.loop(0, CH)
        def _(r):
            for k in range(F // 16):
                buf0[r, pl.ds(k * 16, 16)] = zero16

        row0 = s * ROWS_PER_TILE
        for j in range(ROWS_PER_TILE // 128):
            pltpu.sync_copy(buf0.at[pl.ds(0, 128)],
                            acc.at[pl.ds(row0 + j * 128, 128)])
        _rem = ROWS_PER_TILE % 128
        pltpu.sync_copy(buf0.at[pl.ds(0, _rem)],
                        acc.at[pl.ds(row0 + ROWS_PER_TILE - _rem, _rem)])
        plsc.subcore_barrier()

        def run(tab, outr):
            @pl.loop(0, nsec)
            def _(sec):
                srow = base + sec * SEC
                pltpu.sync_copy(srcc.at[pl.ds(srow, SEC)], src_v)
                pltpu.sync_copy(dstc.at[pl.ds(srow, SEC)], dst_v)
                pltpu.async_copy(tab.at[src_v.at[0]], buf0, g0)

                @pl.loop(0, SEC, step=2)
                def _(j):
                    pltpu.async_copy(tab.at[src_v.at[j + 1]], buf1, g1)
                    pltpu.make_async_copy(tab.at[src_v.at[j]], buf0,
                                          g0).wait()
                    pltpu.sync_copy(buf0, acc.at[dst_v.at[j]], add=True)

                    @pl.when(j + 2 < SEC)
                    def _():
                        pltpu.async_copy(tab.at[src_v.at[j + 2]], buf0, g0)

                    pltpu.make_async_copy(tab.at[src_v.at[j + 1]], buf1,
                                          g1).wait()
                    pltpu.sync_copy(buf1, acc.at[dst_v.at[j + 1]], add=True)

            plsc.subcore_barrier()
            last = (NS - 1) * ROWS_PER_TILE
            nlast = N - last

            @pl.when(s < NS - 1)
            def _():
                pltpu.sync_copy(acc.at[pl.ds(row0, ROWS_PER_TILE)],
                                outr.at[pl.ds(row0, ROWS_PER_TILE)])

            @pl.when(s == NS - 1)
            def _():
                pltpu.sync_copy(acc.at[pl.ds(last, nlast)],
                                outr.at[pl.ds(last, nlast)])

        @pl.when(c == 0)
        def _():
            run(t0, out0)

        @pl.when(c == 1)
        def _():
            run(t1, out1)

    out_t = jax.ShapeDtypeStruct((N, F), jnp.float32)
    return pl.kernel(
        body,
        out_type=(out_t, out_t),
        mesh=_mesh,
        scratch_types=[
            pltpu.VMEM((SEC, CH), jnp.int32),
            pltpu.VMEM((SEC, CH), jnp.int32),
            pltpu.VMEM((CH, F), jnp.float32),
            pltpu.VMEM((CH, F), jnp.float32),
            pltpu.VMEM_SHARED((NPAD, F), jnp.float32),
            pltpu.SemaphoreType.DMA,
            pltpu.SemaphoreType.DMA,
        ],
        name="gcn_sc_agg",
    )


_agg12 = _make_agg(CPT_A, 0)
_agg3 = _make_agg(CPT_3, CHUNKS_3H)

E_PER_W = E // (NC * NS)


def _deg_body(dst_hbm, outp, dst_v, accd):
    c = lax.axis_index("c")
    s = lax.axis_index("s")
    wid = s * NC + c
    pltpu.sync_copy(dst_hbm.at[pl.ds(wid * E_PER_W, E_PER_W)], dst_v)
    zero16 = jnp.zeros((16,), jnp.float32)

    @pl.loop(0, NPAD // 16)
    def _(r):
        accd[pl.ds(r * 16, 16)] = zero16

    ones16 = jnp.ones((16,), jnp.float32)

    @pl.loop(0, E_PER_W // 16)
    def _(i):
        idx = dst_v[pl.ds(i * 16, 16)]
        plsc.addupdate_scatter(accd, [idx], ones16)

    pltpu.sync_copy(accd, outp.at[wid])


_deg = pl.kernel(
    _deg_body,
    out_type=jax.ShapeDtypeStruct((NC * NS, NPAD), jnp.float32),
    mesh=_mesh,
    scratch_types=[
        pltpu.VMEM((E_PER_W,), jnp.int32),
        pltpu.VMEM((NPAD,), jnp.float32),
    ],
    compiler_params=pltpu.CompilerParams(needs_layout_passes=False),
    name="gcn_sc_deg",
)



_BR = 1000
_GRID = N // _BR


def _degred_body(part_ref, dis_ref):
    deg = 1.0 + jnp.sum(part_ref[...], axis=0)
    dis_ref[...] = lax.rsqrt(deg)[:, None]


_degred = pl.pallas_call(
    _degred_body,
    grid=(1,),
    in_specs=[pl.BlockSpec((NC * NS, NPAD), lambda i: (0, 0))],
    out_specs=pl.BlockSpec((NPAD, 1), lambda i: (0, 0)),
    out_shape=jax.ShapeDtypeStruct((NPAD, 1), jnp.float32),
)


def _prep_body(x_ref, w_ref, dis_ref, hs0_ref, hs1_ref):
    dis = dis_ref[...]
    h = jnp.dot(x_ref[...], w_ref[...], preferred_element_type=jnp.float32)
    hs = h * dis
    hs0_ref[...] = hs[:, :F]
    hs1_ref[...] = hs[:, F:]


_prep = pl.pallas_call(
    _prep_body,
    grid=(_GRID,),
    in_specs=[
        pl.BlockSpec((_BR, 128), lambda i: (i, 0)),
        pl.BlockSpec((128, 256), lambda i: (0, 0)),
        pl.BlockSpec((_BR, 1), lambda i: (i, 0)),
    ],
    out_specs=[
        pl.BlockSpec((_BR, F), lambda i: (i, 0)),
        pl.BlockSpec((_BR, F), lambda i: (i, 0)),
    ],
    out_shape=[
        jax.ShapeDtypeStruct((N, F), jnp.float32),
        jax.ShapeDtypeStruct((N, F), jnp.float32),
    ],
)


def _make_mid(f_out, split):
    def body(a0_ref, a1_ref, hs0_ref, hs1_ref, dis_ref, b_ref, w_ref, *outs):
        dis = dis_ref[...]
        pre = jnp.concatenate(
            [a0_ref[...] + hs0_ref[...], a1_ref[...] + hs1_ref[...]], axis=1)
        act = jnp.maximum(pre * dis + b_ref[...], 0.0)
        h = jnp.dot(act, w_ref[...], preferred_element_type=jnp.float32)
        hs = h * dis
        if split:
            outs[0][...] = hs[:, :F]
            outs[1][...] = hs[:, F:]
        else:
            outs[0][...] = hs

    if split:
        out_shape = [jax.ShapeDtypeStruct((N, F), jnp.float32)] * 2
        out_specs = [pl.BlockSpec((_BR, F), lambda i: (i, 0))] * 2
    else:
        out_shape = [jax.ShapeDtypeStruct((N, f_out), jnp.float32)]
        out_specs = [pl.BlockSpec((_BR, f_out), lambda i: (i, 0))]
    return pl.pallas_call(
        body,
        grid=(_GRID,),
        in_specs=[
            pl.BlockSpec((_BR, F), lambda i: (i, 0)),
            pl.BlockSpec((_BR, F), lambda i: (i, 0)),
            pl.BlockSpec((_BR, F), lambda i: (i, 0)),
            pl.BlockSpec((_BR, F), lambda i: (i, 0)),
            pl.BlockSpec((_BR, 1), lambda i: (i, 0)),
            pl.BlockSpec((1, 256), lambda i: (0, 0)),
            pl.BlockSpec((256, f_out), lambda i: (0, 0)),
        ],
        out_specs=out_specs,
        out_shape=out_shape,
    )


_mid_split = _make_mid(256, True)
_mid3 = _make_mid(128, False)


def _final_body(a0_ref, a1_ref, hs_ref, dis_ref, b_ref, out_ref):
    out_ref[...] = ((a0_ref[...] + a1_ref[...] + hs_ref[...]) * dis_ref[...]
                    + b_ref[...])


_final = pl.pallas_call(
    _final_body,
    grid=(_GRID,),
    in_specs=[
        pl.BlockSpec((_BR, F), lambda i: (i, 0)),
        pl.BlockSpec((_BR, F), lambda i: (i, 0)),
        pl.BlockSpec((_BR, F), lambda i: (i, 0)),
        pl.BlockSpec((_BR, 1), lambda i: (i, 0)),
        pl.BlockSpec((1, 128), lambda i: (0, 0)),
    ],
    out_specs=pl.BlockSpec((_BR, F), lambda i: (i, 0)),
    out_shape=jax.ShapeDtypeStruct((N, F), jnp.float32),
)


def _chunk_pad(a, total, fill):
    pad = jnp.full((total - a.shape[0],), fill, jnp.int32)
    return jnp.concatenate([a, pad]).reshape(-1, CH)


def kernel(x, edge_index, W1, b1, W2, b2, W3, b3):
    src = edge_index[0].astype(jnp.int32)
    dst = edge_index[1].astype(jnp.int32)

    src_a = _chunk_pad(src, CHUNKS_A * CH, 0)
    dst_a = _chunk_pad(dst, CHUNKS_A * CH, DUMMY)
    src_3 = jnp.concatenate([
        _chunk_pad(src[:HALF_E], CHUNKS_3H * CH, 0),
        _chunk_pad(src[HALF_E:], CHUNKS_3H * CH, 0),
    ])
    dst_3 = jnp.concatenate([
        _chunk_pad(dst[:HALF_E], CHUNKS_3H * CH, DUMMY),
        _chunk_pad(dst[HALF_E:], CHUNKS_3H * CH, DUMMY),
    ])

    partials = _deg(dst)
    dis = _degred(partials)[:N]
    hs10, hs11 = _prep(x, W1, dis)
    a10, a11 = _agg12(hs10, hs11, src_a, dst_a)
    hs20, hs21 = _mid_split(a10, a11, hs10, hs11, dis,
                            b1.reshape(1, 256), W2)
    a20, a21 = _agg12(hs20, hs21, src_a, dst_a)
    (hs3,) = _mid3(a20, a21, hs20, hs21, dis, b2.reshape(1, 256), W3)
    a30, a31 = _agg3(hs3, hs3, src_3, dst_3)
    return _final(a30, a31, hs3, dis, b3.reshape(1, 128))

# --- scband reference (transcript-rebuilt; emitter-appended) ---
"""Pipeline reference for scband-gcnmodule-47012712022068 (READ-ONLY COPY).

The authoritative reference and input builder live on the scoring server;
editing this copy changes nothing except your own understanding.
"""

import jax, jax.numpy as jnp
import numpy as np

N_NODES = 10000


def glorot(key, shape):
    fan_in, fan_out = shape[0], shape[1]
    limit = jnp.sqrt(6.0 / (fan_in + fan_out))
    return jax.random.uniform(key, shape, minval=-limit, maxval=limit, dtype=jnp.float32)


def setup_inputs(seed: int = 0) -> dict:
    key = jax.random.key(seed)
    k = jax.random.split(key, 8)
    x = jax.random.normal(k[0], (N_NODES, 128), dtype=jnp.float32)
    edge_index = jax.random.randint(k[1], (2, 320000), 0, N_NODES, dtype=jnp.int64)
    W1 = glorot(k[2], (128, 256))
    b1 = jnp.zeros((256,), dtype=jnp.float32)
    W2 = glorot(k[3], (256, 256))
    b2 = jnp.zeros((256,), dtype=jnp.float32)
    W3 = glorot(k[4], (256, 128))
    b3 = jnp.zeros((128,), dtype=jnp.float32)
    return {"x": x, "edge_index": edge_index, "W1": W1, "b1": b1, "W2": W2, "b2": b2, "W3": W3, "b3": b3}


def gcn_conv(x, edge_index, W, b, n_nodes):
    # Linear transform first (standard GCNConv)
    h = x @ W
    # Add self-loops
    loop = jnp.arange(n_nodes, dtype=edge_index.dtype)
    src = jnp.concatenate([edge_index[0], loop])
    dst = jnp.concatenate([edge_index[1], loop])
    # Symmetric normalization: deg computed on destination nodes (with self-loops)
    deg = jnp.zeros((n_nodes,), dtype=h.dtype).at[dst].add(1.0)
    deg_inv_sqrt = jnp.where(deg > 0, deg ** -0.5, 0.0)
    norm = deg_inv_sqrt[src] * deg_inv_sqrt[dst]
    # Gather messages, scale, scatter-add to destinations
    msg = h[src] * norm[:, None]
    out = jax.ops.segment_sum(msg, dst, num_segments=n_nodes)
    return out + b


def reference(x, edge_index, W1, b1, W2, b2, W3, b3):
    # Layer 1 + relu (dropout is identity in eval mode)
    h = gcn_conv(x, edge_index, W1, b1, N_NODES)
    h = jax.nn.relu(h)
    # Layer 2 + relu
    h = gcn_conv(h, edge_index, W2, b2, N_NODES)
    h = jax.nn.relu(h)
    # Output layer (no activation)
    out = gcn_conv(h, edge_index, W3, b3, N_NODES)
    return out

if __name__ == "__main__":
    import jax
    _d = setup_inputs()
    print(jax.jit(kernel)(*tuple(_d.values())))

</pallas_src>

<mosaic_0001>
#map = affine_map<(d0, d1) -> (0, 0)>
module attributes {stable_mosaic.version = 14 : i64} {
  func.func @gcn_sc_agg(%arg0: i32, %arg1: i32, %arg2: memref<10000x128xf32, #tpu.memory_space<hbm>>, %arg3: memref<10000x128xf32, #tpu.memory_space<hbm>>, %arg4: memref<2560x128xi32, #tpu.memory_space<hbm>>, %arg5: memref<2560x128xi32, #tpu.memory_space<hbm>>, %arg6: memref<10000x128xf32, #tpu.memory_space<hbm>>, %arg7: memref<10000x128xf32, #tpu.memory_space<hbm>>, %arg8: memref<16x128xi32, #tpu.memory_space<vmem>>, %arg9: memref<16x128xi32, #tpu.memory_space<vmem>>, %arg10: memref<128x128xf32, #tpu.memory_space<vmem>>, %arg11: memref<128x128xf32, #tpu.memory_space<vmem>>, %arg12: memref<10112x128xf32, #tpu.memory_space<vmem_shared>>, %arg13: memref<!tpu.dma_semaphore, #tpu.memory_space<semaphore_mem>>, %arg14: memref<!tpu.dma_semaphore, #tpu.memory_space<semaphore_mem>>) attributes {dimension_semantics = [#tpu.dimension_semantics<core_parallel>, #tpu.dimension_semantics<subcore_parallel>], iteration_bounds = array<i64: 2, 16>, scalar_prefetch = 0 : i64, scratch_operands = 7 : i64, tpu.core_type = #tpu.core_type<sc_vector_subcore>, window_params = [{transform_indices = #map}, {transform_indices = #map}, {transform_indices = #map}, {transform_indices = #map}, {transform_indices = #map}, {transform_indices = #map}]} {
    %mul3A = arith.constant 0 : i32
    %mul3A_0 = arith.muli %arg0, %mul3A : i32
    %mul3A_1 = arith.constant 160 : i32
    %mul3A_2 = arith.muli %arg1, %mul3A_1 : i32
    %add3A = arith.addi %mul3A_0, %mul3A_2 : i32
    %broadcast_in_dim3A = arith.constant 0.000000e+00 : f32
    %broadcast_in_dim3A_3 = vector.broadcast %broadcast_in_dim3A : f32 to vector<16xf32>
    %scan3A = arith.constant 0 : i32
    %scan3A_4 = arith.constant 128 : i32
    %scan3A_5 = arith.addi %scan3A, %scan3A_4 : i32
    %scan3A_6 = arith.constant 1 : i32
    scf.for %scan3A_28 = %scan3A to %scan3A_5 step %scan3A_6  : i32 {
      %mul3A_29 = arith.constant 1 : i32
      %mul3A_30 = arith.muli %scan3A_28, %mul3A_29 : i32
      %add3A_31 = arith.constant 0 : i32
      %add3A_32 = arith.addi %add3A_31, %mul3A_30 : i32
      %swap3A = arith.index_cast %add3A_32 : i32 to index
      %swap3A_33 = arith.constant 0 : index
      %swap3A_34 = tpu.vector_load %arg10[%swap3A, %swap3A_33] {strides = array<i32>} : memref<128x128xf32, #tpu.memory_space<vmem>>, vector<1x16xf32>,
      %swap3A_35 = vector.shape_cast %swap3A_34 : vector<1x16xf32> to vector<16xf32>
      %swap3A_36 = vector.shape_cast %broadcast_in_dim3A_3 : vector<16xf32> to vector<1x16xf32>
      tpu.vector_store %arg10[%swap3A, %swap3A_33], %swap3A_36 {strides = array<i32>} : memref<128x128xf32, #tpu.memory_space<vmem>>, vector<1x16xf32>,
      %swap3A_37 = arith.index_cast %add3A_32 : i32 to index
      %swap3A_38 = arith.constant 16 : index
      %swap3A_39 = tpu.vector_load %arg10[%swap3A_37, %swap3A_38] {strides = array<i32>} : memref<128x128xf32, #tpu.memory_space<vmem>>, vector<1x16xf32>,
      %swap3A_40 = vector.shape_cast %swap3A_39 : vector<1x16xf32> to vector<16xf32>
      %swap3A_41 = vector.shape_cast %broadcast_in_dim3A_3 : vector<16xf32> to vector<1x16xf32>
      tpu.vector_store %arg10[%swap3A_37, %swap3A_38], %swap3A_41 {strides = array<i32>} : memref<128x128xf32, #tpu.memory_space<vmem>>, vector<1x16xf32>,
      %swap3A_42 = arith.index_cast %add3A_32 : i32 to index
      %swap3A_43 = arith.constant 32 : index
      %swap3A_44 = tpu.vector_load %arg10[%swap3A_42, %swap3A_43] {strides = array<i32>} : memref<128x128xf32, #tpu.memory_space<vmem>>, vector<1x16xf32>,
      %swap3A_45 = vector.shape_cast %swap3A_44 : vector<1x16xf32> to vector<16xf32>
      %swap3A_46 = vector.shape_cast %broadcast_in_dim3A_3 : vector<16xf32> to vector<1x16xf32>
      tpu.vector_store %arg10[%swap3A_42, %swap3A_43], %swap3A_46 {strides = array<i32>} : memref<128x128xf32, #tpu.memory_space<vmem>>, vector<1x16xf32>,
      %swap3A_47 = arith.index_cast %add3A_32 : i32 to index
      %swap3A_48 = arith.constant 48 : index
      %swap3A_49 = tpu.vector_load %arg10[%swap3A_47, %swap3A_48] {strides = array<i32>} : memref<128x128xf32, #tpu.memory_space<vmem>>, vector<1x16xf32>,
      %swap3A_50 = vector.shape_cast %swap3A_49 : vector<1x16xf32> to vector<16xf32>
      %swap3A_51 = vector.shape_cast %broadcast_in_dim3A_3 : vector<16xf32> to vector<1x16xf32>
      tpu.vector_store %arg10[%swap3A_47, %swap3A_48], %swap3A_51 {strides = array<i32>} : memref<128x128xf32, #tpu.memory_space<vmem>>, vector<1x16xf32>,
      %swap3A_52 = arith.index_cast %add3A_32 : i32 to index
      %swap3A_53 = arith.constant 64 : index
      %swap3A_54 = tpu.vector_load %arg10[%swap3A_52, %swap3A_53] {strides = array<i32>} : memref<128x128xf32, #tpu.memory_space<vmem>>, vector<1x16xf32>,
      %swap3A_55 = vector.shape_cast %swap3A_54 : vector<1x16xf32> to vector<16xf32>
      %swap3A_56 = vector.shape_cast %broadcast_in_dim3A_3 : vector<16xf32> to vector<1x16xf32>
      tpu.vector_store %arg10[%swap3A_52, %swap3A_53], %swap3A_56 {strides = array<i32>} : memref<128x128xf32, #tpu.memory_space<vmem>>, vector<1x16xf32>,
      %swap3A_57 = arith.index_cast %add3A_32 : i32 to index
      %swap3A_58 = arith.constant 80 : index
      %swap3A_59 = tpu.vector_load %arg10[%swap3A_57, %swap3A_58] {strides = array<i32>} : memref<128x128xf32, #tpu.memory_space<vmem>>, vector<1x16xf32>,
      %swap3A_60 = vector.shape_cast %swap3A_59 : vector<1x16xf32> to vector<16xf32>
      %swap3A_61 = vector.shape_cast %broadcast_in_dim3A_3 : vector<16xf32> to vector<1x16xf32>
      tpu.vector_store %arg10[%swap3A_57, %swap3A_58], %swap3A_61 {strides = array<i32>} : memref<128x128xf32, #tpu.memory_space<vmem>>, vector<1x16xf32>,
      %swap3A_62 = arith.index_cast %add3A_32 : i32 to index
      %swap3A_63 = arith.constant 96 : index
      %swap3A_64 = tpu.vector_load %arg10[%swap3A_62, %swap3A_63] {strides = array<i32>} : memref<128x128xf32, #tpu.memory_space<vmem>>, vector<1x16xf32>,
      %swap3A_65 = vector.shape_cast %swap3A_64 : vector<1x16xf32> to vector<16xf32>
      %swap3A_66 = vector.shape_cast %broadcast_in_dim3A_3 : vector<16xf32> to vector<1x16xf32>
      tpu.vector_store %arg10[%swap3A_62, %swap3A_63], %swap3A_66 {strides = array<i32>} : memref<128x128xf32, #tpu.memory_space<vmem>>, vector<1x16xf32>,
      %swap3A_67 = arith.index_cast %add3A_32 : i32 to index
      %swap3A_68 = arith.constant 112 : index
      %swap3A_69 = tpu.vector_load %arg10[%swap3A_67, %swap3A_68] {strides = array<i32>} : memref<128x128xf32, #tpu.memory_space<vmem>>, vector<1x16xf32>,
      %swap3A_70 = vector.shape_cast %swap3A_69 : vector<1x16xf32> to vector<16xf32>
      %swap3A_71 = vector.shape_cast %broadcast_in_dim3A_3 : vector<16xf32> to vector<1x16xf32>
      tpu.vector_store %arg10[%swap3A_67, %swap3A_68], %swap3A_71 {strides = array<i32>} : memref<128x128xf32, #tpu.memory_space<vmem>>, vector<1x16xf32>,
    }
    %scan3A_7 = arith.constant 128 : i32
    %mul3A_8 = arith.constant 632 : i32
    %mul3A_9 = arith.muli %arg1, %mul3A_8 : i32
    %add3A_10 = arith.constant 0 : i32
    %add3A_11 = arith.addi %mul3A_9, %add3A_10 : i32
    "tpu.region"() ({
      %run_scoped3A = tpu.sem_alloc : memref<!tpu.dma_semaphore, #tpu.memory_space<semaphore_mem>>
      %dma_start3A = arith.constant 0 : i32
      %dma_start3A_28 = arith.constant 0 : i32
      %dma_start3A_29 = tpu.memref_slice %arg10[%dma_start3A, %dma_start3A_28] : memref<128x128xf32, #tpu.memory_space<vmem>> -> memref<128x128xf32, #tpu.memory_space<vmem>>
      %dma_start3A_30 = arith.constant 0 : i32
      %dma_start3A_31 = tpu.memref_slice %arg12[%add3A_11, %dma_start3A_30] : memref<10112x128xf32, #tpu.memory_space<vmem_shared>> -> memref<128x128xf32, #tpu.memory_space<vmem_shared>>
      %dma_start3A_32 = arith.constant 0 : i32
      %dma_start3A_33 = tpu.memref_slice %arg12[%add3A_11, %dma_start3A_32] : memref<10112x128xf32, #tpu.memory_space<vmem_shared>> -> memref<128x128xf32, #tpu.memory_space<vmem_shared>>
      %dma_start3A_34 = arith.constant 0 : i32
      %dma_start3A_35 = arith.constant 0 : i32
      %dma_start3A_36 = tpu.memref_slice %arg10[%dma_start3A_34, %dma_start3A_35] : memref<128x128xf32, #tpu.memory_space<vmem>> -> memref<128x128xf32, #tpu.memory_space<vmem>>
      tpu.enqueue_dma source(%dma_start3A_36 : memref<128x128xf32, #tpu.memory_space<vmem>>) target(%dma_start3A_33 : memref<128x128xf32, #tpu.memory_space<vmem_shared>>) target_semaphore(%run_scoped3A : memref<!tpu.dma_semaphore, #tpu.memory_space<semaphore_mem>>)
      %dma_wait3A = arith.constant 0 : i32
      %dma_wait3A_37 = arith.constant 0 : i32
      %dma_wait3A_38 = tpu.memref_slice %arg10[%dma_wait3A, %dma_wait3A_37] : memref<128x128xf32, #tpu.memory_space<vmem>> -> memref<128x128xf32, #tpu.memory_space<vmem>>
      %dma_wait3A_39 = arith.constant 0 : i32
      %dma_wait3A_40 = tpu.memref_slice %arg12[%add3A_11, %dma_wait3A_39] : memref<10112x128xf32, #tpu.memory_space<vmem_shared>> -> memref<128x128xf32, #tpu.memory_space<vmem_shared>>
      %dma_wait3A_41 = arith.constant 0 : i32
      %dma_wait3A_42 = tpu.memref_slice %arg12[%add3A_11, %dma_wait3A_41] : memref<10112x128xf32, #tpu.memory_space<vmem_shared>> -> memref<128x128xf32, #tpu.memory_space<vmem_shared>>
      %dma_wait3A_43 = arith.constant 0 : i32
      %dma_wait3A_44 = arith.constant 0 : i32
      %dma_wait3A_45 = tpu.memref_slice %arg10[%dma_wait3A_43, %dma_wait3A_44] : memref<128x128xf32, #tpu.memory_space<vmem>> -> memref<128x128xf32, #tpu.memory_space<vmem>>
      tpu.wait_dma2 semaphore(%run_scoped3A : memref<!tpu.dma_semaphore, #tpu.memory_space<semaphore_mem>>) src(%dma_wait3A_45 : memref<128x128xf32, #tpu.memory_space<vmem>>) dst(%dma_wait3A_42 : memref<128x128xf32, #tpu.memory_space<vmem_shared>>)
      tpu.yield
    }) : () -> ()
    %add3A_12 = arith.constant 128 : i32
    %add3A_13 = arith.addi %mul3A_9, %add3A_12 : i32
    "tpu.region"() ({
      %run_scoped3A = tpu.sem_alloc : memref<!tpu.dma_semaphore, #tpu.memory_space<semaphore_mem>>
      %dma_start3A = arith.constant 0 : i32
      %dma_start3A_28 = arith.constant 0 : i32
      %dma_start3A_29 = tpu.memref_slice %arg10[%dma_start3A, %dma_start3A_28] : memref<128x128xf32, #tpu.memory_space<vmem>> -> memref<128x128xf32, #tpu.memory_space<vmem>>
      %dma_start3A_30 = arith.constant 0 : i32
      %dma_start3A_31 = tpu.memref_slice %arg12[%add3A_13, %dma_start3A_30] : memref<10112x128xf32, #tpu.memory_space<vmem_shared>> -> memref<128x128xf32, #tpu.memory_space<vmem_shared>>
      %dma_start3A_32 = arith.constant 0 : i32
      %dma_start3A_33 = tpu.memref_slice %arg12[%add3A_13, %dma_start3A_32] : memref<10112x128xf32, #tpu.memory_space<vmem_shared>> -> memref<128x128xf32, #tpu.memory_space<vmem_shared>>
      %dma_start3A_34 = arith.constant 0 : i32
      %dma_start3A_35 = arith.constant 0 : i32
      %dma_start3A_36 = tpu.memref_slice %arg10[%dma_start3A_34, %dma_start3A_35] : memref<128x128xf32, #tpu.memory_space<vmem>> -> memref<128x128xf32, #tpu.memory_space<vmem>>
      tpu.enqueue_dma source(%dma_start3A_36 : memref<128x128xf32, #tpu.memory_space<vmem>>) target(%dma_start3A_33 : memref<128x128xf32, #tpu.memory_space<vmem_shared>>) target_semaphore(%run_scoped3A : memref<!tpu.dma_semaphore, #tpu.memory_space<semaphore_mem>>)
      %dma_wait3A = arith.constant 0 : i32
      %dma_wait3A_37 = arith.constant 0 : i32
      %dma_wait3A_38 = tpu.memref_slice %arg10[%dma_wait3A, %dma_wait3A_37] : memref<128x128xf32, #tpu.memory_space<vmem>> -> memref<128x128xf32, #tpu.memory_space<vmem>>
      %dma_wait3A_39 = arith.constant 0 : i32
      %dma_wait3A_40 = tpu.memref_slice %arg12[%add3A_13, %dma_wait3A_39] : memref<10112x128xf32, #tpu.memory_space<vmem_shared>> -> memref<128x128xf32, #tpu.memory_space<vmem_shared>>
      %dma_wait3A_41 = arith.constant 0 : i32
      %dma_wait3A_42 = tpu.memref_slice %arg12[%add3A_13, %dma_wait3A_41] : memref<10112x128xf32, #tpu.memory_space<vmem_shared>> -> memref<128x128xf32, #tpu.memory_space<vmem_shared>>
      %dma_wait3A_43 = arith.constant 0 : i32
      %dma_wait3A_44 = arith.constant 0 : i32
      %dma_wait3A_45 = tpu.memref_slice %arg10[%dma_wait3A_43, %dma_wait3A_44] : memref<128x128xf32, #tpu.memory_space<vmem>> -> memref<128x128xf32, #tpu.memory_space<vmem>>
      tpu.wait_dma2 semaphore(%run_scoped3A : memref<!tpu.dma_semaphore, #tpu.memory_space<semaphore_mem>>) src(%dma_wait3A_45 : memref<128x128xf32, #tpu.memory_space<vmem>>) dst(%dma_wait3A_42 : memref<128x128xf32, #tpu.memory_space<vmem_shared>>)
      tpu.yield
    }) : () -> ()
    %add3A_14 = arith.constant 256 : i32
    %add3A_15 = arith.addi %mul3A_9, %add3A_14 : i32
    "tpu.region"() ({
      %run_scoped3A = tpu.sem_alloc : memref<!tpu.dma_semaphore, #tpu.memory_space<semaphore_mem>>
      %dma_start3A = arith.constant 0 : i32
      %dma_start3A_28 = arith.constant 0 : i32
      %dma_start3A_29 = tpu.memref_slice %arg10[%dma_start3A, %dma_start3A_28] : memref<128x128xf32, #tpu.memory_space<vmem>> -> memref<128x128xf32, #tpu.memory_space<vmem>>
      %dma_start3A_30 = arith.constant 0 : i32
      %dma_start3A_31 = tpu.memref_slice %arg12[%add3A_15, %dma_start3A_30] : memref<10112x128xf32, #tpu.memory_space<vmem_shared>> -> memref<128x128xf32, #tpu.memory_space<vmem_shared>>
      %dma_start3A_32 = arith.constant 0 : i32
      %dma_start3A_33 = tpu.memref_slice %arg12[%add3A_15, %dma_start3A_32] : memref<10112x128xf32, #tpu.memory_space<vmem_shared>> -> memref<128x128xf32, #tpu.memory_space<vmem_shared>>
      %dma_start3A_34 = arith.constant 0 : i32
      %dma_start3A_35 = arith.constant 0 : i32
      %dma_start3A_36 = tpu.memref_slice %arg10[%dma_start3A_34, %dma_start3A_35] : memref<128x128xf32, #tpu.memory_space<vmem>> -> memref<128x128xf32, #tpu.memory_space<vmem>>
      tpu.enqueue_dma source(%dma_start3A_36 : memref<128x128xf32, #tpu.memory_space<vmem>>) target(%dma_start3A_33 : memref<128x128xf32, #tpu.memory_space<vmem_shared>>) target_semaphore(%run_scoped3A : memref<!tpu.dma_semaphore, #tpu.memory_space<semaphore_mem>>)
      %dma_wait3A = arith.constant 0 : i32
      %dma_wait3A_37 = arith.constant 0 : i32
      %dma_wait3A_38 = tpu.memref_slice %arg10[%dma_wait3A, %dma_wait3A_37] : memref<128x128xf32, #tpu.memory_space<vmem>> -> memref<128x128xf32, #tpu.memory_space<vmem>>
      %dma_wait3A_39 = arith.constant 0 : i32
      %dma_wait3A_40 = tpu.memref_slice %arg12[%add3A_15, %dma_wait3A_39] : memref<10112x128xf32, #tpu.memory_space<vmem_shared>> -> memref<128x128xf32, #tpu.memory_space<vmem_shared>>
      %dma_wait3A_41 = arith.constant 0 : i32
      %dma_wait3A_42 = tpu.memref_slice %arg12[%add3A_15, %dma_wait3A_41] : memref<10112x128xf32, #tpu.memory_space<vmem_shared>> -> memref<128x128xf32, #tpu.memory_space<vmem_shared>>
      %dma_wait3A_43 = arith.constant 0 : i32
      %dma_wait3A_44 = arith.constant 0 : i32
      %dma_wait3A_45 = tpu.memref_slice %arg10[%dma_wait3A_43, %dma_wait3A_44] : memref<128x128xf32, #tpu.memory_space<vmem>> -> memref<128x128xf32, #tpu.memory_space<vmem>>
      tpu.wait_dma2 semaphore(%run_scoped3A : memref<!tpu.dma_semaphore, #tpu.memory_space<semaphore_mem>>) src(%dma_wait3A_45 : memref<128x128xf32, #tpu.memory_space<vmem>>) dst(%dma_wait3A_42 : memref<128x128xf32, #tpu.memory_space<vmem_shared>>)
      tpu.yield
    }) : () -> ()
    %add3A_16 = arith.constant 384 : i32
    %add3A_17 = arith.addi %mul3A_9, %add3A_16 : i32
    "tpu.region"() ({
      %run_scoped3A = tpu.sem_alloc : memref<!tpu.dma_semaphore, #tpu.memory_space<semaphore_mem>>
      %dma_start3A = arith.constant 0 : i32
      %dma_start3A_28 = arith.constant 0 : i32
      %dma_start3A_29 = tpu.memref_slice %arg10[%dma_start3A, %dma_start3A_28] : memref<128x128xf32, #tpu.memory_space<vmem>> -> memref<128x128xf32, #tpu.memory_space<vmem>>
      %dma_start3A_30 = arith.constant 0 : i32
      %dma_start3A_31 = tpu.memref_slice %arg12[%add3A_17, %dma_start3A_30] : memref<10112x128xf32, #tpu.memory_space<vmem_shared>> -> memref<128x128xf32, #tpu.memory_space<vmem_shared>>
      %dma_start3A_32 = arith.constant 0 : i32
      %dma_start3A_33 = tpu.memref_slice %arg12[%add3A_17, %dma_start3A_32] : memref<10112x128xf32, #tpu.memory_space<vmem_shared>> -> memref<128x128xf32, #tpu.memory_space<vmem_shared>>
      %dma_start3A_34 = arith.constant 0 : i32
      %dma_start3A_35 = arith.constant 0 : i32
      %dma_start3A_36 = tpu.memref_slice %arg10[%dma_start3A_34, %dma_start3A_35] : memref<128x128xf32, #tpu.memory_space<vmem>> -> memref<128x128xf32, #tpu.memory_space<vmem>>
      tpu.enqueue_dma source(%dma_start3A_36 : memref<128x128xf32, #tpu.memory_space<vmem>>) target(%dma_start3A_33 : memref<128x128xf32, #tpu.memory_space<vmem_shared>>) target_semaphore(%run_scoped3A : memref<!tpu.dma_semaphore, #tpu.memory_space<semaphore_mem>>)
      %dma_wait3A = arith.constant 0 : i32
      %dma_wait3A_37 = arith.constant 0 : i32
      %dma_wait3A_38 = tpu.memref_slice %arg10[%dma_wait3A, %dma_wait3A_37] : memref<128x128xf32, #tpu.memory_space<vmem>> -> memref<128x128xf32, #tpu.memory_space<vmem>>
      %dma_wait3A_39 = arith.constant 0 : i32
      %dma_wait3A_40 = tpu.memref_slice %arg12[%add3A_17, %dma_wait3A_39] : memref<10112x128xf32, #tpu.memory_space<vmem_shared>> -> memref<128x128xf32, #tpu.memory_space<vmem_shared>>
      %dma_wait3A_41 = arith.constant 0 : i32
      %dma_wait3A_42 = tpu.memref_slice %arg12[%add3A_17, %dma_wait3A_41] : memref<10112x128xf32, #tpu.memory_space<vmem_shared>> -> memref<128x128xf32, #tpu.memory_space<vmem_shared>>
      %dma_wait3A_43 = arith.constant 0 : i32
      %dma_wait3A_44 = arith.constant 0 : i32
      %dma_wait3A_45 = tpu.memref_slice %arg10[%dma_wait3A_43, %dma_wait3A_44] : memref<128x128xf32, #tpu.memory_space<vmem>> -> memref<128x128xf32, #tpu.memory_space<vmem>>
      tpu.wait_dma2 semaphore(%run_scoped3A : memref<!tpu.dma_semaphore, #tpu.memory_space<semaphore_mem>>) src(%dma_wait3A_45 : memref<128x128xf32, #tpu.memory_space<vmem>>) dst(%dma_wait3A_42 : memref<128x128xf32, #tpu.memory_space<vmem_shared>>)
      tpu.yield
    }) : () -> ()
    %add3A_18 = arith.constant 632 : i32
    %add3A_19 = arith.addi %mul3A_9, %add3A_18 : i32
    %sub3A = arith.constant 120 : i32
    %sub3A_20 = arith.subi %add3A_19, %sub3A : i32
    "tpu.region"() ({
      %run_scoped3A = tpu.sem_alloc : memref<!tpu.dma_semaphore, #tpu.memory_space<semaphore_mem>>
      %dma_start3A = arith.constant 0 : i32
      %dma_start3A_28 = arith.constant 0 : i32
      %dma_start3A_29 = tpu.memref_slice %arg10[%dma_start3A, %dma_start3A_28] : memref<128x128xf32, #tpu.memory_space<vmem>> -> memref<120x128xf32, #tpu.memory_space<vmem>>
      %dma_start3A_30 = arith.constant 0 : i32
      %dma_start3A_31 = tpu.memref_slice %arg12[%sub3A_20, %dma_start3A_30] : memref<10112x128xf32, #tpu.memory_space<vmem_shared>> -> memref<120x128xf32, #tpu.memory_space<vmem_shared>>
      %dma_start3A_32 = arith.constant 0 : i32
      %dma_start3A_33 = tpu.memref_slice %arg12[%sub3A_20, %dma_start3A_32] : memref<10112x128xf32, #tpu.memory_space<vmem_shared>> -> memref<120x128xf32, #tpu.memory_space<vmem_shared>>
      %dma_start3A_34 = arith.constant 0 : i32
      %dma_start3A_35 = arith.constant 0 : i32
      %dma_start3A_36 = tpu.memref_slice %arg10[%dma_start3A_34, %dma_start3A_35] : memref<128x128xf32, #tpu.memory_space<vmem>> -> memref<120x128xf32, #tpu.memory_space<vmem>>
      tpu.enqueue_dma source(%dma_start3A_36 : memref<120x128xf32, #tpu.memory_space<vmem>>) target(%dma_start3A_33 : memref<120x128xf32, #tpu.memory_space<vmem_shared>>) target_semaphore(%run_scoped3A : memref<!tpu.dma_semaphore, #tpu.memory_space<semaphore_mem>>)
      %dma_wait3A = arith.constant 0 : i32
      %dma_wait3A_37 = arith.constant 0 : i32
      %dma_wait3A_38 = tpu.memref_slice %arg10[%dma_wait3A, %dma_wait3A_37] : memref<128x128xf32, #tpu.memory_space<vmem>> -> memref<120x128xf32, #tpu.memory_space<vmem>>
      %dma_wait3A_39 = arith.constant 0 : i32
      %dma_wait3A_40 = tpu.memref_slice %arg12[%sub3A_20, %dma_wait3A_39] : memref<10112x128xf32, #tpu.memory_space<vmem_shared>> -> memref<120x128xf32, #tpu.memory_space<vmem_shared>>
      %dma_wait3A_41 = arith.constant 0 : i32
      %dma_wait3A_42 = tpu.memref_slice %arg12[%sub3A_20, %dma_wait3A_41] : memref<10112x128xf32, #tpu.memory_space<vmem_shared>> -> memref<120x128xf32, #tpu.memory_space<vmem_shared>>
      %dma_wait3A_43 = arith.constant 0 : i32
      %dma_wait3A_44 = arith.constant 0 : i32
      %dma_wait3A_45 = tpu.memref_slice %arg10[%dma_wait3A_43, %dma_wait3A_44] : memref<128x128xf32, #tpu.memory_space<vmem>> -> memref<120x128xf32, #tpu.memory_space<vmem>>
      tpu.wait_dma2 semaphore(%run_scoped3A : memref<!tpu.dma_semaphore, #tpu.memory_space<semaphore_mem>>) src(%dma_wait3A_45 : memref<120x128xf32, #tpu.memory_space<vmem>>) dst(%dma_wait3A_42 : memref<120x128xf32, #tpu.memory_space<vmem_shared>>)
      tpu.yield
    }) : () -> ()
    %barrier3A = arith.constant 0 : index
    tpu.barrier barrier_id(%barrier3A)
    %eq3A = arith.constant 0 : i32
    %eq3A_21 = arith.cmpi eq, %arg0, %eq3A : i32
    %convert_element_type3A = arith.extui %eq3A_21 : i1 to i32
    %cond3A = arith.constant 0 : i32
    %cond3A_22 = arith.cmpi ne, %convert_element_type3A, %cond3A : i32
    scf.if %cond3A_22 {
      %scan3A_28 = arith.constant 0 : i32
      %scan3A_29 = arith.constant 10 : i32
      %scan3A_30 = arith.addi %scan3A_28, %scan3A_29 : i32
      %scan3A_31 = arith.constant 1 : i32
      scf.for %scan3A_43 = %scan3A_28 to %scan3A_30 step %scan3A_31  : i32 {
        %mul3A_44 = arith.constant 1 : i32
        %mul3A_45 = arith.muli %scan3A_43, %mul3A_44 : i32
        %add3A_46 = arith.constant 0 : i32
        %add3A_47 = arith.addi %add3A_46, %mul3A_45 : i32
        %mul3A_48 = arith.constant 16 : i32
        %mul3A_49 = arith.muli %add3A_47, %mul3A_48 : i32
        %add3A_50 = arith.addi %add3A, %mul3A_49 : i32
        "tpu.region"() ({
          %run_scoped3A = tpu.sem_alloc : memref<!tpu.dma_semaphore, #tpu.memory_space<semaphore_mem>>
          %dma_start3A_62 = arith.constant 0 : i32
          %dma_start3A_63 = tpu.memref_slice %arg4[%add3A_50, %dma_start3A_62] : memref<2560x128xi32, #tpu.memory_space<hbm>> -> memref<16x128xi32, #tpu.memory_space<hbm>>
          %dma_start3A_64 = arith.constant 0 : i32
          %dma_start3A_65 = tpu.memref_slice %arg4[%add3A_50, %dma_start3A_64] : memref<2560x128xi32, #tpu.memory_space<hbm>> -> memref<16x128xi32, #tpu.memory_space<hbm>>
          tpu.enqueue_dma source(%dma_start3A_65 : memref<16x128xi32, #tpu.memory_space<hbm>>) target(%arg8 : memref<16x128xi32, #tpu.memory_space<vmem>>) target_semaphore(%run_scoped3A : memref<!tpu.dma_semaphore, #tpu.memory_space<semaphore_mem>>)
          %dma_wait3A = arith.constant 0 : i32
          %dma_wait3A_66 = tpu.memref_slice %arg4[%add3A_50, %dma_wait3A] : memref<2560x128xi32, #tpu.memory_space<hbm>> -> memref<16x128xi32, #tpu.memory_space<hbm>>
          %dma_wait3A_67 = arith.constant 0 : i32
          %dma_wait3A_68 = tpu.memref_slice %arg4[%add3A_50, %dma_wait3A_67] : memref<2560x128xi32, #tpu.memory_space<hbm>> -> memref<16x128xi32, #tpu.memory_space<hbm>>
          tpu.wait_dma2 semaphore(%run_scoped3A : memref<!tpu.dma_semaphore, #tpu.memory_space<semaphore_mem>>) src(%dma_wait3A_68 : memref<16x128xi32, #tpu.memory_space<hbm>>) dst(%arg8 : memref<16x128xi32, #tpu.memory_space<vmem>>)
          tpu.yield
        }) : () -> ()
        "tpu.region"() ({
          %run_scoped3A = tpu.sem_alloc : memref<!tpu.dma_semaphore, #tpu.memory_space<semaphore_mem>>
          %dma_start3A_62 = arith.constant 0 : i32
          %dma_start3A_63 = tpu.memref_slice %arg5[%add3A_50, %dma_start3A_62] : memref<2560x128xi32, #tpu.memory_space<hbm>> -> memref<16x128xi32, #tpu.memory_space<hbm>>
          %dma_start3A_64 = arith.constant 0 : i32
          %dma_start3A_65 = tpu.memref_slice %arg5[%add3A_50, %dma_start3A_64] : memref<2560x128xi32, #tpu.memory_space<hbm>> -> memref<16x128xi32, #tpu.memory_space<hbm>>
          tpu.enqueue_dma source(%dma_start3A_65 : memref<16x128xi32, #tpu.memory_space<hbm>>) target(%arg9 : memref<16x128xi32, #tpu.memory_space<vmem>>) target_semaphore(%run_scoped3A : memref<!tpu.dma_semaphore, #tpu.memory_space<semaphore_mem>>)
          %dma_wait3A = arith.constant 0 : i32
          %dma_wait3A_66 = tpu.memref_slice %arg5[%add3A_50, %dma_wait3A] : memref<2560x128xi32, #tpu.memory_space<hbm>> -> memref<16x128xi32, #tpu.memory_space<hbm>>
          %dma_wait3A_67 = arith.constant 0 : i32
          %dma_wait3A_68 = tpu.memref_slice %arg5[%add3A_50, %dma_wait3A_67] : memref<2560x128xi32, #tpu.memory_space<hbm>> -> memref<16x128xi32, #tpu.memory_space<hbm>>
          tpu.wait_dma2 semaphore(%run_scoped3A : memref<!tpu.dma_semaphore, #tpu.memory_space<semaphore_mem>>) src(%dma_wait3A_68 : memref<16x128xi32, #tpu.memory_space<hbm>>) dst(%arg9 : memref<16x128xi32, #tpu.memory_space<vmem>>)
          tpu.yield
        }) : () -> ()
        %dma_start3A = arith.constant 0 : i32
        %dma_start3A_51 = arith.constant 0 : i32
        %dma_start3A_52 = tpu.memref_slice %arg8[%dma_start3A, %dma_start3A_51] : memref<16x128xi32, #tpu.memory_space<vmem>> -> memref<1x128xi32, #tpu.memory_space<vmem>>
        %dma_start3A_53 = tpu.memref_squeeze %dma_start3A_52 : memref<1x128xi32, #tpu.memory_space<vmem>> -> memref<128xi32, #tpu.memory_space<vmem>>
        %dma_start3A_54 = arith.constant 0 : i32
        %dma_start3A_55 = arith.constant 0 : i32
        %dma_start3A_56 = tpu.memref_slice %arg2[%dma_start3A_54, %dma_start3A_55] : memref<10000x128xf32, #tpu.memory_space<hbm>> -> memref<10000x128xf32, #tpu.memory_space<hbm>>
        tpu.enqueue_indirect_dma source(%dma_start3A_56 : memref<10000x128xf32, #tpu.memory_space<hbm>>) target(%arg10 : memref<128x128xf32, #tpu.memory_space<vmem>>) offsets(%dma_start3A_53 : memref<128xi32, #tpu.memory_space<vmem>>) semaphore(%arg13 : memref<!tpu.dma_semaphore, #tpu.memory_space<semaphore_mem>>)
        %scan3A_57 = arith.constant 0 : i32
        %scan3A_58 = arith.constant 8 : i32
        %scan3A_59 = arith.addi %scan3A_57, %scan3A_58 : i32
        %scan3A_60 = arith.constant 1 : i32
        scf.for %scan3A_62 = %scan3A_57 to %scan3A_59 step %scan3A_60  : i32 {
          %mul3A_63 = arith.constant 2 : i32
          %mul3A_64 = arith.muli %scan3A_62, %mul3A_63 : i32
          %add3A_65 = arith.constant 0 : i32
          %add3A_66 = arith.addi %add3A_65, %mul3A_64 : i32
          %add3A_67 = arith.constant 1 : i32
          %add3A_68 = arith.addi %add3A_66, %add3A_67 : i32
          %dma_start3A_69 = arith.constant 0 : i32
          %dma_start3A_70 = tpu.memref_slice %arg8[%add3A_68, %dma_start3A_69] : memref<16x128xi32, #tpu.memory_space<vmem>> -> memref<1x128xi32, #tpu.memory_space<vmem>>
          %dma_start3A_71 = tpu.memref_squeeze %dma_start3A_70 : memref<1x128xi32, #tpu.memory_space<vmem>> -> memref<128xi32, #tpu.memory_space<vmem>>
          %dma_start3A_72 = arith.constant 0 : i32
          %dma_start3A_73 = arith.constant 0 : i32
          %dma_start3A_74 = tpu.memref_slice %arg2[%dma_start3A_72, %dma_start3A_73] : memref<10000x128xf32, #tpu.memory_space<hbm>> -> memref<10000x128xf32, #tpu.memory_space<hbm>>
          tpu.enqueue_indirect_dma source(%dma_start3A_74 : memref<10000x128xf32, #tpu.memory_space<hbm>>) target(%arg11 : memref<128x128xf32, #tpu.memory_space<vmem>>) offsets(%dma_start3A_71 : memref<128xi32, #tpu.memory_space<vmem>>) semaphore(%arg14 : memref<!tpu.dma_semaphore, #tpu.memory_space<semaphore_mem>>)
          %dma_wait3A = arith.constant 0 : i32
          %dma_wait3A_75 = tpu.memref_slice %arg8[%add3A_66, %dma_wait3A] : memref<16x128xi32, #tpu.memory_space<vmem>> -> memref<1x128xi32, #tpu.memory_space<vmem>>
          %dma_wait3A_76 = tpu.memref_squeeze %dma_wait3A_75 : memref<1x128xi32, #tpu.memory_space<vmem>> -> memref<128xi32, #tpu.memory_space<vmem>>
          %dma_wait3A_77 = arith.constant 0 : i32
          %dma_wait3A_78 = arith.constant 0 : i32
          %dma_wait3A_79 = tpu.memref_slice %arg2[%dma_wait3A_77, %dma_wait3A_78] : memref<10000x128xf32, #tpu.memory_space<hbm>> -> memref<10000x128xf32, #tpu.memory_space<hbm>>
          tpu.wait_indirect_dma semaphore(%arg13 : memref<!tpu.dma_semaphore, #tpu.memory_space<semaphore_mem>>) src(%dma_wait3A_79 : memref<10000x128xf32, #tpu.memory_space<hbm>>) dst(%arg10 : memref<128x128xf32, #tpu.memory_space<vmem>>)
          "tpu.region"() ({
            %run_scoped3A = tpu.sem_alloc : memref<!tpu.dma_semaphore, #tpu.memory_space<semaphore_mem>>
            %dma_start3A_97 = arith.constant 0 : i32
            %dma_start3A_98 = tpu.memref_slice %arg9[%add3A_66, %dma_start3A_97] : memref<16x128xi32, #tpu.memory_space<vmem>> -> memref<1x128xi32, #tpu.memory_space<vmem>>
            %dma_start3A_99 = tpu.memref_squeeze %dma_start3A_98 : memref<1x128xi32, #tpu.memory_space<vmem>> -> memref<128xi32, #tpu.memory_space<vmem>>
            %dma_start3A_100 = arith.constant 0 : i32
            %dma_start3A_101 = arith.constant 0 : i32
            %dma_start3A_102 = tpu.memref_slice %arg12[%dma_start3A_100, %dma_start3A_101] : memref<10112x128xf32, #tpu.memory_space<vmem_shared>> -> memref<10112x128xf32, #tpu.memory_space<vmem_shared>>
            tpu.enqueue_indirect_dma source(%arg10 : memref<128x128xf32, #tpu.memory_space<vmem>>) target(%dma_start3A_102 : memref<10112x128xf32, #tpu.memory_space<vmem_shared>>) offsets(%dma_start3A_99 : memref<128xi32, #tpu.memory_space<vmem>>) semaphore(%run_scoped3A : memref<!tpu.dma_semaphore, #tpu.memory_space<semaphore_mem>>) {add = true}
            %dma_wait3A_103 = arith.constant 0 : i32
            %dma_wait3A_104 = tpu.memref_slice %arg9[%add3A_66, %dma_wait3A_103] : memref<16x128xi32, #tpu.memory_space<vmem>> -> memref<1x128xi32, #tpu.memory_space<vmem>>
            %dma_wait3A_105 = tpu.memref_squeeze %dma_wait3A_104 : memref<1x128xi32, #tpu.memory_space<vmem>> -> memref<128xi32, #tpu.memory_space<vmem>>
            %dma_wait3A_106 = arith.constant 0 : i32
            %dma_wait3A_107 = arith.constant 0 : i32
            %dma_wait3A_108 = tpu.memref_slice %arg12[%dma_wait3A_106, %dma_wait3A_107] : memref<10112x128xf32, #tpu.memory_space<vmem_shared>> -> memref<10112x128xf32, #tpu.memory_space<vmem_shared>>
            tpu.wait_indirect_dma semaphore(%run_scoped3A : memref<!tpu.dma_semaphore, #tpu.memory_space<semaphore_mem>>) src(%arg10 : memref<128x128xf32, #tpu.memory_space<vmem>>) dst(%dma_wait3A_108 : memref<10112x128xf32, #tpu.memory_space<vmem_shared>>)
            tpu.yield
          }) : () -> ()
          %add3A_80 = arith.constant 2 : i32
          %add3A_81 = arith.addi %add3A_66, %add3A_80 : i32
          %lt3A_82 = arith.constant 16 : i32
          %lt3A_83 = arith.cmpi slt, %add3A_81, %lt3A_82 : i32
          %convert_element_type3A_84 = arith.extui %lt3A_83 : i1 to i32
          %cond3A_85 = arith.constant 0 : i32
          %cond3A_86 = arith.cmpi ne, %convert_element_type3A_84, %cond3A_85 : i32
          scf.if %cond3A_86 {
            %add3A_97 = arith.constant 2 : i32
            %add3A_98 = arith.addi %add3A_66, %add3A_97 : i32
            %dma_start3A_99 = arith.constant 0 : i32
            %dma_start3A_100 = tpu.memref_slice %arg8[%add3A_98, %dma_start3A_99] : memref<16x128xi32, #tpu.memory_space<vmem>> -> memref<1x128xi32, #tpu.memory_space<vmem>>
            %dma_start3A_101 = tpu.memref_squeeze %dma_start3A_100 : memref<1x128xi32, #tpu.memory_space<vmem>> -> memref<128xi32, #tpu.memory_space<vmem>>
            %dma_start3A_102 = arith.constant 0 : i32
            %dma_start3A_103 = arith.constant 0 : i32
            %dma_start3A_104 = tpu.memref_slice %arg2[%dma_start3A_102, %dma_start3A_103] : memref<10000x128xf32, #tpu.memory_space<hbm>> -> memref<10000x128xf32, #tpu.memory_space<hbm>>
            tpu.enqueue_indirect_dma source(%dma_start3A_104 : memref<10000x128xf32, #tpu.memory_space<hbm>>) target(%arg10 : memref<128x128xf32, #tpu.memory_space<vmem>>) offsets(%dma_start3A_101 : memref<128xi32, #tpu.memory_space<vmem>>) semaphore(%arg13 : memref<!tpu.dma_semaphore, #tpu.memory_space<semaphore_mem>>)
          } else {
          }
          %add3A_87 = arith.constant 1 : i32
          %add3A_88 = arith.addi %add3A_66, %add3A_87 : i32
          %dma_wait3A_89 = arith.constant 0 : i32
          %dma_wait3A_90 = tpu.memref_slice %arg8[%add3A_88, %dma_wait3A_89] : memref<16x128xi32, #tpu.memory_space<vmem>> -> memref<1x128xi32, #tpu.memory_space<vmem>>
          %dma_wait3A_91 = tpu.memref_squeeze %dma_wait3A_90 : memref<1x128xi32, #tpu.memory_space<vmem>> -> memref<128xi32, #tpu.memory_space<vmem>>
          %dma_wait3A_92 = arith.constant 0 : i32
          %dma_wait3A_93 = arith.constant 0 : i32
          %dma_wait3A_94 = tpu.memref_slice %arg2[%dma_wait3A_92, %dma_wait3A_93] : memref<10000x128xf32, #tpu.memory_space<hbm>> -> memref<10000x128xf32, #tpu.memory_space<hbm>>
          tpu.wait_indirect_dma semaphore(%arg14 : memref<!tpu.dma_semaphore, #tpu.memory_space<semaphore_mem>>) src(%dma_wait3A_94 : memref<10000x128xf32, #tpu.memory_space<hbm>>) dst(%arg11 : memref<128x128xf32, #tpu.memory_space<vmem>>)
          %add3A_95 = arith.constant 1 : i32
          %add3A_96 = arith.addi %add3A_66, %add3A_95 : i32
          "tpu.region"() ({
            %run_scoped3A = tpu.sem_alloc : memref<!tpu.dma_semaphore, #tpu.memory_space<semaphore_mem>>
            %dma_start3A_97 = arith.constant 0 : i32
            %dma_start3A_98 = tpu.memref_slice %arg9[%add3A_96, %dma_start3A_97] : memref<16x128xi32, #tpu.memory_space<vmem>> -> memref<1x128xi32, #tpu.memory_space<vmem>>
            %dma_start3A_99 = tpu.memref_squeeze %dma_start3A_98 : memref<1x128xi32, #tpu.memory_space<vmem>> -> memref<128xi32, #tpu.memory_space<vmem>>
            %dma_start3A_100 = arith.constant 0 : i32
            %dma_start3A_101 = arith.constant 0 : i32
            %dma_start3A_102 = tpu.memref_slice %arg12[%dma_start3A_100, %dma_start3A_101] : memref<10112x128xf32, #tpu.memory_space<vmem_shared>> -> memref<10112x128xf32, #tpu.memory_space<vmem_shared>>
            tpu.enqueue_indirect_dma source(%arg11 : memref<128x128xf32, #tpu.memory_space<vmem>>) target(%dma_start3A_102 : memref<10112x128xf32, #tpu.memory_space<vmem_shared>>) offsets(%dma_start3A_99 : memref<128xi32, #tpu.memory_space<vmem>>) semaphore(%run_scoped3A : memref<!tpu.dma_semaphore, #tpu.memory_space<semaphore_mem>>) {add = true}
            %dma_wait3A_103 = arith.constant 0 : i32
            %dma_wait3A_104 = tpu.memref_slice %arg9[%add3A_96, %dma_wait3A_103] : memref<16x128xi32, #tpu.memory_space<vmem>> -> memref<1x128xi32, #tpu.memory_space<vmem>>
            %dma_wait3A_105 = tpu.memref_squeeze %dma_wait3A_104 : memref<1x128xi32, #tpu.memory_space<vmem>> -> memref<128xi32, #tpu.memory_space<vmem>>
            %dma_wait3A_106 = arith.constant 0 : i32
            %dma_wait3A_107 = arith.constant 0 : i32
            %dma_wait3A_108 = tpu.memref_slice %arg12[%dma_wait3A_106, %dma_wait3A_107] : memref<10112x128xf32, #tpu.memory_space<vmem_shared>> -> memref<10112x128xf32, #tpu.memory_space<vmem_shared>>
            tpu.wait_indirect_dma semaphore(%run_scoped3A : memref<!tpu.dma_semaphore, #tpu.memory_space<semaphore_mem>>) src(%arg11 : memref<128x128xf32, #tpu.memory_space<vmem>>) dst(%dma_wait3A_108 : memref<10112x128xf32, #tpu.memory_space<vmem_shared>>)
            tpu.yield
          }) : () -> ()
        }
        %scan3A_61 = arith.constant 8 : i32
      }
      %scan3A_32 = arith.constant 10 : i32
      %barrier3A_33 = arith.constant 0 : index
      tpu.barrier barrier_id(%barrier3A_33)
      %lt3A = arith.constant 15 : i32
      %lt3A_34 = arith.cmpi slt, %arg1, %lt3A : i32
      %convert_element_type3A_35 = arith.extui %lt3A_34 : i1 to i32
      %cond3A_36 = arith.constant 0 : i32
      %cond3A_37 = arith.cmpi ne, %convert_element_type3A_35, %cond3A_36 : i32
      scf.if %cond3A_37 {
        "tpu.region"() ({
          %run_scoped3A = tpu.sem_alloc : memref<!tpu.dma_semaphore, #tpu.memory_space<semaphore_mem>>
          %dma_start3A = arith.constant 0 : i32
          %dma_start3A_43 = tpu.memref_slice %arg6[%mul3A_9, %dma_start3A] : memref<10000x128xf32, #tpu.memory_space<hbm>> -> memref<632x128xf32, #tpu.memory_space<hbm>>
          %dma_start3A_44 = arith.constant 0 : i32
          %dma_start3A_45 = tpu.memref_slice %arg12[%mul3A_9, %dma_start3A_44] : memref<10112x128xf32, #tpu.memory_space<vmem_shared>> -> memref<632x128xf32, #tpu.memory_space<vmem_shared>>
          tpu.enqueue_dma source(%dma_start3A_45 : memref<632x128xf32, #tpu.memory_space<vmem_shared>>) target(%dma_start3A_43 : memref<632x128xf32, #tpu.memory_space<hbm>>) target_semaphore(%run_scoped3A : memref<!tpu.dma_semaphore, #tpu.memory_space<semaphore_mem>>)
          %dma_wait3A = arith.constant 0 : i32
          %dma_wait3A_46 = tpu.memref_slice %arg6[%mul3A_9, %dma_wait3A] : memref<10000x128xf32, #tpu.memory_space<hbm>> -> memref<632x128xf32, #tpu.memory_space<hbm>>
          %dma_wait3A_47 = arith.constant 0 : i32
          %dma_wait3A_48 = tpu.memref_slice %arg12[%mul3A_9, %dma_wait3A_47] : memref<10112x128xf32, #tpu.memory_space<vmem_shared>> -> memref<632x128xf32, #tpu.memory_space<vmem_shared>>
          tpu.wait_dma2 semaphore(%run_scoped3A : memref<!tpu.dma_semaphore, #tpu.memory_space<semaphore_mem>>) src(%dma_wait3A_48 : memref<632x128xf32, #tpu.memory_space<vmem_shared>>) dst(%dma_wait3A_46 : memref<632x128xf32, #tpu.memory_space<hbm>>)
          tpu.yield
        }) : () -> ()
      } else {
      }
      %eq3A_38 = arith.constant 15 : i32
      %eq3A_39 = arith.cmpi eq, %arg1, %eq3A_38 : i32
      %convert_element_type3A_40 = arith.extui %eq3A_39 : i1 to i32
      %cond3A_41 = arith.constant 0 : i32
      %cond3A_42 = arith.cmpi ne, %convert_element_type3A_40, %cond3A_41 : i32
      scf.if %cond3A_42 {
        "tpu.region"() ({
          %run_scoped3A = tpu.sem_alloc : memref<!tpu.dma_semaphore, #tpu.memory_space<semaphore_mem>>
          %dma_start3A = arith.constant 9480 : i32
          %dma_start3A_43 = arith.constant 0 : i32
          %dma_start3A_44 = tpu.memref_slice %arg6[%dma_start3A, %dma_start3A_43] : memref<10000x128xf32, #tpu.memory_space<hbm>> -> memref<520x128xf32, #tpu.memory_space<hbm>>
          %dma_start3A_45 = arith.constant 9480 : i32
          %dma_start3A_46 = arith.constant 0 : i32
          %dma_start3A_47 = tpu.memref_slice %arg12[%dma_start3A_45, %dma_start3A_46] : memref<10112x128xf32, #tpu.memory_space<vmem_shared>> -> memref<520x128xf32, #tpu.memory_space<vmem_shared>>
          tpu.enqueue_dma source(%dma_start3A_47 : memref<520x128xf32, #tpu.memory_space<vmem_shared>>) target(%dma_start3A_44 : memref<520x128xf32, #tpu.memory_space<hbm>>) target_semaphore(%run_scoped3A : memref<!tpu.dma_semaphore, #tpu.memory_space<semaphore_mem>>)
          %dma_wait3A = arith.constant 9480 : i32
          %dma_wait3A_48 = arith.constant 0 : i32
          %dma_wait3A_49 = tpu.memref_slice %arg6[%dma_wait3A, %dma_wait3A_48] : memref<10000x128xf32, #tpu.memory_space<hbm>> -> memref<520x128xf32, #tpu.memory_space<hbm>>
          %dma_wait3A_50 = arith.constant 9480 : i32
          %dma_wait3A_51 = arith.constant 0 : i32
          %dma_wait3A_52 = tpu.memref_slice %arg12[%dma_wait3A_50, %dma_wait3A_51] : memref<10112x128xf32, #tpu.memory_space<vmem_shared>> -> memref<520x128xf32, #tpu.memory_space<vmem_shared>>
          tpu.wait_dma2 semaphore(%run_scoped3A : memref<!tpu.dma_semaphore, #tpu.memory_space<semaphore_mem>>) src(%dma_wait3A_52 : memref<520x128xf32, #tpu.memory_space<vmem_shared>>) dst(%dma_wait3A_49 : memref<520x128xf32, #tpu.memory_space<hbm>>)
          tpu.yield
        }) : () -> ()
      } else {
      }
    } else {
    }
    %eq3A_23 = arith.constant 1 : i32
    %eq3A_24 = arith.cmpi eq, %arg0, %eq3A_23 : i32
    %convert_element_type3A_25 = arith.extui %eq3A_24 : i1 to i32
    %cond3A_26 = arith.constant 0 : i32
    %cond3A_27 = arith.cmpi ne, %convert_element_type3A_25, %cond3A_26 : i32
    scf.if %cond3A_27 {
      %scan3A_28 = arith.constant 0 : i32
      %scan3A_29 = arith.constant 10 : i32
      %scan3A_30 = arith.addi %scan3A_28, %scan3A_29 : i32
      %scan3A_31 = arith.constant 1 : i32
      scf.for %scan3A_43 = %scan3A_28 to %scan3A_30 step %scan3A_31  : i32 {
        %mul3A_44 = arith.constant 1 : i32
        %mul3A_45 = arith.muli %scan3A_43, %mul3A_44 : i32
        %add3A_46 = arith.constant 0 : i32
        %add3A_47 = arith.addi %add3A_46, %mul3A_45 : i32
        %mul3A_48 = arith.constant 16 : i32
        %mul3A_49 = arith.muli %add3A_47, %mul3A_48 : i32
        %add3A_50 = arith.addi %add3A, %mul3A_49 : i32
        "tpu.region"() ({
          %run_scoped3A = tpu.sem_alloc : memref<!tpu.dma_semaphore, #tpu.memory_space<semaphore_mem>>
          %dma_start3A_62 = arith.constant 0 : i32
          %dma_start3A_63 = tpu.memref_slice %arg4[%add3A_50, %dma_start3A_62] : memref<2560x128xi32, #tpu.memory_space<hbm>> -> memref<16x128xi32, #tpu.memory_space<hbm>>
          %dma_start3A_64 = arith.constant 0 : i32
          %dma_start3A_65 = tpu.memref_slice %arg4[%add3A_50, %dma_start3A_64] : memref<2560x128xi32, #tpu.memory_space<hbm>> -> memref<16x128xi32, #tpu.memory_space<hbm>>
          tpu.enqueue_dma source(%dma_start3A_65 : memref<16x128xi32, #tpu.memory_space<hbm>>) target(%arg8 : memref<16x128xi32, #tpu.memory_space<vmem>>) target_semaphore(%run_scoped3A : memref<!tpu.dma_semaphore, #tpu.memory_space<semaphore_mem>>)
          %dma_wait3A = arith.constant 0 : i32
          %dma_wait3A_66 = tpu.memref_slice %arg4[%add3A_50, %dma_wait3A] : memref<2560x128xi32, #tpu.memory_space<hbm>> -> memref<16x128xi32, #tpu.memory_space<hbm>>
          %dma_wait3A_67 = arith.constant 0 : i32
          %dma_wait3A_68 = tpu.memref_slice %arg4[%add3A_50, %dma_wait3A_67] : memref<2560x128xi32, #tpu.memory_space<hbm>> -> memref<16x128xi32, #tpu.memory_space<hbm>>
          tpu.wait_dma2 semaphore(%run_scoped3A : memref<!tpu.dma_semaphore, #tpu.memory_space<semaphore_mem>>) src(%dma_wait3A_68 : memref<16x128xi32, #tpu.memory_space<hbm>>) dst(%arg8 : memref<16x128xi32, #tpu.memory_space<vmem>>)
          tpu.yield
        }) : () -> ()
        "tpu.region"() ({
          %run_scoped3A = tpu.sem_alloc : memref<!tpu.dma_semaphore, #tpu.memory_space<semaphore_mem>>
          %dma_start3A_62 = arith.constant 0 : i32
          %dma_start3A_63 = tpu.memref_slice %arg5[%add3A_50, %dma_start3A_62] : memref<2560x128xi32, #tpu.memory_space<hbm>> -> memref<16x128xi32, #tpu.memory_space<hbm>>
          %dma_start3A_64 = arith.constant 0 : i32
          %dma_start3A_65 = tpu.memref_slice %arg5[%add3A_50, %dma_start3A_64] : memref<2560x128xi32, #tpu.memory_space<hbm>> -> memref<16x128xi32, #tpu.memory_space<hbm>>
          tpu.enqueue_dma source(%dma_start3A_65 : memref<16x128xi32, #tpu.memory_space<hbm>>) target(%arg9 : memref<16x128xi32, #tpu.memory_space<vmem>>) target_semaphore(%run_scoped3A : memref<!tpu.dma_semaphore, #tpu.memory_space<semaphore_mem>>)
          %dma_wait3A = arith.constant 0 : i32
          %dma_wait3A_66 = tpu.memref_slice %arg5[%add3A_50, %dma_wait3A] : memref<2560x128xi32, #tpu.memory_space<hbm>> -> memref<16x128xi32, #tpu.memory_space<hbm>>
          %dma_wait3A_67 = arith.constant 0 : i32
          %dma_wait3A_68 = tpu.memref_slice %arg5[%add3A_50, %dma_wait3A_67] : memref<2560x128xi32, #tpu.memory_space<hbm>> -> memref<16x128xi32, #tpu.memory_space<hbm>>
          tpu.wait_dma2 semaphore(%run_scoped3A : memref<!tpu.dma_semaphore, #tpu.memory_space<semaphore_mem>>) src(%dma_wait3A_68 : memref<16x128xi32, #tpu.memory_space<hbm>>) dst(%arg9 : memref<16x128xi32, #tpu.memory_space<vmem>>)
          tpu.yield
        }) : () -> ()
        %dma_start3A = arith.constant 0 : i32
        %dma_start3A_51 = arith.constant 0 : i32
        %dma_start3A_52 = tpu.memref_slice %arg8[%dma_start3A, %dma_start3A_51] : memref<16x128xi32, #tpu.memory_space<vmem>> -> memref<1x128xi32, #tpu.memory_space<vmem>>
        %dma_start3A_53 = tpu.memref_squeeze %dma_start3A_52 : memref<1x128xi32, #tpu.memory_space<vmem>> -> memref<128xi32, #tpu.memory_space<vmem>>
        %dma_start3A_54 = arith.constant 0 : i32
        %dma_start3A_55 = arith.constant 0 : i32
        %dma_start3A_56 = tpu.memref_slice %arg3[%dma_start3A_54, %dma_start3A_55] : memref<10000x128xf32, #tpu.memory_space<hbm>> -> memref<10000x128xf32, #tpu.memory_space<hbm>>
        tpu.enqueue_indirect_dma source(%dma_start3A_56 : memref<10000x128xf32, #tpu.memory_space<hbm>>) target(%arg10 : memref<128x128xf32, #tpu.memory_space<vmem>>) offsets(%dma_start3A_53 : memref<128xi32, #tpu.memory_space<vmem>>) semaphore(%arg13 : memref<!tpu.dma_semaphore, #tpu.memory_space<semaphore_mem>>)
        %scan3A_57 = arith.constant 0 : i32
        %scan3A_58 = arith.constant 8 : i32
        %scan3A_59 = arith.addi %scan3A_57, %scan3A_58 : i32
        %scan3A_60 = arith.constant 1 : i32
        scf.for %scan3A_62 = %scan3A_57 to %scan3A_59 step %scan3A_60  : i32 {
          %mul3A_63 = arith.constant 2 : i32
          %mul3A_64 = arith.muli %scan3A_62, %mul3A_63 : i32
          %add3A_65 = arith.constant 0 : i32
          %add3A_66 = arith.addi %add3A_65, %mul3A_64 : i32
          %add3A_67 = arith.constant 1 : i32
          %add3A_68 = arith.addi %add3A_66, %add3A_67 : i32
          %dma_start3A_69 = arith.constant 0 : i32
          %dma_start3A_70 = tpu.memref_slice %arg8[%add3A_68, %dma_start3A_69] : memref<16x128xi32, #tpu.memory_space<vmem>> -> memref<1x128xi32, #tpu.memory_space<vmem>>
          %dma_start3A_71 = tpu.memref_squeeze %dma_start3A_70 : memref<1x128xi32, #tpu.memory_space<vmem>> -> memref<128xi32, #tpu.memory_space<vmem>>
          %dma_start3A_72 = arith.constant 0 : i32
          %dma_start3A_73 = arith.constant 0 : i32
          %dma_start3A_74 = tpu.memref_slice %arg3[%dma_start3A_72, %dma_start3A_73] : memref<10000x128xf32, #tpu.memory_space<hbm>> -> memref<10000x128xf32, #tpu.memory_space<hbm>>
          tpu.enqueue_indirect_dma source(%dma_start3A_74 : memref<10000x128xf32, #tpu.memory_space<hbm>>) target(%arg11 : memref<128x128xf32, #tpu.memory_space<vmem>>) offsets(%dma_start3A_71 : memref<128xi32, #tpu.memory_space<vmem>>) semaphore(%arg14 : memref<!tpu.dma_semaphore, #tpu.memory_space<semaphore_mem>>)
          %dma_wait3A = arith.constant 0 : i32
          %dma_wait3A_75 = tpu.memref_slice %arg8[%add3A_66, %dma_wait3A] : memref<16x128xi32, #tpu.memory_space<vmem>> -> memref<1x128xi32, #tpu.memory_space<vmem>>
          %dma_wait3A_76 = tpu.memref_squeeze %dma_wait3A_75 : memref<1x128xi32, #tpu.memory_space<vmem>> -> memref<128xi32, #tpu.memory_space<vmem>>
          %dma_wait3A_77 = arith.constant 0 : i32
          %dma_wait3A_78 = arith.constant 0 : i32
          %dma_wait3A_79 = tpu.memref_slice %arg3[%dma_wait3A_77, %dma_wait3A_78] : memref<10000x128xf32, #tpu.memory_space<hbm>> -> memref<10000x128xf32, #tpu.memory_space<hbm>>
          tpu.wait_indirect_dma semaphore(%arg13 : memref<!tpu.dma_semaphore, #tpu.memory_space<semaphore_mem>>) src(%dma_wait3A_79 : memref<10000x128xf32, #tpu.memory_space<hbm>>) dst(%arg10 : memref<128x128xf32, #tpu.memory_space<vmem>>)
          "tpu.region"() ({
            %run_scoped3A = tpu.sem_alloc : memref<!tpu.dma_semaphore, #tpu.memory_space<semaphore_mem>>
            %dma_start3A_97 = arith.constant 0 : i32
            %dma_start3A_98 = tpu.memref_slice %arg9[%add3A_66, %dma_start3A_97] : memref<16x128xi32, #tpu.memory_space<vmem>> -> memref<1x128xi32, #tpu.memory_space<vmem>>
            %dma_start3A_99 = tpu.memref_squeeze %dma_start3A_98 : memref<1x128xi32, #tpu.memory_space<vmem>> -> memref<128xi32, #tpu.memory_space<vmem>>
            %dma_start3A_100 = arith.constant 0 : i32
            %dma_start3A_101 = arith.constant 0 : i32
            %dma_start3A_102 = tpu.memref_slice %arg12[%dma_start3A_100, %dma_start3A_101] : memref<10112x128xf32, #tpu.memory_space<vmem_shared>> -> memref<10112x128xf32, #tpu.memory_space<vmem_shared>>
            tpu.enqueue_indirect_dma source(%arg10 : memref<128x128xf32, #tpu.memory_space<vmem>>) target(%dma_start3A_102 : memref<10112x128xf32, #tpu.memory_space<vmem_shared>>) offsets(%dma_start3A_99 : memref<128xi32, #tpu.memory_space<vmem>>) semaphore(%run_scoped3A : memref<!tpu.dma_semaphore, #tpu.memory_space<semaphore_mem>>) {add = true}
            %dma_wait3A_103 = arith.constant 0 : i32
            %dma_wait3A_104 = tpu.memref_slice %arg9[%add3A_66, %dma_wait3A_103] : memref<16x128xi32, #tpu.memory_space<vmem>> -> memref<1x128xi32, #tpu.memory_space<vmem>>
            %dma_wait3A_105 = tpu.memref_squeeze %dma_wait3A_104 : memref<1x128xi32, #tpu.memory_space<vmem>> -> memref<128xi32, #tpu.memory_space<vmem>>
            %dma_wait3A_106 = arith.constant 0 : i32
            %dma_wait3A_107 = arith.constant 0 : i32
            %dma_wait3A_108 = tpu.memref_slice %arg12[%dma_wait3A_106, %dma_wait3A_107] : memref<10112x128xf32, #tpu.memory_space<vmem_shared>> -> memref<10112x128xf32, #tpu.memory_space<vmem_shared>>
            tpu.wait_indirect_dma semaphore(%run_scoped3A : memref<!tpu.dma_semaphore, #tpu.memory_space<semaphore_mem>>) src(%arg10 : memref<128x128xf32, #tpu.memory_space<vmem>>) dst(%dma_wait3A_108 : memref<10112x128xf32, #tpu.memory_space<vmem_shared>>)
            tpu.yield
          }) : () -> ()
          %add3A_80 = arith.constant 2 : i32
          %add3A_81 = arith.addi %add3A_66, %add3A_80 : i32
          %lt3A_82 = arith.constant 16 : i32
          %lt3A_83 = arith.cmpi slt, %add3A_81, %lt3A_82 : i32
          %convert_element_type3A_84 = arith.extui %lt3A_83 : i1 to i32
          %cond3A_85 = arith.constant 0 : i32
          %cond3A_86 = arith.cmpi ne, %convert_element_type3A_84, %cond3A_85 : i32
          scf.if %cond3A_86 {
            %add3A_97 = arith.constant 2 : i32
            %add3A_98 = arith.addi %add3A_66, %add3A_97 : i32
            %dma_start3A_99 = arith.constant 0 : i32
            %dma_start3A_100 = tpu.memref_slice %arg8[%add3A_98, %dma_start3A_99] : memref<16x128xi32, #tpu.memory_space<vmem>> -> memref<1x128xi32, #tpu.memory_space<vmem>>
            %dma_start3A_101 = tpu.memref_squeeze %dma_start3A_100 : memref<1x128xi32, #tpu.memory_space<vmem>> -> memref<128xi32, #tpu.memory_space<vmem>>
            %dma_start3A_102 = arith.constant 0 : i32
            %dma_start3A_103 = arith.constant 0 : i32
            %dma_start3A_104 = tpu.memref_slice %arg3[%dma_start3A_102, %dma_start3A_103] : memref<10000x128xf32, #tpu.memory_space<hbm>> -> memref<10000x128xf32, #tpu.memory_space<hbm>>
            tpu.enqueue_indirect_dma source(%dma_start3A_104 : memref<10000x128xf32, #tpu.memory_space<hbm>>) target(%arg10 : memref<128x128xf32, #tpu.memory_space<vmem>>) offsets(%dma_start3A_101 : memref<128xi32, #tpu.memory_space<vmem>>) semaphore(%arg13 : memref<!tpu.dma_semaphore, #tpu.memory_space<semaphore_mem>>)
          } else {
          }
          %add3A_87 = arith.constant 1 : i32
          %add3A_88 = arith.addi %add3A_66, %add3A_87 : i32
          %dma_wait3A_89 = arith.constant 0 : i32
          %dma_wait3A_90 = tpu.memref_slice %arg8[%add3A_88, %dma_wait3A_89] : memref<16x128xi32, #tpu.memory_space<vmem>> -> memref<1x128xi32, #tpu.memory_space<vmem>>
          %dma_wait3A_91 = tpu.memref_squeeze %dma_wait3A_90 : memref<1x128xi32, #tpu.memory_space<vmem>> -> memref<128xi32, #tpu.memory_space<vmem>>
          %dma_wait3A_92 = arith.constant 0 : i32
          %dma_wait3A_93 = arith.constant 0 : i32
          %dma_wait3A_94 = tpu.memref_slice %arg3[%dma_wait3A_92, %dma_wait3A_93] : memref<10000x128xf32, #tpu.memory_space<hbm>> -> memref<10000x128xf32, #tpu.memory_space<hbm>>
          tpu.wait_indirect_dma semaphore(%arg14 : memref<!tpu.dma_semaphore, #tpu.memory_space<semaphore_mem>>) src(%dma_wait3A_94 : memref<10000x128xf32, #tpu.memory_space<hbm>>) dst(%arg11 : memref<128x128xf32, #tpu.memory_space<vmem>>)
          %add3A_95 = arith.constant 1 : i32
          %add3A_96 = arith.addi %add3A_66, %add3A_95 : i32
          "tpu.region"() ({
            %run_scoped3A = tpu.sem_alloc : memref<!tpu.dma_semaphore, #tpu.memory_space<semaphore_mem>>
            %dma_start3A_97 = arith.constant 0 : i32
            %dma_start3A_98 = tpu.memref_slice %arg9[%add3A_96, %dma_start3A_97] : memref<16x128xi32, #tpu.memory_space<vmem>> -> memref<1x128xi32, #tpu.memory_space<vmem>>
            %dma_start3A_99 = tpu.memref_squeeze %dma_start3A_98 : memref<1x128xi32, #tpu.memory_space<vmem>> -> memref<128xi32, #tpu.memory_space<vmem>>
            %dma_start3A_100 = arith.constant 0 : i32
            %dma_start3A_101 = arith.constant 0 : i32
            %dma_start3A_102 = tpu.memref_slice %arg12[%dma_start3A_100, %dma_start3A_101] : memref<10112x128xf32, #tpu.memory_space<vmem_shared>> -> memref<10112x128xf32, #tpu.memory_space<vmem_shared>>
            tpu.enqueue_indirect_dma source(%arg11 : memref<128x128xf32, #tpu.memory_space<vmem>>) target(%dma_start3A_102 : memref<10112x128xf32, #tpu.memory_space<vmem_shared>>) offsets(%dma_start3A_99 : memref<128xi32, #tpu.memory_space<vmem>>) semaphore(%run_scoped3A : memref<!tpu.dma_semaphore, #tpu.memory_space<semaphore_mem>>) {add = true}
            %dma_wait3A_103 = arith.constant 0 : i32
            %dma_wait3A_104 = tpu.memref_slice %arg9[%add3A_96, %dma_wait3A_103] : memref<16x128xi32, #tpu.memory_space<vmem>> -> memref<1x128xi32, #tpu.memory_space<vmem>>
            %dma_wait3A_105 = tpu.memref_squeeze %dma_wait3A_104 : memref<1x128xi32, #tpu.memory_space<vmem>> -> memref<128xi32, #tpu.memory_space<vmem>>
            %dma_wait3A_106 = arith.constant 0 : i32
            %dma_wait3A_107 = arith.constant 0 : i32
            %dma_wait3A_108 = tpu.memref_slice %arg12[%dma_wait3A_106, %dma_wait3A_107] : memref<10112x128xf32, #tpu.memory_space<vmem_shared>> -> memref<10112x128xf32, #tpu.memory_space<vmem_shared>>
            tpu.wait_indirect_dma semaphore(%run_scoped3A : memref<!tpu.dma_semaphore, #tpu.memory_space<semaphore_mem>>) src(%arg11 : memref<128x128xf32, #tpu.memory_space<vmem>>) dst(%dma_wait3A_108 : memref<10112x128xf32, #tpu.memory_space<vmem_shared>>)
            tpu.yield
          }) : () -> ()
        }
        %scan3A_61 = arith.constant 8 : i32
      }
      %scan3A_32 = arith.constant 10 : i32
      %barrier3A_33 = arith.constant 0 : index
      tpu.barrier barrier_id(%barrier3A_33)
      %lt3A = arith.constant 15 : i32
      %lt3A_34 = arith.cmpi slt, %arg1, %lt3A : i32
      %convert_element_type3A_35 = arith.extui %lt3A_34 : i1 to i32
      %cond3A_36 = arith.constant 0 : i32
      %cond3A_37 = arith.cmpi ne, %convert_element_type3A_35, %cond3A_36 : i32
      scf.if %cond3A_37 {
        "tpu.region"() ({
          %run_scoped3A = tpu.sem_alloc : memref<!tpu.dma_semaphore, #tpu.memory_space<semaphore_mem>>
          %dma_start3A = arith.constant 0 : i32
          %dma_start3A_43 = tpu.memref_slice %arg7[%mul3A_9, %dma_start3A] : memref<10000x128xf32, #tpu.memory_space<hbm>> -> memref<632x128xf32, #tpu.memory_space<hbm>>
          %dma_start3A_44 = arith.constant 0 : i32
          %dma_start3A_45 = tpu.memref_slice %arg12[%mul3A_9, %dma_start3A_44] : memref<10112x128xf32, #tpu.memory_space<vmem_shared>> -> memref<632x128xf32, #tpu.memory_space<vmem_shared>>
          tpu.enqueue_dma source(%dma_start3A_45 : memref<632x128xf32, #tpu.memory_space<vmem_shared>>) target(%dma_start3A_43 : memref<632x128xf32, #tpu.memory_space<hbm>>) target_semaphore(%run_scoped3A : memref<!tpu.dma_semaphore, #tpu.memory_space<semaphore_mem>>)
          %dma_wait3A = arith.constant 0 : i32
          %dma_wait3A_46 = tpu.memref_slice %arg7[%mul3A_9, %dma_wait3A] : memref<10000x128xf32, #tpu.memory_space<hbm>> -> memref<632x128xf32, #tpu.memory_space<hbm>>
          %dma_wait3A_47 = arith.constant 0 : i32
          %dma_wait3A_48 = tpu.memref_slice %arg12[%mul3A_9, %dma_wait3A_47] : memref<10112x128xf32, #tpu.memory_space<vmem_shared>> -> memref<632x128xf32, #tpu.memory_space<vmem_shared>>
          tpu.wait_dma2 semaphore(%run_scoped3A : memref<!tpu.dma_semaphore, #tpu.memory_space<semaphore_mem>>) src(%dma_wait3A_48 : memref<632x128xf32, #tpu.memory_space<vmem_shared>>) dst(%dma_wait3A_46 : memref<632x128xf32, #tpu.memory_space<hbm>>)
          tpu.yield
        }) : () -> ()
      } else {
      }
      %eq3A_38 = arith.constant 15 : i32
      %eq3A_39 = arith.cmpi eq, %arg1, %eq3A_38 : i32
      %convert_element_type3A_40 = arith.extui %eq3A_39 : i1 to i32
      %cond3A_41 = arith.constant 0 : i32
      %cond3A_42 = arith.cmpi ne, %convert_element_type3A_40, %cond3A_41 : i32
      scf.if %cond3A_42 {
        "tpu.region"() ({
          %run_scoped3A = tpu.sem_alloc : memref<!tpu.dma_semaphore, #tpu.memory_space<semaphore_mem>>
          %dma_start3A = arith.constant 9480 : i32
          %dma_start3A_43 = arith.constant 0 : i32
          %dma_start3A_44 = tpu.memref_slice %arg7[%dma_start3A, %dma_start3A_43] : memref<10000x128xf32, #tpu.memory_space<hbm>> -> memref<520x128xf32, #tpu.memory_space<hbm>>
          %dma_start3A_45 = arith.constant 9480 : i32
          %dma_start3A_46 = arith.constant 0 : i32
          %dma_start3A_47 = tpu.memref_slice %arg12[%dma_start3A_45, %dma_start3A_46] : memref<10112x128xf32, #tpu.memory_space<vmem_shared>> -> memref<520x128xf32, #tpu.memory_space<vmem_shared>>
          tpu.enqueue_dma source(%dma_start3A_47 : memref<520x128xf32, #tpu.memory_space<vmem_shared>>) target(%dma_start3A_44 : memref<520x128xf32, #tpu.memory_space<hbm>>) target_semaphore(%run_scoped3A : memref<!tpu.dma_semaphore, #tpu.memory_space<semaphore_mem>>)
          %dma_wait3A = arith.constant 9480 : i32
          %dma_wait3A_48 = arith.constant 0 : i32
          %dma_wait3A_49 = tpu.memref_slice %arg7[%dma_wait3A, %dma_wait3A_48] : memref<10000x128xf32, #tpu.memory_space<hbm>> -> memref<520x128xf32, #tpu.memory_space<hbm>>
          %dma_wait3A_50 = arith.constant 9480 : i32
          %dma_wait3A_51 = arith.constant 0 : i32
          %dma_wait3A_52 = tpu.memref_slice %arg12[%dma_wait3A_50, %dma_wait3A_51] : memref<10112x128xf32, #tpu.memory_space<vmem_shared>> -> memref<520x128xf32, #tpu.memory_space<vmem_shared>>
          tpu.wait_dma2 semaphore(%run_scoped3A : memref<!tpu.dma_semaphore, #tpu.memory_space<semaphore_mem>>) src(%dma_wait3A_52 : memref<520x128xf32, #tpu.memory_space<vmem_shared>>) dst(%dma_wait3A_49 : memref<520x128xf32, #tpu.memory_space<hbm>>)
          tpu.yield
        }) : () -> ()
      } else {
      }
    } else {
    }
    return
  }
}

#map = affine_map<(d0, d1) -> (0)>
#map1 = affine_map<(d0, d1) -> (0, 0)>
module attributes {stable_mosaic.version = 14 : i64} {
  func.func @gcn_sc_deg(%arg0: i32, %arg1: i32, %arg2: memref<320000xi32, #tpu.memory_space<hbm>>, %arg3: memref<32x10112xf32, #tpu.memory_space<hbm>>, %arg4: memref<10000xi32, #tpu.memory_space<vmem>>, %arg5: memref<10112xf32, #tpu.memory_space<vmem>>) attributes {dimension_semantics = [#tpu.dimension_semantics<core_parallel>, #tpu.dimension_semantics<subcore_parallel>], iteration_bounds = array<i64: 2, 16>, scalar_prefetch = 0 : i64, scratch_operands = 2 : i64, tpu.core_type = #tpu.core_type<sc_vector_subcore>, window_params = [{transform_indices = #map}, {transform_indices = #map1}]} {
    %mul3A = arith.constant 2 : i32
    %mul3A_0 = arith.muli %arg1, %mul3A : i32
    %add3A = arith.addi %mul3A_0, %arg0 : i32
    %mul3A_1 = arith.constant 10000 : i32
    %mul3A_2 = arith.muli %add3A, %mul3A_1 : i32
    "tpu.region"() ({
      %run_scoped3A = tpu.sem_alloc : memref<!tpu.dma_semaphore, #tpu.memory_space<semaphore_mem>>
      %dma_start3A = tpu.memref_slice %arg2[%mul3A_2] : memref<320000xi32, #tpu.memory_space<hbm>> -> memref<10000xi32, #tpu.memory_space<hbm>>
      %dma_start3A_15 = tpu.memref_slice %arg2[%mul3A_2] : memref<320000xi32, #tpu.memory_space<hbm>> -> memref<10000xi32, #tpu.memory_space<hbm>>
      tpu.enqueue_dma source(%dma_start3A_15 : memref<10000xi32, #tpu.memory_space<hbm>>) target(%arg4 : memref<10000xi32, #tpu.memory_space<vmem>>) target_semaphore(%run_scoped3A : memref<!tpu.dma_semaphore, #tpu.memory_space<semaphore_mem>>)
      %dma_wait3A = tpu.memref_slice %arg2[%mul3A_2] : memref<320000xi32, #tpu.memory_space<hbm>> -> memref<10000xi32, #tpu.memory_space<hbm>>
      %dma_wait3A_16 = tpu.memref_slice %arg2[%mul3A_2] : memref<320000xi32, #tpu.memory_space<hbm>> -> memref<10000xi32, #tpu.memory_space<hbm>>
      tpu.wait_dma2 semaphore(%run_scoped3A : memref<!tpu.dma_semaphore, #tpu.memory_space<semaphore_mem>>) src(%dma_wait3A_16 : memref<10000xi32, #tpu.memory_space<hbm>>) dst(%arg4 : memref<10000xi32, #tpu.memory_space<vmem>>)
      tpu.yield
    }) : () -> ()
    %broadcast_in_dim3A = arith.constant 0.000000e+00 : f32
    %broadcast_in_dim3A_3 = vector.broadcast %broadcast_in_dim3A : f32 to vector<16xf32>
    %scan3A = arith.constant 0 : i32
    %scan3A_4 = arith.constant 632 : i32
    %scan3A_5 = arith.addi %scan3A, %scan3A_4 : i32
    %scan3A_6 = arith.constant 1 : i32
    scf.for %scan3A_15 = %scan3A to %scan3A_5 step %scan3A_6  : i32 {
      %mul3A_16 = arith.constant 1 : i32
      %mul3A_17 = arith.muli %scan3A_15, %mul3A_16 : i32
      %add3A_18 = arith.constant 0 : i32
      %add3A_19 = arith.addi %add3A_18, %mul3A_17 : i32
      %mul3A_20 = arith.constant 16 : i32
      %mul3A_21 = arith.muli %add3A_19, %mul3A_20 : i32
      %swap3A = arith.index_cast %mul3A_21 : i32 to index
      %swap3A_22 = tpu.vector_load %arg5[%swap3A] {strides = array<i32>} : memref<10112xf32, #tpu.memory_space<vmem>>, vector<16xf32>,
      tpu.vector_store %arg5[%swap3A], %broadcast_in_dim3A_3 {strides = array<i32>} : memref<10112xf32, #tpu.memory_space<vmem>>, vector<16xf32>,
    }
    %scan3A_7 = arith.constant 632 : i32
    %broadcast_in_dim3A_8 = arith.constant 1.000000e+00 : f32
    %broadcast_in_dim3A_9 = vector.broadcast %broadcast_in_dim3A_8 : f32 to vector<16xf32>
    %scan3A_10 = arith.constant 0 : i32
    %scan3A_11 = arith.constant 625 : i32
    %scan3A_12 = arith.addi %scan3A_10, %scan3A_11 : i32
    %scan3A_13 = arith.constant 1 : i32
    scf.for %scan3A_15 = %scan3A_10 to %scan3A_12 step %scan3A_13  : i32 {
      %mul3A_16 = arith.constant 1 : i32
      %mul3A_17 = arith.muli %scan3A_15, %mul3A_16 : i32
      %add3A_18 = arith.constant 0 : i32
      %add3A_19 = arith.addi %add3A_18, %mul3A_17 : i32
      %mul3A_20 = arith.constant 16 : i32
      %mul3A_21 = arith.muli %add3A_19, %mul3A_20 : i32
      %get3A = arith.index_cast %mul3A_21 : i32 to index
      %get3A_22 = tpu.vector_load %arg4[%get3A] {strides = array<i32>} : memref<10000xi32, #tpu.memory_space<vmem>>, vector<16xi32>,
      tpu.vector_store_idx %arg5[%get3A_22], %broadcast_in_dim3A_9 {add = true} : memref<10112xf32, #tpu.memory_space<vmem>>[vector<16xi32>], vector<16xf32>,
    }
    %scan3A_14 = arith.constant 625 : i32
    "tpu.region"() ({
      %run_scoped3A = tpu.sem_alloc : memref<!tpu.dma_semaphore, #tpu.memory_space<semaphore_mem>>
      %dma_start3A = arith.constant 0 : i32
      %dma_start3A_15 = tpu.memref_slice %arg3[%add3A, %dma_start3A] : memref<32x10112xf32, #tpu.memory_space<hbm>> -> memref<1x10112xf32, #tpu.memory_space<hbm>>
      %dma_start3A_16 = tpu.memref_squeeze %dma_start3A_15 : memref<1x10112xf32, #tpu.memory_space<hbm>> -> memref<10112xf32, #tpu.memory_space<hbm>>
      %dma_start3A_17 = arith.constant 0 : i32
      %dma_start3A_18 = tpu.memref_slice %arg3[%add3A, %dma_start3A_17] : memref<32x10112xf32, #tpu.memory_space<hbm>> -> memref<1x10112xf32, #tpu.memory_space<hbm>>
      %dma_start3A_19 = tpu.memref_squeeze %dma_start3A_18 : memref<1x10112xf32, #tpu.memory_space<hbm>> -> memref<10112xf32, #tpu.memory_space<hbm>>
      tpu.enqueue_dma source(%arg5 : memref<10112xf32, #tpu.memory_space<vmem>>) target(%dma_start3A_19 : memref<10112xf32, #tpu.memory_space<hbm>>) target_semaphore(%run_scoped3A : memref<!tpu.dma_semaphore, #tpu.memory_space<semaphore_mem>>)
      %dma_wait3A = arith.constant 0 : i32
      %dma_wait3A_20 = tpu.memref_slice %arg3[%add3A, %dma_wait3A] : memref<32x10112xf32, #tpu.memory_space<hbm>> -> memref<1x10112xf32, #tpu.memory_space<hbm>>
      %dma_wait3A_21 = tpu.memref_squeeze %dma_wait3A_20 : memref<1x10112xf32, #tpu.memory_space<hbm>> -> memref<10112xf32, #tpu.memory_space<hbm>>
      %dma_wait3A_22 = arith.constant 0 : i32
      %dma_wait3A_23 = tpu.memref_slice %arg3[%add3A, %dma_wait3A_22] : memref<32x10112xf32, #tpu.memory_space<hbm>> -> memref<1x10112xf32, #tpu.memory_space<hbm>>
      %dma_wait3A_24 = tpu.memref_squeeze %dma_wait3A_23 : memref<1x10112xf32, #tpu.memory_space<hbm>> -> memref<10112xf32, #tpu.memory_space<hbm>>
      tpu.wait_dma2 semaphore(%run_scoped3A : memref<!tpu.dma_semaphore, #tpu.memory_space<semaphore_mem>>) src(%arg5 : memref<10112xf32, #tpu.memory_space<vmem>>) dst(%dma_wait3A_24 : memref<10112xf32, #tpu.memory_space<hbm>>)
      tpu.yield
    }) : () -> ()
    return
  }
}

#map = affine_map<(d0, d1) -> (0, 0)>
module attributes {stable_mosaic.version = 14 : i64} {
  func.func @gcn_sc_agg(%arg0: i32, %arg1: i32, %arg2: memref<10000x128xf32, #tpu.memory_space<hbm>>, %arg3: memref<10000x128xf32, #tpu.memory_space<hbm>>, %arg4: memref<2560x128xi32, #tpu.memory_space<hbm>>, %arg5: memref<2560x128xi32, #tpu.memory_space<hbm>>, %arg6: memref<10000x128xf32, #tpu.memory_space<hbm>>, %arg7: memref<10000x128xf32, #tpu.memory_space<hbm>>, %arg8: memref<16x128xi32, #tpu.memory_space<vmem>>, %arg9: memref<16x128xi32, #tpu.memory_space<vmem>>, %arg10: memref<128x128xf32, #tpu.memory_space<vmem>>, %arg11: memref<128x128xf32, #tpu.memory_space<vmem>>, %arg12: memref<10112x128xf32, #tpu.memory_space<vmem_shared>>, %arg13: memref<!tpu.dma_semaphore, #tpu.memory_space<semaphore_mem>>, %arg14: memref<!tpu.dma_semaphore, #tpu.memory_space<semaphore_mem>>) attributes {dimension_semantics = [#tpu.dimension_semantics<core_parallel>, #tpu.dimension_semantics<subcore_parallel>], iteration_bounds = array<i64: 2, 16>, scalar_prefetch = 0 : i64, scratch_operands = 7 : i64, tpu.core_type = #tpu.core_type<sc_vector_subcore>, window_params = [{transform_indices = #map}, {transform_indices = #map}, {transform_indices = #map}, {transform_indices = #map}, {transform_indices = #map}, {transform_indices = #map}]} {
    %mul3A = arith.constant 1280 : i32
    %mul3A_0 = arith.muli %arg0, %mul3A : i32
    %mul3A_1 = arith.constant 80 : i32
    %mul3A_2 = arith.muli %arg1, %mul3A_1 : i32
    %add3A = arith.addi %mul3A_0, %mul3A_2 : i32
    %broadcast_in_dim3A = arith.constant 0.000000e+00 : f32
    %broadcast_in_dim3A_3 = vector.broadcast %broadcast_in_dim3A : f32 to vector<16xf32>
    %scan3A = arith.constant 0 : i32
    %scan3A_4 = arith.constant 128 : i32
    %scan3A_5 = arith.addi %scan3A, %scan3A_4 : i32
    %scan3A_6 = arith.constant 1 : i32
    scf.for %scan3A_28 = %scan3A to %scan3A_5 step %scan3A_6  : i32 {
      %mul3A_29 = arith.constant 1 : i32
      %mul3A_30 = arith.muli %scan3A_28, %mul3A_29 : i32
      %add3A_31 = arith.constant 0 : i32
      %add3A_32 = arith.addi %add3A_31, %mul3A_30 : i32
      %swap3A = arith.index_cast %add3A_32 : i32 to index
      %swap3A_33 = arith.constant 0 : index
      %swap3A_34 = tpu.vector_load %arg10[%swap3A, %swap3A_33] {strides = array<i32>} : memref<128x128xf32, #tpu.memory_space<vmem>>, vector<1x16xf32>,
      %swap3A_35 = vector.shape_cast %swap3A_34 : vector<1x16xf32> to vector<16xf32>
      %swap3A_36 = vector.shape_cast %broadcast_in_dim3A_3 : vector<16xf32> to vector<1x16xf32>
      tpu.vector_store %arg10[%swap3A, %swap3A_33], %swap3A_36 {strides = array<i32>} : memref<128x128xf32, #tpu.memory_space<vmem>>, vector<1x16xf32>,
      %swap3A_37 = arith.index_cast %add3A_32 : i32 to index
      %swap3A_38 = arith.constant 16 : index
      %swap3A_39 = tpu.vector_load %arg10[%swap3A_37, %swap3A_38] {strides = array<i32>} : memref<128x128xf32, #tpu.memory_space<vmem>>, vector<1x16xf32>,
      %swap3A_40 = vector.shape_cast %swap3A_39 : vector<1x16xf32> to vector<16xf32>
      %swap3A_41 = vector.shape_cast %broadcast_in_dim3A_3 : vector<16xf32> to vector<1x16xf32>
      tpu.vector_store %arg10[%swap3A_37, %swap3A_38], %swap3A_41 {strides = array<i32>} : memref<128x128xf32, #tpu.memory_space<vmem>>, vector<1x16xf32>,
      %swap3A_42 = arith.index_cast %add3A_32 : i32 to index
      %swap3A_43 = arith.constant 32 : index
      %swap3A_44 = tpu.vector_load %arg10[%swap3A_42, %swap3A_43] {strides = array<i32>} : memref<128x128xf32, #tpu.memory_space<vmem>>, vector<1x16xf32>,
      %swap3A_45 = vector.shape_cast %swap3A_44 : vector<1x16xf32> to vector<16xf32>
      %swap3A_46 = vector.shape_cast %broadcast_in_dim3A_3 : vector<16xf32> to vector<1x16xf32>
      tpu.vector_store %arg10[%swap3A_42, %swap3A_43], %swap3A_46 {strides = array<i32>} : memref<128x128xf32, #tpu.memory_space<vmem>>, vector<1x16xf32>,
      %swap3A_47 = arith.index_cast %add3A_32 : i32 to index
      %swap3A_48 = arith.constant 48 : index
      %swap3A_49 = tpu.vector_load %arg10[%swap3A_47, %swap3A_48] {strides = array<i32>} : memref<128x128xf32, #tpu.memory_space<vmem>>, vector<1x16xf32>,
      %swap3A_50 = vector.shape_cast %swap3A_49 : vector<1x16xf32> to vector<16xf32>
      %swap3A_51 = vector.shape_cast %broadcast_in_dim3A_3 : vector<16xf32> to vector<1x16xf32>
      tpu.vector_store %arg10[%swap3A_47, %swap3A_48], %swap3A_51 {strides = array<i32>} : memref<128x128xf32, #tpu.memory_space<vmem>>, vector<1x16xf32>,
      %swap3A_52 = arith.index_cast %add3A_32 : i32 to index
      %swap3A_53 = arith.constant 64 : index
      %swap3A_54 = tpu.vector_load %arg10[%swap3A_52, %swap3A_53] {strides = array<i32>} : memref<128x128xf32, #tpu.memory_space<vmem>>, vector<1x16xf32>,
      %swap3A_55 = vector.shape_cast %swap3A_54 : vector<1x16xf32> to vector<16xf32>
      %swap3A_56 = vector.shape_cast %broadcast_in_dim3A_3 : vector<16xf32> to vector<1x16xf32>
      tpu.vector_store %arg10[%swap3A_52, %swap3A_53], %swap3A_56 {strides = array<i32>} : memref<128x128xf32, #tpu.memory_space<vmem>>, vector<1x16xf32>,
      %swap3A_57 = arith.index_cast %add3A_32 : i32 to index
      %swap3A_58 = arith.constant 80 : index
      %swap3A_59 = tpu.vector_load %arg10[%swap3A_57, %swap3A_58] {strides = array<i32>} : memref<128x128xf32, #tpu.memory_space<vmem>>, vector<1x16xf32>,
      %swap3A_60 = vector.shape_cast %swap3A_59 : vector<1x16xf32> to vector<16xf32>
      %swap3A_61 = vector.shape_cast %broadcast_in_dim3A_3 : vector<16xf32> to vector<1x16xf32>
      tpu.vector_store %arg10[%swap3A_57, %swap3A_58], %swap3A_61 {strides = array<i32>} : memref<128x128xf32, #tpu.memory_space<vmem>>, vector<1x16xf32>,
      %swap3A_62 = arith.index_cast %add3A_32 : i32 to index
      %swap3A_63 = arith.constant 96 : index
      %swap3A_64 = tpu.vector_load %arg10[%swap3A_62, %swap3A_63] {strides = array<i32>} : memref<128x128xf32, #tpu.memory_space<vmem>>, vector<1x16xf32>,
      %swap3A_65 = vector.shape_cast %swap3A_64 : vector<1x16xf32> to vector<16xf32>
      %swap3A_66 = vector.shape_cast %broadcast_in_dim3A_3 : vector<16xf32> to vector<1x16xf32>
      tpu.vector_store %arg10[%swap3A_62, %swap3A_63], %swap3A_66 {strides = array<i32>} : memref<128x128xf32, #tpu.memory_space<vmem>>, vector<1x16xf32>,
      %swap3A_67 = arith.index_cast %add3A_32 : i32 to index
      %swap3A_68 = arith.constant 112 : index
      %swap3A_69 = tpu.vector_load %arg10[%swap3A_67, %swap3A_68] {strides = array<i32>} : memref<128x128xf32, #tpu.memory_space<vmem>>, vector<1x16xf32>,
      %swap3A_70 = vector.shape_cast %swap3A_69 : vector<1x16xf32> to vector<16xf32>
      %swap3A_71 = vector.shape_cast %broadcast_in_dim3A_3 : vector<16xf32> to vector<1x16xf32>
      tpu.vector_store %arg10[%swap3A_67, %swap3A_68], %swap3A_71 {strides = array<i32>} : memref<128x128xf32, #tpu.memory_space<vmem>>, vector<1x16xf32>,
    }
    %scan3A_7 = arith.constant 128 : i32
    %mul3A_8 = arith.constant 632 : i32
    %mul3A_9 = arith.muli %arg1, %mul3A_8 : i32
    %add3A_10 = arith.constant 0 : i32
    %add3A_11 = arith.addi %mul3A_9, %add3A_10 : i32
    "tpu.region"() ({
      %run_scoped3A = tpu.sem_alloc : memref<!tpu.dma_semaphore, #tpu.memory_space<semaphore_mem>>
      %dma_start3A = arith.constant 0 : i32
      %dma_start3A_28 = arith.constant 0 : i32
      %dma_start3A_29 = tpu.memref_slice %arg10[%dma_start3A, %dma_start3A_28] : memref<128x128xf32, #tpu.memory_space<vmem>> -> memref<128x128xf32, #tpu.memory_space<vmem>>
      %dma_start3A_30 = arith.constant 0 : i32
      %dma_start3A_31 = tpu.memref_slice %arg12[%add3A_11, %dma_start3A_30] : memref<10112x128xf32, #tpu.memory_space<vmem_shared>> -> memref<128x128xf32, #tpu.memory_space<vmem_shared>>
      %dma_start3A_32 = arith.constant 0 : i32
      %dma_start3A_33 = tpu.memref_slice %arg12[%add3A_11, %dma_start3A_32] : memref<10112x128xf32, #tpu.memory_space<vmem_shared>> -> memref<128x128xf32, #tpu.memory_space<vmem_shared>>
      %dma_start3A_34 = arith.constant 0 : i32
      %dma_start3A_35 = arith.constant 0 : i32
      %dma_start3A_36 = tpu.memref_slice %arg10[%dma_start3A_34, %dma_start3A_35] : memref<128x128xf32, #tpu.memory_space<vmem>> -> memref<128x128xf32, #tpu.memory_space<vmem>>
      tpu.enqueue_dma source(%dma_start3A_36 : memref<128x128xf32, #tpu.memory_space<vmem>>) target(%dma_start3A_33 : memref<128x128xf32, #tpu.memory_space<vmem_shared>>) target_semaphore(%run_scoped3A : memref<!tpu.dma_semaphore, #tpu.memory_space<semaphore_mem>>)
      %dma_wait3A = arith.constant 0 : i32
      %dma_wait3A_37 = arith.constant 0 : i32
      %dma_wait3A_38 = tpu.memref_slice %arg10[%dma_wait3A, %dma_wait3A_37] : memref<128x128xf32, #tpu.memory_space<vmem>> -> memref<128x128xf32, #tpu.memory_space<vmem>>
      %dma_wait3A_39 = arith.constant 0 : i32
      %dma_wait3A_40 = tpu.memref_slice %arg12[%add3A_11, %dma_wait3A_39] : memref<10112x128xf32, #tpu.memory_space<vmem_shared>> -> memref<128x128xf32, #tpu.memory_space<vmem_shared>>
      %dma_wait3A_41 = arith.constant 0 : i32
      %dma_wait3A_42 = tpu.memref_slice %arg12[%add3A_11, %dma_wait3A_41] : memref<10112x128xf32, #tpu.memory_space<vmem_shared>> -> memref<128x128xf32, #tpu.memory_space<vmem_shared>>
      %dma_wait3A_43 = arith.constant 0 : i32
      %dma_wait3A_44 = arith.constant 0 : i32
      %dma_wait3A_45 = tpu.memref_slice %arg10[%dma_wait3A_43, %dma_wait3A_44] : memref<128x128xf32, #tpu.memory_space<vmem>> -> memref<128x128xf32, #tpu.memory_space<vmem>>
      tpu.wait_dma2 semaphore(%run_scoped3A : memref<!tpu.dma_semaphore, #tpu.memory_space<semaphore_mem>>) src(%dma_wait3A_45 : memref<128x128xf32, #tpu.memory_space<vmem>>) dst(%dma_wait3A_42 : memref<128x128xf32, #tpu.memory_space<vmem_shared>>)
      tpu.yield
    }) : () -> ()
    %add3A_12 = arith.constant 128 : i32
    %add3A_13 = arith.addi %mul3A_9, %add3A_12 : i32
    "tpu.region"() ({
      %run_scoped3A = tpu.sem_alloc : memref<!tpu.dma_semaphore, #tpu.memory_space<semaphore_mem>>
      %dma_start3A = arith.constant 0 : i32
      %dma_start3A_28 = arith.constant 0 : i32
      %dma_start3A_29 = tpu.memref_slice %arg10[%dma_start3A, %dma_start3A_28] : memref<128x128xf32, #tpu.memory_space<vmem>> -> memref<128x128xf32, #tpu.memory_space<vmem>>
      %dma_start3A_30 = arith.constant 0 : i32
      %dma_start3A_31 = tpu.memref_slice %arg12[%add3A_13, %dma_start3A_30] : memref<10112x128xf32, #tpu.memory_space<vmem_shared>> -> memref<128x128xf32, #tpu.memory_space<vmem_shared>>
      %dma_start3A_32 = arith.constant 0 : i32
      %dma_start3A_33 = tpu.memref_slice %arg12[%add3A_13, %dma_start3A_32] : memref<10112x128xf32, #tpu.memory_space<vmem_shared>> -> memref<128x128xf32, #tpu.memory_space<vmem_shared>>
      %dma_start3A_34 = arith.constant 0 : i32
      %dma_start3A_35 = arith.constant 0 : i32
      %dma_start3A_36 = tpu.memref_slice %arg10[%dma_start3A_34, %dma_start3A_35] : memref<128x128xf32, #tpu.memory_space<vmem>> -> memref<128x128xf32, #tpu.memory_space<vmem>>
      tpu.enqueue_dma source(%dma_start3A_36 : memref<128x128xf32, #tpu.memory_space<vmem>>) target(%dma_start3A_33 : memref<128x128xf32, #tpu.memory_space<vmem_shared>>) target_semaphore(%run_scoped3A : memref<!tpu.dma_semaphore, #tpu.memory_space<semaphore_mem>>)
      %dma_wait3A = arith.constant 0 : i32
      %dma_wait3A_37 = arith.constant 0 : i32
      %dma_wait3A_38 = tpu.memref_slice %arg10[%dma_wait3A, %dma_wait3A_37] : memref<128x128xf32, #tpu.memory_space<vmem>> -> memref<128x128xf32, #tpu.memory_space<vmem>>
      %dma_wait3A_39 = arith.constant 0 : i32
      %dma_wait3A_40 = tpu.memref_slice %arg12[%add3A_13, %dma_wait3A_39] : memref<10112x128xf32, #tpu.memory_space<vmem_shared>> -> memref<128x128xf32, #tpu.memory_space<vmem_shared>>
      %dma_wait3A_41 = arith.constant 0 : i32
      %dma_wait3A_42 = tpu.memref_slice %arg12[%add3A_13, %dma_wait3A_41] : memref<10112x128xf32, #tpu.memory_space<vmem_shared>> -> memref<128x128xf32, #tpu.memory_space<vmem_shared>>
      %dma_wait3A_43 = arith.constant 0 : i32
      %dma_wait3A_44 = arith.constant 0 : i32
      %dma_wait3A_45 = tpu.memref_slice %arg10[%dma_wait3A_43, %dma_wait3A_44] : memref<128x128xf32, #tpu.memory_space<vmem>> -> memref<128x128xf32, #tpu.memory_space<vmem>>
      tpu.wait_dma2 semaphore(%run_scoped3A : memref<!tpu.dma_semaphore, #tpu.memory_space<semaphore_mem>>) src(%dma_wait3A_45 : memref<128x128xf32, #tpu.memory_space<vmem>>) dst(%dma_wait3A_42 : memref<128x128xf32, #tpu.memory_space<vmem_shared>>)
      tpu.yield
    }) : () -> ()
    %add3A_14 = arith.constant 256 : i32
    %add3A_15 = arith.addi %mul3A_9, %add3A_14 : i32
    "tpu.region"() ({
      %run_scoped3A = tpu.sem_alloc : memref<!tpu.dma_semaphore, #tpu.memory_space<semaphore_mem>>
      %dma_start3A = arith.constant 0 : i32
      %dma_start3A_28 = arith.constant 0 : i32
      %dma_start3A_29 = tpu.memref_slice %arg10[%dma_start3A, %dma_start3A_28] : memref<128x128xf32, #tpu.memory_space<vmem>> -> memref<128x128xf32, #tpu.memory_space<vmem>>
      %dma_start3A_30 = arith.constant 0 : i32
      %dma_start3A_31 = tpu.memref_slice %arg12[%add3A_15, %dma_start3A_30] : memref<10112x128xf32, #tpu.memory_space<vmem_shared>> -> memref<128x128xf32, #tpu.memory_space<vmem_shared>>
      %dma_start3A_32 = arith.constant 0 : i32
      %dma_start3A_33 = tpu.memref_slice %arg12[%add3A_15, %dma_start3A_32] : memref<10112x128xf32, #tpu.memory_space<vmem_shared>> -> memref<128x128xf32, #tpu.memory_space<vmem_shared>>
      %dma_start3A_34 = arith.constant 0 : i32
      %dma_start3A_35 = arith.constant 0 : i32
      %dma_start3A_36 = tpu.memref_slice %arg10[%dma_start3A_34, %dma_start3A_35] : memref<128x128xf32, #tpu.memory_space<vmem>> -> memref<128x128xf32, #tpu.memory_space<vmem>>
      tpu.enqueue_dma source(%dma_start3A_36 : memref<128x128xf32, #tpu.memory_space<vmem>>) target(%dma_start3A_33 : memref<128x128xf32, #tpu.memory_space<vmem_shared>>) target_semaphore(%run_scoped3A : memref<!tpu.dma_semaphore, #tpu.memory_space<semaphore_mem>>)
      %dma_wait3A = arith.constant 0 : i32
      %dma_wait3A_37 = arith.constant 0 : i32
      %dma_wait3A_38 = tpu.memref_slice %arg10[%dma_wait3A, %dma_wait3A_37] : memref<128x128xf32, #tpu.memory_space<vmem>> -> memref<128x128xf32, #tpu.memory_space<vmem>>
      %dma_wait3A_39 = arith.constant 0 : i32
      %dma_wait3A_40 = tpu.memref_slice %arg12[%add3A_15, %dma_wait3A_39] : memref<10112x128xf32, #tpu.memory_space<vmem_shared>> -> memref<128x128xf32, #tpu.memory_space<vmem_shared>>
      %dma_wait3A_41 = arith.constant 0 : i32
      %dma_wait3A_42 = tpu.memref_slice %arg12[%add3A_15, %dma_wait3A_41] : memref<10112x128xf32, #tpu.memory_space<vmem_shared>> -> memref<128x128xf32, #tpu.memory_space<vmem_shared>>
      %dma_wait3A_43 = arith.constant 0 : i32
      %dma_wait3A_44 = arith.constant 0 : i32
      %dma_wait3A_45 = tpu.memref_slice %arg10[%dma_wait3A_43, %dma_wait3A_44] : memref<128x128xf32, #tpu.memory_space<vmem>> -> memref<128x128xf32, #tpu.memory_space<vmem>>
      tpu.wait_dma2 semaphore(%run_scoped3A : memref<!tpu.dma_semaphore, #tpu.memory_space<semaphore_mem>>) src(%dma_wait3A_45 : memref<128x128xf32, #tpu.memory_space<vmem>>) dst(%dma_wait3A_42 : memref<128x128xf32, #tpu.memory_space<vmem_shared>>)
      tpu.yield
    }) : () -> ()
    %add3A_16 = arith.constant 384 : i32
    %add3A_17 = arith.addi %mul3A_9, %add3A_16 : i32
    "tpu.region"() ({
      %run_scoped3A = tpu.sem_alloc : memref<!tpu.dma_semaphore, #tpu.memory_space<semaphore_mem>>
      %dma_start3A = arith.constant 0 : i32
      %dma_start3A_28 = arith.constant 0 : i32
      %dma_start3A_29 = tpu.memref_slice %arg10[%dma_start3A, %dma_start3A_28] : memref<128x128xf32, #tpu.memory_space<vmem>> -> memref<128x128xf32, #tpu.memory_space<vmem>>
      %dma_start3A_30 = arith.constant 0 : i32
      %dma_start3A_31 = tpu.memref_slice %arg12[%add3A_17, %dma_start3A_30] : memref<10112x128xf32, #tpu.memory_space<vmem_shared>> -> memref<128x128xf32, #tpu.memory_space<vmem_shared>>
      %dma_start3A_32 = arith.constant 0 : i32
      %dma_start3A_33 = tpu.memref_slice %arg12[%add3A_17, %dma_start3A_32] : memref<10112x128xf32, #tpu.memory_space<vmem_shared>> -> memref<128x128xf32, #tpu.memory_space<vmem_shared>>
      %dma_start3A_34 = arith.constant 0 : i32
      %dma_start3A_35 = arith.constant 0 : i32
      %dma_start3A_36 = tpu.memref_slice %arg10[%dma_start3A_34, %dma_start3A_35] : memref<128x128xf32, #tpu.memory_space<vmem>> -> memref<128x128xf32, #tpu.memory_space<vmem>>
      tpu.enqueue_dma source(%dma_start3A_36 : memref<128x128xf32, #tpu.memory_space<vmem>>) target(%dma_start3A_33 : memref<128x128xf32, #tpu.memory_space<vmem_shared>>) target_semaphore(%run_scoped3A : memref<!tpu.dma_semaphore, #tpu.memory_space<semaphore_mem>>)
      %dma_wait3A = arith.constant 0 : i32
      %dma_wait3A_37 = arith.constant 0 : i32
      %dma_wait3A_38 = tpu.memref_slice %arg10[%dma_wait3A, %dma_wait3A_37] : memref<128x128xf32, #tpu.memory_space<vmem>> -> memref<128x128xf32, #tpu.memory_space<vmem>>
      %dma_wait3A_39 = arith.constant 0 : i32
      %dma_wait3A_40 = tpu.memref_slice %arg12[%add3A_17, %dma_wait3A_39] : memref<10112x128xf32, #tpu.memory_space<vmem_shared>> -> memref<128x128xf32, #tpu.memory_space<vmem_shared>>
      %dma_wait3A_41 = arith.constant 0 : i32
      %dma_wait3A_42 = tpu.memref_slice %arg12[%add3A_17, %dma_wait3A_41] : memref<10112x128xf32, #tpu.memory_space<vmem_shared>> -> memref<128x128xf32, #tpu.memory_space<vmem_shared>>
      %dma_wait3A_43 = arith.constant 0 : i32
      %dma_wait3A_44 = arith.constant 0 : i32
      %dma_wait3A_45 = tpu.memref_slice %arg10[%dma_wait3A_43, %dma_wait3A_44] : memref<128x128xf32, #tpu.memory_space<vmem>> -> memref<128x128xf32, #tpu.memory_space<vmem>>
      tpu.wait_dma2 semaphore(%run_scoped3A : memref<!tpu.dma_semaphore, #tpu.memory_space<semaphore_mem>>) src(%dma_wait3A_45 : memref<128x128xf32, #tpu.memory_space<vmem>>) dst(%dma_wait3A_42 : memref<128x128xf32, #tpu.memory_space<vmem_shared>>)
      tpu.yield
    }) : () -> ()
    %add3A_18 = arith.constant 632 : i32
    %add3A_19 = arith.addi %mul3A_9, %add3A_18 : i32
    %sub3A = arith.constant 120 : i32
    %sub3A_20 = arith.subi %add3A_19, %sub3A : i32
    "tpu.region"() ({
      %run_scoped3A = tpu.sem_alloc : memref<!tpu.dma_semaphore, #tpu.memory_space<semaphore_mem>>
      %dma_start3A = arith.constant 0 : i32
      %dma_start3A_28 = arith.constant 0 : i32
      %dma_start3A_29 = tpu.memref_slice %arg10[%dma_start3A, %dma_start3A_28] : memref<128x128xf32, #tpu.memory_space<vmem>> -> memref<120x128xf32, #tpu.memory_space<vmem>>
      %dma_start3A_30 = arith.constant 0 : i32
      %dma_start3A_31 = tpu.memref_slice %arg12[%sub3A_20, %dma_start3A_30] : memref<10112x128xf32, #tpu.memory_space<vmem_shared>> -> memref<120x128xf32, #tpu.memory_space<vmem_shared>>
      %dma_start3A_32 = arith.constant 0 : i32
      %dma_start3A_33 = tpu.memref_slice %arg12[%sub3A_20, %dma_start3A_32] : memref<10112x128xf32, #tpu.memory_space<vmem_shared>> -> memref<120x128xf32, #tpu.memory_space<vmem_shared>>
      %dma_start3A_34 = arith.constant 0 : i32
      %dma_start3A_35 = arith.constant 0 : i32
      %dma_start3A_36 = tpu.memref_slice %arg10[%dma_start3A_34, %dma_start3A_35] : memref<128x128xf32, #tpu.memory_space<vmem>> -> memref<120x128xf32, #tpu.memory_space<vmem>>
      tpu.enqueue_dma source(%dma_start3A_36 : memref<120x128xf32, #tpu.memory_space<vmem>>) target(%dma_start3A_33 : memref<120x128xf32, #tpu.memory_space<vmem_shared>>) target_semaphore(%run_scoped3A : memref<!tpu.dma_semaphore, #tpu.memory_space<semaphore_mem>>)
      %dma_wait3A = arith.constant 0 : i32
      %dma_wait3A_37 = arith.constant 0 : i32
      %dma_wait3A_38 = tpu.memref_slice %arg10[%dma_wait3A, %dma_wait3A_37] : memref<128x128xf32, #tpu.memory_space<vmem>> -> memref<120x128xf32, #tpu.memory_space<vmem>>
      %dma_wait3A_39 = arith.constant 0 : i32
      %dma_wait3A_40 = tpu.memref_slice %arg12[%sub3A_20, %dma_wait3A_39] : memref<10112x128xf32, #tpu.memory_space<vmem_shared>> -> memref<120x128xf32, #tpu.memory_space<vmem_shared>>
      %dma_wait3A_41 = arith.constant 0 : i32
      %dma_wait3A_42 = tpu.memref_slice %arg12[%sub3A_20, %dma_wait3A_41] : memref<10112x128xf32, #tpu.memory_space<vmem_shared>> -> memref<120x128xf32, #tpu.memory_space<vmem_shared>>
      %dma_wait3A_43 = arith.constant 0 : i32
      %dma_wait3A_44 = arith.constant 0 : i32
      %dma_wait3A_45 = tpu.memref_slice %arg10[%dma_wait3A_43, %dma_wait3A_44] : memref<128x128xf32, #tpu.memory_space<vmem>> -> memref<120x128xf32, #tpu.memory_space<vmem>>
      tpu.wait_dma2 semaphore(%run_scoped3A : memref<!tpu.dma_semaphore, #tpu.memory_space<semaphore_mem>>) src(%dma_wait3A_45 : memref<120x128xf32, #tpu.memory_space<vmem>>) dst(%dma_wait3A_42 : memref<120x128xf32, #tpu.memory_space<vmem_shared>>)
      tpu.yield
    }) : () -> ()
    %barrier3A = arith.constant 0 : index
    tpu.barrier barrier_id(%barrier3A)
    %eq3A = arith.constant 0 : i32
    %eq3A_21 = arith.cmpi eq, %arg0, %eq3A : i32
    %convert_element_type3A = arith.extui %eq3A_21 : i1 to i32
    %cond3A = arith.constant 0 : i32
    %cond3A_22 = arith.cmpi ne, %convert_element_type3A, %cond3A : i32
    scf.if %cond3A_22 {
      %scan3A_28 = arith.constant 0 : i32
      %scan3A_29 = arith.constant 5 : i32
      %scan3A_30 = arith.addi %scan3A_28, %scan3A_29 : i32
      %scan3A_31 = arith.constant 1 : i32
      scf.for %scan3A_43 = %scan3A_28 to %scan3A_30 step %scan3A_31  : i32 {
        %mul3A_44 = arith.constant 1 : i32
        %mul3A_45 = arith.muli %scan3A_43, %mul3A_44 : i32
        %add3A_46 = arith.constant 0 : i32
        %add3A_47 = arith.addi %add3A_46, %mul3A_45 : i32
        %mul3A_48 = arith.constant 16 : i32
        %mul3A_49 = arith.muli %add3A_47, %mul3A_48 : i32
        %add3A_50 = arith.addi %add3A, %mul3A_49 : i32
        "tpu.region"() ({
          %run_scoped3A = tpu.sem_alloc : memref<!tpu.dma_semaphore, #tpu.memory_space<semaphore_mem>>
          %dma_start3A_62 = arith.constant 0 : i32
          %dma_start3A_63 = tpu.memref_slice %arg4[%add3A_50, %dma_start3A_62] : memref<2560x128xi32, #tpu.memory_space<hbm>> -> memref<16x128xi32, #tpu.memory_space<hbm>>
          %dma_start3A_64 = arith.constant 0 : i32
          %dma_start3A_65 = tpu.memref_slice %arg4[%add3A_50, %dma_start3A_64] : memref<2560x128xi32, #tpu.memory_space<hbm>> -> memref<16x128xi32, #tpu.memory_space<hbm>>
          tpu.enqueue_dma source(%dma_start3A_65 : memref<16x128xi32, #tpu.memory_space<hbm>>) target(%arg8 : memref<16x128xi32, #tpu.memory_space<vmem>>) target_semaphore(%run_scoped3A : memref<!tpu.dma_semaphore, #tpu.memory_space<semaphore_mem>>)
          %dma_wait3A = arith.constant 0 : i32
          %dma_wait3A_66 = tpu.memref_slice %arg4[%add3A_50, %dma_wait3A] : memref<2560x128xi32, #tpu.memory_space<hbm>> -> memref<16x128xi32, #tpu.memory_space<hbm>>
          %dma_wait3A_67 = arith.constant 0 : i32
          %dma_wait3A_68 = tpu.memref_slice %arg4[%add3A_50, %dma_wait3A_67] : memref<2560x128xi32, #tpu.memory_space<hbm>> -> memref<16x128xi32, #tpu.memory_space<hbm>>
          tpu.wait_dma2 semaphore(%run_scoped3A : memref<!tpu.dma_semaphore, #tpu.memory_space<semaphore_mem>>) src(%dma_wait3A_68 : memref<16x128xi32, #tpu.memory_space<hbm>>) dst(%arg8 : memref<16x128xi32, #tpu.memory_space<vmem>>)
          tpu.yield
        }) : () -> ()
        "tpu.region"() ({
          %run_scoped3A = tpu.sem_alloc : memref<!tpu.dma_semaphore, #tpu.memory_space<semaphore_mem>>
          %dma_start3A_62 = arith.constant 0 : i32
          %dma_start3A_63 = tpu.memref_slice %arg5[%add3A_50, %dma_start3A_62] : memref<2560x128xi32, #tpu.memory_space<hbm>> -> memref<16x128xi32, #tpu.memory_space<hbm>>
          %dma_start3A_64 = arith.constant 0 : i32
          %dma_start3A_65 = tpu.memref_slice %arg5[%add3A_50, %dma_start3A_64] : memref<2560x128xi32, #tpu.memory_space<hbm>> -> memref<16x128xi32, #tpu.memory_space<hbm>>
          tpu.enqueue_dma source(%dma_start3A_65 : memref<16x128xi32, #tpu.memory_space<hbm>>) target(%arg9 : memref<16x128xi32, #tpu.memory_space<vmem>>) target_semaphore(%run_scoped3A : memref<!tpu.dma_semaphore, #tpu.memory_space<semaphore_mem>>)
          %dma_wait3A = arith.constant 0 : i32
          %dma_wait3A_66 = tpu.memref_slice %arg5[%add3A_50, %dma_wait3A] : memref<2560x128xi32, #tpu.memory_space<hbm>> -> memref<16x128xi32, #tpu.memory_space<hbm>>
          %dma_wait3A_67 = arith.constant 0 : i32
          %dma_wait3A_68 = tpu.memref_slice %arg5[%add3A_50, %dma_wait3A_67] : memref<2560x128xi32, #tpu.memory_space<hbm>> -> memref<16x128xi32, #tpu.memory_space<hbm>>
          tpu.wait_dma2 semaphore(%run_scoped3A : memref<!tpu.dma_semaphore, #tpu.memory_space<semaphore_mem>>) src(%dma_wait3A_68 : memref<16x128xi32, #tpu.memory_space<hbm>>) dst(%arg9 : memref<16x128xi32, #tpu.memory_space<vmem>>)
          tpu.yield
        }) : () -> ()
        %dma_start3A = arith.constant 0 : i32
        %dma_start3A_51 = arith.constant 0 : i32
        %dma_start3A_52 = tpu.memref_slice %arg8[%dma_start3A, %dma_start3A_51] : memref<16x128xi32, #tpu.memory_space<vmem>> -> memref<1x128xi32, #tpu.memory_space<vmem>>
        %dma_start3A_53 = tpu.memref_squeeze %dma_start3A_52 : memref<1x128xi32, #tpu.memory_space<vmem>> -> memref<128xi32, #tpu.memory_space<vmem>>
        %dma_start3A_54 = arith.constant 0 : i32
        %dma_start3A_55 = arith.constant 0 : i32
        %dma_start3A_56 = tpu.memref_slice %arg2[%dma_start3A_54, %dma_start3A_55] : memref<10000x128xf32, #tpu.memory_space<hbm>> -> memref<10000x128xf32, #tpu.memory_space<hbm>>
        tpu.enqueue_indirect_dma source(%dma_start3A_56 : memref<10000x128xf32, #tpu.memory_space<hbm>>) target(%arg10 : memref<128x128xf32, #tpu.memory_space<vmem>>) offsets(%dma_start3A_53 : memref<128xi32, #tpu.memory_space<vmem>>) semaphore(%arg13 : memref<!tpu.dma_semaphore, #tpu.memory_space<semaphore_mem>>)
        %scan3A_57 = arith.constant 0 : i32
        %scan3A_58 = arith.constant 8 : i32
        %scan3A_59 = arith.addi %scan3A_57, %scan3A_58 : i32
        %scan3A_60 = arith.constant 1 : i32
        scf.for %scan3A_62 = %scan3A_57 to %scan3A_59 step %scan3A_60  : i32 {
          %mul3A_63 = arith.constant 2 : i32
          %mul3A_64 = arith.muli %scan3A_62, %mul3A_63 : i32
          %add3A_65 = arith.constant 0 : i32
          %add3A_66 = arith.addi %add3A_65, %mul3A_64 : i32
          %add3A_67 = arith.constant 1 : i32
          %add3A_68 = arith.addi %add3A_66, %add3A_67 : i32
          %dma_start3A_69 = arith.constant 0 : i32
          %dma_start3A_70 = tpu.memref_slice %arg8[%add3A_68, %dma_start3A_69] : memref<16x128xi32, #tpu.memory_space<vmem>> -> memref<1x128xi32, #tpu.memory_space<vmem>>
          %dma_start3A_71 = tpu.memref_squeeze %dma_start3A_70 : memref<1x128xi32, #tpu.memory_space<vmem>> -> memref<128xi32, #tpu.memory_space<vmem>>
          %dma_start3A_72 = arith.constant 0 : i32
          %dma_start3A_73 = arith.constant 0 : i32
          %dma_start3A_74 = tpu.memref_slice %arg2[%dma_start3A_72, %dma_start3A_73] : memref<10000x128xf32, #tpu.memory_space<hbm>> -> memref<10000x128xf32, #tpu.memory_space<hbm>>
          tpu.enqueue_indirect_dma source(%dma_start3A_74 : memref<10000x128xf32, #tpu.memory_space<hbm>>) target(%arg11 : memref<128x128xf32, #tpu.memory_space<vmem>>) offsets(%dma_start3A_71 : memref<128xi32, #tpu.memory_space<vmem>>) semaphore(%arg14 : memref<!tpu.dma_semaphore, #tpu.memory_space<semaphore_mem>>)
          %dma_wait3A = arith.constant 0 : i32
          %dma_wait3A_75 = tpu.memref_slice %arg8[%add3A_66, %dma_wait3A] : memref<16x128xi32, #tpu.memory_space<vmem>> -> memref<1x128xi32, #tpu.memory_space<vmem>>
          %dma_wait3A_76 = tpu.memref_squeeze %dma_wait3A_75 : memref<1x128xi32, #tpu.memory_space<vmem>> -> memref<128xi32, #tpu.memory_space<vmem>>
          %dma_wait3A_77 = arith.constant 0 : i32
          %dma_wait3A_78 = arith.constant 0 : i32
          %dma_wait3A_79 = tpu.memref_slice %arg2[%dma_wait3A_77, %dma_wait3A_78] : memref<10000x128xf32, #tpu.memory_space<hbm>> -> memref<10000x128xf32, #tpu.memory_space<hbm>>
          tpu.wait_indirect_dma semaphore(%arg13 : memref<!tpu.dma_semaphore, #tpu.memory_space<semaphore_mem>>) src(%dma_wait3A_79 : memref<10000x128xf32, #tpu.memory_space<hbm>>) dst(%arg10 : memref<128x128xf32, #tpu.memory_space<vmem>>)
          "tpu.region"() ({
            %run_scoped3A = tpu.sem_alloc : memref<!tpu.dma_semaphore, #tpu.memory_space<semaphore_mem>>
            %dma_start3A_97 = arith.constant 0 : i32
            %dma_start3A_98 = tpu.memref_slice %arg9[%add3A_66, %dma_start3A_97] : memref<16x128xi32, #tpu.memory_space<vmem>> -> memref<1x128xi32, #tpu.memory_space<vmem>>
            %dma_start3A_99 = tpu.memref_squeeze %dma_start3A_98 : memref<1x128xi32, #tpu.memory_space<vmem>> -> memref<128xi32, #tpu.memory_space<vmem>>
            %dma_start3A_100 = arith.constant 0 : i32
            %dma_start3A_101 = arith.constant 0 : i32
            %dma_start3A_102 = tpu.memref_slice %arg12[%dma_start3A_100, %dma_start3A_101] : memref<10112x128xf32, #tpu.memory_space<vmem_shared>> -> memref<10112x128xf32, #tpu.memory_space<vmem_shared>>
            tpu.enqueue_indirect_dma source(%arg10 : memref<128x128xf32, #tpu.memory_space<vmem>>) target(%dma_start3A_102 : memref<10112x128xf32, #tpu.memory_space<vmem_shared>>) offsets(%dma_start3A_99 : memref<128xi32, #tpu.memory_space<vmem>>) semaphore(%run_scoped3A : memref<!tpu.dma_semaphore, #tpu.memory_space<semaphore_mem>>) {add = true}
            %dma_wait3A_103 = arith.constant 0 : i32
            %dma_wait3A_104 = tpu.memref_slice %arg9[%add3A_66, %dma_wait3A_103] : memref<16x128xi32, #tpu.memory_space<vmem>> -> memref<1x128xi32, #tpu.memory_space<vmem>>
            %dma_wait3A_105 = tpu.memref_squeeze %dma_wait3A_104 : memref<1x128xi32, #tpu.memory_space<vmem>> -> memref<128xi32, #tpu.memory_space<vmem>>
            %dma_wait3A_106 = arith.constant 0 : i32
            %dma_wait3A_107 = arith.constant 0 : i32
            %dma_wait3A_108 = tpu.memref_slice %arg12[%dma_wait3A_106, %dma_wait3A_107] : memref<10112x128xf32, #tpu.memory_space<vmem_shared>> -> memref<10112x128xf32, #tpu.memory_space<vmem_shared>>
            tpu.wait_indirect_dma semaphore(%run_scoped3A : memref<!tpu.dma_semaphore, #tpu.memory_space<semaphore_mem>>) src(%arg10 : memref<128x128xf32, #tpu.memory_space<vmem>>) dst(%dma_wait3A_108 : memref<10112x128xf32, #tpu.memory_space<vmem_shared>>)
            tpu.yield
          }) : () -> ()
          %add3A_80 = arith.constant 2 : i32
          %add3A_81 = arith.addi %add3A_66, %add3A_80 : i32
          %lt3A_82 = arith.constant 16 : i32
          %lt3A_83 = arith.cmpi slt, %add3A_81, %lt3A_82 : i32
          %convert_element_type3A_84 = arith.extui %lt3A_83 : i1 to i32
          %cond3A_85 = arith.constant 0 : i32
          %cond3A_86 = arith.cmpi ne, %convert_element_type3A_84, %cond3A_85 : i32
          scf.if %cond3A_86 {
            %add3A_97 = arith.constant 2 : i32
            %add3A_98 = arith.addi %add3A_66, %add3A_97 : i32
            %dma_start3A_99 = arith.constant 0 : i32
            %dma_start3A_100 = tpu.memref_slice %arg8[%add3A_98, %dma_start3A_99] : memref<16x128xi32, #tpu.memory_space<vmem>> -> memref<1x128xi32, #tpu.memory_space<vmem>>
            %dma_start3A_101 = tpu.memref_squeeze %dma_start3A_100 : memref<1x128xi32, #tpu.memory_space<vmem>> -> memref<128xi32, #tpu.memory_space<vmem>>
            %dma_start3A_102 = arith.constant 0 : i32
            %dma_start3A_103 = arith.constant 0 : i32
            %dma_start3A_104 = tpu.memref_slice %arg2[%dma_start3A_102, %dma_start3A_103] : memref<10000x128xf32, #tpu.memory_space<hbm>> -> memref<10000x128xf32, #tpu.memory_space<hbm>>
            tpu.enqueue_indirect_dma source(%dma_start3A_104 : memref<10000x128xf32, #tpu.memory_space<hbm>>) target(%arg10 : memref<128x128xf32, #tpu.memory_space<vmem>>) offsets(%dma_start3A_101 : memref<128xi32, #tpu.memory_space<vmem>>) semaphore(%arg13 : memref<!tpu.dma_semaphore, #tpu.memory_space<semaphore_mem>>)
          } else {
          }
          %add3A_87 = arith.constant 1 : i32
          %add3A_88 = arith.addi %add3A_66, %add3A_87 : i32
          %dma_wait3A_89 = arith.constant 0 : i32
          %dma_wait3A_90 = tpu.memref_slice %arg8[%add3A_88, %dma_wait3A_89] : memref<16x128xi32, #tpu.memory_space<vmem>> -> memref<1x128xi32, #tpu.memory_space<vmem>>
          %dma_wait3A_91 = tpu.memref_squeeze %dma_wait3A_90 : memref<1x128xi32, #tpu.memory_space<vmem>> -> memref<128xi32, #tpu.memory_space<vmem>>
          %dma_wait3A_92 = arith.constant 0 : i32
          %dma_wait3A_93 = arith.constant 0 : i32
          %dma_wait3A_94 = tpu.memref_slice %arg2[%dma_wait3A_92, %dma_wait3A_93] : memref<10000x128xf32, #tpu.memory_space<hbm>> -> memref<10000x128xf32, #tpu.memory_space<hbm>>
          tpu.wait_indirect_dma semaphore(%arg14 : memref<!tpu.dma_semaphore, #tpu.memory_space<semaphore_mem>>) src(%dma_wait3A_94 : memref<10000x128xf32, #tpu.memory_space<hbm>>) dst(%arg11 : memref<128x128xf32, #tpu.memory_space<vmem>>)
          %add3A_95 = arith.constant 1 : i32
          %add3A_96 = arith.addi %add3A_66, %add3A_95 : i32
          "tpu.region"() ({
            %run_scoped3A = tpu.sem_alloc : memref<!tpu.dma_semaphore, #tpu.memory_space<semaphore_mem>>
            %dma_start3A_97 = arith.constant 0 : i32
            %dma_start3A_98 = tpu.memref_slice %arg9[%add3A_96, %dma_start3A_97] : memref<16x128xi32, #tpu.memory_space<vmem>> -> memref<1x128xi32, #tpu.memory_space<vmem>>
            %dma_start3A_99 = tpu.memref_squeeze %dma_start3A_98 : memref<1x128xi32, #tpu.memory_space<vmem>> -> memref<128xi32, #tpu.memory_space<vmem>>
            %dma_start3A_100 = arith.constant 0 : i32
            %dma_start3A_101 = arith.constant 0 : i32
            %dma_start3A_102 = tpu.memref_slice %arg12[%dma_start3A_100, %dma_start3A_101] : memref<10112x128xf32, #tpu.memory_space<vmem_shared>> -> memref<10112x128xf32, #tpu.memory_space<vmem_shared>>
            tpu.enqueue_indirect_dma source(%arg11 : memref<128x128xf32, #tpu.memory_space<vmem>>) target(%dma_start3A_102 : memref<10112x128xf32, #tpu.memory_space<vmem_shared>>) offsets(%dma_start3A_99 : memref<128xi32, #tpu.memory_space<vmem>>) semaphore(%run_scoped3A : memref<!tpu.dma_semaphore, #tpu.memory_space<semaphore_mem>>) {add = true}
            %dma_wait3A_103 = arith.constant 0 : i32
            %dma_wait3A_104 = tpu.memref_slice %arg9[%add3A_96, %dma_wait3A_103] : memref<16x128xi32, #tpu.memory_space<vmem>> -> memref<1x128xi32, #tpu.memory_space<vmem>>
            %dma_wait3A_105 = tpu.memref_squeeze %dma_wait3A_104 : memref<1x128xi32, #tpu.memory_space<vmem>> -> memref<128xi32, #tpu.memory_space<vmem>>
            %dma_wait3A_106 = arith.constant 0 : i32
            %dma_wait3A_107 = arith.constant 0 : i32
            %dma_wait3A_108 = tpu.memref_slice %arg12[%dma_wait3A_106, %dma_wait3A_107] : memref<10112x128xf32, #tpu.memory_space<vmem_shared>> -> memref<10112x128xf32, #tpu.memory_space<vmem_shared>>
            tpu.wait_indirect_dma semaphore(%run_scoped3A : memref<!tpu.dma_semaphore, #tpu.memory_space<semaphore_mem>>) src(%arg11 : memref<128x128xf32, #tpu.memory_space<vmem>>) dst(%dma_wait3A_108 : memref<10112x128xf32, #tpu.memory_space<vmem_shared>>)
            tpu.yield
          }) : () -> ()
        }
        %scan3A_61 = arith.constant 8 : i32
      }
      %scan3A_32 = arith.constant 5 : i32
      %barrier3A_33 = arith.constant 0 : index
      tpu.barrier barrier_id(%barrier3A_33)
      %lt3A = arith.constant 15 : i32
      %lt3A_34 = arith.cmpi slt, %arg1, %lt3A : i32
      %convert_element_type3A_35 = arith.extui %lt3A_34 : i1 to i32
      %cond3A_36 = arith.constant 0 : i32
      %cond3A_37 = arith.cmpi ne, %convert_element_type3A_35, %cond3A_36 : i32
      scf.if %cond3A_37 {
        "tpu.region"() ({
          %run_scoped3A = tpu.sem_alloc : memref<!tpu.dma_semaphore, #tpu.memory_space<semaphore_mem>>
          %dma_start3A = arith.constant 0 : i32
          %dma_start3A_43 = tpu.memref_slice %arg6[%mul3A_9, %dma_start3A] : memref<10000x128xf32, #tpu.memory_space<hbm>> -> memref<632x128xf32, #tpu.memory_space<hbm>>
          %dma_start3A_44 = arith.constant 0 : i32
          %dma_start3A_45 = tpu.memref_slice %arg12[%mul3A_9, %dma_start3A_44] : memref<10112x128xf32, #tpu.memory_space<vmem_shared>> -> memref<632x128xf32, #tpu.memory_space<vmem_shared>>
          tpu.enqueue_dma source(%dma_start3A_45 : memref<632x128xf32, #tpu.memory_space<vmem_shared>>) target(%dma_start3A_43 : memref<632x128xf32, #tpu.memory_space<hbm>>) target_semaphore(%run_scoped3A : memref<!tpu.dma_semaphore, #tpu.memory_space<semaphore_mem>>)
          %dma_wait3A = arith.constant 0 : i32
          %dma_wait3A_46 = tpu.memref_slice %arg6[%mul3A_9, %dma_wait3A] : memref<10000x128xf32, #tpu.memory_space<hbm>> -> memref<632x128xf32, #tpu.memory_space<hbm>>
          %dma_wait3A_47 = arith.constant 0 : i32
          %dma_wait3A_48 = tpu.memref_slice %arg12[%mul3A_9, %dma_wait3A_47] : memref<10112x128xf32, #tpu.memory_space<vmem_shared>> -> memref<632x128xf32, #tpu.memory_space<vmem_shared>>
          tpu.wait_dma2 semaphore(%run_scoped3A : memref<!tpu.dma_semaphore, #tpu.memory_space<semaphore_mem>>) src(%dma_wait3A_48 : memref<632x128xf32, #tpu.memory_space<vmem_shared>>) dst(%dma_wait3A_46 : memref<632x128xf32, #tpu.memory_space<hbm>>)
          tpu.yield
        }) : () -> ()
      } else {
      }
      %eq3A_38 = arith.constant 15 : i32
      %eq3A_39 = arith.cmpi eq, %arg1, %eq3A_38 : i32
      %convert_element_type3A_40 = arith.extui %eq3A_39 : i1 to i32
      %cond3A_41 = arith.constant 0 : i32
      %cond3A_42 = arith.cmpi ne, %convert_element_type3A_40, %cond3A_41 : i32
      scf.if %cond3A_42 {
        "tpu.region"() ({
          %run_scoped3A = tpu.sem_alloc : memref<!tpu.dma_semaphore, #tpu.memory_space<semaphore_mem>>
          %dma_start3A = arith.constant 9480 : i32
          %dma_start3A_43 = arith.constant 0 : i32
          %dma_start3A_44 = tpu.memref_slice %arg6[%dma_start3A, %dma_start3A_43] : memref<10000x128xf32, #tpu.memory_space<hbm>> -> memref<520x128xf32, #tpu.memory_space<hbm>>
          %dma_start3A_45 = arith.constant 9480 : i32
          %dma_start3A_46 = arith.constant 0 : i32
          %dma_start3A_47 = tpu.memref_slice %arg12[%dma_start3A_45, %dma_start3A_46] : memref<10112x128xf32, #tpu.memory_space<vmem_shared>> -> memref<520x128xf32, #tpu.memory_space<vmem_shared>>
          tpu.enqueue_dma source(%dma_start3A_47 : memref<520x128xf32, #tpu.memory_space<vmem_shared>>) target(%dma_start3A_44 : memref<520x128xf32, #tpu.memory_space<hbm>>) target_semaphore(%run_scoped3A : memref<!tpu.dma_semaphore, #tpu.memory_space<semaphore_mem>>)
          %dma_wait3A = arith.constant 9480 : i32
          %dma_wait3A_48 = arith.constant 0 : i32
          %dma_wait3A_49 = tpu.memref_slice %arg6[%dma_wait3A, %dma_wait3A_48] : memref<10000x128xf32, #tpu.memory_space<hbm>> -> memref<520x128xf32, #tpu.memory_space<hbm>>
          %dma_wait3A_50 = arith.constant 9480 : i32
          %dma_wait3A_51 = arith.constant 0 : i32
          %dma_wait3A_52 = tpu.memref_slice %arg12[%dma_wait3A_50, %dma_wait3A_51] : memref<10112x128xf32, #tpu.memory_space<vmem_shared>> -> memref<520x128xf32, #tpu.memory_space<vmem_shared>>
          tpu.wait_dma2 semaphore(%run_scoped3A : memref<!tpu.dma_semaphore, #tpu.memory_space<semaphore_mem>>) src(%dma_wait3A_52 : memref<520x128xf32, #tpu.memory_space<vmem_shared>>) dst(%dma_wait3A_49 : memref<520x128xf32, #tpu.memory_space<hbm>>)
          tpu.yield
        }) : () -> ()
      } else {
      }
    } else {
    }
    %eq3A_23 = arith.constant 1 : i32
    %eq3A_24 = arith.cmpi eq, %arg0, %eq3A_23 : i32
    %convert_element_type3A_25 = arith.extui %eq3A_24 : i1 to i32
    %cond3A_26 = arith.constant 0 : i32
    %cond3A_27 = arith.cmpi ne, %convert_element_type3A_25, %cond3A_26 : i32
    scf.if %cond3A_27 {
      %scan3A_28 = arith.constant 0 : i32
      %scan3A_29 = arith.constant 5 : i32
      %scan3A_30 = arith.addi %scan3A_28, %scan3A_29 : i32
      %scan3A_31 = arith.constant 1 : i32
      scf.for %scan3A_43 = %scan3A_28 to %scan3A_30 step %scan3A_31  : i32 {
        %mul3A_44 = arith.constant 1 : i32
        %mul3A_45 = arith.muli %scan3A_43, %mul3A_44 : i32
        %add3A_46 = arith.constant 0 : i32
        %add3A_47 = arith.addi %add3A_46, %mul3A_45 : i32
        %mul3A_48 = arith.constant 16 : i32
        %mul3A_49 = arith.muli %add3A_47, %mul3A_48 : i32
        %add3A_50 = arith.addi %add3A, %mul3A_49 : i32
        "tpu.region"() ({
          %run_scoped3A = tpu.sem_alloc : memref<!tpu.dma_semaphore, #tpu.memory_space<semaphore_mem>>
          %dma_start3A_62 = arith.constant 0 : i32
          %dma_start3A_63 = tpu.memref_slice %arg4[%add3A_50, %dma_start3A_62] : memref<2560x128xi32, #tpu.memory_space<hbm>> -> memref<16x128xi32, #tpu.memory_space<hbm>>
          %dma_start3A_64 = arith.constant 0 : i32
          %dma_start3A_65 = tpu.memref_slice %arg4[%add3A_50, %dma_start3A_64] : memref<2560x128xi32, #tpu.memory_space<hbm>> -> memref<16x128xi32, #tpu.memory_space<hbm>>
          tpu.enqueue_dma source(%dma_start3A_65 : memref<16x128xi32, #tpu.memory_space<hbm>>) target(%arg8 : memref<16x128xi32, #tpu.memory_space<vmem>>) target_semaphore(%run_scoped3A : memref<!tpu.dma_semaphore, #tpu.memory_space<semaphore_mem>>)
          %dma_wait3A = arith.constant 0 : i32
          %dma_wait3A_66 = tpu.memref_slice %arg4[%add3A_50, %dma_wait3A] : memref<2560x128xi32, #tpu.memory_space<hbm>> -> memref<16x128xi32, #tpu.memory_space<hbm>>
          %dma_wait3A_67 = arith.constant 0 : i32
          %dma_wait3A_68 = tpu.memref_slice %arg4[%add3A_50, %dma_wait3A_67] : memref<2560x128xi32, #tpu.memory_space<hbm>> -> memref<16x128xi32, #tpu.memory_space<hbm>>
          tpu.wait_dma2 semaphore(%run_scoped3A : memref<!tpu.dma_semaphore, #tpu.memory_space<semaphore_mem>>) src(%dma_wait3A_68 : memref<16x128xi32, #tpu.memory_space<hbm>>) dst(%arg8 : memref<16x128xi32, #tpu.memory_space<vmem>>)
          tpu.yield
        }) : () -> ()
        "tpu.region"() ({
          %run_scoped3A = tpu.sem_alloc : memref<!tpu.dma_semaphore, #tpu.memory_space<semaphore_mem>>
          %dma_start3A_62 = arith.constant 0 : i32
          %dma_start3A_63 = tpu.memref_slice %arg5[%add3A_50, %dma_start3A_62] : memref<2560x128xi32, #tpu.memory_space<hbm>> -> memref<16x128xi32, #tpu.memory_space<hbm>>
          %dma_start3A_64 = arith.constant 0 : i32
          %dma_start3A_65 = tpu.memref_slice %arg5[%add3A_50, %dma_start3A_64] : memref<2560x128xi32, #tpu.memory_space<hbm>> -> memref<16x128xi32, #tpu.memory_space<hbm>>
          tpu.enqueue_dma source(%dma_start3A_65 : memref<16x128xi32, #tpu.memory_space<hbm>>) target(%arg9 : memref<16x128xi32, #tpu.memory_space<vmem>>) target_semaphore(%run_scoped3A : memref<!tpu.dma_semaphore, #tpu.memory_space<semaphore_mem>>)
          %dma_wait3A = arith.constant 0 : i32
          %dma_wait3A_66 = tpu.memref_slice %arg5[%add3A_50, %dma_wait3A] : memref<2560x128xi32, #tpu.memory_space<hbm>> -> memref<16x128xi32, #tpu.memory_space<hbm>>
          %dma_wait3A_67 = arith.constant 0 : i32
          %dma_wait3A_68 = tpu.memref_slice %arg5[%add3A_50, %dma_wait3A_67] : memref<2560x128xi32, #tpu.memory_space<hbm>> -> memref<16x128xi32, #tpu.memory_space<hbm>>
          tpu.wait_dma2 semaphore(%run_scoped3A : memref<!tpu.dma_semaphore, #tpu.memory_space<semaphore_mem>>) src(%dma_wait3A_68 : memref<16x128xi32, #tpu.memory_space<hbm>>) dst(%arg9 : memref<16x128xi32, #tpu.memory_space<vmem>>)
          tpu.yield
        }) : () -> ()
        %dma_start3A = arith.constant 0 : i32
        %dma_start3A_51 = arith.constant 0 : i32
        %dma_start3A_52 = tpu.memref_slice %arg8[%dma_start3A, %dma_start3A_51] : memref<16x128xi32, #tpu.memory_space<vmem>> -> memref<1x128xi32, #tpu.memory_space<vmem>>
        %dma_start3A_53 = tpu.memref_squeeze %dma_start3A_52 : memref<1x128xi32, #tpu.memory_space<vmem>> -> memref<128xi32, #tpu.memory_space<vmem>>
        %dma_start3A_54 = arith.constant 0 : i32
        %dma_start3A_55 = arith.constant 0 : i32
        %dma_start3A_56 = tpu.memref_slice %arg3[%dma_start3A_54, %dma_start3A_55] : memref<10000x128xf32, #tpu.memory_space<hbm>> -> memref<10000x128xf32, #tpu.memory_space<hbm>>
        tpu.enqueue_indirect_dma source(%dma_start3A_56 : memref<10000x128xf32, #tpu.memory_space<hbm>>) target(%arg10 : memref<128x128xf32, #tpu.memory_space<vmem>>) offsets(%dma_start3A_53 : memref<128xi32, #tpu.memory_space<vmem>>) semaphore(%arg13 : memref<!tpu.dma_semaphore, #tpu.memory_space<semaphore_mem>>)
        %scan3A_57 = arith.constant 0 : i32
        %scan3A_58 = arith.constant 8 : i32
        %scan3A_59 = arith.addi %scan3A_57, %scan3A_58 : i32
        %scan3A_60 = arith.constant 1 : i32
        scf.for %scan3A_62 = %scan3A_57 to %scan3A_59 step %scan3A_60  : i32 {
          %mul3A_63 = arith.constant 2 : i32
          %mul3A_64 = arith.muli %scan3A_62, %mul3A_63 : i32
          %add3A_65 = arith.constant 0 : i32
          %add3A_66 = arith.addi %add3A_65, %mul3A_64 : i32
          %add3A_67 = arith.constant 1 : i32
          %add3A_68 = arith.addi %add3A_66, %add3A_67 : i32
          %dma_start3A_69 = arith.constant 0 : i32
          %dma_start3A_70 = tpu.memref_slice %arg8[%add3A_68, %dma_start3A_69] : memref<16x128xi32, #tpu.memory_space<vmem>> -> memref<1x128xi32, #tpu.memory_space<vmem>>
          %dma_start3A_71 = tpu.memref_squeeze %dma_start3A_70 : memref<1x128xi32, #tpu.memory_space<vmem>> -> memref<128xi32, #tpu.memory_space<vmem>>
          %dma_start3A_72 = arith.constant 0 : i32
          %dma_start3A_73 = arith.constant 0 : i32
          %dma_start3A_74 = tpu.memref_slice %arg3[%dma_start3A_72, %dma_start3A_73] : memref<10000x128xf32, #tpu.memory_space<hbm>> -> memref<10000x128xf32, #tpu.memory_space<hbm>>
          tpu.enqueue_indirect_dma source(%dma_start3A_74 : memref<10000x128xf32, #tpu.memory_space<hbm>>) target(%arg11 : memref<128x128xf32, #tpu.memory_space<vmem>>) offsets(%dma_start3A_71 : memref<128xi32, #tpu.memory_space<vmem>>) semaphore(%arg14 : memref<!tpu.dma_semaphore, #tpu.memory_space<semaphore_mem>>)
          %dma_wait3A = arith.constant 0 : i32
          %dma_wait3A_75 = tpu.memref_slice %arg8[%add3A_66, %dma_wait3A] : memref<16x128xi32, #tpu.memory_space<vmem>> -> memref<1x128xi32, #tpu.memory_space<vmem>>
          %dma_wait3A_76 = tpu.memref_squeeze %dma_wait3A_75 : memref<1x128xi32, #tpu.memory_space<vmem>> -> memref<128xi32, #tpu.memory_space<vmem>>
          %dma_wait3A_77 = arith.constant 0 : i32
          %dma_wait3A_78 = arith.constant 0 : i32
          %dma_wait3A_79 = tpu.memref_slice %arg3[%dma_wait3A_77, %dma_wait3A_78] : memref<10000x128xf32, #tpu.memory_space<hbm>> -> memref<10000x128xf32, #tpu.memory_space<hbm>>
          tpu.wait_indirect_dma semaphore(%arg13 : memref<!tpu.dma_semaphore, #tpu.memory_space<semaphore_mem>>) src(%dma_wait3A_79 : memref<10000x128xf32, #tpu.memory_space<hbm>>) dst(%arg10 : memref<128x128xf32, #tpu.memory_space<vmem>>)
          "tpu.region"() ({
            %run_scoped3A = tpu.sem_alloc : memref<!tpu.dma_semaphore, #tpu.memory_space<semaphore_mem>>
            %dma_start3A_97 = arith.constant 0 : i32
            %dma_start3A_98 = tpu.memref_slice %arg9[%add3A_66, %dma_start3A_97] : memref<16x128xi32, #tpu.memory_space<vmem>> -> memref<1x128xi32, #tpu.memory_space<vmem>>
            %dma_start3A_99 = tpu.memref_squeeze %dma_start3A_98 : memref<1x128xi32, #tpu.memory_space<vmem>> -> memref<128xi32, #tpu.memory_space<vmem>>
            %dma_start3A_100 = arith.constant 0 : i32
            %dma_start3A_101 = arith.constant 0 : i32
            %dma_start3A_102 = tpu.memref_slice %arg12[%dma_start3A_100, %dma_start3A_101] : memref<10112x128xf32, #tpu.memory_space<vmem_shared>> -> memref<10112x128xf32, #tpu.memory_space<vmem_shared>>
            tpu.enqueue_indirect_dma source(%arg10 : memref<128x128xf32, #tpu.memory_space<vmem>>) target(%dma_start3A_102 : memref<10112x128xf32, #tpu.memory_space<vmem_shared>>) offsets(%dma_start3A_99 : memref<128xi32, #tpu.memory_space<vmem>>) semaphore(%run_scoped3A : memref<!tpu.dma_semaphore, #tpu.memory_space<semaphore_mem>>) {add = true}
            %dma_wait3A_103 = arith.constant 0 : i32
            %dma_wait3A_104 = tpu.memref_slice %arg9[%add3A_66, %dma_wait3A_103] : memref<16x128xi32, #tpu.memory_space<vmem>> -> memref<1x128xi32, #tpu.memory_space<vmem>>
            %dma_wait3A_105 = tpu.memref_squeeze %dma_wait3A_104 : memref<1x128xi32, #tpu.memory_space<vmem>> -> memref<128xi32, #tpu.memory_space<vmem>>
            %dma_wait3A_106 = arith.constant 0 : i32
            %dma_wait3A_107 = arith.constant 0 : i32
            %dma_wait3A_108 = tpu.memref_slice %arg12[%dma_wait3A_106, %dma_wait3A_107] : memref<10112x128xf32, #tpu.memory_space<vmem_shared>> -> memref<10112x128xf32, #tpu.memory_space<vmem_shared>>
            tpu.wait_indirect_dma semaphore(%run_scoped3A : memref<!tpu.dma_semaphore, #tpu.memory_space<semaphore_mem>>) src(%arg10 : memref<128x128xf32, #tpu.memory_space<vmem>>) dst(%dma_wait3A_108 : memref<10112x128xf32, #tpu.memory_space<vmem_shared>>)
            tpu.yield
          }) : () -> ()
          %add3A_80 = arith.constant 2 : i32
          %add3A_81 = arith.addi %add3A_66, %add3A_80 : i32
          %lt3A_82 = arith.constant 16 : i32
          %lt3A_83 = arith.cmpi slt, %add3A_81, %lt3A_82 : i32
          %convert_element_type3A_84 = arith.extui %lt3A_83 : i1 to i32
          %cond3A_85 = arith.constant 0 : i32
          %cond3A_86 = arith.cmpi ne, %convert_element_type3A_84, %cond3A_85 : i32
          scf.if %cond3A_86 {
            %add3A_97 = arith.constant 2 : i32
            %add3A_98 = arith.addi %add3A_66, %add3A_97 : i32
            %dma_start3A_99 = arith.constant 0 : i32
            %dma_start3A_100 = tpu.memref_slice %arg8[%add3A_98, %dma_start3A_99] : memref<16x128xi32, #tpu.memory_space<vmem>> -> memref<1x128xi32, #tpu.memory_space<vmem>>
            %dma_start3A_101 = tpu.memref_squeeze %dma_start3A_100 : memref<1x128xi32, #tpu.memory_space<vmem>> -> memref<128xi32, #tpu.memory_space<vmem>>
            %dma_start3A_102 = arith.constant 0 : i32
            %dma_start3A_103 = arith.constant 0 : i32
            %dma_start3A_104 = tpu.memref_slice %arg3[%dma_start3A_102, %dma_start3A_103] : memref<10000x128xf32, #tpu.memory_space<hbm>> -> memref<10000x128xf32, #tpu.memory_space<hbm>>
            tpu.enqueue_indirect_dma source(%dma_start3A_104 : memref<10000x128xf32, #tpu.memory_space<hbm>>) target(%arg10 : memref<128x128xf32, #tpu.memory_space<vmem>>) offsets(%dma_start3A_101 : memref<128xi32, #tpu.memory_space<vmem>>) semaphore(%arg13 : memref<!tpu.dma_semaphore, #tpu.memory_space<semaphore_mem>>)
          } else {
          }
          %add3A_87 = arith.constant 1 : i32
          %add3A_88 = arith.addi %add3A_66, %add3A_87 : i32
          %dma_wait3A_89 = arith.constant 0 : i32
          %dma_wait3A_90 = tpu.memref_slice %arg8[%add3A_88, %dma_wait3A_89] : memref<16x128xi32, #tpu.memory_space<vmem>> -> memref<1x128xi32, #tpu.memory_space<vmem>>
          %dma_wait3A_91 = tpu.memref_squeeze %dma_wait3A_90 : memref<1x128xi32, #tpu.memory_space<vmem>> -> memref<128xi32, #tpu.memory_space<vmem>>
          %dma_wait3A_92 = arith.constant 0 : i32
          %dma_wait3A_93 = arith.constant 0 : i32
          %dma_wait3A_94 = tpu.memref_slice %arg3[%dma_wait3A_92, %dma_wait3A_93] : memref<10000x128xf32, #tpu.memory_space<hbm>> -> memref<10000x128xf32, #tpu.memory_space<hbm>>
          tpu.wait_indirect_dma semaphore(%arg14 : memref<!tpu.dma_semaphore, #tpu.memory_space<semaphore_mem>>) src(%dma_wait3A_94 : memref<10000x128xf32, #tpu.memory_space<hbm>>) dst(%arg11 : memref<128x128xf32, #tpu.memory_space<vmem>>)
          %add3A_95 = arith.constant 1 : i32
          %add3A_96 = arith.addi %add3A_66, %add3A_95 : i32
          "tpu.region"() ({
            %run_scoped3A = tpu.sem_alloc : memref<!tpu.dma_semaphore, #tpu.memory_space<semaphore_mem>>
            %dma_start3A_97 = arith.constant 0 : i32
            %dma_start3A_98 = tpu.memref_slice %arg9[%add3A_96, %dma_start3A_97] : memref<16x128xi32, #tpu.memory_space<vmem>> -> memref<1x128xi32, #tpu.memory_space<vmem>>
            %dma_start3A_99 = tpu.memref_squeeze %dma_start3A_98 : memref<1x128xi32, #tpu.memory_space<vmem>> -> memref<128xi32, #tpu.memory_space<vmem>>
            %dma_start3A_100 = arith.constant 0 : i32
            %dma_start3A_101 = arith.constant 0 : i32
            %dma_start3A_102 = tpu.memref_slice %arg12[%dma_start3A_100, %dma_start3A_101] : memref<10112x128xf32, #tpu.memory_space<vmem_shared>> -> memref<10112x128xf32, #tpu.memory_space<vmem_shared>>
            tpu.enqueue_indirect_dma source(%arg11 : memref<128x128xf32, #tpu.memory_space<vmem>>) target(%dma_start3A_102 : memref<10112x128xf32, #tpu.memory_space<vmem_shared>>) offsets(%dma_start3A_99 : memref<128xi32, #tpu.memory_space<vmem>>) semaphore(%run_scoped3A : memref<!tpu.dma_semaphore, #tpu.memory_space<semaphore_mem>>) {add = true}
            %dma_wait3A_103 = arith.constant 0 : i32
            %dma_wait3A_104 = tpu.memref_slice %arg9[%add3A_96, %dma_wait3A_103] : memref<16x128xi32, #tpu.memory_space<vmem>> -> memref<1x128xi32, #tpu.memory_space<vmem>>
            %dma_wait3A_105 = tpu.memref_squeeze %dma_wait3A_104 : memref<1x128xi32, #tpu.memory_space<vmem>> -> memref<128xi32, #tpu.memory_space<vmem>>
            %dma_wait3A_106 = arith.constant 0 : i32
            %dma_wait3A_107 = arith.constant 0 : i32
            %dma_wait3A_108 = tpu.memref_slice %arg12[%dma_wait3A_106, %dma_wait3A_107] : memref<10112x128xf32, #tpu.memory_space<vmem_shared>> -> memref<10112x128xf32, #tpu.memory_space<vmem_shared>>
            tpu.wait_indirect_dma semaphore(%run_scoped3A : memref<!tpu.dma_semaphore, #tpu.memory_space<semaphore_mem>>) src(%arg11 : memref<128x128xf32, #tpu.memory_space<vmem>>) dst(%dma_wait3A_108 : memref<10112x128xf32, #tpu.memory_space<vmem_shared>>)
            tpu.yield
          }) : () -> ()
        }
        %scan3A_61 = arith.constant 8 : i32
      }
      %scan3A_32 = arith.constant 5 : i32
      %barrier3A_33 = arith.constant 0 : index
      tpu.barrier barrier_id(%barrier3A_33)
      %lt3A = arith.constant 15 : i32
      %lt3A_34 = arith.cmpi slt, %arg1, %lt3A : i32
      %convert_element_type3A_35 = arith.extui %lt3A_34 : i1 to i32
      %cond3A_36 = arith.constant 0 : i32
      %cond3A_37 = arith.cmpi ne, %convert_element_type3A_35, %cond3A_36 : i32
      scf.if %cond3A_37 {
        "tpu.region"() ({
          %run_scoped3A = tpu.sem_alloc : memref<!tpu.dma_semaphore, #tpu.memory_space<semaphore_mem>>
          %dma_start3A = arith.constant 0 : i32
          %dma_start3A_43 = tpu.memref_slice %arg7[%mul3A_9, %dma_start3A] : memref<10000x128xf32, #tpu.memory_space<hbm>> -> memref<632x128xf32, #tpu.memory_space<hbm>>
          %dma_start3A_44 = arith.constant 0 : i32
          %dma_start3A_45 = tpu.memref_slice %arg12[%mul3A_9, %dma_start3A_44] : memref<10112x128xf32, #tpu.memory_space<vmem_shared>> -> memref<632x128xf32, #tpu.memory_space<vmem_shared>>
          tpu.enqueue_dma source(%dma_start3A_45 : memref<632x128xf32, #tpu.memory_space<vmem_shared>>) target(%dma_start3A_43 : memref<632x128xf32, #tpu.memory_space<hbm>>) target_semaphore(%run_scoped3A : memref<!tpu.dma_semaphore, #tpu.memory_space<semaphore_mem>>)
          %dma_wait3A = arith.constant 0 : i32
          %dma_wait3A_46 = tpu.memref_slice %arg7[%mul3A_9, %dma_wait3A] : memref<10000x128xf32, #tpu.memory_space<hbm>> -> memref<632x128xf32, #tpu.memory_space<hbm>>
          %dma_wait3A_47 = arith.constant 0 : i32
          %dma_wait3A_48 = tpu.memref_slice %arg12[%mul3A_9, %dma_wait3A_47] : memref<10112x128xf32, #tpu.memory_space<vmem_shared>> -> memref<632x128xf32, #tpu.memory_space<vmem_shared>>
          tpu.wait_dma2 semaphore(%run_scoped3A : memref<!tpu.dma_semaphore, #tpu.memory_space<semaphore_mem>>) src(%dma_wait3A_48 : memref<632x128xf32, #tpu.memory_space<vmem_shared>>) dst(%dma_wait3A_46 : memref<632x128xf32, #tpu.memory_space<hbm>>)
          tpu.yield
        }) : () -> ()
      } else {
      }
      %eq3A_38 = arith.constant 15 : i32
      %eq3A_39 = arith.cmpi eq, %arg1, %eq3A_38 : i32
      %convert_element_type3A_40 = arith.extui %eq3A_39 : i1 to i32
      %cond3A_41 = arith.constant 0 : i32
      %cond3A_42 = arith.cmpi ne, %convert_element_type3A_40, %cond3A_41 : i32
      scf.if %cond3A_42 {
        "tpu.region"() ({
          %run_scoped3A = tpu.sem_alloc : memref<!tpu.dma_semaphore, #tpu.memory_space<semaphore_mem>>
          %dma_start3A = arith.constant 9480 : i32
          %dma_start3A_43 = arith.constant 0 : i32
          %dma_start3A_44 = tpu.memref_slice %arg7[%dma_start3A, %dma_start3A_43] : memref<10000x128xf32, #tpu.memory_space<hbm>> -> memref<520x128xf32, #tpu.memory_space<hbm>>
          %dma_start3A_45 = arith.constant 9480 : i32
          %dma_start3A_46 = arith.constant 0 : i32
          %dma_start3A_47 = tpu.memref_slice %arg12[%dma_start3A_45, %dma_start3A_46] : memref<10112x128xf32, #tpu.memory_space<vmem_shared>> -> memref<520x128xf32, #tpu.memory_space<vmem_shared>>
          tpu.enqueue_dma source(%dma_start3A_47 : memref<520x128xf32, #tpu.memory_space<vmem_shared>>) target(%dma_start3A_44 : memref<520x128xf32, #tpu.memory_space<hbm>>) target_semaphore(%run_scoped3A : memref<!tpu.dma_semaphore, #tpu.memory_space<semaphore_mem>>)
          %dma_wait3A = arith.constant 9480 : i32
          %dma_wait3A_48 = arith.constant 0 : i32
          %dma_wait3A_49 = tpu.memref_slice %arg7[%dma_wait3A, %dma_wait3A_48] : memref<10000x128xf32, #tpu.memory_space<hbm>> -> memref<520x128xf32, #tpu.memory_space<hbm>>
          %dma_wait3A_50 = arith.constant 9480 : i32
          %dma_wait3A_51 = arith.constant 0 : i32
          %dma_wait3A_52 = tpu.memref_slice %arg12[%dma_wait3A_50, %dma_wait3A_51] : memref<10112x128xf32, #tpu.memory_space<vmem_shared>> -> memref<520x128xf32, #tpu.memory_space<vmem_shared>>
          tpu.wait_dma2 semaphore(%run_scoped3A : memref<!tpu.dma_semaphore, #tpu.memory_space<semaphore_mem>>) src(%dma_wait3A_52 : memref<520x128xf32, #tpu.memory_space<vmem_shared>>) dst(%dma_wait3A_49 : memref<520x128xf32, #tpu.memory_space<hbm>>)
          tpu.yield
        }) : () -> ()
      } else {
      }
    } else {
    }
    return
  }
}

#map = affine_map<(d0, d1) -> (0, 0)>
module attributes {stable_mosaic.version = 14 : i64} {
  func.func @gcn_sc_agg(%arg0: i32, %arg1: i32, %arg2: memref<10000x128xf32, #tpu.memory_space<hbm>>, %arg3: memref<10000x128xf32, #tpu.memory_space<hbm>>, %arg4: memref<2560x128xi32, #tpu.memory_space<hbm>>, %arg5: memref<2560x128xi32, #tpu.memory_space<hbm>>, %arg6: memref<10000x128xf32, #tpu.memory_space<hbm>>, %arg7: memref<10000x128xf32, #tpu.memory_space<hbm>>, %arg8: memref<16x128xi32, #tpu.memory_space<vmem>>, %arg9: memref<16x128xi32, #tpu.memory_space<vmem>>, %arg10: memref<128x128xf32, #tpu.memory_space<vmem>>, %arg11: memref<128x128xf32, #tpu.memory_space<vmem>>, %arg12: memref<10112x128xf32, #tpu.memory_space<vmem_shared>>, %arg13: memref<!tpu.dma_semaphore, #tpu.memory_space<semaphore_mem>>, %arg14: memref<!tpu.dma_semaphore, #tpu.memory_space<semaphore_mem>>) attributes {dimension_semantics = [#tpu.dimension_semantics<core_parallel>, #tpu.dimension_semantics<subcore_parallel>], iteration_bounds = array<i64: 2, 16>, scalar_prefetch = 0 : i64, scratch_operands = 7 : i64, tpu.core_type = #tpu.core_type<sc_vector_subcore>, window_params = [{transform_indices = #map}, {transform_indices = #map}, {transform_indices = #map}, {transform_indices = #map}, {transform_indices = #map}, {transform_indices = #map}]} {
    %mul3A = arith.constant 0 : i32
    %mul3A_0 = arith.muli %arg0, %mul3A : i32
    %mul3A_1 = arith.constant 160 : i32
    %mul3A_2 = arith.muli %arg1, %mul3A_1 : i32
    %add3A = arith.addi %mul3A_0, %mul3A_2 : i32
    %broadcast_in_dim3A = arith.constant 0.000000e+00 : f32
    %broadcast_in_dim3A_3 = vector.broadcast %broadcast_in_dim3A : f32 to vector<16xf32>
    %scan3A = arith.constant 0 : i32
    %scan3A_4 = arith.constant 128 : i32
    %scan3A_5 = arith.addi %scan3A, %scan3A_4 : i32
    %scan3A_6 = arith.constant 1 : i32
    scf.for %scan3A_28 = %scan3A to %scan3A_5 step %scan3A_6  : i32 {
      %mul3A_29 = arith.constant 1 : i32
      %mul3A_30 = arith.muli %scan3A_28, %mul3A_29 : i32
      %add3A_31 = arith.constant 0 : i32
      %add3A_32 = arith.addi %add3A_31, %mul3A_30 : i32
      %swap3A = arith.index_cast %add3A_32 : i32 to index
      %swap3A_33 = arith.constant 0 : index
      %swap3A_34 = tpu.vector_load %arg10[%swap3A, %swap3A_33] {strides = array<i32>} : memref<128x128xf32, #tpu.memory_space<vmem>>, vector<1x16xf32>,
      %swap3A_35 = vector.shape_cast %swap3A_34 : vector<1x16xf32> to vector<16xf32>
      %swap3A_36 = vector.shape_cast %broadcast_in_dim3A_3 : vector<16xf32> to vector<1x16xf32>
      tpu.vector_store %arg10[%swap3A, %swap3A_33], %swap3A_36 {strides = array<i32>} : memref<128x128xf32, #tpu.memory_space<vmem>>, vector<1x16xf32>,
      %swap3A_37 = arith.index_cast %add3A_32 : i32 to index
      %swap3A_38 = arith.constant 16 : index
      %swap3A_39 = tpu.vector_load %arg10[%swap3A_37, %swap3A_38] {strides = array<i32>} : memref<128x128xf32, #tpu.memory_space<vmem>>, vector<1x16xf32>,
      %swap3A_40 = vector.shape_cast %swap3A_39 : vector<1x16xf32> to vector<16xf32>
      %swap3A_41 = vector.shape_cast %broadcast_in_dim3A_3 : vector<16xf32> to vector<1x16xf32>
      tpu.vector_store %arg10[%swap3A_37, %swap3A_38], %swap3A_41 {strides = array<i32>} : memref<128x128xf32, #tpu.memory_space<vmem>>, vector<1x16xf32>,
      %swap3A_42 = arith.index_cast %add3A_32 : i32 to index
      %swap3A_43 = arith.constant 32 : index
      %swap3A_44 = tpu.vector_load %arg10[%swap3A_42, %swap3A_43] {strides = array<i32>} : memref<128x128xf32, #tpu.memory_space<vmem>>, vector<1x16xf32>,
      %swap3A_45 = vector.shape_cast %swap3A_44 : vector<1x16xf32> to vector<16xf32>
      %swap3A_46 = vector.shape_cast %broadcast_in_dim3A_3 : vector<16xf32> to vector<1x16xf32>
      tpu.vector_store %arg10[%swap3A_42, %swap3A_43], %swap3A_46 {strides = array<i32>} : memref<128x128xf32, #tpu.memory_space<vmem>>, vector<1x16xf32>,
      %swap3A_47 = arith.index_cast %add3A_32 : i32 to index
      %swap3A_48 = arith.constant 48 : index
      %swap3A_49 = tpu.vector_load %arg10[%swap3A_47, %swap3A_48] {strides = array<i32>} : memref<128x128xf32, #tpu.memory_space<vmem>>, vector<1x16xf32>,
      %swap3A_50 = vector.shape_cast %swap3A_49 : vector<1x16xf32> to vector<16xf32>
      %swap3A_51 = vector.shape_cast %broadcast_in_dim3A_3 : vector<16xf32> to vector<1x16xf32>
      tpu.vector_store %arg10[%swap3A_47, %swap3A_48], %swap3A_51 {strides = array<i32>} : memref<128x128xf32, #tpu.memory_space<vmem>>, vector<1x16xf32>,
      %swap3A_52 = arith.index_cast %add3A_32 : i32 to index
      %swap3A_53 = arith.constant 64 : index
      %swap3A_54 = tpu.vector_load %arg10[%swap3A_52, %swap3A_53] {strides = array<i32>} : memref<128x128xf32, #tpu.memory_space<vmem>>, vector<1x16xf32>,
      %swap3A_55 = vector.shape_cast %swap3A_54 : vector<1x16xf32> to vector<16xf32>
      %swap3A_56 = vector.shape_cast %broadcast_in_dim3A_3 : vector<16xf32> to vector<1x16xf32>
      tpu.vector_store %arg10[%swap3A_52, %swap3A_53], %swap3A_56 {strides = array<i32>} : memref<128x128xf32, #tpu.memory_space<vmem>>, vector<1x16xf32>,
      %swap3A_57 = arith.index_cast %add3A_32 : i32 to index
      %swap3A_58 = arith.constant 80 : index
      %swap3A_59 = tpu.vector_load %arg10[%swap3A_57, %swap3A_58] {strides = array<i32>} : memref<128x128xf32, #tpu.memory_space<vmem>>, vector<1x16xf32>,
      %swap3A_60 = vector.shape_cast %swap3A_59 : vector<1x16xf32> to vector<16xf32>
      %swap3A_61 = vector.shape_cast %broadcast_in_dim3A_3 : vector<16xf32> to vector<1x16xf32>
      tpu.vector_store %arg10[%swap3A_57, %swap3A_58], %swap3A_61 {strides = array<i32>} : memref<128x128xf32, #tpu.memory_space<vmem>>, vector<1x16xf32>,
      %swap3A_62 = arith.index_cast %add3A_32 : i32 to index
      %swap3A_63 = arith.constant 96 : index
      %swap3A_64 = tpu.vector_load %arg10[%swap3A_62, %swap3A_63] {strides = array<i32>} : memref<128x128xf32, #tpu.memory_space<vmem>>, vector<1x16xf32>,
      %swap3A_65 = vector.shape_cast %swap3A_64 : vector<1x16xf32> to vector<16xf32>
      %swap3A_66 = vector.shape_cast %broadcast_in_dim3A_3 : vector<16xf32> to vector<1x16xf32>
      tpu.vector_store %arg10[%swap3A_62, %swap3A_63], %swap3A_66 {strides = array<i32>} : memref<128x128xf32, #tpu.memory_space<vmem>>, vector<1x16xf32>,
      %swap3A_67 = arith.index_cast %add3A_32 : i32 to index
      %swap3A_68 = arith.constant 112 : index
      %swap3A_69 = tpu.vector_load %arg10[%swap3A_67, %swap3A_68] {strides = array<i32>} : memref<128x128xf32, #tpu.memory_space<vmem>>, vector<1x16xf32>,
      %swap3A_70 = vector.shape_cast %swap3A_69 : vector<1x16xf32> to vector<16xf32>
      %swap3A_71 = vector.shape_cast %broadcast_in_dim3A_3 : vector<16xf32> to vector<1x16xf32>
      tpu.vector_store %arg10[%swap3A_67, %swap3A_68], %swap3A_71 {strides = array<i32>} : memref<128x128xf32, #tpu.memory_space<vmem>>, vector<1x16xf32>,
    }
    %scan3A_7 = arith.constant 128 : i32
    %mul3A_8 = arith.constant 632 : i32
    %mul3A_9 = arith.muli %arg1, %mul3A_8 : i32
    %add3A_10 = arith.constant 0 : i32
    %add3A_11 = arith.addi %mul3A_9, %add3A_10 : i32
    "tpu.region"() ({
      %run_scoped3A = tpu.sem_alloc : memref<!tpu.dma_semaphore, #tpu.memory_space<semaphore_mem>>
      %dma_start3A = arith.constant 0 : i32
      %dma_start3A_28 = arith.constant 0 : i32
      %dma_start3A_29 = tpu.memref_slice %arg10[%dma_start3A, %dma_start3A_28] : memref<128x128xf32, #tpu.memory_space<vmem>> -> memref<128x128xf32, #tpu.memory_space<vmem>>
      %dma_start3A_30 = arith.constant 0 : i32
      %dma_start3A_31 = tpu.memref_slice %arg12[%add3A_11, %dma_start3A_30] : memref<10112x128xf32, #tpu.memory_space<vmem_shared>> -> memref<128x128xf32, #tpu.memory_space<vmem_shared>>
      %dma_start3A_32 = arith.constant 0 : i32
      %dma_start3A_33 = tpu.memref_slice %arg12[%add3A_11, %dma_start3A_32] : memref<10112x128xf32, #tpu.memory_space<vmem_shared>> -> memref<128x128xf32, #tpu.memory_space<vmem_shared>>
      %dma_start3A_34 = arith.constant 0 : i32
      %dma_start3A_35 = arith.constant 0 : i32
      %dma_start3A_36 = tpu.memref_slice %arg10[%dma_start3A_34, %dma_start3A_35] : memref<128x128xf32, #tpu.memory_space<vmem>> -> memref<128x128xf32, #tpu.memory_space<vmem>>
      tpu.enqueue_dma source(%dma_start3A_36 : memref<128x128xf32, #tpu.memory_space<vmem>>) target(%dma_start3A_33 : memref<128x128xf32, #tpu.memory_space<vmem_shared>>) target_semaphore(%run_scoped3A : memref<!tpu.dma_semaphore, #tpu.memory_space<semaphore_mem>>)
      %dma_wait3A = arith.constant 0 : i32
      %dma_wait3A_37 = arith.constant 0 : i32
      %dma_wait3A_38 = tpu.memref_slice %arg10[%dma_wait3A, %dma_wait3A_37] : memref<128x128xf32, #tpu.memory_space<vmem>> -> memref<128x128xf32, #tpu.memory_space<vmem>>
      %dma_wait3A_39 = arith.constant 0 : i32
      %dma_wait3A_40 = tpu.memref_slice %arg12[%add3A_11, %dma_wait3A_39] : memref<10112x128xf32, #tpu.memory_space<vmem_shared>> -> memref<128x128xf32, #tpu.memory_space<vmem_shared>>
      %dma_wait3A_41 = arith.constant 0 : i32
      %dma_wait3A_42 = tpu.memref_slice %arg12[%add3A_11, %dma_wait3A_41] : memref<10112x128xf32, #tpu.memory_space<vmem_shared>> -> memref<128x128xf32, #tpu.memory_space<vmem_shared>>
      %dma_wait3A_43 = arith.constant 0 : i32
      %dma_wait3A_44 = arith.constant 0 : i32
      %dma_wait3A_45 = tpu.memref_slice %arg10[%dma_wait3A_43, %dma_wait3A_44] : memref<128x128xf32, #tpu.memory_space<vmem>> -> memref<128x128xf32, #tpu.memory_space<vmem>>
      tpu.wait_dma2 semaphore(%run_scoped3A : memref<!tpu.dma_semaphore, #tpu.memory_space<semaphore_mem>>) src(%dma_wait3A_45 : memref<128x128xf32, #tpu.memory_space<vmem>>) dst(%dma_wait3A_42 : memref<128x128xf32, #tpu.memory_space<vmem_shared>>)
      tpu.yield
    }) : () -> ()
    %add3A_12 = arith.constant 128 : i32
    %add3A_13 = arith.addi %mul3A_9, %add3A_12 : i32
    "tpu.region"() ({
      %run_scoped3A = tpu.sem_alloc : memref<!tpu.dma_semaphore, #tpu.memory_space<semaphore_mem>>
      %dma_start3A = arith.constant 0 : i32
      %dma_start3A_28 = arith.constant 0 : i32
      %dma_start3A_29 = tpu.memref_slice %arg10[%dma_start3A, %dma_start3A_28] : memref<128x128xf32, #tpu.memory_space<vmem>> -> memref<128x128xf32, #tpu.memory_space<vmem>>
      %dma_start3A_30 = arith.constant 0 : i32
      %dma_start3A_31 = tpu.memref_slice %arg12[%add3A_13, %dma_start3A_30] : memref<10112x128xf32, #tpu.memory_space<vmem_shared>> -> memref<128x128xf32, #tpu.memory_space<vmem_shared>>
      %dma_start3A_32 = arith.constant 0 : i32
      %dma_start3A_33 = tpu.memref_slice %arg12[%add3A_13, %dma_start3A_32] : memref<10112x128xf32, #tpu.memory_space<vmem_shared>> -> memref<128x128xf32, #tpu.memory_space<vmem_shared>>
      %dma_start3A_34 = arith.constant 0 : i32
      %dma_start3A_35 = arith.constant 0 : i32
      %dma_start3A_36 = tpu.memref_slice %arg10[%dma_start3A_34, %dma_start3A_35] : memref<128x128xf32, #tpu.memory_space<vmem>> -> memref<128x128xf32, #tpu.memory_space<vmem>>
      tpu.enqueue_dma source(%dma_start3A_36 : memref<128x128xf32, #tpu.memory_space<vmem>>) target(%dma_start3A_33 : memref<128x128xf32, #tpu.memory_space<vmem_shared>>) target_semaphore(%run_scoped3A : memref<!tpu.dma_semaphore, #tpu.memory_space<semaphore_mem>>)
      %dma_wait3A = arith.constant 0 : i32
      %dma_wait3A_37 = arith.constant 0 : i32
      %dma_wait3A_38 = tpu.memref_slice %arg10[%dma_wait3A, %dma_wait3A_37] : memref<128x128xf32, #tpu.memory_space<vmem>> -> memref<128x128xf32, #tpu.memory_space<vmem>>
      %dma_wait3A_39 = arith.constant 0 : i32
      %dma_wait3A_40 = tpu.memref_slice %arg12[%add3A_13, %dma_wait3A_39] : memref<10112x128xf32, #tpu.memory_space<vmem_shared>> -> memref<128x128xf32, #tpu.memory_space<vmem_shared>>
      %dma_wait3A_41 = arith.constant 0 : i32
      %dma_wait3A_42 = tpu.memref_slice %arg12[%add3A_13, %dma_wait3A_41] : memref<10112x128xf32, #tpu.memory_space<vmem_shared>> -> memref<128x128xf32, #tpu.memory_space<vmem_shared>>
      %dma_wait3A_43 = arith.constant 0 : i32
      %dma_wait3A_44 = arith.constant 0 : i32
      %dma_wait3A_45 = tpu.memref_slice %arg10[%dma_wait3A_43, %dma_wait3A_44] : memref<128x128xf32, #tpu.memory_space<vmem>> -> memref<128x128xf32, #tpu.memory_space<vmem>>
      tpu.wait_dma2 semaphore(%run_scoped3A : memref<!tpu.dma_semaphore, #tpu.memory_space<semaphore_mem>>) src(%dma_wait3A_45 : memref<128x128xf32, #tpu.memory_space<vmem>>) dst(%dma_wait3A_42 : memref<128x128xf32, #tpu.memory_space<vmem_shared>>)
      tpu.yield
    }) : () -> ()
    %add3A_14 = arith.constant 256 : i32
    %add3A_15 = arith.addi %mul3A_9, %add3A_14 : i32
    "tpu.region"() ({
      %run_scoped3A = tpu.sem_alloc : memref<!tpu.dma_semaphore, #tpu.memory_space<semaphore_mem>>
      %dma_start3A = arith.constant 0 : i32
      %dma_start3A_28 = arith.constant 0 : i32
      %dma_start3A_29 = tpu.memref_slice %arg10[%dma_start3A, %dma_start3A_28] : memref<128x128xf32, #tpu.memory_space<vmem>> -> memref<128x128xf32, #tpu.memory_space<vmem>>
      %dma_start3A_30 = arith.constant 0 : i32
      %dma_start3A_31 = tpu.memref_slice %arg12[%add3A_15, %dma_start3A_30] : memref<10112x128xf32, #tpu.memory_space<vmem_shared>> -> memref<128x128xf32, #tpu.memory_space<vmem_shared>>
      %dma_start3A_32 = arith.constant 0 : i32
      %dma_start3A_33 = tpu.memref_slice %arg12[%add3A_15, %dma_start3A_32] : memref<10112x128xf32, #tpu.memory_space<vmem_shared>> -> memref<128x128xf32, #tpu.memory_space<vmem_shared>>
      %dma_start3A_34 = arith.constant 0 : i32
      %dma_start3A_35 = arith.constant 0 : i32
      %dma_start3A_36 = tpu.memref_slice %arg10[%dma_start3A_34, %dma_start3A_35] : memref<128x128xf32, #tpu.memory_space<vmem>> -> memref<128x128xf32, #tpu.memory_space<vmem>>
      tpu.enqueue_dma source(%dma_start3A_36 : memref<128x128xf32, #tpu.memory_space<vmem>>) target(%dma_start3A_33 : memref<128x128xf32, #tpu.memory_space<vmem_shared>>) target_semaphore(%run_scoped3A : memref<!tpu.dma_semaphore, #tpu.memory_space<semaphore_mem>>)
      %dma_wait3A = arith.constant 0 : i32
      %dma_wait3A_37 = arith.constant 0 : i32
      %dma_wait3A_38 = tpu.memref_slice %arg10[%dma_wait3A, %dma_wait3A_37] : memref<128x128xf32, #tpu.memory_space<vmem>> -> memref<128x128xf32, #tpu.memory_space<vmem>>
      %dma_wait3A_39 = arith.constant 0 : i32
      %dma_wait3A_40 = tpu.memref_slice %arg12[%add3A_15, %dma_wait3A_39] : memref<10112x128xf32, #tpu.memory_space<vmem_shared>> -> memref<128x128xf32, #tpu.memory_space<vmem_shared>>
      %dma_wait3A_41 = arith.constant 0 : i32
      %dma_wait3A_42 = tpu.memref_slice %arg12[%add3A_15, %dma_wait3A_41] : memref<10112x128xf32, #tpu.memory_space<vmem_shared>> -> memref<128x128xf32, #tpu.memory_space<vmem_shared>>
      %dma_wait3A_43 = arith.constant 0 : i32
      %dma_wait3A_44 = arith.constant 0 : i32
      %dma_wait3A_45 = tpu.memref_slice %arg10[%dma_wait3A_43, %dma_wait3A_44] : memref<128x128xf32, #tpu.memory_space<vmem>> -> memref<128x128xf32, #tpu.memory_space<vmem>>
      tpu.wait_dma2 semaphore(%run_scoped3A : memref<!tpu.dma_semaphore, #tpu.memory_space<semaphore_mem>>) src(%dma_wait3A_45 : memref<128x128xf32, #tpu.memory_space<vmem>>) dst(%dma_wait3A_42 : memref<128x128xf32, #tpu.memory_space<vmem_shared>>)
      tpu.yield
    }) : () -> ()
    %add3A_16 = arith.constant 384 : i32
    %add3A_17 = arith.addi %mul3A_9, %add3A_16 : i32
    "tpu.region"() ({
      %run_scoped3A = tpu.sem_alloc : memref<!tpu.dma_semaphore, #tpu.memory_space<semaphore_mem>>
      %dma_start3A = arith.constant 0 : i32
      %dma_start3A_28 = arith.constant 0 : i32
      %dma_start3A_29 = tpu.memref_slice %arg10[%dma_start3A, %dma_start3A_28] : memref<128x128xf32, #tpu.memory_space<vmem>> -> memref<128x128xf32, #tpu.memory_space<vmem>>
      %dma_start3A_30 = arith.constant 0 : i32
      %dma_start3A_31 = tpu.memref_slice %arg12[%add3A_17, %dma_start3A_30] : memref<10112x128xf32, #tpu.memory_space<vmem_shared>> -> memref<128x128xf32, #tpu.memory_space<vmem_shared>>
      %dma_start3A_32 = arith.constant 0 : i32
      %dma_start3A_33 = tpu.memref_slice %arg12[%add3A_17, %dma_start3A_32] : memref<10112x128xf32, #tpu.memory_space<vmem_shared>> -> memref<128x128xf32, #tpu.memory_space<vmem_shared>>
      %dma_start3A_34 = arith.constant 0 : i32
      %dma_start3A_35 = arith.constant 0 : i32
      %dma_start3A_36 = tpu.memref_slice %arg10[%dma_start3A_34, %dma_start3A_35] : memref<128x128xf32, #tpu.memory_space<vmem>> -> memref<128x128xf32, #tpu.memory_space<vmem>>
      tpu.enqueue_dma source(%dma_start3A_36 : memref<128x128xf32, #tpu.memory_space<vmem>>) target(%dma_start3A_33 : memref<128x128xf32, #tpu.memory_space<vmem_shared>>) target_semaphore(%run_scoped3A : memref<!tpu.dma_semaphore, #tpu.memory_space<semaphore_mem>>)
      %dma_wait3A = arith.constant 0 : i32
      %dma_wait3A_37 = arith.constant 0 : i32
      %dma_wait3A_38 = tpu.memref_slice %arg10[%dma_wait3A, %dma_wait3A_37] : memref<128x128xf32, #tpu.memory_space<vmem>> -> memref<128x128xf32, #tpu.memory_space<vmem>>
      %dma_wait3A_39 = arith.constant 0 : i32
      %dma_wait3A_40 = tpu.memref_slice %arg12[%add3A_17, %dma_wait3A_39] : memref<10112x128xf32, #tpu.memory_space<vmem_shared>> -> memref<128x128xf32, #tpu.memory_space<vmem_shared>>
      %dma_wait3A_41 = arith.constant 0 : i32
      %dma_wait3A_42 = tpu.memref_slice %arg12[%add3A_17, %dma_wait3A_41] : memref<10112x128xf32, #tpu.memory_space<vmem_shared>> -> memref<128x128xf32, #tpu.memory_space<vmem_shared>>
      %dma_wait3A_43 = arith.constant 0 : i32
      %dma_wait3A_44 = arith.constant 0 : i32
      %dma_wait3A_45 = tpu.memref_slice %arg10[%dma_wait3A_43, %dma_wait3A_44] : memref<128x128xf32, #tpu.memory_space<vmem>> -> memref<128x128xf32, #tpu.memory_space<vmem>>
      tpu.wait_dma2 semaphore(%run_scoped3A : memref<!tpu.dma_semaphore, #tpu.memory_space<semaphore_mem>>) src(%dma_wait3A_45 : memref<128x128xf32, #tpu.memory_space<vmem>>) dst(%dma_wait3A_42 : memref<128x128xf32, #tpu.memory_space<vmem_shared>>)
      tpu.yield
    }) : () -> ()
    %add3A_18 = arith.constant 632 : i32
    %add3A_19 = arith.addi %mul3A_9, %add3A_18 : i32
    %sub3A = arith.constant 120 : i32
    %sub3A_20 = arith.subi %add3A_19, %sub3A : i32
    "tpu.region"() ({
      %run_scoped3A = tpu.sem_alloc : memref<!tpu.dma_semaphore, #tpu.memory_space<semaphore_mem>>
      %dma_start3A = arith.constant 0 : i32
      %dma_start3A_28 = arith.constant 0 : i32
      %dma_start3A_29 = tpu.memref_slice %arg10[%dma_start3A, %dma_start3A_28] : memref<128x128xf32, #tpu.memory_space<vmem>> -> memref<120x128xf32, #tpu.memory_space<vmem>>
      %dma_start3A_30 = arith.constant 0 : i32
      %dma_start3A_31 = tpu.memref_slice %arg12[%sub3A_20, %dma_start3A_30] : memref<10112x128xf32, #tpu.memory_space<vmem_shared>> -> memref<120x128xf32, #tpu.memory_space<vmem_shared>>
      %dma_start3A_32 = arith.constant 0 : i32
      %dma_start3A_33 = tpu.memref_slice %arg12[%sub3A_20, %dma_start3A_32] : memref<10112x128xf32, #tpu.memory_space<vmem_shared>> -> memref<120x128xf32, #tpu.memory_space<vmem_shared>>
      %dma_start3A_34 = arith.constant 0 : i32
      %dma_start3A_35 = arith.constant 0 : i32
      %dma_start3A_36 = tpu.memref_slice %arg10[%dma_start3A_34, %dma_start3A_35] : memref<128x128xf32, #tpu.memory_space<vmem>> -> memref<120x128xf32, #tpu.memory_space<vmem>>
      tpu.enqueue_dma source(%dma_start3A_36 : memref<120x128xf32, #tpu.memory_space<vmem>>) target(%dma_start3A_33 : memref<120x128xf32, #tpu.memory_space<vmem_shared>>) target_semaphore(%run_scoped3A : memref<!tpu.dma_semaphore, #tpu.memory_space<semaphore_mem>>)
      %dma_wait3A = arith.constant 0 : i32
      %dma_wait3A_37 = arith.constant 0 : i32
      %dma_wait3A_38 = tpu.memref_slice %arg10[%dma_wait3A, %dma_wait3A_37] : memref<128x128xf32, #tpu.memory_space<vmem>> -> memref<120x128xf32, #tpu.memory_space<vmem>>
      %dma_wait3A_39 = arith.constant 0 : i32
      %dma_wait3A_40 = tpu.memref_slice %arg12[%sub3A_20, %dma_wait3A_39] : memref<10112x128xf32, #tpu.memory_space<vmem_shared>> -> memref<120x128xf32, #tpu.memory_space<vmem_shared>>
      %dma_wait3A_41 = arith.constant 0 : i32
      %dma_wait3A_42 = tpu.memref_slice %arg12[%sub3A_20, %dma_wait3A_41] : memref<10112x128xf32, #tpu.memory_space<vmem_shared>> -> memref<120x128xf32, #tpu.memory_space<vmem_shared>>
      %dma_wait3A_43 = arith.constant 0 : i32
      %dma_wait3A_44 = arith.constant 0 : i32
      %dma_wait3A_45 = tpu.memref_slice %arg10[%dma_wait3A_43, %dma_wait3A_44] : memref<128x128xf32, #tpu.memory_space<vmem>> -> memref<120x128xf32, #tpu.memory_space<vmem>>
      tpu.wait_dma2 semaphore(%run_scoped3A : memref<!tpu.dma_semaphore, #tpu.memory_space<semaphore_mem>>) src(%dma_wait3A_45 : memref<120x128xf32, #tpu.memory_space<vmem>>) dst(%dma_wait3A_42 : memref<120x128xf32, #tpu.memory_space<vmem_shared>>)
      tpu.yield
    }) : () -> ()
    %barrier3A = arith.constant 0 : index
    tpu.barrier barrier_id(%barrier3A)
    %eq3A = arith.constant 0 : i32
    %eq3A_21 = arith.cmpi eq, %arg0, %eq3A : i32
    %convert_element_type3A = arith.extui %eq3A_21 : i1 to i32
    %cond3A = arith.constant 0 : i32
    %cond3A_22 = arith.cmpi ne, %convert_element_type3A, %cond3A : i32
    scf.if %cond3A_22 {
      %scan3A_28 = arith.constant 0 : i32
      %scan3A_29 = arith.constant 10 : i32
      %scan3A_30 = arith.addi %scan3A_28, %scan3A_29 : i32
      %scan3A_31 = arith.constant 1 : i32
      scf.for %scan3A_43 = %scan3A_28 to %scan3A_30 step %scan3A_31  : i32 {
        %mul3A_44 = arith.constant 1 : i32
        %mul3A_45 = arith.muli %scan3A_43, %mul3A_44 : i32
        %add3A_46 = arith.constant 0 : i32
        %add3A_47 = arith.addi %add3A_46, %mul3A_45 : i32
        %mul3A_48 = arith.constant 16 : i32
        %mul3A_49 = arith.muli %add3A_47, %mul3A_48 : i32
        %add3A_50 = arith.addi %add3A, %mul3A_49 : i32
        "tpu.region"() ({
          %run_scoped3A = tpu.sem_alloc : memref<!tpu.dma_semaphore, #tpu.memory_space<semaphore_mem>>
          %dma_start3A_62 = arith.constant 0 : i32
          %dma_start3A_63 = tpu.memref_slice %arg4[%add3A_50, %dma_start3A_62] : memref<2560x128xi32, #tpu.memory_space<hbm>> -> memref<16x128xi32, #tpu.memory_space<hbm>>
          %dma_start3A_64 = arith.constant 0 : i32
          %dma_start3A_65 = tpu.memref_slice %arg4[%add3A_50, %dma_start3A_64] : memref<2560x128xi32, #tpu.memory_space<hbm>> -> memref<16x128xi32, #tpu.memory_space<hbm>>
          tpu.enqueue_dma source(%dma_start3A_65 : memref<16x128xi32, #tpu.memory_space<hbm>>) target(%arg8 : memref<16x128xi32, #tpu.memory_space<vmem>>) target_semaphore(%run_scoped3A : memref<!tpu.dma_semaphore, #tpu.memory_space<semaphore_mem>>)
          %dma_wait3A = arith.constant 0 : i32
          %dma_wait3A_66 = tpu.memref_slice %arg4[%add3A_50, %dma_wait3A] : memref<2560x128xi32, #tpu.memory_space<hbm>> -> memref<16x128xi32, #tpu.memory_space<hbm>>
          %dma_wait3A_67 = arith.constant 0 : i32
          %dma_wait3A_68 = tpu.memref_slice %arg4[%add3A_50, %dma_wait3A_67] : memref<2560x128xi32, #tpu.memory_space<hbm>> -> memref<16x128xi32, #tpu.memory_space<hbm>>
          tpu.wait_dma2 semaphore(%run_scoped3A : memref<!tpu.dma_semaphore, #tpu.memory_space<semaphore_mem>>) src(%dma_wait3A_68 : memref<16x128xi32, #tpu.memory_space<hbm>>) dst(%arg8 : memref<16x128xi32, #tpu.memory_space<vmem>>)
          tpu.yield
        }) : () -> ()
        "tpu.region"() ({
          %run_scoped3A = tpu.sem_alloc : memref<!tpu.dma_semaphore, #tpu.memory_space<semaphore_mem>>
          %dma_start3A_62 = arith.constant 0 : i32
          %dma_start3A_63 = tpu.memref_slice %arg5[%add3A_50, %dma_start3A_62] : memref<2560x128xi32, #tpu.memory_space<hbm>> -> memref<16x128xi32, #tpu.memory_space<hbm>>
          %dma_start3A_64 = arith.constant 0 : i32
          %dma_start3A_65 = tpu.memref_slice %arg5[%add3A_50, %dma_start3A_64] : memref<2560x128xi32, #tpu.memory_space<hbm>> -> memref<16x128xi32, #tpu.memory_space<hbm>>
          tpu.enqueue_dma source(%dma_start3A_65 : memref<16x128xi32, #tpu.memory_space<hbm>>) target(%arg9 : memref<16x128xi32, #tpu.memory_space<vmem>>) target_semaphore(%run_scoped3A : memref<!tpu.dma_semaphore, #tpu.memory_space<semaphore_mem>>)
          %dma_wait3A = arith.constant 0 : i32
          %dma_wait3A_66 = tpu.memref_slice %arg5[%add3A_50, %dma_wait3A] : memref<2560x128xi32, #tpu.memory_space<hbm>> -> memref<16x128xi32, #tpu.memory_space<hbm>>
          %dma_wait3A_67 = arith.constant 0 : i32
          %dma_wait3A_68 = tpu.memref_slice %arg5[%add3A_50, %dma_wait3A_67] : memref<2560x128xi32, #tpu.memory_space<hbm>> -> memref<16x128xi32, #tpu.memory_space<hbm>>
          tpu.wait_dma2 semaphore(%run_scoped3A : memref<!tpu.dma_semaphore, #tpu.memory_space<semaphore_mem>>) src(%dma_wait3A_68 : memref<16x128xi32, #tpu.memory_space<hbm>>) dst(%arg9 : memref<16x128xi32, #tpu.memory_space<vmem>>)
          tpu.yield
        }) : () -> ()
        %dma_start3A = arith.constant 0 : i32
        %dma_start3A_51 = arith.constant 0 : i32
        %dma_start3A_52 = tpu.memref_slice %arg8[%dma_start3A, %dma_start3A_51] : memref<16x128xi32, #tpu.memory_space<vmem>> -> memref<1x128xi32, #tpu.memory_space<vmem>>
        %dma_start3A_53 = tpu.memref_squeeze %dma_start3A_52 : memref<1x128xi32, #tpu.memory_space<vmem>> -> memref<128xi32, #tpu.memory_space<vmem>>
        %dma_start3A_54 = arith.constant 0 : i32
        %dma_start3A_55 = arith.constant 0 : i32
        %dma_start3A_56 = tpu.memref_slice %arg2[%dma_start3A_54, %dma_start3A_55] : memref<10000x128xf32, #tpu.memory_space<hbm>> -> memref<10000x128xf32, #tpu.memory_space<hbm>>
        tpu.enqueue_indirect_dma source(%dma_start3A_56 : memref<10000x128xf32, #tpu.memory_space<hbm>>) target(%arg10 : memref<128x128xf32, #tpu.memory_space<vmem>>) offsets(%dma_start3A_53 : memref<128xi32, #tpu.memory_space<vmem>>) semaphore(%arg13 : memref<!tpu.dma_semaphore, #tpu.memory_space<semaphore_mem>>)
        %scan3A_57 = arith.constant 0 : i32
        %scan3A_58 = arith.constant 8 : i32
        %scan3A_59 = arith.addi %scan3A_57, %scan3A_58 : i32
        %scan3A_60 = arith.constant 1 : i32
        scf.for %scan3A_62 = %scan3A_57 to %scan3A_59 step %scan3A_60  : i32 {
          %mul3A_63 = arith.constant 2 : i32
          %mul3A_64 = arith.muli %scan3A_62, %mul3A_63 : i32
          %add3A_65 = arith.constant 0 : i32
          %add3A_66 = arith.addi %add3A_65, %mul3A_64 : i32
          %add3A_67 = arith.constant 1 : i32
          %add3A_68 = arith.addi %add3A_66, %add3A_67 : i32
          %dma_start3A_69 = arith.constant 0 : i32
          %dma_start3A_70 = tpu.memref_slice %arg8[%add3A_68, %dma_start3A_69] : memref<16x128xi32, #tpu.memory_space<vmem>> -> memref<1x128xi32, #tpu.memory_space<vmem>>
          %dma_start3A_71 = tpu.memref_squeeze %dma_start3A_70 : memref<1x128xi32, #tpu.memory_space<vmem>> -> memref<128xi32, #tpu.memory_space<vmem>>
          %dma_start3A_72 = arith.constant 0 : i32
          %dma_start3A_73 = arith.constant 0 : i32
          %dma_start3A_74 = tpu.memref_slice %arg2[%dma_start3A_72, %dma_start3A_73] : memref<10000x128xf32, #tpu.memory_space<hbm>> -> memref<10000x128xf32, #tpu.memory_space<hbm>>
          tpu.enqueue_indirect_dma source(%dma_start3A_74 : memref<10000x128xf32, #tpu.memory_space<hbm>>) target(%arg11 : memref<128x128xf32, #tpu.memory_space<vmem>>) offsets(%dma_start3A_71 : memref<128xi32, #tpu.memory_space<vmem>>) semaphore(%arg14 : memref<!tpu.dma_semaphore, #tpu.memory_space<semaphore_mem>>)
          %dma_wait3A = arith.constant 0 : i32
          %dma_wait3A_75 = tpu.memref_slice %arg8[%add3A_66, %dma_wait3A] : memref<16x128xi32, #tpu.memory_space<vmem>> -> memref<1x128xi32, #tpu.memory_space<vmem>>
          %dma_wait3A_76 = tpu.memref_squeeze %dma_wait3A_75 : memref<1x128xi32, #tpu.memory_space<vmem>> -> memref<128xi32, #tpu.memory_space<vmem>>
          %dma_wait3A_77 = arith.constant 0 : i32
          %dma_wait3A_78 = arith.constant 0 : i32
          %dma_wait3A_79 = tpu.memref_slice %arg2[%dma_wait3A_77, %dma_wait3A_78] : memref<10000x128xf32, #tpu.memory_space<hbm>> -> memref<10000x128xf32, #tpu.memory_space<hbm>>
          tpu.wait_indirect_dma semaphore(%arg13 : memref<!tpu.dma_semaphore, #tpu.memory_space<semaphore_mem>>) src(%dma_wait3A_79 : memref<10000x128xf32, #tpu.memory_space<hbm>>) dst(%arg10 : memref<128x128xf32, #tpu.memory_space<vmem>>)
          "tpu.region"() ({
            %run_scoped3A = tpu.sem_alloc : memref<!tpu.dma_semaphore, #tpu.memory_space<semaphore_mem>>
            %dma_start3A_97 = arith.constant 0 : i32
            %dma_start3A_98 = tpu.memref_slice %arg9[%add3A_66, %dma_start3A_97] : memref<16x128xi32, #tpu.memory_space<vmem>> -> memref<1x128xi32, #tpu.memory_space<vmem>>
            %dma_start3A_99 = tpu.memref_squeeze %dma_start3A_98 : memref<1x128xi32, #tpu.memory_space<vmem>> -> memref<128xi32, #tpu.memory_space<vmem>>
            %dma_start3A_100 = arith.constant 0 : i32
            %dma_start3A_101 = arith.constant 0 : i32
            %dma_start3A_102 = tpu.memref_slice %arg12[%dma_start3A_100, %dma_start3A_101] : memref<10112x128xf32, #tpu.memory_space<vmem_shared>> -> memref<10112x128xf32, #tpu.memory_space<vmem_shared>>
            tpu.enqueue_indirect_dma source(%arg10 : memref<128x128xf32, #tpu.memory_space<vmem>>) target(%dma_start3A_102 : memref<10112x128xf32, #tpu.memory_space<vmem_shared>>) offsets(%dma_start3A_99 : memref<128xi32, #tpu.memory_space<vmem>>) semaphore(%run_scoped3A : memref<!tpu.dma_semaphore, #tpu.memory_space<semaphore_mem>>) {add = true}
            %dma_wait3A_103 = arith.constant 0 : i32
            %dma_wait3A_104 = tpu.memref_slice %arg9[%add3A_66, %dma_wait3A_103] : memref<16x128xi32, #tpu.memory_space<vmem>> -> memref<1x128xi32, #tpu.memory_space<vmem>>
            %dma_wait3A_105 = tpu.memref_squeeze %dma_wait3A_104 : memref<1x128xi32, #tpu.memory_space<vmem>> -> memref<128xi32, #tpu.memory_space<vmem>>
            %dma_wait3A_106 = arith.constant 0 : i32
            %dma_wait3A_107 = arith.constant 0 : i32
            %dma_wait3A_108 = tpu.memref_slice %arg12[%dma_wait3A_106, %dma_wait3A_107] : memref<10112x128xf32, #tpu.memory_space<vmem_shared>> -> memref<10112x128xf32, #tpu.memory_space<vmem_shared>>
            tpu.wait_indirect_dma semaphore(%run_scoped3A : memref<!tpu.dma_semaphore, #tpu.memory_space<semaphore_mem>>) src(%arg10 : memref<128x128xf32, #tpu.memory_space<vmem>>) dst(%dma_wait3A_108 : memref<10112x128xf32, #tpu.memory_space<vmem_shared>>)
            tpu.yield
          }) : () -> ()
          %add3A_80 = arith.constant 2 : i32
          %add3A_81 = arith.addi %add3A_66, %add3A_80 : i32
          %lt3A_82 = arith.constant 16 : i32
          %lt3A_83 = arith.cmpi slt, %add3A_81, %lt3A_82 : i32
          %convert_element_type3A_84 = arith.extui %lt3A_83 : i1 to i32
          %cond3A_85 = arith.constant 0 : i32
          %cond3A_86 = arith.cmpi ne, %convert_element_type3A_84, %cond3A_85 : i32
          scf.if %cond3A_86 {
            %add3A_97 = arith.constant 2 : i32
            %add3A_98 = arith.addi %add3A_66, %add3A_97 : i32
            %dma_start3A_99 = arith.constant 0 : i32
            %dma_start3A_100 = tpu.memref_slice %arg8[%add3A_98, %dma_start3A_99] : memref<16x128xi32, #tpu.memory_space<vmem>> -> memref<1x128xi32, #tpu.memory_space<vmem>>
            %dma_start3A_101 = tpu.memref_squeeze %dma_start3A_100 : memref<1x128xi32, #tpu.memory_space<vmem>> -> memref<128xi32, #tpu.memory_space<vmem>>
            %dma_start3A_102 = arith.constant 0 : i32
            %dma_start3A_103 = arith.constant 0 : i32
            %dma_start3A_104 = tpu.memref_slice %arg2[%dma_start3A_102, %dma_start3A_103] : memref<10000x128xf32, #tpu.memory_space<hbm>> -> memref<10000x128xf32, #tpu.memory_space<hbm>>
            tpu.enqueue_indirect_dma source(%dma_start3A_104 : memref<10000x128xf32, #tpu.memory_space<hbm>>) target(%arg10 : memref<128x128xf32, #tpu.memory_space<vmem>>) offsets(%dma_start3A_101 : memref<128xi32, #tpu.memory_space<vmem>>) semaphore(%arg13 : memref<!tpu.dma_semaphore, #tpu.memory_space<semaphore_mem>>)
          } else {
          }
          %add3A_87 = arith.constant 1 : i32
          %add3A_88 = arith.addi %add3A_66, %add3A_87 : i32
          %dma_wait3A_89 = arith.constant 0 : i32
          %dma_wait3A_90 = tpu.memref_slice %arg8[%add3A_88, %dma_wait3A_89] : memref<16x128xi32, #tpu.memory_space<vmem>> -> memref<1x128xi32, #tpu.memory_space<vmem>>
          %dma_wait3A_91 = tpu.memref_squeeze %dma_wait3A_90 : memref<1x128xi32, #tpu.memory_space<vmem>> -> memref<128xi32, #tpu.memory_space<vmem>>
          %dma_wait3A_92 = arith.constant 0 : i32
          %dma_wait3A_93 = arith.constant 0 : i32
          %dma_wait3A_94 = tpu.memref_slice %arg2[%dma_wait3A_92, %dma_wait3A_93] : memref<10000x128xf32, #tpu.memory_space<hbm>> -> memref<10000x128xf32, #tpu.memory_space<hbm>>
          tpu.wait_indirect_dma semaphore(%arg14 : memref<!tpu.dma_semaphore, #tpu.memory_space<semaphore_mem>>) src(%dma_wait3A_94 : memref<10000x128xf32, #tpu.memory_space<hbm>>) dst(%arg11 : memref<128x128xf32, #tpu.memory_space<vmem>>)
          %add3A_95 = arith.constant 1 : i32
          %add3A_96 = arith.addi %add3A_66, %add3A_95 : i32
          "tpu.region"() ({
            %run_scoped3A = tpu.sem_alloc : memref<!tpu.dma_semaphore, #tpu.memory_space<semaphore_mem>>
            %dma_start3A_97 = arith.constant 0 : i32
            %dma_start3A_98 = tpu.memref_slice %arg9[%add3A_96, %dma_start3A_97] : memref<16x128xi32, #tpu.memory_space<vmem>> -> memref<1x128xi32, #tpu.memory_space<vmem>>
            %dma_start3A_99 = tpu.memref_squeeze %dma_start3A_98 : memref<1x128xi32, #tpu.memory_space<vmem>> -> memref<128xi32, #tpu.memory_space<vmem>>
            %dma_start3A_100 = arith.constant 0 : i32
            %dma_start3A_101 = arith.constant 0 : i32
            %dma_start3A_102 = tpu.memref_slice %arg12[%dma_start3A_100, %dma_start3A_101] : memref<10112x128xf32, #tpu.memory_space<vmem_shared>> -> memref<10112x128xf32, #tpu.memory_space<vmem_shared>>
            tpu.enqueue_indirect_dma source(%arg11 : memref<128x128xf32, #tpu.memory_space<vmem>>) target(%dma_start3A_102 : memref<10112x128xf32, #tpu.memory_space<vmem_shared>>) offsets(%dma_start3A_99 : memref<128xi32, #tpu.memory_space<vmem>>) semaphore(%run_scoped3A : memref<!tpu.dma_semaphore, #tpu.memory_space<semaphore_mem>>) {add = true}
            %dma_wait3A_103 = arith.constant 0 : i32
            %dma_wait3A_104 = tpu.memref_slice %arg9[%add3A_96, %dma_wait3A_103] : memref<16x128xi32, #tpu.memory_space<vmem>> -> memref<1x128xi32, #tpu.memory_space<vmem>>
            %dma_wait3A_105 = tpu.memref_squeeze %dma_wait3A_104 : memref<1x128xi32, #tpu.memory_space<vmem>> -> memref<128xi32, #tpu.memory_space<vmem>>
            %dma_wait3A_106 = arith.constant 0 : i32
            %dma_wait3A_107 = arith.constant 0 : i32
            %dma_wait3A_108 = tpu.memref_slice %arg12[%dma_wait3A_106, %dma_wait3A_107] : memref<10112x128xf32, #tpu.memory_space<vmem_shared>> -> memref<10112x128xf32, #tpu.memory_space<vmem_shared>>
            tpu.wait_indirect_dma semaphore(%run_scoped3A : memref<!tpu.dma_semaphore, #tpu.memory_space<semaphore_mem>>) src(%arg11 : memref<128x128xf32, #tpu.memory_space<vmem>>) dst(%dma_wait3A_108 : memref<10112x128xf32, #tpu.memory_space<vmem_shared>>)
            tpu.yield
          }) : () -> ()
        }
        %scan3A_61 = arith.constant 8 : i32
      }
      %scan3A_32 = arith.constant 10 : i32
      %barrier3A_33 = arith.constant 0 : index
      tpu.barrier barrier_id(%barrier3A_33)
      %lt3A = arith.constant 15 : i32
      %lt3A_34 = arith.cmpi slt, %arg1, %lt3A : i32
      %convert_element_type3A_35 = arith.extui %lt3A_34 : i1 to i32
      %cond3A_36 = arith.constant 0 : i32
      %cond3A_37 = arith.cmpi ne, %convert_element_type3A_35, %cond3A_36 : i32
      scf.if %cond3A_37 {
        "tpu.region"() ({
          %run_scoped3A = tpu.sem_alloc : memref<!tpu.dma_semaphore, #tpu.memory_space<semaphore_mem>>
          %dma_start3A = arith.constant 0 : i32
          %dma_start3A_43 = tpu.memref_slice %arg6[%mul3A_9, %dma_start3A] : memref<10000x128xf32, #tpu.memory_space<hbm>> -> memref<632x128xf32, #tpu.memory_space<hbm>>
          %dma_start3A_44 = arith.constant 0 : i32
          %dma_start3A_45 = tpu.memref_slice %arg12[%mul3A_9, %dma_start3A_44] : memref<10112x128xf32, #tpu.memory_space<vmem_shared>> -> memref<632x128xf32, #tpu.memory_space<vmem_shared>>
          tpu.enqueue_dma source(%dma_start3A_45 : memref<632x128xf32, #tpu.memory_space<vmem_shared>>) target(%dma_start3A_43 : memref<632x128xf32, #tpu.memory_space<hbm>>) target_semaphore(%run_scoped3A : memref<!tpu.dma_semaphore, #tpu.memory_space<semaphore_mem>>)
          %dma_wait3A = arith.constant 0 : i32
          %dma_wait3A_46 = tpu.memref_slice %arg6[%mul3A_9, %dma_wait3A] : memref<10000x128xf32, #tpu.memory_space<hbm>> -> memref<632x128xf32, #tpu.memory_space<hbm>>
          %dma_wait3A_47 = arith.constant 0 : i32
          %dma_wait3A_48 = tpu.memref_slice %arg12[%mul3A_9, %dma_wait3A_47] : memref<10112x128xf32, #tpu.memory_space<vmem_shared>> -> memref<632x128xf32, #tpu.memory_space<vmem_shared>>
          tpu.wait_dma2 semaphore(%run_scoped3A : memref<!tpu.dma_semaphore, #tpu.memory_space<semaphore_mem>>) src(%dma_wait3A_48 : memref<632x128xf32, #tpu.memory_space<vmem_shared>>) dst(%dma_wait3A_46 : memref<632x128xf32, #tpu.memory_space<hbm>>)
          tpu.yield
        }) : () -> ()
      } else {
      }
      %eq3A_38 = arith.constant 15 : i32
      %eq3A_39 = arith.cmpi eq, %arg1, %eq3A_38 : i32
      %convert_element_type3A_40 = arith.extui %eq3A_39 : i1 to i32
      %cond3A_41 = arith.constant 0 : i32
      %cond3A_42 = arith.cmpi ne, %convert_element_type3A_40, %cond3A_41 : i32
      scf.if %cond3A_42 {
        "tpu.region"() ({
          %run_scoped3A = tpu.sem_alloc : memref<!tpu.dma_semaphore, #tpu.memory_space<semaphore_mem>>
          %dma_start3A = arith.constant 9480 : i32
          %dma_start3A_43 = arith.constant 0 : i32
          %dma_start3A_44 = tpu.memref_slice %arg6[%dma_start3A, %dma_start3A_43] : memref<10000x128xf32, #tpu.memory_space<hbm>> -> memref<520x128xf32, #tpu.memory_space<hbm>>
          %dma_start3A_45 = arith.constant 9480 : i32
          %dma_start3A_46 = arith.constant 0 : i32
          %dma_start3A_47 = tpu.memref_slice %arg12[%dma_start3A_45, %dma_start3A_46] : memref<10112x128xf32, #tpu.memory_space<vmem_shared>> -> memref<520x128xf32, #tpu.memory_space<vmem_shared>>
          tpu.enqueue_dma source(%dma_start3A_47 : memref<520x128xf32, #tpu.memory_space<vmem_shared>>) target(%dma_start3A_44 : memref<520x128xf32, #tpu.memory_space<hbm>>) target_semaphore(%run_scoped3A : memref<!tpu.dma_semaphore, #tpu.memory_space<semaphore_mem>>)
          %dma_wait3A = arith.constant 9480 : i32
          %dma_wait3A_48 = arith.constant 0 : i32
          %dma_wait3A_49 = tpu.memref_slice %arg6[%dma_wait3A, %dma_wait3A_48] : memref<10000x128xf32, #tpu.memory_space<hbm>> -> memref<520x128xf32, #tpu.memory_space<hbm>>
          %dma_wait3A_50 = arith.constant 9480 : i32
          %dma_wait3A_51 = arith.constant 0 : i32
          %dma_wait3A_52 = tpu.memref_slice %arg12[%dma_wait3A_50, %dma_wait3A_51] : memref<10112x128xf32, #tpu.memory_space<vmem_shared>> -> memref<520x128xf32, #tpu.memory_space<vmem_shared>>
          tpu.wait_dma2 semaphore(%run_scoped3A : memref<!tpu.dma_semaphore, #tpu.memory_space<semaphore_mem>>) src(%dma_wait3A_52 : memref<520x128xf32, #tpu.memory_space<vmem_shared>>) dst(%dma_wait3A_49 : memref<520x128xf32, #tpu.memory_space<hbm>>)
          tpu.yield
        }) : () -> ()
      } else {
      }
    } else {
    }
    %eq3A_23 = arith.constant 1 : i32
    %eq3A_24 = arith.cmpi eq, %arg0, %eq3A_23 : i32
    %convert_element_type3A_25 = arith.extui %eq3A_24 : i1 to i32
    %cond3A_26 = arith.constant 0 : i32
    %cond3A_27 = arith.cmpi ne, %convert_element_type3A_25, %cond3A_26 : i32
    scf.if %cond3A_27 {
      %scan3A_28 = arith.constant 0 : i32
      %scan3A_29 = arith.constant 10 : i32
      %scan3A_30 = arith.addi %scan3A_28, %scan3A_29 : i32
      %scan3A_31 = arith.constant 1 : i32
      scf.for %scan3A_43 = %scan3A_28 to %scan3A_30 step %scan3A_31  : i32 {
        %mul3A_44 = arith.constant 1 : i32
        %mul3A_45 = arith.muli %scan3A_43, %mul3A_44 : i32
        %add3A_46 = arith.constant 0 : i32
        %add3A_47 = arith.addi %add3A_46, %mul3A_45 : i32
        %mul3A_48 = arith.constant 16 : i32
        %mul3A_49 = arith.muli %add3A_47, %mul3A_48 : i32
        %add3A_50 = arith.addi %add3A, %mul3A_49 : i32
        "tpu.region"() ({
          %run_scoped3A = tpu.sem_alloc : memref<!tpu.dma_semaphore, #tpu.memory_space<semaphore_mem>>
          %dma_start3A_62 = arith.constant 0 : i32
          %dma_start3A_63 = tpu.memref_slice %arg4[%add3A_50, %dma_start3A_62] : memref<2560x128xi32, #tpu.memory_space<hbm>> -> memref<16x128xi32, #tpu.memory_space<hbm>>
          %dma_start3A_64 = arith.constant 0 : i32
          %dma_start3A_65 = tpu.memref_slice %arg4[%add3A_50, %dma_start3A_64] : memref<2560x128xi32, #tpu.memory_space<hbm>> -> memref<16x128xi32, #tpu.memory_space<hbm>>
          tpu.enqueue_dma source(%dma_start3A_65 : memref<16x128xi32, #tpu.memory_space<hbm>>) target(%arg8 : memref<16x128xi32, #tpu.memory_space<vmem>>) target_semaphore(%run_scoped3A : memref<!tpu.dma_semaphore, #tpu.memory_space<semaphore_mem>>)
          %dma_wait3A = arith.constant 0 : i32
          %dma_wait3A_66 = tpu.memref_slice %arg4[%add3A_50, %dma_wait3A] : memref<2560x128xi32, #tpu.memory_space<hbm>> -> memref<16x128xi32, #tpu.memory_space<hbm>>
          %dma_wait3A_67 = arith.constant 0 : i32
          %dma_wait3A_68 = tpu.memref_slice %arg4[%add3A_50, %dma_wait3A_67] : memref<2560x128xi32, #tpu.memory_space<hbm>> -> memref<16x128xi32, #tpu.memory_space<hbm>>
          tpu.wait_dma2 semaphore(%run_scoped3A : memref<!tpu.dma_semaphore, #tpu.memory_space<semaphore_mem>>) src(%dma_wait3A_68 : memref<16x128xi32, #tpu.memory_space<hbm>>) dst(%arg8 : memref<16x128xi32, #tpu.memory_space<vmem>>)
          tpu.yield
        }) : () -> ()
        "tpu.region"() ({
          %run_scoped3A = tpu.sem_alloc : memref<!tpu.dma_semaphore, #tpu.memory_space<semaphore_mem>>
          %dma_start3A_62 = arith.constant 0 : i32
          %dma_start3A_63 = tpu.memref_slice %arg5[%add3A_50, %dma_start3A_62] : memref<2560x128xi32, #tpu.memory_space<hbm>> -> memref<16x128xi32, #tpu.memory_space<hbm>>
          %dma_start3A_64 = arith.constant 0 : i32
          %dma_start3A_65 = tpu.memref_slice %arg5[%add3A_50, %dma_start3A_64] : memref<2560x128xi32, #tpu.memory_space<hbm>> -> memref<16x128xi32, #tpu.memory_space<hbm>>
          tpu.enqueue_dma source(%dma_start3A_65 : memref<16x128xi32, #tpu.memory_space<hbm>>) target(%arg9 : memref<16x128xi32, #tpu.memory_space<vmem>>) target_semaphore(%run_scoped3A : memref<!tpu.dma_semaphore, #tpu.memory_space<semaphore_mem>>)
          %dma_wait3A = arith.constant 0 : i32
          %dma_wait3A_66 = tpu.memref_slice %arg5[%add3A_50, %dma_wait3A] : memref<2560x128xi32, #tpu.memory_space<hbm>> -> memref<16x128xi32, #tpu.memory_space<hbm>>
          %dma_wait3A_67 = arith.constant 0 : i32
          %dma_wait3A_68 = tpu.memref_slice %arg5[%add3A_50, %dma_wait3A_67] : memref<2560x128xi32, #tpu.memory_space<hbm>> -> memref<16x128xi32, #tpu.memory_space<hbm>>
          tpu.wait_dma2 semaphore(%run_scoped3A : memref<!tpu.dma_semaphore, #tpu.memory_space<semaphore_mem>>) src(%dma_wait3A_68 : memref<16x128xi32, #tpu.memory_space<hbm>>) dst(%arg9 : memref<16x128xi32, #tpu.memory_space<vmem>>)
          tpu.yield
        }) : () -> ()
        %dma_start3A = arith.constant 0 : i32
        %dma_start3A_51 = arith.constant 0 : i32
        %dma_start3A_52 = tpu.memref_slice %arg8[%dma_start3A, %dma_start3A_51] : memref<16x128xi32, #tpu.memory_space<vmem>> -> memref<1x128xi32, #tpu.memory_space<vmem>>
        %dma_start3A_53 = tpu.memref_squeeze %dma_start3A_52 : memref<1x128xi32, #tpu.memory_space<vmem>> -> memref<128xi32, #tpu.memory_space<vmem>>
        %dma_start3A_54 = arith.constant 0 : i32
        %dma_start3A_55 = arith.constant 0 : i32
        %dma_start3A_56 = tpu.memref_slice %arg3[%dma_start3A_54, %dma_start3A_55] : memref<10000x128xf32, #tpu.memory_space<hbm>> -> memref<10000x128xf32, #tpu.memory_space<hbm>>
        tpu.enqueue_indirect_dma source(%dma_start3A_56 : memref<10000x128xf32, #tpu.memory_space<hbm>>) target(%arg10 : memref<128x128xf32, #tpu.memory_space<vmem>>) offsets(%dma_start3A_53 : memref<128xi32, #tpu.memory_space<vmem>>) semaphore(%arg13 : memref<!tpu.dma_semaphore, #tpu.memory_space<semaphore_mem>>)
        %scan3A_57 = arith.constant 0 : i32
        %scan3A_58 = arith.constant 8 : i32
        %scan3A_59 = arith.addi %scan3A_57, %scan3A_58 : i32
        %scan3A_60 = arith.constant 1 : i32
        scf.for %scan3A_62 = %scan3A_57 to %scan3A_59 step %scan3A_60  : i32 {
          %mul3A_63 = arith.constant 2 : i32
          %mul3A_64 = arith.muli %scan3A_62, %mul3A_63 : i32
          %add3A_65 = arith.constant 0 : i32
          %add3A_66 = arith.addi %add3A_65, %mul3A_64 : i32
          %add3A_67 = arith.constant 1 : i32
          %add3A_68 = arith.addi %add3A_66, %add3A_67 : i32
          %dma_start3A_69 = arith.constant 0 : i32
          %dma_start3A_70 = tpu.memref_slice %arg8[%add3A_68, %dma_start3A_69] : memref<16x128xi32, #tpu.memory_space<vmem>> -> memref<1x128xi32, #tpu.memory_space<vmem>>
          %dma_start3A_71 = tpu.memref_squeeze %dma_start3A_70 : memref<1x128xi32, #tpu.memory_space<vmem>> -> memref<128xi32, #tpu.memory_space<vmem>>
          %dma_start3A_72 = arith.constant 0 : i32
          %dma_start3A_73 = arith.constant 0 : i32
          %dma_start3A_74 = tpu.memref_slice %arg3[%dma_start3A_72, %dma_start3A_73] : memref<10000x128xf32, #tpu.memory_space<hbm>> -> memref<10000x128xf32, #tpu.memory_space<hbm>>
          tpu.enqueue_indirect_dma source(%dma_start3A_74 : memref<10000x128xf32, #tpu.memory_space<hbm>>) target(%arg11 : memref<128x128xf32, #tpu.memory_space<vmem>>) offsets(%dma_start3A_71 : memref<128xi32, #tpu.memory_space<vmem>>) semaphore(%arg14 : memref<!tpu.dma_semaphore, #tpu.memory_space<semaphore_mem>>)
          %dma_wait3A = arith.constant 0 : i32
          %dma_wait3A_75 = tpu.memref_slice %arg8[%add3A_66, %dma_wait3A] : memref<16x128xi32, #tpu.memory_space<vmem>> -> memref<1x128xi32, #tpu.memory_space<vmem>>
          %dma_wait3A_76 = tpu.memref_squeeze %dma_wait3A_75 : memref<1x128xi32, #tpu.memory_space<vmem>> -> memref<128xi32, #tpu.memory_space<vmem>>
          %dma_wait3A_77 = arith.constant 0 : i32
          %dma_wait3A_78 = arith.constant 0 : i32
          %dma_wait3A_79 = tpu.memref_slice %arg3[%dma_wait3A_77, %dma_wait3A_78] : memref<10000x128xf32, #tpu.memory_space<hbm>> -> memref<10000x128xf32, #tpu.memory_space<hbm>>
          tpu.wait_indirect_dma semaphore(%arg13 : memref<!tpu.dma_semaphore, #tpu.memory_space<semaphore_mem>>) src(%dma_wait3A_79 : memref<10000x128xf32, #tpu.memory_space<hbm>>) dst(%arg10 : memref<128x128xf32, #tpu.memory_space<vmem>>)
          "tpu.region"() ({
            %run_scoped3A = tpu.sem_alloc : memref<!tpu.dma_semaphore, #tpu.memory_space<semaphore_mem>>
            %dma_start3A_97 = arith.constant 0 : i32
            %dma_start3A_98 = tpu.memref_slice %arg9[%add3A_66, %dma_start3A_97] : memref<16x128xi32, #tpu.memory_space<vmem>> -> memref<1x128xi32, #tpu.memory_space<vmem>>
            %dma_start3A_99 = tpu.memref_squeeze %dma_start3A_98 : memref<1x128xi32, #tpu.memory_space<vmem>> -> memref<128xi32, #tpu.memory_space<vmem>>
            %dma_start3A_100 = arith.constant 0 : i32
            %dma_start3A_101 = arith.constant 0 : i32
            %dma_start3A_102 = tpu.memref_slice %arg12[%dma_start3A_100, %dma_start3A_101] : memref<10112x128xf32, #tpu.memory_space<vmem_shared>> -> memref<10112x128xf32, #tpu.memory_space<vmem_shared>>
            tpu.enqueue_indirect_dma source(%arg10 : memref<128x128xf32, #tpu.memory_space<vmem>>) target(%dma_start3A_102 : memref<10112x128xf32, #tpu.memory_space<vmem_shared>>) offsets(%dma_start3A_99 : memref<128xi32, #tpu.memory_space<vmem>>) semaphore(%run_scoped3A : memref<!tpu.dma_semaphore, #tpu.memory_space<semaphore_mem>>) {add = true}
            %dma_wait3A_103 = arith.constant 0 : i32
            %dma_wait3A_104 = tpu.memref_slice %arg9[%add3A_66, %dma_wait3A_103] : memref<16x128xi32, #tpu.memory_space<vmem>> -> memref<1x128xi32, #tpu.memory_space<vmem>>
            %dma_wait3A_105 = tpu.memref_squeeze %dma_wait3A_104 : memref<1x128xi32, #tpu.memory_space<vmem>> -> memref<128xi32, #tpu.memory_space<vmem>>
            %dma_wait3A_106 = arith.constant 0 : i32
            %dma_wait3A_107 = arith.constant 0 : i32
            %dma_wait3A_108 = tpu.memref_slice %arg12[%dma_wait3A_106, %dma_wait3A_107] : memref<10112x128xf32, #tpu.memory_space<vmem_shared>> -> memref<10112x128xf32, #tpu.memory_space<vmem_shared>>
            tpu.wait_indirect_dma semaphore(%run_scoped3A : memref<!tpu.dma_semaphore, #tpu.memory_space<semaphore_mem>>) src(%arg10 : memref<128x128xf32, #tpu.memory_space<vmem>>) dst(%dma_wait3A_108 : memref<10112x128xf32, #tpu.memory_space<vmem_shared>>)
            tpu.yield
          }) : () -> ()
          %add3A_80 = arith.constant 2 : i32
          %add3A_81 = arith.addi %add3A_66, %add3A_80 : i32
          %lt3A_82 = arith.constant 16 : i32
          %lt3A_83 = arith.cmpi slt, %add3A_81, %lt3A_82 : i32
          %convert_element_type3A_84 = arith.extui %lt3A_83 : i1 to i32
          %cond3A_85 = arith.constant 0 : i32
          %cond3A_86 = arith.cmpi ne, %convert_element_type3A_84, %cond3A_85 : i32
          scf.if %cond3A_86 {
            %add3A_97 = arith.constant 2 : i32
            %add3A_98 = arith.addi %add3A_66, %add3A_97 : i32
            %dma_start3A_99 = arith.constant 0 : i32
            %dma_start3A_100 = tpu.memref_slice %arg8[%add3A_98, %dma_start3A_99] : memref<16x128xi32, #tpu.memory_space<vmem>> -> memref<1x128xi32, #tpu.memory_space<vmem>>
            %dma_start3A_101 = tpu.memref_squeeze %dma_start3A_100 : memref<1x128xi32, #tpu.memory_space<vmem>> -> memref<128xi32, #tpu.memory_space<vmem>>
            %dma_start3A_102 = arith.constant 0 : i32
            %dma_start3A_103 = arith.constant 0 : i32
            %dma_start3A_104 = tpu.memref_slice %arg3[%dma_start3A_102, %dma_start3A_103] : memref<10000x128xf32, #tpu.memory_space<hbm>> -> memref<10000x128xf32, #tpu.memory_space<hbm>>
            tpu.enqueue_indirect_dma source(%dma_start3A_104 : memref<10000x128xf32, #tpu.memory_space<hbm>>) target(%arg10 : memref<128x128xf32, #tpu.memory_space<vmem>>) offsets(%dma_start3A_101 : memref<128xi32, #tpu.memory_space<vmem>>) semaphore(%arg13 : memref<!tpu.dma_semaphore, #tpu.memory_space<semaphore_mem>>)
          } else {
          }
          %add3A_87 = arith.constant 1 : i32
          %add3A_88 = arith.addi %add3A_66, %add3A_87 : i32
          %dma_wait3A_89 = arith.constant 0 : i32
          %dma_wait3A_90 = tpu.memref_slice %arg8[%add3A_88, %dma_wait3A_89] : memref<16x128xi32, #tpu.memory_space<vmem>> -> memref<1x128xi32, #tpu.memory_space<vmem>>
          %dma_wait3A_91 = tpu.memref_squeeze %dma_wait3A_90 : memref<1x128xi32, #tpu.memory_space<vmem>> -> memref<128xi32, #tpu.memory_space<vmem>>
          %dma_wait3A_92 = arith.constant 0 : i32
          %dma_wait3A_93 = arith.constant 0 : i32
          %dma_wait3A_94 = tpu.memref_slice %arg3[%dma_wait3A_92, %dma_wait3A_93] : memref<10000x128xf32, #tpu.memory_space<hbm>> -> memref<10000x128xf32, #tpu.memory_space<hbm>>
          tpu.wait_indirect_dma semaphore(%arg14 : memref<!tpu.dma_semaphore, #tpu.memory_space<semaphore_mem>>) src(%dma_wait3A_94 : memref<10000x128xf32, #tpu.memory_space<hbm>>) dst(%arg11 : memref<128x128xf32, #tpu.memory_space<vmem>>)
          %add3A_95 = arith.constant 1 : i32
          %add3A_96 = arith.addi %add3A_66, %add3A_95 : i32
          "tpu.region"() ({
            %run_scoped3A = tpu.sem_alloc : memref<!tpu.dma_semaphore, #tpu.memory_space<semaphore_mem>>
            %dma_start3A_97 = arith.constant 0 : i32
            %dma_start3A_98 = tpu.memref_slice %arg9[%add3A_96, %dma_start3A_97] : memref<16x128xi32, #tpu.memory_space<vmem>> -> memref<1x128xi32, #tpu.memory_space<vmem>>
            %dma_start3A_99 = tpu.memref_squeeze %dma_start3A_98 : memref<1x128xi32, #tpu.memory_space<vmem>> -> memref<128xi32, #tpu.memory_space<vmem>>
            %dma_start3A_100 = arith.constant 0 : i32
            %dma_start3A_101 = arith.constant 0 : i32
            %dma_start3A_102 = tpu.memref_slice %arg12[%dma_start3A_100, %dma_start3A_101] : memref<10112x128xf32, #tpu.memory_space<vmem_shared>> -> memref<10112x128xf32, #tpu.memory_space<vmem_shared>>
            tpu.enqueue_indirect_dma source(%arg11 : memref<128x128xf32, #tpu.memory_space<vmem>>) target(%dma_start3A_102 : memref<10112x128xf32, #tpu.memory_space<vmem_shared>>) offsets(%dma_start3A_99 : memref<128xi32, #tpu.memory_space<vmem>>) semaphore(%run_scoped3A : memref<!tpu.dma_semaphore, #tpu.memory_space<semaphore_mem>>) {add = true}
            %dma_wait3A_103 = arith.constant 0 : i32
            %dma_wait3A_104 = tpu.memref_slice %arg9[%add3A_96, %dma_wait3A_103] : memref<16x128xi32, #tpu.memory_space<vmem>> -> memref<1x128xi32, #tpu.memory_space<vmem>>
            %dma_wait3A_105 = tpu.memref_squeeze %dma_wait3A_104 : memref<1x128xi32, #tpu.memory_space<vmem>> -> memref<128xi32, #tpu.memory_space<vmem>>
            %dma_wait3A_106 = arith.constant 0 : i32
            %dma_wait3A_107 = arith.constant 0 : i32
            %dma_wait3A_108 = tpu.memref_slice %arg12[%dma_wait3A_106, %dma_wait3A_107] : memref<10112x128xf32, #tpu.memory_space<vmem_shared>> -> memref<10112x128xf32, #tpu.memory_space<vmem_shared>>
            tpu.wait_indirect_dma semaphore(%run_scoped3A : memref<!tpu.dma_semaphore, #tpu.memory_space<semaphore_mem>>) src(%arg11 : memref<128x128xf32, #tpu.memory_space<vmem>>) dst(%dma_wait3A_108 : memref<10112x128xf32, #tpu.memory_space<vmem_shared>>)
            tpu.yield
          }) : () -> ()
        }
        %scan3A_61 = arith.constant 8 : i32
      }
      %scan3A_32 = arith.constant 10 : i32
      %barrier3A_33 = arith.constant 0 : index
      tpu.barrier barrier_id(%barrier3A_33)
      %lt3A = arith.constant 15 : i32
      %lt3A_34 = arith.cmpi slt, %arg1, %lt3A : i32
      %convert_element_type3A_35 = arith.extui %lt3A_34 : i1 to i32
      %cond3A_36 = arith.constant 0 : i32
      %cond3A_37 = arith.cmpi ne, %convert_element_type3A_35, %cond3A_36 : i32
      scf.if %cond3A_37 {
        "tpu.region"() ({
          %run_scoped3A = tpu.sem_alloc : memref<!tpu.dma_semaphore, #tpu.memory_space<semaphore_mem>>
          %dma_start3A = arith.constant 0 : i32
          %dma_start3A_43 = tpu.memref_slice %arg7[%mul3A_9, %dma_start3A] : memref<10000x128xf32, #tpu.memory_space<hbm>> -> memref<632x128xf32, #tpu.memory_space<hbm>>
          %dma_start3A_44 = arith.constant 0 : i32
          %dma_start3A_45 = tpu.memref_slice %arg12[%mul3A_9, %dma_start3A_44] : memref<10112x128xf32, #tpu.memory_space<vmem_shared>> -> memref<632x128xf32, #tpu.memory_space<vmem_shared>>
          tpu.enqueue_dma source(%dma_start3A_45 : memref<632x128xf32, #tpu.memory_space<vmem_shared>>) target(%dma_start3A_43 : memref<632x128xf32, #tpu.memory_space<hbm>>) target_semaphore(%run_scoped3A : memref<!tpu.dma_semaphore, #tpu.memory_space<semaphore_mem>>)
          %dma_wait3A = arith.constant 0 : i32
          %dma_wait3A_46 = tpu.memref_slice %arg7[%mul3A_9, %dma_wait3A] : memref<10000x128xf32, #tpu.memory_space<hbm>> -> memref<632x128xf32, #tpu.memory_space<hbm>>
          %dma_wait3A_47 = arith.constant 0 : i32
          %dma_wait3A_48 = tpu.memref_slice %arg12[%mul3A_9, %dma_wait3A_47] : memref<10112x128xf32, #tpu.memory_space<vmem_shared>> -> memref<632x128xf32, #tpu.memory_space<vmem_shared>>
          tpu.wait_dma2 semaphore(%run_scoped3A : memref<!tpu.dma_semaphore, #tpu.memory_space<semaphore_mem>>) src(%dma_wait3A_48 : memref<632x128xf32, #tpu.memory_space<vmem_shared>>) dst(%dma_wait3A_46 : memref<632x128xf32, #tpu.memory_space<hbm>>)
          tpu.yield
        }) : () -> ()
      } else {
      }
      %eq3A_38 = arith.constant 15 : i32
      %eq3A_39 = arith.cmpi eq, %arg1, %eq3A_38 : i32
      %convert_element_type3A_40 = arith.extui %eq3A_39 : i1 to i32
      %cond3A_41 = arith.constant 0 : i32
      %cond3A_42 = arith.cmpi ne, %convert_element_type3A_40, %cond3A_41 : i32
      scf.if %cond3A_42 {
        "tpu.region"() ({
          %run_scoped3A = tpu.sem_alloc : memref<!tpu.dma_semaphore, #tpu.memory_space<semaphore_mem>>
          %dma_start3A = arith.constant 9480 : i32
          %dma_start3A_43 = arith.constant 0 : i32
          %dma_start3A_44 = tpu.memref_slice %arg7[%dma_start3A, %dma_start3A_43] : memref<10000x128xf32, #tpu.memory_space<hbm>> -> memref<520x128xf32, #tpu.memory_space<hbm>>
          %dma_start3A_45 = arith.constant 9480 : i32
          %dma_start3A_46 = arith.constant 0 : i32
          %dma_start3A_47 = tpu.memref_slice %arg12[%dma_start3A_45, %dma_start3A_46] : memref<10112x128xf32, #tpu.memory_space<vmem_shared>> -> memref<520x128xf32, #tpu.memory_space<vmem_shared>>
          tpu.enqueue_dma source(%dma_start3A_47 : memref<520x128xf32, #tpu.memory_space<vmem_shared>>) target(%dma_start3A_44 : memref<520x128xf32, #tpu.memory_space<hbm>>) target_semaphore(%run_scoped3A : memref<!tpu.dma_semaphore, #tpu.memory_space<semaphore_mem>>)
          %dma_wait3A = arith.constant 9480 : i32
          %dma_wait3A_48 = arith.constant 0 : i32
          %dma_wait3A_49 = tpu.memref_slice %arg7[%dma_wait3A, %dma_wait3A_48] : memref<10000x128xf32, #tpu.memory_space<hbm>> -> memref<520x128xf32, #tpu.memory_space<hbm>>
          %dma_wait3A_50 = arith.constant 9480 : i32
          %dma_wait3A_51 = arith.constant 0 : i32
          %dma_wait3A_52 = tpu.memref_slice %arg12[%dma_wait3A_50, %dma_wait3A_51] : memref<10112x128xf32, #tpu.memory_space<vmem_shared>> -> memref<520x128xf32, #tpu.memory_space<vmem_shared>>
          tpu.wait_dma2 semaphore(%run_scoped3A : memref<!tpu.dma_semaphore, #tpu.memory_space<semaphore_mem>>) src(%dma_wait3A_52 : memref<520x128xf32, #tpu.memory_space<vmem_shared>>) dst(%dma_wait3A_49 : memref<520x128xf32, #tpu.memory_space<hbm>>)
          tpu.yield
        }) : () -> ()
      } else {
      }
    } else {
    }
    return
  }
}

module attributes {stable_mosaic.version = 14 : i64} {
  func.func @_prep_body(%arg0: i32, %arg1: memref<1000x128xf32, #tpu.memory_space<vmem>>, %arg2: memref<128x256xf32, #tpu.memory_space<vmem>>, %arg3: memref<1000x1xf32, #tpu.memory_space<vmem>>, %arg4: memref<1000x128xf32, #tpu.memory_space<vmem>>, %arg5: memref<1000x128xf32, #tpu.memory_space<vmem>>) attributes {dimension_semantics = [#tpu.dimension_semantics<arbitrary>], iteration_bounds = array<i64: 10>, scalar_prefetch = 0 : i64, scratch_operands = 0 : i64, tpu.core_type = #tpu.core_type<tc>, window_params = [{transform_indices = @transform_0, window_bounds = array<i64: 1000, 128>}, {pipeline_mode = #tpu.pipeline_mode<synchronous>, transform_indices = @transform_1, window_bounds = array<i64: 128, 256>}, {transform_indices = @transform_2, window_bounds = array<i64: 1000, 1>}, {transform_indices = @transform_3, window_bounds = array<i64: 1000, 128>}, {transform_indices = @transform_4, window_bounds = array<i64: 1000, 128>}]} {
    %get3A = arith.constant 0 : index
    %get3A_0 = arith.constant 0 : index
    %get3A_1 = vector.load %arg3[%get3A, %get3A_0] : memref<1000x1xf32, #tpu.memory_space<vmem>>, vector<1000x1xf32>
    %get3A_2 = arith.constant 0 : index
    %get3A_3 = arith.constant 0 : index
    %get3A_4 = vector.load %arg1[%get3A_2, %get3A_3] : memref<1000x128xf32, #tpu.memory_space<vmem>>, vector<1000x128xf32>
    %get3A_5 = arith.constant 0 : index
    %get3A_6 = arith.constant 0 : index
    %get3A_7 = vector.load %arg2[%get3A_5, %get3A_6] : memref<128x256xf32, #tpu.memory_space<vmem>>, vector<128x256xf32>
    %dot_general3A = arith.constant dense<0.000000e+00> : vector<1000x256xf32>
    %dot_general3A_8 = tpu.matmul %get3A_4, %get3A_7, %dot_general3A {dimension_numbers = #tpu.dot_dimension_numbers<[1], [0], [0], [1], [0, 0, 1, 1], [], []>, transpose_lhs_hint = false} : vector<1000x128xf32>, vector<128x256xf32>, vector<1000x256xf32> -> vector<1000x256xf32>
    %mul3A = vector.broadcast %get3A_1 : vector<1000x1xf32> to vector<1000x256xf32>
    %mul3A_9 = arith.mulf %dot_general3A_8, %mul3A : vector<1000x256xf32>
    %slice3A = vector.extract_strided_slice %mul3A_9 {offsets = [0, 0], sizes = [1000, 128], strides = [1, 1]} : vector<1000x256xf32> to vector<1000x128xf32>
    %swap3A = arith.constant 0 : index
    %swap3A_10 = arith.constant 0 : index
    %swap3A_11 = vector.load %arg4[%swap3A, %swap3A_10] : memref<1000x128xf32, #tpu.memory_space<vmem>>, vector<1000x128xf32>
    tpu.vector_store %arg4[%swap3A, %swap3A_10], %slice3A {strides = array<i32>} : memref<1000x128xf32, #tpu.memory_space<vmem>>, vector<1000x128xf32>,
    %slice3A_12 = vector.extract_strided_slice %mul3A_9 {offsets = [0, 128], sizes = [1000, 128], strides = [1, 1]} : vector<1000x256xf32> to vector<1000x128xf32>
    %swap3A_13 = arith.constant 0 : index
    %swap3A_14 = arith.constant 0 : index
    %swap3A_15 = vector.load %arg5[%swap3A_13, %swap3A_14] : memref<1000x128xf32, #tpu.memory_space<vmem>>, vector<1000x128xf32>
    tpu.vector_store %arg5[%swap3A_13, %swap3A_14], %slice3A_12 {strides = array<i32>} : memref<1000x128xf32, #tpu.memory_space<vmem>>, vector<1000x128xf32>,
    return
  }
  func.func @transform_0(%arg0: i32) -> (i32, i32) {
    %c0_i32 = arith.constant 0 : i32
    %c0_i32_0 = arith.constant 0 : i32
    return %arg0, %c0_i32 : i32, i32
  }
  func.func @transform_1(%arg0: i32) -> (i32, i32) {
    %c0_i32 = arith.constant 0 : i32
    %c0_i32_0 = arith.constant 0 : i32
    %c0_i32_1 = arith.constant 0 : i32
    return %c0_i32, %c0_i32_0 : i32, i32
  }
  func.func @transform_2(%arg0: i32) -> (i32, i32) {
    %c0_i32 = arith.constant 0 : i32
    %c0_i32_0 = arith.constant 0 : i32
    return %arg0, %c0_i32 : i32, i32
  }
  func.func @transform_3(%arg0: i32) -> (i32, i32) {
    %c0_i32 = arith.constant 0 : i32
    %c0_i32_0 = arith.constant 0 : i32
    return %arg0, %c0_i32 : i32, i32
  }
  func.func @transform_4(%arg0: i32) -> (i32, i32) {
    %c0_i32 = arith.constant 0 : i32
    %c0_i32_0 = arith.constant 0 : i32
    return %arg0, %c0_i32 : i32, i32
  }
}

module attributes {stable_mosaic.version = 14 : i64} {
  func.func @_degred_body(%arg0: i32, %arg1: memref<32x10112xf32, #tpu.memory_space<vmem>>, %arg2: memref<10112x1xf32, #tpu.memory_space<vmem>>) attributes {dimension_semantics = [#tpu.dimension_semantics<arbitrary>], iteration_bounds = array<i64: 1>, scalar_prefetch = 0 : i64, scratch_operands = 0 : i64, tpu.core_type = #tpu.core_type<tc>, window_params = [{pipeline_mode = #tpu.pipeline_mode<synchronous>, transform_indices = @transform_0, window_bounds = array<i64: 32, 10112>}, {pipeline_mode = #tpu.pipeline_mode<synchronous>, transform_indices = @transform_1, window_bounds = array<i64: 10112, 1>}]} {
    %get3A = arith.constant 0 : index
    %get3A_0 = arith.constant 0 : index
    %get3A_1 = vector.load %arg1[%get3A, %get3A_0] : memref<32x10112xf32, #tpu.memory_space<vmem>>, vector<32x10112xf32>
    %reduce_sum3A = arith.constant dense<0.000000e+00> : vector<10112xf32>
    %reduce_sum3A_2 = vector.multi_reduction <add>, %get3A_1, %reduce_sum3A [0] : vector<32x10112xf32> to vector<10112xf32>
    %add3A = arith.constant 1.000000e+00 : f32
    %add3A_3 = vector.broadcast %add3A : f32 to vector<10112xf32>
    %add3A_4 = arith.addf %add3A_3, %reduce_sum3A_2 : vector<10112xf32>
    %rsqrt3A = math.rsqrt %add3A_4 : vector<10112xf32>
    %broadcast_in_dim3A = vector.shape_cast %rsqrt3A : vector<10112xf32> to vector<10112x1xf32>
    %swap3A = arith.constant 0 : index
    %swap3A_5 = arith.constant 0 : index
    %swap3A_6 = vector.load %arg2[%swap3A, %swap3A_5] : memref<10112x1xf32, #tpu.memory_space<vmem>>, vector<10112x1xf32>
    tpu.vector_store %arg2[%swap3A, %swap3A_5], %broadcast_in_dim3A {strides = array<i32>} : memref<10112x1xf32, #tpu.memory_space<vmem>>, vector<10112x1xf32>,
    return
  }
  func.func @transform_0(%arg0: i32) -> (i32, i32) {
    %c0_i32 = arith.constant 0 : i32
    %c0_i32_0 = arith.constant 0 : i32
    %c0_i32_1 = arith.constant 0 : i32
    return %c0_i32, %c0_i32_0 : i32, i32
  }
  func.func @transform_1(%arg0: i32) -> (i32, i32) {
    %c0_i32 = arith.constant 0 : i32
    %c0_i32_0 = arith.constant 0 : i32
    %c0_i32_1 = arith.constant 0 : i32
    return %c0_i32, %c0_i32_0 : i32, i32
  }
}

module attributes {stable_mosaic.version = 14 : i64} {
  func.func @body(%arg0: i32, %arg1: memref<1000x128xf32, #tpu.memory_space<vmem>>, %arg2: memref<1000x128xf32, #tpu.memory_space<vmem>>, %arg3: memref<1000x128xf32, #tpu.memory_space<vmem>>, %arg4: memref<1000x128xf32, #tpu.memory_space<vmem>>, %arg5: memref<1000x1xf32, #tpu.memory_space<vmem>>, %arg6: memref<1x256xf32, #tpu.memory_space<vmem>>, %arg7: memref<256x256xf32, #tpu.memory_space<vmem>>, %arg8: memref<1000x128xf32, #tpu.memory_space<vmem>>, %arg9: memref<1000x128xf32, #tpu.memory_space<vmem>>) attributes {dimension_semantics = [#tpu.dimension_semantics<arbitrary>], iteration_bounds = array<i64: 10>, scalar_prefetch = 0 : i64, scratch_operands = 0 : i64, tpu.core_type = #tpu.core_type<tc>, window_params = [{transform_indices = @transform_0, window_bounds = array<i64: 1000, 128>}, {transform_indices = @transform_1, window_bounds = array<i64: 1000, 128>}, {transform_indices = @transform_2, window_bounds = array<i64: 1000, 128>}, {transform_indices = @transform_3, window_bounds = array<i64: 1000, 128>}, {transform_indices = @transform_4, window_bounds = array<i64: 1000, 1>}, {pipeline_mode = #tpu.pipeline_mode<synchronous>, transform_indices = @transform_5, window_bounds = array<i64: 1, 256>}, {pipeline_mode = #tpu.pipeline_mode<synchronous>, transform_indices = @transform_6, window_bounds = array<i64: 256, 256>}, {transform_indices = @transform_7, window_bounds = array<i64: 1000, 128>}, {transform_indices = @transform_8, window_bounds = array<i64: 1000, 128>}]} {
    %get3A = arith.constant 0 : index
    %get3A_0 = arith.constant 0 : index
    %get3A_1 = vector.load %arg5[%get3A, %get3A_0] : memref<1000x1xf32, #tpu.memory_space<vmem>>, vector<1000x1xf32>
    %get3A_2 = arith.constant 0 : index
    %get3A_3 = arith.constant 0 : index
    %get3A_4 = vector.load %arg1[%get3A_2, %get3A_3] : memref<1000x128xf32, #tpu.memory_space<vmem>>, vector<1000x128xf32>
    %get3A_5 = arith.constant 0 : index
    %get3A_6 = arith.constant 0 : index
    %get3A_7 = vector.load %arg3[%get3A_5, %get3A_6] : memref<1000x128xf32, #tpu.memory_space<vmem>>, vector<1000x128xf32>
    %add3A = arith.addf %get3A_4, %get3A_7 : vector<1000x128xf32>
    %get3A_8 = arith.constant 0 : index
    %get3A_9 = arith.constant 0 : index
    %get3A_10 = vector.load %arg2[%get3A_8, %get3A_9] : memref<1000x128xf32, #tpu.memory_space<vmem>>, vector<1000x128xf32>
    %get3A_11 = arith.constant 0 : index
    %get3A_12 = arith.constant 0 : index
    %get3A_13 = vector.load %arg4[%get3A_11, %get3A_12] : memref<1000x128xf32, #tpu.memory_space<vmem>>, vector<1000x128xf32>
    %add3A_14 = arith.addf %get3A_10, %get3A_13 : vector<1000x128xf32>
    %concatenate3A = tpu.concatenate %add3A, %add3A_14 in 1 : vector<1000x128xf32>, vector<1000x128xf32> -> vector<1000x256xf32>
    %mul3A = vector.broadcast %get3A_1 : vector<1000x1xf32> to vector<1000x256xf32>
    %mul3A_15 = arith.mulf %concatenate3A, %mul3A : vector<1000x256xf32>
    %get3A_16 = arith.constant 0 : index
    %get3A_17 = arith.constant 0 : index
    %get3A_18 = vector.load %arg6[%get3A_16, %get3A_17] : memref<1x256xf32, #tpu.memory_space<vmem>>, vector<1x256xf32>
    %add3A_19 = vector.broadcast %get3A_18 : vector<1x256xf32> to vector<1000x256xf32>
    %add3A_20 = arith.addf %mul3A_15, %add3A_19 : vector<1000x256xf32>
    %max3A = arith.constant 0.000000e+00 : f32
    %max3A_21 = vector.broadcast %max3A : f32 to vector<1000x256xf32>
    %max3A_22 = arith.maximumf %add3A_20, %max3A_21 : vector<1000x256xf32>
    %get3A_23 = arith.constant 0 : index
    %get3A_24 = arith.constant 0 : index
    %get3A_25 = vector.load %arg7[%get3A_23, %get3A_24] : memref<256x256xf32, #tpu.memory_space<vmem>>, vector<256x256xf32>
    %dot_general3A = arith.constant dense<0.000000e+00> : vector<1000x256xf32>
    %dot_general3A_26 = tpu.matmul %max3A_22, %get3A_25, %dot_general3A {dimension_numbers = #tpu.dot_dimension_numbers<[1], [0], [0], [1], [0, 0, 1, 1], [], []>, transpose_lhs_hint = false} : vector<1000x256xf32>, vector<256x256xf32>, vector<1000x256xf32> -> vector<1000x256xf32>
    %mul3A_27 = vector.broadcast %get3A_1 : vector<1000x1xf32> to vector<1000x256xf32>
    %mul3A_28 = arith.mulf %dot_general3A_26, %mul3A_27 : vector<1000x256xf32>
    %slice3A = vector.extract_strided_slice %mul3A_28 {offsets = [0, 0], sizes = [1000, 128], strides = [1, 1]} : vector<1000x256xf32> to vector<1000x128xf32>
    %swap3A = arith.constant 0 : index
    %swap3A_29 = arith.constant 0 : index
    %swap3A_30 = vector.load %arg8[%swap3A, %swap3A_29] : memref<1000x128xf32, #tpu.memory_space<vmem>>, vector<1000x128xf32>
    tpu.vector_store %arg8[%swap3A, %swap3A_29], %slice3A {strides = array<i32>} : memref<1000x128xf32, #tpu.memory_space<vmem>>, vector<1000x128xf32>,
    %slice3A_31 = vector.extract_strided_slice %mul3A_28 {offsets = [0, 128], sizes = [1000, 128], strides = [1, 1]} : vector<1000x256xf32> to vector<1000x128xf32>
    %swap3A_32 = arith.constant 0 : index
    %swap3A_33 = arith.constant 0 : index
    %swap3A_34 = vector.load %arg9[%swap3A_32, %swap3A_33] : memref<1000x128xf32, #tpu.memory_space<vmem>>, vector<1000x128xf32>
    tpu.vector_store %arg9[%swap3A_32, %swap3A_33], %slice3A_31 {strides = array<i32>} : memref<1000x128xf32, #tpu.memory_space<vmem>>, vector<1000x128xf32>,
    return
  }
  func.func @transform_0(%arg0: i32) -> (i32, i32) {
    %c0_i32 = arith.constant 0 : i32
    %c0_i32_0 = arith.constant 0 : i32
    return %arg0, %c0_i32 : i32, i32
  }
  func.func @transform_1(%arg0: i32) -> (i32, i32) {
    %c0_i32 = arith.constant 0 : i32
    %c0_i32_0 = arith.constant 0 : i32
    return %arg0, %c0_i32 : i32, i32
  }
  func.func @transform_2(%arg0: i32) -> (i32, i32) {
    %c0_i32 = arith.constant 0 : i32
    %c0_i32_0 = arith.constant 0 : i32
    return %arg0, %c0_i32 : i32, i32
  }
  func.func @transform_3(%arg0: i32) -> (i32, i32) {
    %c0_i32 = arith.constant 0 : i32
    %c0_i32_0 = arith.constant 0 : i32
    return %arg0, %c0_i32 : i32, i32
  }
  func.func @transform_4(%arg0: i32) -> (i32, i32) {
    %c0_i32 = arith.constant 0 : i32
    %c0_i32_0 = arith.constant 0 : i32
    return %arg0, %c0_i32 : i32, i32
  }
  func.func @transform_5(%arg0: i32) -> (i32, i32) {
    %c0_i32 = arith.constant 0 : i32
    %c0_i32_0 = arith.constant 0 : i32
    %c0_i32_1 = arith.constant 0 : i32
    return %c0_i32, %c0_i32_0 : i32, i32
  }
  func.func @transform_6(%arg0: i32) -> (i32, i32) {
    %c0_i32 = arith.constant 0 : i32
    %c0_i32_0 = arith.constant 0 : i32
    %c0_i32_1 = arith.constant 0 : i32
    return %c0_i32, %c0_i32_0 : i32, i32
  }
  func.func @transform_7(%arg0: i32) -> (i32, i32) {
    %c0_i32 = arith.constant 0 : i32
    %c0_i32_0 = arith.constant 0 : i32
    return %arg0, %c0_i32 : i32, i32
  }
  func.func @transform_8(%arg0: i32) -> (i32, i32) {
    %c0_i32 = arith.constant 0 : i32
    %c0_i32_0 = arith.constant 0 : i32
    return %arg0, %c0_i32 : i32, i32
  }
}

module attributes {stable_mosaic.version = 14 : i64} {
  func.func @body(%arg0: i32, %arg1: memref<1000x128xf32, #tpu.memory_space<vmem>>, %arg2: memref<1000x128xf32, #tpu.memory_space<vmem>>, %arg3: memref<1000x128xf32, #tpu.memory_space<vmem>>, %arg4: memref<1000x128xf32, #tpu.memory_space<vmem>>, %arg5: memref<1000x1xf32, #tpu.memory_space<vmem>>, %arg6: memref<1x256xf32, #tpu.memory_space<vmem>>, %arg7: memref<256x128xf32, #tpu.memory_space<vmem>>, %arg8: memref<1000x128xf32, #tpu.memory_space<vmem>>) attributes {dimension_semantics = [#tpu.dimension_semantics<arbitrary>], iteration_bounds = array<i64: 10>, scalar_prefetch = 0 : i64, scratch_operands = 0 : i64, tpu.core_type = #tpu.core_type<tc>, window_params = [{transform_indices = @transform_0, window_bounds = array<i64: 1000, 128>}, {transform_indices = @transform_1, window_bounds = array<i64: 1000, 128>}, {transform_indices = @transform_2, window_bounds = array<i64: 1000, 128>}, {transform_indices = @transform_3, window_bounds = array<i64: 1000, 128>}, {transform_indices = @transform_4, window_bounds = array<i64: 1000, 1>}, {pipeline_mode = #tpu.pipeline_mode<synchronous>, transform_indices = @transform_5, window_bounds = array<i64: 1, 256>}, {pipeline_mode = #tpu.pipeline_mode<synchronous>, transform_indices = @transform_6, window_bounds = array<i64: 256, 128>}, {transform_indices = @transform_7, window_bounds = array<i64: 1000, 128>}]} {
    %get3A = arith.constant 0 : index
    %get3A_0 = arith.constant 0 : index
    %get3A_1 = vector.load %arg5[%get3A, %get3A_0] : memref<1000x1xf32, #tpu.memory_space<vmem>>, vector<1000x1xf32>
    %get3A_2 = arith.constant 0 : index
    %get3A_3 = arith.constant 0 : index
    %get3A_4 = vector.load %arg1[%get3A_2, %get3A_3] : memref<1000x128xf32, #tpu.memory_space<vmem>>, vector<1000x128xf32>
    %get3A_5 = arith.constant 0 : index
    %get3A_6 = arith.constant 0 : index
    %get3A_7 = vector.load %arg3[%get3A_5, %get3A_6] : memref<1000x128xf32, #tpu.memory_space<vmem>>, vector<1000x128xf32>
    %add3A = arith.addf %get3A_4, %get3A_7 : vector<1000x128xf32>
    %get3A_8 = arith.constant 0 : index
    %get3A_9 = arith.constant 0 : index
    %get3A_10 = vector.load %arg2[%get3A_8, %get3A_9] : memref<1000x128xf32, #tpu.memory_space<vmem>>, vector<1000x128xf32>
    %get3A_11 = arith.constant 0 : index
    %get3A_12 = arith.constant 0 : index
    %get3A_13 = vector.load %arg4[%get3A_11, %get3A_12] : memref<1000x128xf32, #tpu.memory_space<vmem>>, vector<1000x128xf32>
    %add3A_14 = arith.addf %get3A_10, %get3A_13 : vector<1000x128xf32>
    %concatenate3A = tpu.concatenate %add3A, %add3A_14 in 1 : vector<1000x128xf32>, vector<1000x128xf32> -> vector<1000x256xf32>
    %mul3A = vector.broadcast %get3A_1 : vector<1000x1xf32> to vector<1000x256xf32>
    %mul3A_15 = arith.mulf %concatenate3A, %mul3A : vector<1000x256xf32>
    %get3A_16 = arith.constant 0 : index
    %get3A_17 = arith.constant 0 : index
    %get3A_18 = vector.load %arg6[%get3A_16, %get3A_17] : memref<1x256xf32, #tpu.memory_space<vmem>>, vector<1x256xf32>
    %add3A_19 = vector.broadcast %get3A_18 : vector<1x256xf32> to vector<1000x256xf32>
    %add3A_20 = arith.addf %mul3A_15, %add3A_19 : vector<1000x256xf32>
    %max3A = arith.constant 0.000000e+00 : f32
    %max3A_21 = vector.broadcast %max3A : f32 to vector<1000x256xf32>
    %max3A_22 = arith.maximumf %add3A_20, %max3A_21 : vector<1000x256xf32>
    %get3A_23 = arith.constant 0 : index
    %get3A_24 = arith.constant 0 : index
    %get3A_25 = vector.load %arg7[%get3A_23, %get3A_24] : memref<256x128xf32, #tpu.memory_space<vmem>>, vector<256x128xf32>
    %dot_general3A = arith.constant dense<0.000000e+00> : vector<1000x128xf32>
    %dot_general3A_26 = tpu.matmul %max3A_22, %get3A_25, %dot_general3A {dimension_numbers = #tpu.dot_dimension_numbers<[1], [0], [0], [1], [0, 0, 1, 1], [], []>, transpose_lhs_hint = false} : vector<1000x256xf32>, vector<256x128xf32>, vector<1000x128xf32> -> vector<1000x128xf32>
    %mul3A_27 = vector.broadcast %get3A_1 : vector<1000x1xf32> to vector<1000x128xf32>
    %mul3A_28 = arith.mulf %dot_general3A_26, %mul3A_27 : vector<1000x128xf32>
    %swap3A = arith.constant 0 : index
    %swap3A_29 = arith.constant 0 : index
    %swap3A_30 = vector.load %arg8[%swap3A, %swap3A_29] : memref<1000x128xf32, #tpu.memory_space<vmem>>, vector<1000x128xf32>
    tpu.vector_store %arg8[%swap3A, %swap3A_29], %mul3A_28 {strides = array<i32>} : memref<1000x128xf32, #tpu.memory_space<vmem>>, vector<1000x128xf32>,
    return
  }
  func.func @transform_0(%arg0: i32) -> (i32, i32) {
    %c0_i32 = arith.constant 0 : i32
    %c0_i32_0 = arith.constant 0 : i32
    return %arg0, %c0_i32 : i32, i32
  }
  func.func @transform_1(%arg0: i32) -> (i32, i32) {
    %c0_i32 = arith.constant 0 : i32
    %c0_i32_0 = arith.constant 0 : i32
    return %arg0, %c0_i32 : i32, i32
  }
  func.func @transform_2(%arg0: i32) -> (i32, i32) {
    %c0_i32 = arith.constant 0 : i32
    %c0_i32_0 = arith.constant 0 : i32
    return %arg0, %c0_i32 : i32, i32
  }
  func.func @transform_3(%arg0: i32) -> (i32, i32) {
    %c0_i32 = arith.constant 0 : i32
    %c0_i32_0 = arith.constant 0 : i32
    return %arg0, %c0_i32 : i32, i32
  }
  func.func @transform_4(%arg0: i32) -> (i32, i32) {
    %c0_i32 = arith.constant 0 : i32
    %c0_i32_0 = arith.constant 0 : i32
    return %arg0, %c0_i32 : i32, i32
  }
  func.func @transform_5(%arg0: i32) -> (i32, i32) {
    %c0_i32 = arith.constant 0 : i32
    %c0_i32_0 = arith.constant 0 : i32
    %c0_i32_1 = arith.constant 0 : i32
    return %c0_i32, %c0_i32_0 : i32, i32
  }
  func.func @transform_6(%arg0: i32) -> (i32, i32) {
    %c0_i32 = arith.constant 0 : i32
    %c0_i32_0 = arith.constant 0 : i32
    %c0_i32_1 = arith.constant 0 : i32
    return %c0_i32, %c0_i32_0 : i32, i32
  }
  func.func @transform_7(%arg0: i32) -> (i32, i32) {
    %c0_i32 = arith.constant 0 : i32
    %c0_i32_0 = arith.constant 0 : i32
    return %arg0, %c0_i32 : i32, i32
  }
}

module attributes {stable_mosaic.version = 14 : i64} {
  func.func @_final_body(%arg0: i32, %arg1: memref<1000x128xf32, #tpu.memory_space<vmem>>, %arg2: memref<1000x128xf32, #tpu.memory_space<vmem>>, %arg3: memref<1000x128xf32, #tpu.memory_space<vmem>>, %arg4: memref<1000x1xf32, #tpu.memory_space<vmem>>, %arg5: memref<1x128xf32, #tpu.memory_space<vmem>>, %arg6: memref<1000x128xf32, #tpu.memory_space<vmem>>) attributes {dimension_semantics = [#tpu.dimension_semantics<arbitrary>], iteration_bounds = array<i64: 10>, scalar_prefetch = 0 : i64, scratch_operands = 0 : i64, tpu.core_type = #tpu.core_type<tc>, window_params = [{transform_indices = @transform_0, window_bounds = array<i64: 1000, 128>}, {transform_indices = @transform_1, window_bounds = array<i64: 1000, 128>}, {transform_indices = @transform_2, window_bounds = array<i64: 1000, 128>}, {transform_indices = @transform_3, window_bounds = array<i64: 1000, 1>}, {pipeline_mode = #tpu.pipeline_mode<synchronous>, transform_indices = @transform_4, window_bounds = array<i64: 1, 128>}, {transform_indices = @transform_5, window_bounds = array<i64: 1000, 128>}]} {
    %get3A = arith.constant 0 : index
    %get3A_0 = arith.constant 0 : index
    %get3A_1 = vector.load %arg1[%get3A, %get3A_0] : memref<1000x128xf32, #tpu.memory_space<vmem>>, vector<1000x128xf32>
    %get3A_2 = arith.constant 0 : index
    %get3A_3 = arith.constant 0 : index
    %get3A_4 = vector.load %arg2[%get3A_2, %get3A_3] : memref<1000x128xf32, #tpu.memory_space<vmem>>, vector<1000x128xf32>
    %add3A = arith.addf %get3A_1, %get3A_4 : vector<1000x128xf32>
    %get3A_5 = arith.constant 0 : index
    %get3A_6 = arith.constant 0 : index
    %get3A_7 = vector.load %arg3[%get3A_5, %get3A_6] : memref<1000x128xf32, #tpu.memory_space<vmem>>, vector<1000x128xf32>
    %add3A_8 = arith.addf %add3A, %get3A_7 : vector<1000x128xf32>
    %get3A_9 = arith.constant 0 : index
    %get3A_10 = arith.constant 0 : index
    %get3A_11 = vector.load %arg4[%get3A_9, %get3A_10] : memref<1000x1xf32, #tpu.memory_space<vmem>>, vector<1000x1xf32>
    %mul3A = vector.broadcast %get3A_11 : vector<1000x1xf32> to vector<1000x128xf32>
    %mul3A_12 = arith.mulf %add3A_8, %mul3A : vector<1000x128xf32>
    %get3A_13 = arith.constant 0 : index
    %get3A_14 = arith.constant 0 : index
    %get3A_15 = vector.load %arg5[%get3A_13, %get3A_14] : memref<1x128xf32, #tpu.memory_space<vmem>>, vector<1x128xf32>
    %add3A_16 = vector.broadcast %get3A_15 : vector<1x128xf32> to vector<1000x128xf32>
    %add3A_17 = arith.addf %mul3A_12, %add3A_16 : vector<1000x128xf32>
    %swap3A = arith.constant 0 : index
    %swap3A_18 = arith.constant 0 : index
    %swap3A_19 = vector.load %arg6[%swap3A, %swap3A_18] : memref<1000x128xf32, #tpu.memory_space<vmem>>, vector<1000x128xf32>
    tpu.vector_store %arg6[%swap3A, %swap3A_18], %add3A_17 {strides = array<i32>} : memref<1000x128xf32, #tpu.memory_space<vmem>>, vector<1000x128xf32>,
    return
  }
  func.func @transform_0(%arg0: i32) -> (i32, i32) {
    %c0_i32 = arith.constant 0 : i32
    %c0_i32_0 = arith.constant 0 : i32
    return %arg0, %c0_i32 : i32, i32
  }
  func.func @transform_1(%arg0: i32) -> (i32, i32) {
    %c0_i32 = arith.constant 0 : i32
    %c0_i32_0 = arith.constant 0 : i32
    return %arg0, %c0_i32 : i32, i32
  }
  func.func @transform_2(%arg0: i32) -> (i32, i32) {
    %c0_i32 = arith.constant 0 : i32
    %c0_i32_0 = arith.constant 0 : i32
    return %arg0, %c0_i32 : i32, i32
  }
  func.func @transform_3(%arg0: i32) -> (i32, i32) {
    %c0_i32 = arith.constant 0 : i32
    %c0_i32_0 = arith.constant 0 : i32
    return %arg0, %c0_i32 : i32, i32
  }
  func.func @transform_4(%arg0: i32) -> (i32, i32) {
    %c0_i32 = arith.constant 0 : i32
    %c0_i32_0 = arith.constant 0 : i32
    %c0_i32_1 = arith.constant 0 : i32
    return %c0_i32, %c0_i32_0 : i32, i32
  }
  func.func @transform_5(%arg0: i32) -> (i32, i32) {
    %c0_i32 = arith.constant 0 : i32
    %c0_i32_0 = arith.constant 0 : i32
    return %arg0, %c0_i32 : i32, i32
  }
}

</mosaic_0001>

<sc_bundles>
// kernel: gcn_sc_agg.11.cloned.1.call-start
scs
__scs_entry_jumppad:
0x0: {  	(pc) =	sbr.rel $0x88, $3  }
0x1: {  	(tag) =	ssettag $0x0;
	lr =	simm.s32 $0x1  }
0x2: {  	[smem:$0x3F99] =	sst lr;
	_ =	strace $0xD0000000  }
0x3: {  	_ = 	snop  }
0x4: {  	_ = 	snop  }
0x5: {  	_ = 	snop  }
0x6: {  	_ = 	snop  }
0x7: {  	_ = 	snop  }
__scs_overlays_trampoline_lowered:
0x8: {  	[smem:$0x3FA8] =	sst s0  }
0x9: {  	[smem:$0x3FA9] =	sst s1  }
0xa: {  	[smem:$0x3FAA] =	sst s2  }
0xb: {  	[smem:$0x3FAB] =	sst s3  }
0xc: {  	[smem:$0x3FAC] =	sst s4  }
0xd: {  	[smem:$0x3FAD] =	sst s5  }
0xe: {  	[smem:$0x3FAE] =	sst s6  }
0xf: {  	[smem:$0x3FAF] =	sst s7  }
0x10: {  	[smem:$0x3FB0] =	sst s8  }
0x11: {  	[smem:$0x3FB1] =	sst s9;
	s0 =	simm.s32 @!p0 $0x0  }
0x12: {  	s1 =	sld [smem:$0x3F97];
	s0 =	simm.s32 @p0 $0x1  }
0x13: {  	[smem:$0x3FB2] =	sst s0;
	s0 =	simm.s32 @!p1 $0x0  }
0x14: {  	s2 =	sld [smem:$0x3F96];
	s0 =	simm.s32 @p1 $0x1  }
0x15: {  	[smem:$0x3FB3] =	sst s0;
	s0 =	simm.s32 @!p2 $0x0  }
0x16: {  	s3 =	sld [smem:$0x3FDB];
	s0 =	simm.s32 @p2 $0x1  }
0x17: {  	s4 =	simm.s32 $0x1BF5;
	[smem:$0x3FB5] =	sst s0  }
0x18: {  	s0 =	sld [smem:$0x3F98];
	_ =	swait.ge [sflag:s4], $0x0  }
0x19: {  	s7 =	sld [smem:$0x3F99]  }
0x1a: {  	s8 =	sadd.s32 $0xFFFFE003, lr  }
0x1b: {  	s9 =	sadd.s32 $0xFFFFFEF7, lr;
	s5 =	simm.s32 $0xFFFFFFFF;
	p2 =	slt.u32 s8, $0xFFFFF086  }
0x1c: {  	p1 =	slt.u32 s9, $0xF7A;
	s5 =	simm.s32 @!p2 $0x0  }
0x1d: {  	s5 =	simm.s32 @p1 $0x1;
	p0 =	seq.s32 s7, s2  }
0x1e: {  	s7 =	smul.u32 @!p0 $0xF7A, s2;
	p2 =	seq.s32 @!p0 s5, $0x0  }
0x1f: {  	s9 =	smul.u32 $0xF7A, s1;
	s8 =	simm.s32 @!p0 $0x1BF5;
	p2 =	por !p2, p0  }
0x20: {  	[sflag:s8] =	ssyncset.s32 @!p0 $0xFFFFF086;
	s6 =	sadd.s32 @!p0 s3, s7;
	s7 =	simm.s32 @!p0 $0x108  }
0x21: {  	s3 =	sadd.s32 s3, s9;
	s6 =	sadd.s32 @!p0 $0x88, s6;
	s7 =	simm.s32 @p2 $0x1082  }
0x22: {  	[simem:s7], [sflag:s8] =	dma.local @!p0 [hbm:s6], $0xF7A  }
0x23: {  	s9 =	sor.u32 $0xD0000000, s2;
	s6 =	simm.s32 $0x108;
	_ =	swait.ge @!p0 [sflag:s8], $0x0  }
0x24: {  	s3 =	sadd.s32 $0x88, s3;
	s6 =	simm.s32 @!p1 $0x1082;
	[sflag:s4] =	ssyncset.s32 $0xFFFFF086  }
0x25: {  	[simem:s6], [sflag:s4] =	dma.local [hbm:s3], $0xF7A  }
0x26: {  	[smem:$0x3F99] =	sst s1;
	(tag) =	ssettag s2;
	_ =	strace s9  }
0x27: {  	s1 =	sld [smem:$0x3FA9]  }
0x28: {  	s2 =	sld [smem:$0x3FAA]  }
0x29: {  	s4 =	sld [smem:$0x3FAC]  }
0x2a: {  	p0 =	seq.s32 s5, $0x0;
	s5 =	sld [smem:$0x3FAD]  }
0x2b: {  	s6 =	sld [smem:$0x3FAE]  }
0x2c: {  	s7 =	sld [smem:$0x3FAF]  }
0x2d: {  	s3 =	simm.s32 $0x108;
	s8 =	sld [smem:$0x3FB0]  }
0x2e: {  	s3 =	simm.s32 @!p0 $0x1082;
	s9 =	sld [smem:$0x3FB1]  }
0x2f: {  	lr =	sadd.s32 s0, s3;
	s0 =	sld [smem:$0x3FA8]  }
0x30: {  	s3 =	sld [smem:$0x3FAB]  }
0x31: {  	[smem:$0x3FB4] =	sst s10  }
0x32: {  	s10 =	sld [smem:$0x3FB2];
	_ =	sdelay $0x3  }
0x33: {  	p0 =	seq.s32 s10, $0x1;
	s10 =	sld [smem:$0x3FB4];
	_ =	sdelay $0x3  }
0x34: {  	[smem:$0x3FB4] =	sst s10  }
0x35: {  	s10 =	sld [smem:$0x3FB3];
	_ =	sdelay $0x3  }
0x36: {  	p1 =	seq.s32 s10, $0x1;
	s10 =	sld [smem:$0x3FB4];
	_ =	sdelay $0x3  }
0x37: {  	[smem:$0x3FB4] =	sst s10  }
0x38: {  	s10 =	sld [smem:$0x3FB5]  }
0x39: {  	_ = 	snop;
	(pc) =	sbr.ind lr, $3  }
0x3a: {  	_ = 	snop  }
0x3b: {  	_ = 	snop  }
0x3c: {  	p2 =	seq.s32 s10, $0x1;
	s10 =	sld [smem:$0x3FB4]  }
0x3d: {  	_ =	shalt  }
0x3e: {  	_ =	shalt  }
0x3f: {  	_ =	shalt  }
0x40: {  	_ =	shalt  }
0x41: {  	_ =	shalt  }
0x42: {  	_ =	shalt  }
0x43: {  	_ =	shalt  }
0x44: {  	_ =	shalt  }
0x45: {  	_ =	shalt  }
0x46: {  	_ =	shalt  }
0x47: {  	_ =	shalt  }
0x48: {  	_ =	shalt  }
0x49: {  	_ =	shalt  }
0x4a: {  	_ =	shalt  }
0x4b: {  	_ =	shalt  }
0x4c: {  	_ =	shalt  }
0x4d: {  	_ =	shalt  }
0x4e: {  	_ =	shalt  }
0x4f: {  	_ =	shalt  }
0x50: {  	_ =	shalt  }
0x51: {  	_ =	shalt  }
0x52: {  	_ =	shalt  }
0x53: {  	_ =	shalt  }
0x54: {  	_ =	shalt  }
0x55: {  	_ =	shalt  }
0x56: {  	_ =	shalt  }
0x57: {  	_ =	shalt  }
0x58: {  	_ =	shalt  }
0x59: {  	_ =	shalt  }
0x5a: {  	_ =	shalt  }
0x5b: {  	_ =	shalt  }
0x5c: {  	_ =	shalt  }
0x5d: {  	_ =	shalt  }
0x5e: {  	_ =	shalt  }
0x5f: {  	_ =	shalt  }
0x60: {  	_ =	shalt  }
0x61: {  	_ =	shalt  }
0x62: {  	_ =	shalt  }
0x63: {  	_ =	shalt  }
0x64: {  	_ =	shalt  }
0x65: {  	_ =	shalt  }
0x66: {  	_ =	shalt  }
0x67: {  	_ =	shalt  }
0x68: {  	_ =	shalt  }
0x69: {  	_ =	shalt  }
0x6a: {  	_ =	shalt  }
0x6b: {  	_ =	shalt  }
0x6c: {  	_ =	shalt  }
0x6d: {  	_ =	shalt  }
0x6e: {  	_ =	shalt  }
0x6f: {  	_ =	shalt  }
0x70: {  	_ =	shalt  }
0x71: {  	_ =	shalt  }
0x72: {  	_ =	shalt  }
0x73: {  	_ =	shalt  }
0x74: {  	_ =	shalt  }
0x75: {  	_ =	shalt  }
0x76: {  	_ =	shalt  }
0x77: {  	_ =	shalt  }
0x78: {  	_ =	shalt  }
0x79: {  	_ =	shalt  }
0x7a: {  	_ =	shalt  }
0x7b: {  	_ =	shalt  }
0x7c: {  	_ =	shalt  }
0x7d: {  	_ =	shalt  }
0x7e: {  	_ =	shalt  }
0x7f: {  	_ =	shalt  }
0x80: {  	_ =	shalt  }
0x81: {  	_ =	shalt  }
0x82: {  	_ =	shalt  }
0x83: {  	_ =	shalt  }
0x84: {  	_ =	shalt  }
0x85: {  	_ =	shalt  }
0x86: {  	_ =	shalt  }
0x87: {  	_ =	shalt  }
.Lfunc_end0:
.L_simem_size_0:
called_computation.3_lowered:
.L_overlay_start_0:
0x88: {  	s2 =	sld [smem:$0x3FD9]  }
0x89: {  	s3 =	sld [smem:$0x3FFE];
	_ =	sdelay $0x1  }
0x8a: {  	s1 =	srdreg.scid  }
0x8b: {  	s0 =	sand.u32 $0x1, s1  }
0x8c: {  	s17 =	sshll.u32 s0, $0xA;
	s2 =	sadd.s32 s3, s2  }
0x8d: {  	s2 =	sadd.s32 s2, s17  }
0x8e: {  	[smem:$0x3FC0] =	sst s2  }
0x8f: {  	_ = 	snop  }
0x90: {  	s2 =	sld [smem:$0x3FD0];
	(tm) =	ssettm $0x1  }
0x91: {  	s18 =	sld [smem:$0x3FFB];
	_ =	sdelay $0x3  }
0x92: {  	_ =	strace s18  }
0x93: {  	s3 =	sld [smem:$0x3FFC];
	_ =	sdelay $0x3  }
0x94: {  	_ =	strace s3  }
0x95: {  	s3 =	sld [smem:$0x3FFD];
	_ =	sdelay $0x3  }
0x96: {  	_ =	strace s3  }
0x97: {  	_ =	strace $0x8FFFFFFF  }
0x98: {  	s19 =	sld [smem:$0x3FDB];
	_ =	sdelay $0x1  }
0x99: {  	s4 =	simm.s32 $_scs_section_size  }
0x9a: {  	s5 =	simm.s32 $_size__tile_overlayer_lowered;
	s6 =	simm.s32 $_tile_overlayer_lowered  }
0x9b: {  	s22 =	simm.s32 $0x1BFF;
	s21 =	sshll.u32 s6, $0x1;
	s3 =	sadd.s32 s4, s19  }
0x9c: {  	s7 =	simm.s32 $0x0;
	s20 =	sshll.u32 s5, $0x1;
	s5 =	sadd.s32 s21, s3  }
0x9d: {  	[timem:s7], [sflag:s22] =	dma.local [hbm:s5], s20  }
0x9e: {  	_ =	swait.ge [sflag:s22], s20  }
0x9f: {  	s4 =	ssub.s32 $0x0, s20;
	[sflag:s22] =	ssyncset.done $0x0  }
0xa0: {  	[sflag:s22] =	ssyncadd.s32 s4;
	_ =	sdelay $0x1  }
0xa1: {  	s23 =	simm.s32 $0x1B8B  }
0xa2: {  	_ =	swait.ge [sflag:s23], $0x1  }
0xa3: {  	[sflag:s23] =	ssyncset.done $0x0  }
0xa4: {  	s25 =	simm.s32 $0x1B8E;
	s24 =	sld [smem:$0x3FFE];
	[sflag:s23] =	ssyncadd.s32 $0xFFFFFFFF  }
0xa5: {  	s26 =	simm.s32 $execute0_lowered;
	[smem:$0x3FD2] =	sst s25  }
0xa6: {  	s5 =	sshll.u32 s26, $0x1;
	_ =	strace $0x8000004F;
	[dreg:$0x1] =	wrdreg $0xFFFFFFFF  }
0xa7: {  	s28 =	simm.s32 $_size_execute0_lowered;
	s3 =	sadd.s32 s3, s5;
	[dreg:$0x0] =	wrdreg $0x0  }
0xa8: {  	s5 =	sshll.u32 s28, $0x1;
	[dreg:$0x2] =	wrdreg s3  }
0xa9: {  	[dreg:$0x3] =	wrdreg s5  }
0xaa: {  	[dreg:$0x4] =	wrdreg $0xC0  }
0xab: {  	_ =	task [dreg:s7], $0x5FFFF  }
0xac: {  	[dreg:$0x1] =	wrdreg $0xFFFFFFFF  }
0xad: {  	[dreg:$0x0] =	wrdreg $0x60  }
0xae: {  	[dreg:$0x2] =	wrdreg s2  }
0xaf: {  	[dreg:$0x3] =	wrdreg s24  }
0xb0: {  	[dreg:$0x4] =	wrdreg $0x90000  }
0xb1: {  	[dreg:$0x5] =	wrdreg $0x9  }
0xb2: {  	_ =	task.clear_ibuf [dreg:s7], $0x6FFFF;
	_ =	strace $0x9000004F  }
0xb3: {  	s29 =	simm.s32 $0x9;
	_ =	strace $0x80000051  }
0xb4: {  	_ =	swait.ge [sflag:s29], $0x1  }
0xb5: {  	[sflag:s29] =	ssyncadd.s32 $0xFFFFFFFF  }
0xb6: {  	_ =	strace $0x90000051  }
0xb7: {  	_ =	sfence  }
0xb8: {  	s30 =	sld [smem:$0x0];
	_ =	sdelay $0x2  }
0xb9: {  	s31 =	sshll.u32 s1, $0xD;
	s1 =	sshrl.u32 s1, $0x2  }
0xba: {  	s3 =	sand.u32 $0x4000, s31;
	s1 =	sadd.s32 s1, s30  }
0xbb: {  	s0 =	sor.u32 s3, s0;
	s1 =	sshll.u32 s1, $0x11  }
0xbc: {  	s0 =	sor.u32 s1, s0  }
0xbd: {  	s0 =	sadd.s32 $0x8F2B, s0  }
0xbe: {  	[sflag:s0] =	ssyncadd.remote.s32 $0x1  }
0xbf: {  	_ =	sfence.sel $0xFFFF  }
0xc0: {  	[dreg:$0x0] =	wrdreg $0xFFFFFFFF;
	(pc) =	sbr.abs _section_cstart, $3  }
0xc1: {  	[dreg:$0x1] =	wrdreg $0xFFFFFFFF  }
0xc2: {  	_ =	task.clear_ibuf [dreg:s7], $0x2FFFF;
	_ =	strace $0x9FFFFFFF  }
0xc3: {  	(tm) =	ssettm $0x7FFFFFFF  }
tec
execute0_lowered:
.L_overlay_start_1:
0x0: {  	(tag) =	ssettag $0x1  }
0x1: {  	s2 =	rddreg [dreg:$0x0]  }
0x2: {  	s0 =	rddreg [dreg:$0x1]  }
0x3: {  	s3 =	rddreg [dreg:$0x2];
	s10 =	stileid.u32;
	s4 =	simm.s32 $0x0  }
0x4: {  	s5 =	srdreg.scid;
	s13 =	simm.s32 $0xB00;
	s14 =	simm.s32 $0x400  }
0x5: {  	s11 =	simm.s32 $0x580;
	s28 =	simm.s32 $0xE80;
	s29 =	simm.s32 $0x780  }
0x6: {  	s30 =	simm.s32 $0xF00;
	s31 =	simm.s32 $0xF80;
	s1 =	smul.u32 $0x500, s10  }
0x7: {  	[smem:$0x7FF] =	sst s4;
	s5 =	sand.u32 $0x1, s5;
	s6 =	smul.u32 $0x4F000, s10  }
0x8: {  	s7 =	smul.u32 $0x2780, s10;
	s19 =	sadd.s32 $0x128400, s3;
	s20 =	sadd.s32 $0x6F680, s0  }
0x9: {  	p1 =	seq.s32 s10, $0xF;
	s10 =	simm.s32 $0x0;
	_ =	strace $0x80000050  }
0xa: {  	s8 =	ssub.s32 $0x2, s5;
	p0 =	seq.s32 s5, $0x1;
	[dreg:$0xe] =	wrdreg s19  }
0xb: {  	[dreg:$0xf] =	wrdreg s20;
	s19 =	simm.s32 $0x80;
	s20 =	simm.s32 $0x5000  }
0xc: {  	s5 =	simm.s32 $0x600;
	s1 =	sadd.s32 s1, s0;
	s9 =	sshrl.u32 s8, $0x1  }
0xd: {  	s6 =	sshrl.u32 s6, $0x2;
	s7 =	sadd.s32 s7, s0;
	s0 =	sadd.s32 $0x96880, s0  }
0xe: {  	s8 =	ssub.s32 s8, s9;
	s6 =	sadd.s32 s6, s3;
	[dreg:$0x11] =	wrdreg s0  }
0xf: {  	s18 =	sadd.s32 $0x4A600, s7;
	s21 =	sadd.s32 $0xC9C00, s1;
	[dreg:$0x8] =	wrdreg s6  }
0x10: {  	s22 =	sadd.s32 $0x71800, s7;
	s23 =	sadd.s32 $0xBFC00, s1;
	[dreg:$0xd] =	wrdreg s18  }
0x11: {  	s24 =	sadd.s32 $0xCEC00, s1;
	s26 =	sadd.s32 $0xC4C00, s1;
	[dreg:$0x10] =	wrdreg s22  }
0x12: {  	s1 =	simm.s32 $0xB80;
	s7 =	simm.s32 $0xC00;
	[dreg:$0x4] =	wrdreg s21  }
0x13: {  	s9 =	simm.s32 $0xC80;
	s15 =	sadd.s32 $0x4000, s6;
	[dreg:$0x5] =	wrdreg s23  }
0x14: {  	s16 =	sadd.s32 $0x8000, s6;
	s17 =	sadd.s32 $0xC000, s6;
	[dreg:$0x6] =	wrdreg s24  }
0x15: {  	s6 =	sadd.s32 $0x10000, s6;
	s25 =	smax.u32 s8, $0x1;
	[dreg:$0x7] =	wrdreg s26  }
0x16: {  	s18 =	simm.s32 $0x800;
	s21 =	simm.s32 $0x1;
	[dreg:$0x9] =	wrdreg s15  }
.Ltmp0:
0x17: {  	s23 =	simm.s32 $0x2;
	[dreg:$0xa] =	wrdreg s16;
	(pc) =	sbr.rel .LBB2_1-.Ltmp0, $4  }
0x18: {  	s8 =	simm.s32 $0x500;
	s22 =	simm.s32 $0xD80;
	[dreg:$0xb] =	wrdreg s17  }
0x19: {  	s24 =	simm.s32 $0x680;
	s26 =	simm.s32 $0x700;
	[dreg:$0xc] =	wrdreg s6  }
0x1a: {  	[dreg:$0x12] =	wrdreg s25;
	s16 =	simm.s32 $0x1000;
	s17 =	simm.s32 $0x3  }
0x1b: {  	v0 =	vimm.f32 $0.0e+00;
	s6 =	simm.s32 $0x480;
	s15 =	simm.s32 $0xD00;
	s25 =	simm.s32 $0xE00  }
.LBB2_6:
0x1c: {  	[sflag:s17] =	ssyncset.done $0x0  }
0x1d: {  	[sflag:s17] =	ssyncadd.s32 $0xFFFFC000  }
0x1e: {  	[bflag:$0x0] =	sbarrier.arrive $0xFFFF  }
0x1f: {  	s10 =	rddreg [dreg:$0xf]  }
0x20: {  	s0 =	simm.s32 @p1 $0x1FC3;
	s12 =	rddreg [dreg:$0x16]  }
0x21: {  	[hbm:s10], [sflag:s0] =	dma.local @p1 [spmem:s12], $0x2080  }
0x22: {  	s0 =	simm.s32 @p1 $0x3  }
0x23: {  	_ =	swait.ge @p1 [sflag:s0], $0x2080  }
0x24: {  	s10 =	rddreg [dreg:$0x14]  }
0x25: {  	[sflag:s0] =	ssyncset.done @p1 $0x0;
	s12 =	rddreg [dreg:$0x15]  }
0x26: {  	[sflag:s0] =	ssyncadd.s32 @p1 $0xFFFFDF80;
	s0 =	rddreg [dreg:$0xd]  }
0x27: {  	[hbm:s0], [sflag:s12] =	dma.local @!p1 [spmem:s10], $0x2780  }
0x28: {  	s0 =	simm.s32 @!p1 $0x3  }
0x29: {  	_ =	swait.ge @!p1 [sflag:s0], $0x2780  }
0x2a: {  	[sflag:s0] =	ssyncset.done @!p1 $0x0  }
0x2b: {  	s10 =	rddreg [dreg:$0x13];
	[sflag:s0] =	ssyncadd.s32 @!p1 $0xFFFFD880  }
.LBB2_10:
0x2c: {  	s10 =	sadd.s32 $0x1, s10;
	s0 =	rddreg [dreg:$0x12]  }
0x2d: {  	p2 =	sne.s32 s10, s0  }
.Ltmp1:
0x2e: {  	_ = 	snop;
	(pc) =	sbr.rel @!p2 .LBB2_11-.Ltmp1, $1  }
0x2f: {  	_ =	sdelay $0x3  }
.LBB2_1:
0x30: {  	[dreg:$0x13] =	wrdreg s10;
	s0 =	simm.s32 $0x0;
	s10 =	simm.s32 $0x200  }
.LBB2_2:
0x31: {  	p2 =	sne.s32 s10, $0xFE00;
	[tilespmem:s0+$0x1070] =	vst v0  }
0x32: {  	[tilespmem:s0+$0x1000] =	vst v0  }
0x33: {  	[tilespmem:s0+$0x1010] =	vst v0  }
.Ltmp2:
0x34: {  	[tilespmem:s0+$0x1020] =	vst v0;
	(pc) =	sbr.rel @p2 .LBB2_2-.Ltmp2, $4  }
0x35: {  	[tilespmem:s0+$0x1030] =	vst v0  }
0x36: {  	[tilespmem:s0+$0x1040] =	vst v0  }
0x37: {  	[tilespmem:s0+$0x1050] =	vst v0  }
0x38: {  	[tilespmem:s0+$0x1060] =	vst v0;
	s0 =	sshra.s32 s10, $0x2;
	s10 =	sadd.s32 $0x200, s10  }
0x39: {  	[tilespmem:s0+$0x1070] =	vst v0  }
0x3a: {  	[tilespmem:s0+$0x1000] =	vst v0  }
0x3b: {  	[tilespmem:s0+$0x1010] =	vst v0  }
0x3c: {  	[tilespmem:s0+$0x1020] =	vst v0  }
0x3d: {  	[tilespmem:s0+$0x1030] =	vst v0  }
0x3e: {  	[tilespmem:s0+$0x1040] =	vst v0  }
0x3f: {  	[tilespmem:s0+$0x1050] =	vst v0  }
0x40: {  	[tilespmem:s0+$0x1060] =	vst v0;
	s10 =	rddreg [dreg:$0x8]  }
0x41: {  	[spmem:s10] =	stream.linear.scatter [tilespmem:s16], [sflag:$0x3], $0x4000, $0x38;
	[tilespmem:$0x1CC00] =	vst v63  }
0x42: {  	_ =	swait.ge [sflag:s17], $0x4000  }
0x43: {  	[sflag:s17] =	ssyncset.done $0x0  }
0x44: {  	s12 =	rddreg [dreg:$0x9];
	[sflag:s17] =	ssyncadd.s32 $0xFFFFC000  }
0x45: {  	[spmem:s12] =	stream.linear.scatter [tilespmem:s16], [sflag:$0x3], $0x4000, $0x38;
	[tilespmem:$0x1CC00] =	vst v63  }
0x46: {  	_ =	swait.ge [sflag:s17], $0x4000  }
0x47: {  	[sflag:s17] =	ssyncset.done $0x0  }
0x48: {  	s12 =	rddreg [dreg:$0xa];
	[sflag:s17] =	ssyncadd.s32 $0xFFFFC000  }
0x49: {  	[spmem:s12] =	stream.linear.scatter [tilespmem:s16], [sflag:$0x3], $0x4000, $0x38;
	[tilespmem:$0x1CC00] =	vst v63  }
0x4a: {  	_ =	swait.ge [sflag:s17], $0x4000  }
0x4b: {  	[sflag:s17] =	ssyncset.done $0x0  }
0x4c: {  	s12 =	rddreg [dreg:$0xb];
	[sflag:s17] =	ssyncadd.s32 $0xFFFFC000  }
0x4d: {  	[spmem:s12] =	stream.linear.scatter [tilespmem:s16], [sflag:$0x3], $0x4000, $0x38;
	[tilespmem:$0x1CC00] =	vst v63  }
0x4e: {  	_ =	swait.ge [sflag:s17], $0x4000  }
0x4f: {  	[sflag:s17] =	ssyncset.done $0x0  }
0x50: {  	s12 =	rddreg [dreg:$0xc];
	[sflag:s17] =	ssyncadd.s32 $0xFFFFC000  }
0x51: {  	[spmem:s12] =	stream.linear.scatter [tilespmem:s16], [sflag:$0x3], $0x3C00, $0x38;
	[tilespmem:$0x1CC00] =	vst v63  }
0x52: {  	_ =	swait.ge [sflag:s17], $0x3C00  }
0x53: {  	[sflag:s17] =	ssyncset.done $0x0  }
0x54: {  	[sflag:s17] =	ssyncadd.s32 $0xFFFFC400  }
.Ltmp3:
0x55: {  	s0 =	stileid.u32;
	[bflag:$0x0] =	sbarrier.arrive $0xFFFF;
	(pc) =	sbr.rel @!p0 .LBB2_4-.Ltmp3, $4  }
0x56: {  	s0 =	sshll.u32 @!p1 s0, $0x6;
	s10 =	sshrl.u32 @!p1 s10, $0x3;
	s12 =	rddreg [dreg:$0xe]  }
0x57: {  	s0 =	sor.u32 @!p1 $0x1C03, s0;
	[dreg:$0x14] =	wrdreg s10  }
0x58: {  	[dreg:$0x15] =	wrdreg s0;
	s12 =	sshrl.u32 @p1 s12, $0x3  }
0x59: {  	[dreg:$0x16] =	wrdreg s12  }
0x5a: {  	s0 =	rddreg [dreg:$0x6]  }
0x5b: {  	s0 =	sadd.s32 $0x0, s0  }
0x5c: {  	[tilespmem:s4], [sflag:$0x3] =	stream.linear.gather [hbm4b:s0+s4], $0x800, $0x38;
	[tilespmem:$0x1CC00] =	vst v63  }
0x5d: {  	_ =	swait.ge [sflag:s17], $0x800  }
0x5e: {  	s10 =	rddreg [dreg:$0x7];
	[sflag:s17] =	ssyncset.done $0x0  }
0x5f: {  	[sflag:s17] =	ssyncadd.s32 $0xFFFFF800;
	s0 =	sadd.s32 $0x0, s10  }
0x60: {  	[tilespmem:s18], [sflag:$0x3] =	stream.linear.gather [hbm4b:s0+s4], $0x800, $0x38;
	[tilespmem:$0x1CC00] =	vst v63  }
0x61: {  	_ =	swait.ge [sflag:s17], $0x800  }
0x62: {  	[sflag:s17] =	ssyncset.done $0x0  }
0x63: {  	[sflag:s17] =	ssyncadd.s32 $0xFFFFF800  }
0x64: {  	[tilespmem:s16], [sflag:$0x1] =	stream.indirect.gather [hbm4b:s2+s19], $0x80, s4, s19, $0xb8;
	[tilespmem:$0x1CC00] =	vst v63  }
0x65: {  	_ = 	snop  }
0x66: {  	[tilespmem:s20], [sflag:$0x2] =	stream.indirect.gather [hbm4b:s2+s19], $0x80, s19, s19, $0xb8;
	[tilespmem:$0x1CC00] =	vst v63  }
0x67: {  	_ =	swait.ge [sflag:s21], $0x4000  }
0x68: {  	[sflag:s21] =	ssyncset.done $0x0  }
0x69: {  	[sflag:s21] =	ssyncadd.s32 $0xFFFFC000  }
0x6a: {  	[spmem:s3] =	stream.indirect.scatter.add.f32 [tilespmem:s16], [sflag:$0x3], $0x80, s18, s19, $0xb8;
	[tilespmem:$0x1CC00] =	vst v63  }
0x6b: {  	_ =	swait.ge [sflag:s17], $0x4000  }
0x6c: {  	[sflag:s17] =	ssyncset.done $0x0  }
0x6d: {  	s12 =	simm.s32 $0x100;
	[sflag:s17] =	ssyncadd.s32 $0xFFFFC000  }
0x6e: {  	[tilespmem:s16], [sflag:$0x1] =	stream.indirect.gather [hbm4b:s2+s19], $0x80, s12, s19, $0xb8;
	[tilespmem:$0x1CC00] =	vst v63  }
0x6f: {  	_ =	swait.ge [sflag:s23], $0x4000  }
0x70: {  	[sflag:s23] =	ssyncset.done $0x0  }
0x71: {  	s10 =	simm.s32 $0x880;
	[sflag:s23] =	ssyncadd.s32 $0xFFFFC000  }
0x72: {  	[spmem:s3] =	stream.indirect.scatter.add.f32 [tilespmem:s20], [sflag:$0x3], $0x80, s10, s19, $0xb8;
	[tilespmem:$0x1CC00] =	vst v63  }
0x73: {  	_ =	swait.ge [sflag:s17], $0x4000  }
0x74: {  	[sflag:s17] =	ssyncset.done $0x0  }
0x75: {  	s12 =	simm.s32 $0x180;
	[sflag:s17] =	ssyncadd.s32 $0xFFFFC000  }
0x76: {  	[tilespmem:s20], [sflag:$0x2] =	stream.indirect.gather [hbm4b:s2+s19], $0x80, s12, s19, $0xb8;
	[tilespmem:$0x1CC00] =	vst v63  }
0x77: {  	_ =	swait.ge [sflag:s21], $0x4000  }
0x78: {  	[sflag:s21] =	ssyncset.done $0x0  }
0x79: {  	s10 =	simm.s32 $0x900;
	[sflag:s21] =	ssyncadd.s32 $0xFFFFC000  }
0x7a: {  	[spmem:s3] =	stream.indirect.scatter.add.f32 [tilespmem:s16], [sflag:$0x3], $0x80, s10, s19, $0xb8;
	[tilespmem:$0x1CC00] =	vst v63  }
0x7b: {  	_ =	swait.ge [sflag:s17], $0x4000  }
0x7c: {  	[sflag:s17] =	ssyncset.done $0x0  }
0x7d: {  	s12 =	simm.s32 $0x200;
	[sflag:s17] =	ssyncadd.s32 $0xFFFFC000  }
0x7e: {  	[tilespmem:s16], [sflag:$0x1] =	stream.indirect.gather [hbm4b:s2+s19], $0x80, s12, s19, $0xb8;
	[tilespmem:$0x1CC00] =	vst v63  }
0x7f: {  	_ =	swait.ge [sflag:s23], $0x4000  }
0x80: {  	[sflag:s23] =	ssyncset.done $0x0  }
0x81: {  	s10 =	simm.s32 $0x980;
	[sflag:s23] =	ssyncadd.s32 $0xFFFFC000  }
0x82: {  	[spmem:s3] =	stream.indirect.scatter.add.f32 [tilespmem:s20], [sflag:$0x3], $0x80, s10, s19, $0xb8;
	[tilespmem:$0x1CC00] =	vst v63  }
0x83: {  	_ =	swait.ge [sflag:s17], $0x4000  }
0x84: {  	[sflag:s17] =	ssyncset.done $0x0  }
0x85: {  	s12 =	simm.s32 $0x280;
	[sflag:s17] =	ssyncadd.s32 $0xFFFFC000  }
0x86: {  	[tilespmem:s20], [sflag:$0x2] =	stream.indirect.gather [hbm4b:s2+s19], $0x80, s12, s19, $0xb8;
	[tilespmem:$0x1CC00] =	vst v63  }
0x87: {  	_ =	swait.ge [sflag:s21], $0x4000  }
0x88: {  	[sflag:s21] =	ssyncset.done $0x0  }
0x89: {  	s10 =	simm.s32 $0xA00;
	[sflag:s21] =	ssyncadd.s32 $0xFFFFC000  }
0x8a: {  	[spmem:s3] =	stream.indirect.scatter.add.f32 [tilespmem:s16], [sflag:$0x3], $0x80, s10, s19, $0xb8;
	[tilespmem:$0x1CC00] =	vst v63  }
0x8b: {  	_ =	swait.ge [sflag:s17], $0x4000  }
0x8c: {  	[sflag:s17] =	ssyncset.done $0x0  }
0x8d: {  	s12 =	simm.s32 $0x300;
	[sflag:s17] =	ssyncadd.s32 $0xFFFFC000  }
0x8e: {  	[tilespmem:s16], [sflag:$0x1] =	stream.indirect.gather [hbm4b:s2+s19], $0x80, s12, s19, $0xb8;
	[tilespmem:$0x1CC00] =	vst v63  }
0x8f: {  	_ =	swait.ge [sflag:s23], $0x4000  }
0x90: {  	[sflag:s23] =	ssyncset.done $0x0  }
0x91: {  	s10 =	simm.s32 $0xA80;
	[sflag:s23] =	ssyncadd.s32 $0xFFFFC000  }
0x92: {  	[spmem:s3] =	stream.indirect.scatter.add.f32 [tilespmem:s20], [sflag:$0x3], $0x80, s10, s19, $0xb8;
	[tilespmem:$0x1CC00] =	vst v63  }
0x93: {  	_ =	swait.ge [sflag:s17], $0x4000  }
0x94: {  	[sflag:s17] =	ssyncset.done $0x0  }
0x95: {  	s12 =	simm.s32 $0x380;
	[sflag:s17] =	ssyncadd.s32 $0xFFFFC000  }
0x96: {  	[tilespmem:s20], [sflag:$0x2] =	stream.indirect.gather [hbm4b:s2+s19], $0x80, s12, s19, $0xb8;
	[tilespmem:$0x1CC00] =	vst v63  }
0x97: {  	_ =	swait.ge [sflag:s21], $0x4000  }
0x98: {  	[sflag:s21] =	ssyncset.done $0x0  }
0x99: {  	[sflag:s21] =	ssyncadd.s32 $0xFFFFC000  }
0x9a: {  	[spmem:s3] =	stream.indirect.scatter.add.f32 [tilespmem:s16], [sflag:$0x3], $0x80, s13, s19, $0xb8;
	[tilespmem:$0x1CC00] =	vst v63  }
0x9b: {  	_ =	swait.ge [sflag:s17], $0x4000  }
0x9c: {  	[sflag:s17] =	ssyncset.done $0x0  }
0x9d: {  	[sflag:s17] =	ssyncadd.s32 $0xFFFFC000  }
0x9e: {  	[tilespmem:s16], [sflag:$0x1] =	stream.indirect.gather [hbm4b:s2+s19], $0x80, s14, s19, $0xb8;
	[tilespmem:$0x1CC00] =	vst v63  }
0x9f: {  	_ =	swait.ge [sflag:s23], $0x4000  }
0xa0: {  	[sflag:s23] =	ssyncset.done $0x0  }
0xa1: {  	[sflag:s23] =	ssyncadd.s32 $0xFFFFC000  }
0xa2: {  	[spmem:s3] =	stream.indirect.scatter.add.f32 [tilespmem:s20], [sflag:$0x3], $0x80, s1, s19, $0xb8;
	[tilespmem:$0x1CC00] =	vst v63  }
0xa3: {  	_ =	swait.ge [sflag:s17], $0x4000  }
0xa4: {  	[sflag:s17] =	ssyncset.done $0x0  }
0xa5: {  	[sflag:s17] =	ssyncadd.s32 $0xFFFFC000  }
0xa6: {  	[tilespmem:s20], [sflag:$0x2] =	stream.indirect.gather [hbm4b:s2+s19], $0x80, s6, s19, $0xb8;
	[tilespmem:$0x1CC00] =	vst v63  }
0xa7: {  	_ =	swait.ge [sflag:s21], $0x4000  }
0xa8: {  	[sflag:s21] =	ssyncset.done $0x0  }
0xa9: {  	[sflag:s21] =	ssyncadd.s32 $0xFFFFC000  }
0xaa: {  	[spmem:s3] =	stream.indirect.scatter.add.f32 [tilespmem:s16], [sflag:$0x3], $0x80, s7, s19, $0xb8;
	[tilespmem:$0x1CC00] =	vst v63  }
0xab: {  	_ =	swait.ge [sflag:s17], $0x4000  }
0xac: {  	[sflag:s17] =	ssyncset.done $0x0  }
0xad: {  	[sflag:s17] =	ssyncadd.s32 $0xFFFFC000  }
0xae: {  	[tilespmem:s16], [sflag:$0x1] =	stream.indirect.gather [hbm4b:s2+s19], $0x80, s8, s19, $0xb8;
	[tilespmem:$0x1CC00] =	vst v63  }
0xaf: {  	_ =	swait.ge [sflag:s23], $0x4000  }
0xb0: {  	[sflag:s23] =	ssyncset.done $0x0  }
0xb1: {  	[sflag:s23] =	ssyncadd.s32 $0xFFFFC000  }
0xb2: {  	[spmem:s3] =	stream.indirect.scatter.add.f32 [tilespmem:s20], [sflag:$0x3], $0x80, s9, s19, $0xb8;
	[tilespmem:$0x1CC00] =	vst v63  }
0xb3: {  	_ =	swait.ge [sflag:s17], $0x4000  }
0xb4: {  	[sflag:s17] =	ssyncset.done $0x0  }
0xb5: {  	[sflag:s17] =	ssyncadd.s32 $0xFFFFC000  }
0xb6: {  	[tilespmem:s20], [sflag:$0x2] =	stream.indirect.gather [hbm4b:s2+s19], $0x80, s11, s19, $0xb8;
	[tilespmem:$0x1CC00] =	vst v63  }
0xb7: {  	_ =	swait.ge [sflag:s21], $0x4000  }
0xb8: {  	[sflag:s21] =	ssyncset.done $0x0  }
0xb9: {  	[sflag:s21] =	ssyncadd.s32 $0xFFFFC000  }
0xba: {  	[spmem:s3] =	stream.indirect.scatter.add.f32 [tilespmem:s16], [sflag:$0x3], $0x80, s15, s19, $0xb8;
	[tilespmem:$0x1CC00] =	vst v63  }
0xbb: {  	_ =	swait.ge [sflag:s17], $0x4000  }
0xbc: {  	[sflag:s17] =	ssyncset.done $0x0  }
0xbd: {  	[sflag:s17] =	ssyncadd.s32 $0xFFFFC000  }
0xbe: {  	[tilespmem:s16], [sflag:$0x1] =	stream.indirect.gather [hbm4b:s2+s19], $0x80, s5, s19, $0xb8;
	[tilespmem:$0x1CC00] =	vst v63  }
0xbf: {  	_ =	swait.ge [sflag:s23], $0x4000  }
0xc0: {  	[sflag:s23] =	ssyncset.done $0x0  }
0xc1: {  	[sflag:s23] =	ssyncadd.s32 $0xFFFFC000  }
0xc2: {  	[spmem:s3] =	stream.indirect.scatter.add.f32 [tilespmem:s20], [sflag:$0x3], $0x80, s22, s19, $0xb8;
	[tilespmem:$0x1CC00] =	vst v63  }
0xc3: {  	_ =	swait.ge [sflag:s17], $0x4000  }
0xc4: {  	[sflag:s17] =	ssyncset.done $0x0  }
0xc5: {  	[sflag:s17] =	ssyncadd.s32 $0xFFFFC000  }
0xc6: {  	[tilespmem:s20], [sflag:$0x2] =	stream.indirect.gather [hbm4b:s2+s19], $0x80, s24, s19, $0xb8;
	[tilespmem:$0x1CC00] =	vst v63  }
0xc7: {  	_ =	swait.ge [sflag:s21], $0x4000  }
0xc8: {  	[sflag:s21] =	ssyncset.done $0x0  }
0xc9: {  	[sflag:s21] =	ssyncadd.s32 $0xFFFFC000  }
0xca: {  	[spmem:s3] =	stream.indirect.scatter.add.f32 [tilespmem:s16], [sflag:$0x3], $0x80, s25, s19, $0xb8;
	[tilespmem:$0x1CC00] =	vst v63  }
0xcb: {  	_ =	swait.ge [sflag:s17], $0x4000  }
0xcc: {  	[sflag:s17] =	ssyncset.done $0x0  }
0xcd: {  	[sflag:s17] =	ssyncadd.s32 $0xFFFFC000  }
0xce: {  	[tilespmem:s16], [sflag:$0x1] =	stream.indirect.gather [hbm4b:s2+s19], $0x80, s26, s19, $0xb8;
	[tilespmem:$0x1CC00] =	vst v63  }
0xcf: {  	_ =	swait.ge [sflag:s23], $0x4000  }
0xd0: {  	[sflag:s23] =	ssyncset.done $0x0  }
0xd1: {  	[sflag:s23] =	ssyncadd.s32 $0xFFFFC000  }
0xd2: {  	[spmem:s3] =	stream.indirect.scatter.add.f32 [tilespmem:s20], [sflag:$0x3], $0x80, s28, s19, $0xb8;
	[tilespmem:$0x1CC00] =	vst v63  }
0xd3: {  	_ =	swait.ge [sflag:s17], $0x4000  }
0xd4: {  	[sflag:s17] =	ssyncset.done $0x0  }
0xd5: {  	[sflag:s17] =	ssyncadd.s32 $0xFFFFC000  }
0xd6: {  	[tilespmem:s20], [sflag:$0x2] =	stream.indirect.gather [hbm4b:s2+s19], $0x80, s29, s19, $0xb8;
	[tilespmem:$0x1CC00] =	vst v63  }
0xd7: {  	_ =	swait.ge [sflag:s21], $0x4000  }
0xd8: {  	[sflag:s21] =	ssyncset.done $0x0  }
0xd9: {  	[sflag:s21] =	ssyncadd.s32 $0xFFFFC000  }
0xda: {  	[spmem:s3] =	stream.indirect.scatter.add.f32 [tilespmem:s16], [sflag:$0x3], $0x80, s30, s19, $0xb8;
	[tilespmem:$0x1CC00] =	vst v63  }
0xdb: {  	_ =	swait.ge [sflag:s17], $0x4000  }
0xdc: {  	[sflag:s17] =	ssyncset.done $0x0  }
0xdd: {  	[sflag:s17] =	ssyncadd.s32 $0xFFFFC000  }
0xde: {  	_ =	swait.ge [sflag:s23], $0x4000  }
0xdf: {  	[sflag:s23] =	ssyncset.done $0x0  }
0xe0: {  	[sflag:s23] =	ssyncadd.s32 $0xFFFFC000  }
0xe1: {  	[spmem:s3] =	stream.indirect.scatter.add.f32 [tilespmem:s20], [sflag:$0x3], $0x80, s31, s19, $0xb8;
	[tilespmem:$0x1CC00] =	vst v63  }
0xe2: {  	s0 =	simm.s32 $0x100;
	_ =	swait.ge [sflag:s17], $0x4000  }
.LBB2_8:
0xe3: {  	s10 =	rddreg [dreg:$0x6];
	s12 =	smov.u32 s0;
	[sflag:s17] =	ssyncset.done $0x0  }
0xe4: {  	s10 =	sadd.s32 s12, s10;
	[sflag:s17] =	ssyncadd.s32 $0xFFFFC000  }
0xe5: {  	[tilespmem:s4], [sflag:$0x3] =	stream.linear.gather [hbm4b:s10+s4], $0x800, $0x38;
	[tilespmem:$0x1CC00] =	vst v63  }
0xe6: {  	_ =	swait.ge [sflag:s17], $0x800  }
0xe7: {  	s10 =	rddreg [dreg:$0x7];
	[sflag:s17] =	ssyncset.done $0x0  }
0xe8: {  	[sflag:s17] =	ssyncadd.s32 $0xFFFFF800;
	s10 =	sadd.s32 s12, s10  }
0xe9: {  	[tilespmem:s18], [sflag:$0x3] =	stream.linear.gather [hbm4b:s10+s4], $0x800, $0x38;
	[tilespmem:$0x1CC00] =	vst v63  }
0xea: {  	_ =	swait.ge [sflag:s17], $0x800  }
0xeb: {  	[sflag:s17] =	ssyncset.done $0x0  }
0xec: {  	[sflag:s17] =	ssyncadd.s32 $0xFFFFF800  }
0xed: {  	[tilespmem:s16], [sflag:$0x1] =	stream.indirect.gather [hbm4b:s2+s19], $0x80, s4, s19, $0xb8;
	[tilespmem:$0x1CC00] =	vst v63  }
0xee: {  	_ = 	snop  }
0xef: {  	[tilespmem:s20], [sflag:$0x2] =	stream.indirect.gather [hbm4b:s2+s19], $0x80, s19, s19, $0xb8;
	[tilespmem:$0x1CC00] =	vst v63  }
0xf0: {  	_ =	swait.ge [sflag:s21], $0x4000  }
0xf1: {  	[sflag:s21] =	ssyncset.done $0x0  }
0xf2: {  	[sflag:s21] =	ssyncadd.s32 $0xFFFFC000  }
0xf3: {  	[spmem:s3] =	stream.indirect.scatter.add.f32 [tilespmem:s16], [sflag:$0x3], $0x80, s18, s19, $0xb8;
	[tilespmem:$0x1CC00] =	vst v63  }
0xf4: {  	_ =	swait.ge [sflag:s17], $0x4000  }
0xf5: {  	[sflag:s17] =	ssyncset.done $0x0  }
0xf6: {  	s12 =	simm.s32 $0x100;
	[sflag:s17] =	ssyncadd.s32 $0xFFFFC000  }
0xf7: {  	[tilespmem:s16], [sflag:$0x1] =	stream.indirect.gather [hbm4b:s2+s19], $0x80, s12, s19, $0xb8;
	[tilespmem:$0x1CC00] =	vst v63  }
0xf8: {  	_ =	swait.ge [sflag:s23], $0x4000  }
0xf9: {  	[sflag:s23] =	ssyncset.done $0x0  }
0xfa: {  	s10 =	simm.s32 $0x880;
	[sflag:s23] =	ssyncadd.s32 $0xFFFFC000  }
0xfb: {  	[spmem:s3] =	stream.indirect.scatter.add.f32 [tilespmem:s20], [sflag:$0x3], $0x80, s10, s19, $0xb8;
	[tilespmem:$0x1CC00] =	vst v63  }
0xfc: {  	_ =	swait.ge [sflag:s17], $0x4000  }
0xfd: {  	[sflag:s17] =	ssyncset.done $0x0  }
0xfe: {  	s12 =	simm.s32 $0x180;
	[sflag:s17] =	ssyncadd.s32 $0xFFFFC000  }
0xff: {  	[tilespmem:s20], [sflag:$0x2] =	stream.indirect.gather [hbm4b:s2+s19], $0x80, s12, s19, $0xb8;
	[tilespmem:$0x1CC00] =	vst v63  }
0x100: {  	_ =	swait.ge [sflag:s21], $0x4000  }
0x101: {  	[sflag:s21] =	ssyncset.done $0x0  }
0x102: {  	s10 =	simm.s32 $0x900;
	[sflag:s21] =	ssyncadd.s32 $0xFFFFC000  }
0x103: {  	[spmem:s3] =	stream.indirect.scatter.add.f32 [tilespmem:s16], [sflag:$0x3], $0x80, s10, s19, $0xb8;
	[tilespmem:$0x1CC00] =	vst v63  }
0x104: {  	_ =	swait.ge [sflag:s17], $0x4000  }
0x105: {  	[sflag:s17] =	ssyncset.done $0x0  }
0x106: {  	s12 =	simm.s32 $0x200;
	[sflag:s17] =	ssyncadd.s32 $0xFFFFC000  }
0x107: {  	[tilespmem:s16], [sflag:$0x1] =	stream.indirect.gather [hbm4b:s2+s19], $0x80, s12, s19, $0xb8;
	[tilespmem:$0x1CC00] =	vst v63  }
0x108: {  	_ =	swait.ge [sflag:s23], $0x4000  }
0x109: {  	[sflag:s23] =	ssyncset.done $0x0  }
0x10a: {  	s10 =	simm.s32 $0x980;
	[sflag:s23] =	ssyncadd.s32 $0xFFFFC000  }
0x10b: {  	[spmem:s3] =	stream.indirect.scatter.add.f32 [tilespmem:s20], [sflag:$0x3], $0x80, s10, s19, $0xb8;
	[tilespmem:$0x1CC00] =	vst v63  }
0x10c: {  	_ =	swait.ge [sflag:s17], $0x4000  }
0x10d: {  	[sflag:s17] =	ssyncset.done $0x0  }
0x10e: {  	s12 =	simm.s32 $0x280;
	[sflag:s17] =	ssyncadd.s32 $0xFFFFC000  }
0x10f: {  	[tilespmem:s20], [sflag:$0x2] =	stream.indirect.gather [hbm4b:s2+s19], $0x80, s12, s19, $0xb8;
	[tilespmem:$0x1CC00] =	vst v63  }
0x110: {  	_ =	swait.ge [sflag:s21], $0x4000  }
0x111: {  	[sflag:s21] =	ssyncset.done $0x0  }
0x112: {  	s10 =	simm.s32 $0xA00;
	[sflag:s21] =	ssyncadd.s32 $0xFFFFC000  }
0x113: {  	[spmem:s3] =	stream.indirect.scatter.add.f32 [tilespmem:s16], [sflag:$0x3], $0x80, s10, s19, $0xb8;
	[tilespmem:$0x1CC00] =	vst v63  }
0x114: {  	_ =	swait.ge [sflag:s17], $0x4000  }
0x115: {  	[sflag:s17] =	ssyncset.done $0x0  }
0x116: {  	s12 =	simm.s32 $0x300;
	[sflag:s17] =	ssyncadd.s32 $0xFFFFC000  }
0x117: {  	[tilespmem:s16], [sflag:$0x1] =	stream.indirect.gather [hbm4b:s2+s19], $0x80, s12, s19, $0xb8;
	[tilespmem:$0x1CC00] =	vst v63  }
0x118: {  	_ =	swait.ge [sflag:s23], $0x4000  }
0x119: {  	[sflag:s23] =	ssyncset.done $0x0  }
0x11a: {  	s10 =	simm.s32 $0xA80;
	[sflag:s23] =	ssyncadd.s32 $0xFFFFC000  }
0x11b: {  	[spmem:s3] =	stream.indirect.scatter.add.f32 [tilespmem:s20], [sflag:$0x3], $0x80, s10, s19, $0xb8;
	[tilespmem:$0x1CC00] =	vst v63  }
0x11c: {  	_ =	swait.ge [sflag:s17], $0x4000  }
0x11d: {  	[sflag:s17] =	ssyncset.done $0x0  }
0x11e: {  	s12 =	simm.s32 $0x380;
	[sflag:s17] =	ssyncadd.s32 $0xFFFFC000  }
0x11f: {  	[tilespmem:s20], [sflag:$0x2] =	stream.indirect.gather [hbm4b:s2+s19], $0x80, s12, s19, $0xb8;
	[tilespmem:$0x1CC00] =	vst v63  }
0x120: {  	_ =	swait.ge [sflag:s21], $0x4000  }
0x121: {  	[sflag:s21] =	ssyncset.done $0x0  }
0x122: {  	[sflag:s21] =	ssyncadd.s32 $0xFFFFC000  }
0x123: {  	[spmem:s3] =	stream.indirect.scatter.add.f32 [tilespmem:s16], [sflag:$0x3], $0x80, s13, s19, $0xb8;
	[tilespmem:$0x1CC00] =	vst v63  }
0x124: {  	_ =	swait.ge [sflag:s17], $0x4000  }
0x125: {  	[sflag:s17] =	ssyncset.done $0x0  }
0x126: {  	[sflag:s17] =	ssyncadd.s32 $0xFFFFC000  }
0x127: {  	[tilespmem:s16], [sflag:$0x1] =	stream.indirect.gather [hbm4b:s2+s19], $0x80, s14, s19, $0xb8;
	[tilespmem:$0x1CC00] =	vst v63  }
0x128: {  	_ =	swait.ge [sflag:s23], $0x4000  }
0x129: {  	[sflag:s23] =	ssyncset.done $0x0  }
0x12a: {  	[sflag:s23] =	ssyncadd.s32 $0xFFFFC000  }
0x12b: {  	[spmem:s3] =	stream.indirect.scatter.add.f32 [tilespmem:s20], [sflag:$0x3], $0x80, s1, s19, $0xb8;
	[tilespmem:$0x1CC00] =	vst v63  }
0x12c: {  	_ =	swait.ge [sflag:s17], $0x4000  }
0x12d: {  	[sflag:s17] =	ssyncset.done $0x0  }
0x12e: {  	[sflag:s17] =	ssyncadd.s32 $0xFFFFC000  }
0x12f: {  	[tilespmem:s20], [sflag:$0x2] =	stream.indirect.gather [hbm4b:s2+s19], $0x80, s6, s19, $0xb8;
	[tilespmem:$0x1CC00] =	vst v63  }
0x130: {  	_ =	swait.ge [sflag:s21], $0x4000  }
0x131: {  	[sflag:s21] =	ssyncset.done $0x0  }
0x132: {  	[sflag:s21] =	ssyncadd.s32 $0xFFFFC000  }
0x133: {  	[spmem:s3] =	stream.indirect.scatter.add.f32 [tilespmem:s16], [sflag:$0x3], $0x80, s7, s19, $0xb8;
	[tilespmem:$0x1CC00] =	vst v63  }
0x134: {  	_ =	swait.ge [sflag:s17], $0x4000  }
0x135: {  	[sflag:s17] =	ssyncset.done $0x0  }
0x136: {  	[sflag:s17] =	ssyncadd.s32 $0xFFFFC000  }
0x137: {  	[tilespmem:s16], [sflag:$0x1] =	stream.indirect.gather [hbm4b:s2+s19], $0x80, s8, s19, $0xb8;
	[tilespmem:$0x1CC00] =	vst v63  }
0x138: {  	_ =	swait.ge [sflag:s23], $0x4000  }
0x139: {  	[sflag:s23] =	ssyncset.done $0x0  }
0x13a: {  	[sflag:s23] =	ssyncadd.s32 $0xFFFFC000  }
0x13b: {  	[spmem:s3] =	stream.indirect.scatter.add.f32 [tilespmem:s20], [sflag:$0x3], $0x80, s9, s19, $0xb8;
	[tilespmem:$0x1CC00] =	vst v63  }
0x13c: {  	_ =	swait.ge [sflag:s17], $0x4000  }
0x13d: {  	[sflag:s17] =	ssyncset.done $0x0  }
0x13e: {  	[sflag:s17] =	ssyncadd.s32 $0xFFFFC000  }
0x13f: {  	[tilespmem:s20], [sflag:$0x2] =	stream.indirect.gather [hbm4b:s2+s19], $0x80, s11, s19, $0xb8;
	[tilespmem:$0x1CC00] =	vst v63  }
0x140: {  	_ =	swait.ge [sflag:s21], $0x4000  }
0x141: {  	[sflag:s21] =	ssyncset.done $0x0  }
0x142: {  	[sflag:s21] =	ssyncadd.s32 $0xFFFFC000  }
0x143: {  	[spmem:s3] =	stream.indirect.scatter.add.f32 [tilespmem:s16], [sflag:$0x3], $0x80, s15, s19, $0xb8;
	[tilespmem:$0x1CC00] =	vst v63  }
0x144: {  	_ =	swait.ge [sflag:s17], $0x4000  }
0x145: {  	[sflag:s17] =	ssyncset.done $0x0  }
0x146: {  	[sflag:s17] =	ssyncadd.s32 $0xFFFFC000  }
0x147: {  	[tilespmem:s16], [sflag:$0x1] =	stream.indirect.gather [hbm4b:s2+s19], $0x80, s5, s19, $0xb8;
	[tilespmem:$0x1CC00] =	vst v63  }
0x148: {  	_ =	swait.ge [sflag:s23], $0x4000  }
0x149: {  	[sflag:s23] =	ssyncset.done $0x0  }
0x14a: {  	[sflag:s23] =	ssyncadd.s32 $0xFFFFC000  }
0x14b: {  	[spmem:s3] =	stream.indirect.scatter.add.f32 [tilespmem:s20], [sflag:$0x3], $0x80, s22, s19, $0xb8;
	[tilespmem:$0x1CC00] =	vst v63  }
0x14c: {  	_ =	swait.ge [sflag:s17], $0x4000  }
0x14d: {  	[sflag:s17] =	ssyncset.done $0x0  }
0x14e: {  	[sflag:s17] =	ssyncadd.s32 $0xFFFFC000  }
0x14f: {  	[tilespmem:s20], [sflag:$0x2] =	stream.indirect.gather [hbm4b:s2+s19], $0x80, s24, s19, $0xb8;
	[tilespmem:$0x1CC00] =	vst v63  }
0x150: {  	_ =	swait.ge [sflag:s21], $0x4000  }
0x151: {  	[sflag:s21] =	ssyncset.done $0x0  }
0x152: {  	[sflag:s21] =	ssyncadd.s32 $0xFFFFC000  }
0x153: {  	[spmem:s3] =	stream.indirect.scatter.add.f32 [tilespmem:s16], [sflag:$0x3], $0x80, s25, s19, $0xb8;
	[tilespmem:$0x1CC00] =	vst v63  }
0x154: {  	_ =	swait.ge [sflag:s17], $0x4000  }
0x155: {  	[sflag:s17] =	ssyncset.done $0x0  }
0x156: {  	[sflag:s17] =	ssyncadd.s32 $0xFFFFC000  }
0x157: {  	[tilespmem:s16], [sflag:$0x1] =	stream.indirect.gather [hbm4b:s2+s19], $0x80, s26, s19, $0xb8;
	[tilespmem:$0x1CC00] =	vst v63  }
0x158: {  	_ =	swait.ge [sflag:s23], $0x4000  }
0x159: {  	[sflag:s23] =	ssyncset.done $0x0  }
0x15a: {  	[sflag:s23] =	ssyncadd.s32 $0xFFFFC000  }
0x15b: {  	[spmem:s3] =	stream.indirect.scatter.add.f32 [tilespmem:s20], [sflag:$0x3], $0x80, s28, s19, $0xb8;
	[tilespmem:$0x1CC00] =	vst v63  }
0x15c: {  	_ =	swait.ge [sflag:s17], $0x4000  }
0x15d: {  	[sflag:s17] =	ssyncset.done $0x0  }
0x15e: {  	[sflag:s17] =	ssyncadd.s32 $0xFFFFC000  }
0x15f: {  	[tilespmem:s20], [sflag:$0x2] =	stream.indirect.gather [hbm4b:s2+s19], $0x80, s29, s19, $0xb8;
	[tilespmem:$0x1CC00] =	vst v63  }
0x160: {  	_ =	swait.ge [sflag:s21], $0x4000  }
0x161: {  	[sflag:s21] =	ssyncset.done $0x0  }
0x162: {  	[sflag:s21] =	ssyncadd.s32 $0xFFFFC000  }
0x163: {  	[spmem:s3] =	stream.indirect.scatter.add.f32 [tilespmem:s16], [sflag:$0x3], $0x80, s30, s19, $0xb8;
	[tilespmem:$0x1CC00] =	vst v63  }
0x164: {  	_ =	swait.ge [sflag:s17], $0x4000  }
0x165: {  	[sflag:s17] =	ssyncset.done $0x0  }
0x166: {  	p2 =	sne.s32 s0, $0x400;
	[sflag:s17] =	ssyncadd.s32 $0xFFFFC000  }
.Ltmp4:
0x167: {  	_ =	swait.ge [sflag:s23], $0x4000;
	(pc) =	sbr.rel @p2 .LBB2_8-.Ltmp4, $4  }
0x168: {  	[sflag:s23] =	ssyncset.done $0x0  }
0x169: {  	[sflag:s23] =	ssyncadd.s32 $0xFFFFC000  }
0x16a: {  	[spmem:s3] =	stream.indirect.scatter.add.f32 [tilespmem:s20], [sflag:$0x3], $0x80, s31, s19, $0xb8;
	[tilespmem:$0x1CC00] =	vst v63  }
0x16b: {  	s0 =	sadd.s32 $0x100, s0;
	_ =	swait.ge [sflag:s17], $0x4000  }
0x16c: {  	[sflag:s17] =	ssyncset.done $0x0  }
0x16d: {  	[sflag:s17] =	ssyncadd.s32 $0xFFFFC000  }
0x16e: {  	[bflag:$0x0] =	sbarrier.arrive $0xFFFF  }
0x16f: {  	s10 =	rddreg [dreg:$0x11]  }
0x170: {  	s0 =	simm.s32 @p1 $0x1FC3;
	s12 =	rddreg [dreg:$0x16]  }
0x171: {  	[hbm:s10], [sflag:s0] =	dma.local @p1 [spmem:s12], $0x2080  }
0x172: {  	s0 =	simm.s32 @p1 $0x3  }
0x173: {  	_ =	swait.ge @p1 [sflag:s0], $0x2080  }
0x174: {  	s10 =	rddreg [dreg:$0x14]  }
0x175: {  	[sflag:s0] =	ssyncset.done @p1 $0x0;
	s12 =	rddreg [dreg:$0x15]  }
0x176: {  	[sflag:s0] =	ssyncadd.s32 @p1 $0xFFFFDF80;
	s0 =	rddreg [dreg:$0x10]  }
0x177: {  	[hbm:s0], [sflag:s12] =	dma.local @!p1 [spmem:s10], $0x2780  }
.Ltmp5:
0x178: {  	_ = 	snop;
	(pc) =	sbr.rel .LBB2_10-.Ltmp5, $4  }
0x179: {  	s0 =	simm.s32 @!p1 $0x3  }
0x17a: {  	_ =	swait.ge @!p1 [sflag:s0], $0x2780  }
0x17b: {  	[sflag:s0] =	ssyncset.done @!p1 $0x0  }
0x17c: {  	s10 =	rddreg [dreg:$0x13];
	[sflag:s0] =	ssyncadd.s32 @!p1 $0xFFFFD880  }
.LBB2_4:
0x17d: {  	s0 =	rddreg [dreg:$0x4]  }
0x17e: {  	s0 =	sadd.s32 $0x0, s0  }
0x17f: {  	[tilespmem:s4], [sflag:$0x3] =	stream.linear.gather [hbm4b:s0+s4], $0x800, $0x38;
	[tilespmem:$0x1CC00] =	vst v63  }
0x180: {  	_ =	swait.ge [sflag:s17], $0x800  }
0x181: {  	s10 =	rddreg [dreg:$0x5];
	[sflag:s17] =	ssyncset.done $0x0  }
0x182: {  	[sflag:s17] =	ssyncadd.s32 $0xFFFFF800;
	s0 =	sadd.s32 $0x0, s10  }
0x183: {  	[tilespmem:s18], [sflag:$0x3] =	stream.linear.gather [hbm4b:s0+s4], $0x800, $0x38;
	[tilespmem:$0x1CC00] =	vst v63  }
0x184: {  	_ =	swait.ge [sflag:s17], $0x800  }
0x185: {  	[sflag:s17] =	ssyncset.done $0x0  }
0x186: {  	[sflag:s17] =	ssyncadd.s32 $0xFFFFF800  }
0x187: {  	[tilespmem:s16], [sflag:$0x1] =	stream.indirect.gather [hbm4b:s2+s19], $0x80, s4, s19, $0xb8;
	[tilespmem:$0x1CC00] =	vst v63  }
0x188: {  	_ = 	snop  }
0x189: {  	[tilespmem:s20], [sflag:$0x2] =	stream.indirect.gather [hbm4b:s2+s19], $0x80, s19, s19, $0xb8;
	[tilespmem:$0x1CC00] =	vst v63  }
0x18a: {  	_ =	swait.ge [sflag:s21], $0x4000  }
0x18b: {  	[sflag:s21] =	ssyncset.done $0x0  }
0x18c: {  	[sflag:s21] =	ssyncadd.s32 $0xFFFFC000  }
0x18d: {  	[spmem:s3] =	stream.indirect.scatter.add.f32 [tilespmem:s16], [sflag:$0x3], $0x80, s18, s19, $0xb8;
	[tilespmem:$0x1CC00] =	vst v63  }
0x18e: {  	_ =	swait.ge [sflag:s17], $0x4000  }
0x18f: {  	[sflag:s17] =	ssyncset.done $0x0  }
0x190: {  	s12 =	simm.s32 $0x100;
	[sflag:s17] =	ssyncadd.s32 $0xFFFFC000  }
0x191: {  	[tilespmem:s16], [sflag:$0x1] =	stream.indirect.gather [hbm4b:s2+s19], $0x80, s12, s19, $0xb8;
	[tilespmem:$0x1CC00] =	vst v63  }
0x192: {  	_ =	swait.ge [sflag:s23], $0x4000  }
0x193: {  	[sflag:s23] =	ssyncset.done $0x0  }
0x194: {  	s10 =	simm.s32 $0x880;
	[sflag:s23] =	ssyncadd.s32 $0xFFFFC000  }
0x195: {  	[spmem:s3] =	stream.indirect.scatter.add.f32 [tilespmem:s20], [sflag:$0x3], $0x80, s10, s19, $0xb8;
	[tilespmem:$0x1CC00] =	vst v63  }
0x196: {  	_ =	swait.ge [sflag:s17], $0x4000  }
0x197: {  	[sflag:s17] =	ssyncset.done $0x0  }
0x198: {  	s12 =	simm.s32 $0x180;
	[sflag:s17] =	ssyncadd.s32 $0xFFFFC000  }
0x199: {  	[tilespmem:s20], [sflag:$0x2] =	stream.indirect.gather [hbm4b:s2+s19], $0x80, s12, s19, $0xb8;
	[tilespmem:$0x1CC00] =	vst v63  }
0x19a: {  	_ =	swait.ge [sflag:s21], $0x4000  }
0x19b: {  	[sflag:s21] =	ssyncset.done $0x0  }
0x19c: {  	s10 =	simm.s32 $0x900;
	[sflag:s21] =	ssyncadd.s32 $0xFFFFC000  }
0x19d: {  	[spmem:s3] =	stream.indirect.scatter.add.f32 [tilespmem:s16], [sflag:$0x3], $0x80, s10, s19, $0xb8;
	[tilespmem:$0x1CC00] =	vst v63  }
0x19e: {  	_ =	swait.ge [sflag:s17], $0x4000  }
0x19f: {  	[sflag:s17] =	ssyncset.done $0x0  }
0x1a0: {  	s12 =	simm.s32 $0x200;
	[sflag:s17] =	ssyncadd.s32 $0xFFFFC000  }
0x1a1: {  	[tilespmem:s16], [sflag:$0x1] =	stream.indirect.gather [hbm4b:s2+s19], $0x80, s12, s19, $0xb8;
	[tilespmem:$0x1CC00] =	vst v63  }
0x1a2: {  	_ =	swait.ge [sflag:s23], $0x4000  }
0x1a3: {  	[sflag:s23] =	ssyncset.done $0x0  }
0x1a4: {  	s10 =	simm.s32 $0x980;
	[sflag:s23] =	ssyncadd.s32 $0xFFFFC000  }
0x1a5: {  	[spmem:s3] =	stream.indirect.scatter.add.f32 [tilespmem:s20], [sflag:$0x3], $0x80, s10, s19, $0xb8;
	[tilespmem:$0x1CC00] =	vst v63  }
0x1a6: {  	_ =	swait.ge [sflag:s17], $0x4000  }
0x1a7: {  	[sflag:s17] =	ssyncset.done $0x0  }
0x1a8: {  	s12 =	simm.s32 $0x280;
	[sflag:s17] =	ssyncadd.s32 $0xFFFFC000  }
0x1a9: {  	[tilespmem:s20], [sflag:$0x2] =	stream.indirect.gather [hbm4b:s2+s19], $0x80, s12, s19, $0xb8;
	[tilespmem:$0x1CC00] =	vst v63  }
0x1aa: {  	_ =	swait.ge [sflag:s21], $0x4000  }
0x1ab: {  	[sflag:s21] =	ssyncset.done $0x0  }
0x1ac: {  	s10 =	simm.s32 $0xA00;
	[sflag:s21] =	ssyncadd.s32 $0xFFFFC000  }
0x1ad: {  	[spmem:s3] =	stream.indirect.scatter.add.f32 [tilespmem:s16], [sflag:$0x3], $0x80, s10, s19, $0xb8;
	[tilespmem:$0x1CC00] =	vst v63  }
0x1ae: {  	_ =	swait.ge [sflag:s17], $0x4000  }
0x1af: {  	[sflag:s17] =	ssyncset.done $0x0  }
0x1b0: {  	s12 =	simm.s32 $0x300;
	[sflag:s17] =	ssyncadd.s32 $0xFFFFC000  }
0x1b1: {  	[tilespmem:s16], [sflag:$0x1] =	stream.indirect.gather [hbm4b:s2+s19], $0x80, s12, s19, $0xb8;
	[tilespmem:$0x1CC00] =	vst v63  }
0x1b2: {  	_ =	swait.ge [sflag:s23], $0x4000  }
0x1b3: {  	[sflag:s23] =	ssyncset.done $0x0  }
0x1b4: {  	s10 =	simm.s32 $0xA80;
	[sflag:s23] =	ssyncadd.s32 $0xFFFFC000  }
0x1b5: {  	[spmem:s3] =	stream.indirect.scatter.add.f32 [tilespmem:s20], [sflag:$0x3], $0x80, s10, s19, $0xb8;
	[tilespmem:$0x1CC00] =	vst v63  }
0x1b6: {  	_ =	swait.ge [sflag:s17], $0x4000  }
0x1b7: {  	[sflag:s17] =	ssyncset.done $0x0  }
0x1b8: {  	s12 =	simm.s32 $0x380;
	[sflag:s17] =	ssyncadd.s32 $0xFFFFC000  }
0x1b9: {  	[tilespmem:s20], [sflag:$0x2] =	stream.indirect.gather [hbm4b:s2+s19], $0x80, s12, s19, $0xb8;
	[tilespmem:$0x1CC00] =	vst v63  }
0x1ba: {  	_ =	swait.ge [sflag:s21], $0x4000  }
0x1bb: {  	[sflag:s21] =	ssyncset.done $0x0  }
0x1bc: {  	[sflag:s21] =	ssyncadd.s32 $0xFFFFC000  }
0x1bd: {  	[spmem:s3] =	stream.indirect.scatter.add.f32 [tilespmem:s16], [sflag:$0x3], $0x80, s13, s19, $0xb8;
	[tilespmem:$0x1CC00] =	vst v63  }
0x1be: {  	_ =	swait.ge [sflag:s17], $0x4000  }
0x1bf: {  	[sflag:s17] =	ssyncset.done $0x0  }
0x1c0: {  	[sflag:s17] =	ssyncadd.s32 $0xFFFFC000  }
0x1c1: {  	[tilespmem:s16], [sflag:$0x1] =	stream.indirect.gather [hbm4b:s2+s19], $0x80, s14, s19, $0xb8;
	[tilespmem:$0x1CC00] =	vst v63  }
0x1c2: {  	_ =	swait.ge [sflag:s23], $0x4000  }
0x1c3: {  	[sflag:s23] =	ssyncset.done $0x0  }
0x1c4: {  	[sflag:s23] =	ssyncadd.s32 $0xFFFFC000  }
0x1c5: {  	[spmem:s3] =	stream.indirect.scatter.add.f32 [tilespmem:s20], [sflag:$0x3], $0x80, s1, s19, $0xb8;
	[tilespmem:$0x1CC00] =	vst v63  }
0x1c6: {  	_ =	swait.ge [sflag:s17], $0x4000  }
0x1c7: {  	[sflag:s17] =	ssyncset.done $0x0  }
0x1c8: {  	[sflag:s17] =	ssyncadd.s32 $0xFFFFC000  }
0x1c9: {  	[tilespmem:s20], [sflag:$0x2] =	stream.indirect.gather [hbm4b:s2+s19], $0x80, s6, s19, $0xb8;
	[tilespmem:$0x1CC00] =	vst v63  }
0x1ca: {  	_ =	swait.ge [sflag:s21], $0x4000  }
0x1cb: {  	[sflag:s21] =	ssyncset.done $0x0  }
0x1cc: {  	[sflag:s21] =	ssyncadd.s32 $0xFFFFC000  }
0x1cd: {  	[spmem:s3] =	stream.indirect.scatter.add.f32 [tilespmem:s16], [sflag:$0x3], $0x80, s7, s19, $0xb8;
	[tilespmem:$0x1CC00] =	vst v63  }
0x1ce: {  	_ =	swait.ge [sflag:s17], $0x4000  }
0x1cf: {  	[sflag:s17] =	ssyncset.done $0x0  }
0x1d0: {  	[sflag:s17] =	ssyncadd.s32 $0xFFFFC000  }
0x1d1: {  	[tilespmem:s16], [sflag:$0x1] =	stream.indirect.gather [hbm4b:s2+s19], $0x80, s8, s19, $0xb8;
	[tilespmem:$0x1CC00] =	vst v63  }
0x1d2: {  	_ =	swait.ge [sflag:s23], $0x4000  }
0x1d3: {  	[sflag:s23] =	ssyncset.done $0x0  }
0x1d4: {  	[sflag:s23] =	ssyncadd.s32 $0xFFFFC000  }
0x1d5: {  	[spmem:s3] =	stream.indirect.scatter.add.f32 [tilespmem:s20], [sflag:$0x3], $0x80, s9, s19, $0xb8;
	[tilespmem:$0x1CC00] =	vst v63  }
0x1d6: {  	_ =	swait.ge [sflag:s17], $0x4000  }
0x1d7: {  	[sflag:s17] =	ssyncset.done $0x0  }
0x1d8: {  	[sflag:s17] =	ssyncadd.s32 $0xFFFFC000  }
0x1d9: {  	[tilespmem:s20], [sflag:$0x2] =	stream.indirect.gather [hbm4b:s2+s19], $0x80, s11, s19, $0xb8;
	[tilespmem:$0x1CC00] =	vst v63  }
0x1da: {  	_ =	swait.ge [sflag:s21], $0x4000  }
0x1db: {  	[sflag:s21] =	ssyncset.done $0x0  }
0x1dc: {  	[sflag:s21] =	ssyncadd.s32 $0xFFFFC000  }
0x1dd: {  	[spmem:s3] =	stream.indirect.scatter.add.f32 [tilespmem:s16], [sflag:$0x3], $0x80, s15, s19, $0xb8;
	[tilespmem:$0x1CC00] =	vst v63  }
0x1de: {  	_ =	swait.ge [sflag:s17], $0x4000  }
0x1df: {  	[sflag:s17] =	ssyncset.done $0x0  }
0x1e0: {  	[sflag:s17] =	ssyncadd.s32 $0xFFFFC000  }
0x1e1: {  	[tilespmem:s16], [sflag:$0x1] =	stream.indirect.gather [hbm4b:s2+s19], $0x80, s5, s19, $0xb8;
	[tilespmem:$0x1CC00] =	vst v63  }
0x1e2: {  	_ =	swait.ge [sflag:s23], $0x4000  }
0x1e3: {  	[sflag:s23] =	ssyncset.done $0x0  }
0x1e4: {  	[sflag:s23] =	ssyncadd.s32 $0xFFFFC000  }
0x1e5: {  	[spmem:s3] =	stream.indirect.scatter.add.f32 [tilespmem:s20], [sflag:$0x3], $0x80, s22, s19, $0xb8;
	[tilespmem:$0x1CC00] =	vst v63  }
0x1e6: {  	_ =	swait.ge [sflag:s17], $0x4000  }
0x1e7: {  	[sflag:s17] =	ssyncset.done $0x0  }
0x1e8: {  	[sflag:s17] =	ssyncadd.s32 $0xFFFFC000  }
0x1e9: {  	[tilespmem:s20], [sflag:$0x2] =	stream.indirect.gather [hbm4b:s2+s19], $0x80, s24, s19, $0xb8;
	[tilespmem:$0x1CC00] =	vst v63  }
0x1ea: {  	_ =	swait.ge [sflag:s21], $0x4000  }
0x1eb: {  	[sflag:s21] =	ssyncset.done $0x0  }
0x1ec: {  	[sflag:s21] =	ssyncadd.s32 $0xFFFFC000  }
0x1ed: {  	[spmem:s3] =	stream.indirect.scatter.add.f32 [tilespmem:s16], [sflag:$0x3], $0x80, s25, s19, $0xb8;
	[tilespmem:$0x1CC00] =	vst v63  }
0x1ee: {  	_ =	swait.ge [sflag:s17], $0x4000  }
0x1ef: {  	[sflag:s17] =	ssyncset.done $0x0  }
0x1f0: {  	[sflag:s17] =	ssyncadd.s32 $0xFFFFC000  }
0x1f1: {  	[tilespmem:s16], [sflag:$0x1] =	stream.indirect.gather [hbm4b:s2+s19], $0x80, s26, s19, $0xb8;
	[tilespmem:$0x1CC00] =	vst v63  }
0x1f2: {  	_ =	swait.ge [sflag:s23], $0x4000  }
0x1f3: {  	[sflag:s23] =	ssyncset.done $0x0  }
0x1f4: {  	[sflag:s23] =	ssyncadd.s32 $0xFFFFC000  }
0x1f5: {  	[spmem:s3] =	stream.indirect.scatter.add.f32 [tilespmem:s20], [sflag:$0x3], $0x80, s28, s19, $0xb8;
	[tilespmem:$0x1CC00] =	vst v63  }
0x1f6: {  	_ =	swait.ge [sflag:s17], $0x4000  }
0x1f7: {  	[sflag:s17] =	ssyncset.done $0x0  }
0x1f8: {  	[sflag:s17] =	ssyncadd.s32 $0xFFFFC000  }
0x1f9: {  	[tilespmem:s20], [sflag:$0x2] =	stream.indirect.gather [hbm4b:s2+s19], $0x80, s29, s19, $0xb8;
	[tilespmem:$0x1CC00] =	vst v63  }
0x1fa: {  	_ =	swait.ge [sflag:s21], $0x4000  }
0x1fb: {  	[sflag:s21] =	ssyncset.done $0x0  }
0x1fc: {  	[sflag:s21] =	ssyncadd.s32 $0xFFFFC000  }
0x1fd: {  	[spmem:s3] =	stream.indirect.scatter.add.f32 [tilespmem:s16], [sflag:$0x3], $0x80, s30, s19, $0xb8;
	[tilespmem:$0x1CC00] =	vst v63  }
0x1fe: {  	_ =	swait.ge [sflag:s17], $0x4000  }
0x1ff: {  	[sflag:s17] =	ssyncset.done $0x0  }
0x200: {  	[sflag:s17] =	ssyncadd.s32 $0xFFFFC000  }
0x201: {  	_ =	swait.ge [sflag:s23], $0x4000  }
0x202: {  	[sflag:s23] =	ssyncset.done $0x0  }
0x203: {  	[sflag:s23] =	ssyncadd.s32 $0xFFFFC000  }
0x204: {  	[spmem:s3] =	stream.indirect.scatter.add.f32 [tilespmem:s20], [sflag:$0x3], $0x80, s31, s19, $0xb8;
	[tilespmem:$0x1CC00] =	vst v63  }
0x205: {  	s0 =	simm.s32 $0x100;
	_ =	swait.ge [sflag:s17], $0x4000  }
.LBB2_5:
0x206: {  	s10 =	rddreg [dreg:$0x4];
	s12 =	smov.u32 s0;
	[sflag:s17] =	ssyncset.done $0x0  }
0x207: {  	s10 =	sadd.s32 s12, s10;
	[sflag:s17] =	ssyncadd.s32 $0xFFFFC000  }
0x208: {  	[tilespmem:s4], [sflag:$0x3] =	stream.linear.gather [hbm4b:s10+s4], $0x800, $0x38;
	[tilespmem:$0x1CC00] =	vst v63  }
0x209: {  	_ =	swait.ge [sflag:s17], $0x800  }
0x20a: {  	s10 =	rddreg [dreg:$0x5];
	[sflag:s17] =	ssyncset.done $0x0  }
0x20b: {  	[sflag:s17] =	ssyncadd.s32 $0xFFFFF800;
	s10 =	sadd.s32 s12, s10  }
0x20c: {  	[tilespmem:s18], [sflag:$0x3] =	stream.linear.gather [hbm4b:s10+s4], $0x800, $0x38;
	[tilespmem:$0x1CC00] =	vst v63  }
0x20d: {  	_ =	swait.ge [sflag:s17], $0x800  }
0x20e: {  	[sflag:s17] =	ssyncset.done $0x0  }
0x20f: {  	[sflag:s17] =	ssyncadd.s32 $0xFFFFF800  }
0x210: {  	[tilespmem:s16], [sflag:$0x1] =	stream.indirect.gather [hbm4b:s2+s19], $0x80, s4, s19, $0xb8;
	[tilespmem:$0x1CC00] =	vst v63  }
0x211: {  	_ = 	snop  }
0x212: {  	[tilespmem:s20], [sflag:$0x2] =	stream.indirect.gather [hbm4b:s2+s19], $0x80, s19, s19, $0xb8;
	[tilespmem:$0x1CC00] =	vst v63  }
0x213: {  	_ =	swait.ge [sflag:s21], $0x4000  }
0x214: {  	[sflag:s21] =	ssyncset.done $0x0  }
0x215: {  	[sflag:s21] =	ssyncadd.s32 $0xFFFFC000  }
0x216: {  	[spmem:s3] =	stream.indirect.scatter.add.f32 [tilespmem:s16], [sflag:$0x3], $0x80, s18, s19, $0xb8;
	[tilespmem:$0x1CC00] =	vst v63  }
0x217: {  	_ =	swait.ge [sflag:s17], $0x4000  }
0x218: {  	[sflag:s17] =	ssyncset.done $0x0  }
0x219: {  	s12 =	simm.s32 $0x100;
	[sflag:s17] =	ssyncadd.s32 $0xFFFFC000  }
0x21a: {  	[tilespmem:s16], [sflag:$0x1] =	stream.indirect.gather [hbm4b:s2+s19], $0x80, s12, s19, $0xb8;
	[tilespmem:$0x1CC00] =	vst v63  }
0x21b: {  	_ =	swait.ge [sflag:s23], $0x4000  }
0x21c: {  	[sflag:s23] =	ssyncset.done $0x0  }
0x21d: {  	s10 =	simm.s32 $0x880;
	[sflag:s23] =	ssyncadd.s32 $0xFFFFC000  }
0x21e: {  	[spmem:s3] =	stream.indirect.scatter.add.f32 [tilespmem:s20], [sflag:$0x3], $0x80, s10, s19, $0xb8;
	[tilespmem:$0x1CC00] =	vst v63  }
0x21f: {  	_ =	swait.ge [sflag:s17], $0x4000  }
0x220: {  	[sflag:s17] =	ssyncset.done $0x0  }
0x221: {  	s12 =	simm.s32 $0x180;
	[sflag:s17] =	ssyncadd.s32 $0xFFFFC000  }
0x222: {  	[tilespmem:s20], [sflag:$0x2] =	stream.indirect.gather [hbm4b:s2+s19], $0x80, s12, s19, $0xb8;
	[tilespmem:$0x1CC00] =	vst v63  }
0x223: {  	_ =	swait.ge [sflag:s21], $0x4000  }
0x224: {  	[sflag:s21] =	ssyncset.done $0x0  }
0x225: {  	s10 =	simm.s32 $0x900;
	[sflag:s21] =	ssyncadd.s32 $0xFFFFC000  }
0x226: {  	[spmem:s3] =	stream.indirect.scatter.add.f32 [tilespmem:s16], [sflag:$0x3], $0x80, s10, s19, $0xb8;
	[tilespmem:$0x1CC00] =	vst v63  }
0x227: {  	_ =	swait.ge [sflag:s17], $0x4000  }
0x228: {  	[sflag:s17] =	ssyncset.done $0x0  }
0x229: {  	s12 =	simm.s32 $0x200;
	[sflag:s17] =	ssyncadd.s32 $0xFFFFC000  }
0x22a: {  	[tilespmem:s16], [sflag:$0x1] =	stream.indirect.gather [hbm4b:s2+s19], $0x80, s12, s19, $0xb8;
	[tilespmem:$0x1CC00] =	vst v63  }
0x22b: {  	_ =	swait.ge [sflag:s23], $0x4000  }
0x22c: {  	[sflag:s23] =	ssyncset.done $0x0  }
0x22d: {  	s10 =	simm.s32 $0x980;
	[sflag:s23] =	ssyncadd.s32 $0xFFFFC000  }
0x22e: {  	[spmem:s3] =	stream.indirect.scatter.add.f32 [tilespmem:s20], [sflag:$0x3], $0x80, s10, s19, $0xb8;
	[tilespmem:$0x1CC00] =	vst v63  }
0x22f: {  	_ =	swait.ge [sflag:s17], $0x4000  }
0x230: {  	[sflag:s17] =	ssyncset.done $0x0  }
0x231: {  	s12 =	simm.s32 $0x280;
	[sflag:s17] =	ssyncadd.s32 $0xFFFFC000  }
0x232: {  	[tilespmem:s20], [sflag:$0x2] =	stream.indirect.gather [hbm4b:s2+s19], $0x80, s12, s19, $0xb8;
	[tilespmem:$0x1CC00] =	vst v63  }
0x233: {  	_ =	swait.ge [sflag:s21], $0x4000  }
0x234: {  	[sflag:s21] =	ssyncset.done $0x0  }
0x235: {  	s10 =	simm.s32 $0xA00;
	[sflag:s21] =	ssyncadd.s32 $0xFFFFC000  }
0x236: {  	[spmem:s3] =	stream.indirect.scatter.add.f32 [tilespmem:s16], [sflag:$0x3], $0x80, s10, s19, $0xb8;
	[tilespmem:$0x1CC00] =	vst v63  }
0x237: {  	_ =	swait.ge [sflag:s17], $0x4000  }
0x238: {  	[sflag:s17] =	ssyncset.done $0x0  }
0x239: {  	s12 =	simm.s32 $0x300;
	[sflag:s17] =	ssyncadd.s32 $0xFFFFC000  }
0x23a: {  	[tilespmem:s16], [sflag:$0x1] =	stream.indirect.gather [hbm4b:s2+s19], $0x80, s12, s19, $0xb8;
	[tilespmem:$0x1CC00] =	vst v63  }
0x23b: {  	_ =	swait.ge [sflag:s23], $0x4000  }
0x23c: {  	[sflag:s23] =	ssyncset.done $0x0  }
0x23d: {  	s10 =	simm.s32 $0xA80;
	[sflag:s23] =	ssyncadd.s32 $0xFFFFC000  }
0x23e: {  	[spmem:s3] =	stream.indirect.scatter.add.f32 [tilespmem:s20], [sflag:$0x3], $0x80, s10, s19, $0xb8;
	[tilespmem:$0x1CC00] =	vst v63  }
0x23f: {  	_ =	swait.ge [sflag:s17], $0x4000  }
0x240: {  	[sflag:s17] =	ssyncset.done $0x0  }
0x241: {  	s12 =	simm.s32 $0x380;
	[sflag:s17] =	ssyncadd.s32 $0xFFFFC000  }
0x242: {  	[tilespmem:s20], [sflag:$0x2] =	stream.indirect.gather [hbm4b:s2+s19], $0x80, s12, s19, $0xb8;
	[tilespmem:$0x1CC00] =	vst v63  }
0x243: {  	_ =	swait.ge [sflag:s21], $0x4000  }
0x244: {  	[sflag:s21] =	ssyncset.done $0x0  }
0x245: {  	[sflag:s21] =	ssyncadd.s32 $0xFFFFC000  }
0x246: {  	[spmem:s3] =	stream.indirect.scatter.add.f32 [tilespmem:s16], [sflag:$0x3], $0x80, s13, s19, $0xb8;
	[tilespmem:$0x1CC00] =	vst v63  }
0x247: {  	_ =	swait.ge [sflag:s17], $0x4000  }
0x248: {  	[sflag:s17] =	ssyncset.done $0x0  }
0x249: {  	[sflag:s17] =	ssyncadd.s32 $0xFFFFC000  }
0x24a: {  	[tilespmem:s16], [sflag:$0x1] =	stream.indirect.gather [hbm4b:s2+s19], $0x80, s14, s19, $0xb8;
	[tilespmem:$0x1CC00] =	vst v63  }
0x24b: {  	_ =	swait.ge [sflag:s23], $0x4000  }
0x24c: {  	[sflag:s23] =	ssyncset.done $0x0  }
0x24d: {  	[sflag:s23] =	ssyncadd.s32 $0xFFFFC000  }
0x24e: {  	[spmem:s3] =	stream.indirect.scatter.add.f32 [tilespmem:s20], [sflag:$0x3], $0x80, s1, s19, $0xb8;
	[tilespmem:$0x1CC00] =	vst v63  }
0x24f: {  	_ =	swait.ge [sflag:s17], $0x4000  }
0x250: {  	[sflag:s17] =	ssyncset.done $0x0  }
0x251: {  	[sflag:s17] =	ssyncadd.s32 $0xFFFFC000  }
0x252: {  	[tilespmem:s20], [sflag:$0x2] =	stream.indirect.gather [hbm4b:s2+s19], $0x80, s6, s19, $0xb8;
	[tilespmem:$0x1CC00] =	vst v63  }
0x253: {  	_ =	swait.ge [sflag:s21], $0x4000  }
0x254: {  	[sflag:s21] =	ssyncset.done $0x0  }
0x255: {  	[sflag:s21] =	ssyncadd.s32 $0xFFFFC000  }
0x256: {  	[spmem:s3] =	stream.indirect.scatter.add.f32 [tilespmem:s16], [sflag:$0x3], $0x80, s7, s19, $0xb8;
	[tilespmem:$0x1CC00] =	vst v63  }
0x257: {  	_ =	swait.ge [sflag:s17], $0x4000  }
0x258: {  	[sflag:s17] =	ssyncset.done $0x0  }
0x259: {  	[sflag:s17] =	ssyncadd.s32 $0xFFFFC000  }
0x25a: {  	[tilespmem:s16], [sflag:$0x1] =	stream.indirect.gather [hbm4b:s2+s19], $0x80, s8, s19, $0xb8;
	[tilespmem:$0x1CC00] =	vst v63  }
0x25b: {  	_ =	swait.ge [sflag:s23], $0x4000  }
0x25c: {  	[sflag:s23] =	ssyncset.done $0x0  }
0x25d: {  	[sflag:s23] =	ssyncadd.s32 $0xFFFFC000  }
0x25e: {  	[spmem:s3] =	stream.indirect.scatter.add.f32 [tilespmem:s20], [sflag:$0x3], $0x80, s9, s19, $0xb8;
	[tilespmem:$0x1CC00] =	vst v63  }
0x25f: {  	_ =	swait.ge [sflag:s17], $0x4000  }
0x260: {  	[sflag:s17] =	ssyncset.done $0x0  }
0x261: {  	[sflag:s17] =	ssyncadd.s32 $0xFFFFC000  }
0x262: {  	[tilespmem:s20], [sflag:$0x2] =	stream.indirect.gather [hbm4b:s2+s19], $0x80, s11, s19, $0xb8;
	[tilespmem:$0x1CC00] =	vst v63  }
0x263: {  	_ =	swait.ge [sflag:s21], $0x4000  }
0x264: {  	[sflag:s21] =	ssyncset.done $0x0  }
0x265: {  	[sflag:s21] =	ssyncadd.s32 $0xFFFFC000  }
0x266: {  	[spmem:s3] =	stream.indirect.scatter.add.f32 [tilespmem:s16], [sflag:$0x3], $0x80, s15, s19, $0xb8;
	[tilespmem:$0x1CC00] =	vst v63  }
0x267: {  	_ =	swait.ge [sflag:s17], $0x4000  }
0x268: {  	[sflag:s17] =	ssyncset.done $0x0  }
0x269: {  	[sflag:s17] =	ssyncadd.s32 $0xFFFFC000  }
0x26a: {  	[tilespmem:s16], [sflag:$0x1] =	stream.indirect.gather [hbm4b:s2+s19], $0x80, s5, s19, $0xb8;
	[tilespmem:$0x1CC00] =	vst v63  }
0x26b: {  	_ =	swait.ge [sflag:s23], $0x4000  }
0x26c: {  	[sflag:s23] =	ssyncset.done $0x0  }
0x26d: {  	[sflag:s23] =	ssyncadd.s32 $0xFFFFC000  }
0x26e: {  	[spmem:s3] =	stream.indirect.scatter.add.f32 [tilespmem:s20], [sflag:$0x3], $0x80, s22, s19, $0xb8;
	[tilespmem:$0x1CC00] =	vst v63  }
0x26f: {  	_ =	swait.ge [sflag:s17], $0x4000  }
0x270: {  	[sflag:s17] =	ssyncset.done $0x0  }
0x271: {  	[sflag:s17] =	ssyncadd.s32 $0xFFFFC000  }
0x272: {  	[tilespmem:s20], [sflag:$0x2] =	stream.indirect.gather [hbm4b:s2+s19], $0x80, s24, s19, $0xb8;
	[tilespmem:$0x1CC00] =	vst v63  }
0x273: {  	_ =	swait.ge [sflag:s21], $0x4000  }
0x274: {  	[sflag:s21] =	ssyncset.done $0x0  }
0x275: {  	[sflag:s21] =	ssyncadd.s32 $0xFFFFC000  }
0x276: {  	[spmem:s3] =	stream.indirect.scatter.add.f32 [tilespmem:s16], [sflag:$0x3], $0x80, s25, s19, $0xb8;
	[tilespmem:$0x1CC00] =	vst v63  }
0x277: {  	_ =	swait.ge [sflag:s17], $0x4000  }
0x278: {  	[sflag:s17] =	ssyncset.done $0x0  }
0x279: {  	[sflag:s17] =	ssyncadd.s32 $0xFFFFC000  }
0x27a: {  	[tilespmem:s16], [sflag:$0x1] =	stream.indirect.gather [hbm4b:s2+s19], $0x80, s26, s19, $0xb8;
	[tilespmem:$0x1CC00] =	vst v63  }
0x27b: {  	_ =	swait.ge [sflag:s23], $0x4000  }
0x27c: {  	[sflag:s23] =	ssyncset.done $0x0  }
0x27d: {  	[sflag:s23] =	ssyncadd.s32 $0xFFFFC000  }
0x27e: {  	[spmem:s3] =	stream.indirect.scatter.add.f32 [tilespmem:s20], [sflag:$0x3], $0x80, s28, s19, $0xb8;
	[tilespmem:$0x1CC00] =	vst v63  }
0x27f: {  	_ =	swait.ge [sflag:s17], $0x4000  }
0x280: {  	[sflag:s17] =	ssyncset.done $0x0  }
0x281: {  	[sflag:s17] =	ssyncadd.s32 $0xFFFFC000  }
0x282: {  	[tilespmem:s20], [sflag:$0x2] =	stream.indirect.gather [hbm4b:s2+s19], $0x80, s29, s19, $0xb8;
	[tilespmem:$0x1CC00] =	vst v63  }
0x283: {  	_ =	swait.ge [sflag:s21], $0x4000  }
0x284: {  	[sflag:s21] =	ssyncset.done $0x0  }
0x285: {  	[sflag:s21] =	ssyncadd.s32 $0xFFFFC000  }
0x286: {  	[spmem:s3] =	stream.indirect.scatter.add.f32 [tilespmem:s16], [sflag:$0x3], $0x80, s30, s19, $0xb8;
	[tilespmem:$0x1CC00] =	vst v63  }
0x287: {  	_ =	swait.ge [sflag:s17], $0x4000  }
0x288: {  	[sflag:s17] =	ssyncset.done $0x0  }
0x289: {  	p2 =	sne.s32 s0, $0x400;
	[sflag:s17] =	ssyncadd.s32 $0xFFFFC000  }
.Ltmp6:
0x28a: {  	_ =	swait.ge [sflag:s23], $0x4000;
	(pc) =	sbr.rel @p2 .LBB2_5-.Ltmp6, $4  }
0x28b: {  	[sflag:s23] =	ssyncset.done $0x0  }
0x28c: {  	[sflag:s23] =	ssyncadd.s32 $0xFFFFC000  }
0x28d: {  	[spmem:s3] =	stream.indirect.scatter.add.f32 [tilespmem:s20], [sflag:$0x3], $0x80, s31, s19, $0xb8;
	[tilespmem:$0x1CC00] =	vst v63  }
0x28e: {  	s0 =	sadd.s32 $0x100, s0;
	_ =	swait.ge [sflag:s17], $0x4000  }
.Ltmp7:
0x28f: {  	_ = 	snop;
	(pc) =	sbr.rel .LBB2_6-.Ltmp7, $1  }
0x290: {  	_ =	sdelay $0x3  }
.LBB2_11:
0x291: {  	_ =	sfence.sel $0x180000  }
0x292: {  	[bflag:$0x0] =	sbarrier.arrive $0xFFFF  }
0x293: {  	_ =	strace $0x90000050  }
0x294: {  	s0 =	stileid.u32;
	[bflag:$0x2] =	sbarrier.arrive $0xFFFF  }
0x295: {  	p0 =	sne.s32 s0, $0x0;
	s0 =	rddreg [dreg:$0x3]  }
0x296: {  	s0 =	sadd.s32 @!p0 $0x100000, s0  }
0x297: {  	[sflag:s0] =	ssyncadd.tile.s32 @!p0 $0x1;
	_ =	shalt  }
.Lfunc_end2:
_tile_overlayer_lowered:
.L_overlay_start_2:
0x298: {  	(tag) =	ssettag $0x2  }
0x299: {  	s0 =	rddreg [dreg:$0x0];
	s2 =	stileid.u32  }
0x29a: {  	s1 =	rddreg [dreg:$0x1];
	p0 =	sne.s32 s2, $0x0  }
0x29b: {  	s3 =	rddreg [dreg:$0x2];
	[bflag:$0x3] =	sbarrier.arrive $0xFFFF;
	s2 =	simm.s32 @!p0 $0x1C03  }
0x29c: {  	[timem:s3], [sflag:s2] =	dma.local @!p0 [hbm:s0], s1  }
0x29d: {  	s0 =	simm.s32 @!p0 $0x3  }
0x29e: {  	_ =	swait.ge @!p0 [sflag:s0], s1  }
0x29f: {  	s1 =	ssub.s32 @!p0 $0x0, s1;
	[sflag:s0] =	ssyncset.done @!p0 $0x0  }
0x2a0: {  	[sflag:s0] =	ssyncadd.s32 @!p0 s1  }
0x2a1: {  	[bflag:$0x3] =	sbarrier.arrive $0xFFFF  }
0x2a2: {  	_ =	shalt  }

// kernel: gcn_sc_agg.5.cloned.1.call-start
scs
__scs_entry_jumppad:
0x0: {  	(pc) =	sbr.rel $0x88, $3  }
0x1: {  	(tag) =	ssettag $0x0;
	lr =	simm.s32 $0x1  }
0x2: {  	[smem:$0x3F99] =	sst lr;
	_ =	strace $0xD0000000  }
0x3: {  	_ = 	snop  }
0x4: {  	_ = 	snop  }
0x5: {  	_ = 	snop  }
0x6: {  	_ = 	snop  }
0x7: {  	_ = 	snop  }
__scs_overlays_trampoline_lowered:
0x8: {  	[smem:$0x3FA8] =	sst s0  }
0x9: {  	[smem:$0x3FA9] =	sst s1  }
0xa: {  	[smem:$0x3FAA] =	sst s2  }
0xb: {  	[smem:$0x3FAB] =	sst s3  }
0xc: {  	[smem:$0x3FAC] =	sst s4  }
0xd: {  	[smem:$0x3FAD] =	sst s5  }
0xe: {  	[smem:$0x3FAE] =	sst s6  }
0xf: {  	[smem:$0x3FAF] =	sst s7  }
0x10: {  	[smem:$0x3FB0] =	sst s8  }
0x11: {  	[smem:$0x3FB1] =	sst s9;
	s0 =	simm.s32 @!p0 $0x0  }
0x12: {  	s1 =	sld [smem:$0x3F97];
	s0 =	simm.s32 @p0 $0x1  }
0x13: {  	[smem:$0x3FB2] =	sst s0;
	s0 =	simm.s32 @!p1 $0x0  }
0x14: {  	s2 =	sld [smem:$0x3F96];
	s0 =	simm.s32 @p1 $0x1  }
0x15: {  	[smem:$0x3FB3] =	sst s0;
	s0 =	simm.s32 @!p2 $0x0  }
0x16: {  	s3 =	sld [smem:$0x3FDB];
	s0 =	simm.s32 @p2 $0x1  }
0x17: {  	s4 =	simm.s32 $0x1BF5;
	[smem:$0x3FB5] =	sst s0  }
0x18: {  	s0 =	sld [smem:$0x3F98];
	_ =	swait.ge [sflag:s4], $0x0  }
0x19: {  	s7 =	sld [smem:$0x3F99]  }
0x1a: {  	s8 =	sadd.s32 $0xFFFFE003, lr  }
0x1b: {  	s9 =	sadd.s32 $0xFFFFFEF7, lr;
	s5 =	simm.s32 $0xFFFFFFFF;
	p2 =	slt.u32 s8, $0xFFFFF086  }
0x1c: {  	p1 =	slt.u32 s9, $0xF7A;
	s5 =	simm.s32 @!p2 $0x0  }
0x1d: {  	s5 =	simm.s32 @p1 $0x1;
	p0 =	seq.s32 s7, s2  }
0x1e: {  	s7 =	smul.u32 @!p0 $0xF7A, s2;
	p2 =	seq.s32 @!p0 s5, $0x0  }
0x1f: {  	s9 =	smul.u32 $0xF7A, s1;
	s8 =	simm.s32 @!p0 $0x1BF5;
	p2 =	por !p2, p0  }
0x20: {  	[sflag:s8] =	ssyncset.s32 @!p0 $0xFFFFF086;
	s6 =	sadd.s32 @!p0 s3, s7;
	s7 =	simm.s32 @!p0 $0x108  }
0x21: {  	s3 =	sadd.s32 s3, s9;
	s6 =	sadd.s32 @!p0 $0x88, s6;
	s7 =	simm.s32 @p2 $0x1082  }
0x22: {  	[simem:s7], [sflag:s8] =	dma.local @!p0 [hbm:s6], $0xF7A  }
0x23: {  	s9 =	sor.u32 $0xD0000000, s2;
	s6 =	simm.s32 $0x108;
	_ =	swait.ge @!p0 [sflag:s8], $0x0  }
0x24: {  	s3 =	sadd.s32 $0x88, s3;
	s6 =	simm.s32 @!p1 $0x1082;
	[sflag:s4] =	ssyncset.s32 $0xFFFFF086  }
0x25: {  	[simem:s6], [sflag:s4] =	dma.local [hbm:s3], $0xF7A  }
0x26: {  	[smem:$0x3F99] =	sst s1;
	(tag) =	ssettag s2;
	_ =	strace s9  }
0x27: {  	s1 =	sld [smem:$0x3FA9]  }
0x28: {  	s2 =	sld [smem:$0x3FAA]  }
0x29: {  	s4 =	sld [smem:$0x3FAC]  }
0x2a: {  	p0 =	seq.s32 s5, $0x0;
	s5 =	sld [smem:$0x3FAD]  }
0x2b: {  	s6 =	sld [smem:$0x3FAE]  }
0x2c: {  	s7 =	sld [smem:$0x3FAF]  }
0x2d: {  	s3 =	simm.s32 $0x108;
	s8 =	sld [smem:$0x3FB0]  }
0x2e: {  	s3 =	simm.s32 @!p0 $0x1082;
	s9 =	sld [smem:$0x3FB1]  }
0x2f: {  	lr =	sadd.s32 s0, s3;
	s0 =	sld [smem:$0x3FA8]  }
0x30: {  	s3 =	sld [smem:$0x3FAB]  }
0x31: {  	[smem:$0x3FB4] =	sst s10  }
0x32: {  	s10 =	sld [smem:$0x3FB2];
	_ =	sdelay $0x3  }
0x33: {  	p0 =	seq.s32 s10, $0x1;
	s10 =	sld [smem:$0x3FB4];
	_ =	sdelay $0x3  }
0x34: {  	[smem:$0x3FB4] =	sst s10  }
0x35: {  	s10 =	sld [smem:$0x3FB3];
	_ =	sdelay $0x3  }
0x36: {  	p1 =	seq.s32 s10, $0x1;
	s10 =	sld [smem:$0x3FB4];
	_ =	sdelay $0x3  }
0x37: {  	[smem:$0x3FB4] =	sst s10  }
0x38: {  	s10 =	sld [smem:$0x3FB5]  }
0x39: {  	_ = 	snop;
	(pc) =	sbr.ind lr, $3  }
0x3a: {  	_ = 	snop  }
0x3b: {  	_ = 	snop  }
0x3c: {  	p2 =	seq.s32 s10, $0x1;
	s10 =	sld [smem:$0x3FB4]  }
0x3d: {  	_ =	shalt  }
0x3e: {  	_ =	shalt  }
0x3f: {  	_ =	shalt  }
0x40: {  	_ =	shalt  }
0x41: {  	_ =	shalt  }
0x42: {  	_ =	shalt  }
0x43: {  	_ =	shalt  }
0x44: {  	_ =	shalt  }
0x45: {  	_ =	shalt  }
0x46: {  	_ =	shalt  }
0x47: {  	_ =	shalt  }
0x48: {  	_ =	shalt  }
0x49: {  	_ =	shalt  }
0x4a: {  	_ =	shalt  }
0x4b: {  	_ =	shalt  }
0x4c: {  	_ =	shalt  }
0x4d: {  	_ =	shalt  }
0x4e: {  	_ =	shalt  }
0x4f: {  	_ =	shalt  }
0x50: {  	_ =	shalt  }
0x51: {  	_ =	shalt  }
0x52: {  	_ =	shalt  }
0x53: {  	_ =	shalt  }
0x54: {  	_ =	shalt  }
0x55: {  	_ =	shalt  }
0x56: {  	_ =	shalt  }
0x57: {  	_ =	shalt  }
0x58: {  	_ =	shalt  }
0x59: {  	_ =	shalt  }
0x5a: {  	_ =	shalt  }
0x5b: {  	_ =	shalt  }
0x5c: {  	_ =	shalt  }
0x5d: {  	_ =	shalt  }
0x5e: {  	_ =	shalt  }
0x5f: {  	_ =	shalt  }
0x60: {  	_ =	shalt  }
0x61: {  	_ =	shalt  }
0x62: {  	_ =	shalt  }
0x63: {  	_ =	shalt  }
0x64: {  	_ =	shalt  }
0x65: {  	_ =	shalt  }
0x66: {  	_ =	shalt  }
0x67: {  	_ =	shalt  }
0x68: {  	_ =	shalt  }
0x69: {  	_ =	shalt  }
0x6a: {  	_ =	shalt  }
0x6b: {  	_ =	shalt  }
0x6c: {  	_ =	shalt  }
0x6d: {  	_ =	shalt  }
0x6e: {  	_ =	shalt  }
0x6f: {  	_ =	shalt  }
0x70: {  	_ =	shalt  }
0x71: {  	_ =	shalt  }
0x72: {  	_ =	shalt  }
0x73: {  	_ =	shalt  }
0x74: {  	_ =	shalt  }
0x75: {  	_ =	shalt  }
0x76: {  	_ =	shalt  }
0x77: {  	_ =	shalt  }
0x78: {  	_ =	shalt  }
0x79: {  	_ =	shalt  }
0x7a: {  	_ =	shalt  }
0x7b: {  	_ =	shalt  }
0x7c: {  	_ =	shalt  }
0x7d: {  	_ =	shalt  }
0x7e: {  	_ =	shalt  }
0x7f: {  	_ =	shalt  }
0x80: {  	_ =	shalt  }
0x81: {  	_ =	shalt  }
0x82: {  	_ =	shalt  }
0x83: {  	_ =	shalt  }
0x84: {  	_ =	shalt  }
0x85: {  	_ =	shalt  }
0x86: {  	_ =	shalt  }
0x87: {  	_ =	shalt  }
.Lfunc_end0:
.L_simem_size_0:
called_computation.1_lowered:
.L_overlay_start_0:
0x88: {  	s2 =	sld [smem:$0x3FD9]  }
0x89: {  	s3 =	sld [smem:$0x3FFE];
	_ =	sdelay $0x1  }
0x8a: {  	s1 =	srdreg.scid  }
0x8b: {  	s0 =	sand.u32 $0x1, s1  }
0x8c: {  	s17 =	sshll.u32 s0, $0xA;
	s2 =	sadd.s32 s3, s2  }
0x8d: {  	s2 =	sadd.s32 s2, s17  }
0x8e: {  	[smem:$0x3FC0] =	sst s2  }
0x8f: {  	_ = 	snop  }
0x90: {  	s2 =	sld [smem:$0x3FD0];
	(tm) =	ssettm $0x1  }
0x91: {  	s18 =	sld [smem:$0x3FFB];
	_ =	sdelay $0x3  }
0x92: {  	_ =	strace s18  }
0x93: {  	s3 =	sld [smem:$0x3FFC];
	_ =	sdelay $0x3  }
0x94: {  	_ =	strace s3  }
0x95: {  	s3 =	sld [smem:$0x3FFD];
	_ =	sdelay $0x3  }
0x96: {  	_ =	strace s3  }
0x97: {  	_ =	strace $0x8FFFFFFF  }
0x98: {  	s19 =	sld [smem:$0x3FDB];
	_ =	sdelay $0x1  }
0x99: {  	s4 =	simm.s32 $_scs_section_size  }
0x9a: {  	s5 =	simm.s32 $_size__tile_overlayer_lowered;
	s6 =	simm.s32 $_tile_overlayer_lowered  }
0x9b: {  	s22 =	simm.s32 $0x1BFF;
	s21 =	sshll.u32 s6, $0x1;
	s3 =	sadd.s32 s4, s19  }
0x9c: {  	s7 =	simm.s32 $0x0;
	s20 =	sshll.u32 s5, $0x1;
	s5 =	sadd.s32 s21, s3  }
0x9d: {  	[timem:s7], [sflag:s22] =	dma.local [hbm:s5], s20  }
0x9e: {  	_ =	swait.ge [sflag:s22], s20  }
0x9f: {  	s4 =	ssub.s32 $0x0, s20;
	[sflag:s22] =	ssyncset.done $0x0  }
0xa0: {  	[sflag:s22] =	ssyncadd.s32 s4;
	_ =	sdelay $0x1  }
0xa1: {  	s23 =	simm.s32 $0x1B8B  }
0xa2: {  	_ =	swait.ge [sflag:s23], $0x1  }
0xa3: {  	[sflag:s23] =	ssyncset.done $0x0  }
0xa4: {  	s25 =	simm.s32 $0x1B8E;
	s24 =	sld [smem:$0x3FFE];
	[sflag:s23] =	ssyncadd.s32 $0xFFFFFFFF  }
0xa5: {  	s26 =	simm.s32 $execute0_lowered;
	[smem:$0x3FD2] =	sst s25  }
0xa6: {  	s5 =	sshll.u32 s26, $0x1;
	_ =	strace $0x80000049;
	[dreg:$0x1] =	wrdreg $0xFFFFFFFF  }
0xa7: {  	s28 =	simm.s32 $_size_execute0_lowered;
	s3 =	sadd.s32 s3, s5;
	[dreg:$0x0] =	wrdreg $0x0  }
0xa8: {  	s5 =	sshll.u32 s28, $0x1;
	[dreg:$0x2] =	wrdreg s3  }
0xa9: {  	[dreg:$0x3] =	wrdreg s5  }
0xaa: {  	[dreg:$0x4] =	wrdreg $0xC0  }
0xab: {  	_ =	task [dreg:s7], $0x5FFFF  }
0xac: {  	[dreg:$0x1] =	wrdreg $0xFFFFFFFF  }
0xad: {  	[dreg:$0x0] =	wrdreg $0x60  }
0xae: {  	[dreg:$0x2] =	wrdreg s2  }
0xaf: {  	[dreg:$0x3] =	wrdreg s24  }
0xb0: {  	[dreg:$0x4] =	wrdreg $0x90000  }
0xb1: {  	[dreg:$0x5] =	wrdreg $0x9  }
0xb2: {  	_ =	task.clear_ibuf [dreg:s7], $0x6FFFF;
	_ =	strace $0x90000049  }
0xb3: {  	s29 =	simm.s32 $0x9;
	_ =	strace $0x8000004B  }
0xb4: {  	_ =	swait.ge [sflag:s29], $0x1  }
0xb5: {  	[sflag:s29] =	ssyncadd.s32 $0xFFFFFFFF  }
0xb6: {  	_ =	strace $0x9000004B  }
0xb7: {  	_ =	sfence  }
0xb8: {  	s30 =	sld [smem:$0x0];
	_ =	sdelay $0x2  }
0xb9: {  	s31 =	sshll.u32 s1, $0xD;
	s1 =	sshrl.u32 s1, $0x2  }
0xba: {  	s3 =	sand.u32 $0x4000, s31;
	s1 =	sadd.s32 s1, s30  }
0xbb: {  	s0 =	sor.u32 s3, s0;
	s1 =	sshll.u32 s1, $0x11  }
0xbc: {  	s0 =	sor.u32 s1, s0  }
0xbd: {  	s0 =	sadd.s32 $0x8F2B, s0  }
0xbe: {  	[sflag:s0] =	ssyncadd.remote.s32 $0x1  }
0xbf: {  	_ =	sfence.sel $0xFFFF  }
0xc0: {  	[dreg:$0x0] =	wrdreg $0xFFFFFFFF;
	(pc) =	sbr.abs _section_cstart, $3  }
0xc1: {  	[dreg:$0x1] =	wrdreg $0xFFFFFFFF  }
0xc2: {  	_ =	task.clear_ibuf [dreg:s7], $0x2FFFF;
	_ =	strace $0x9FFFFFFF  }
0xc3: {  	(tm) =	ssettm $0x7FFFFFFF  }
tec
execute0_lowered:
.L_overlay_start_1:
0x0: {  	(tag) =	ssettag $0x1  }
0x1: {  	s1 =	rddreg [dreg:$0x0]  }
0x2: {  	s0 =	rddreg [dreg:$0x1]  }
0x3: {  	s3 =	rddreg [dreg:$0x2];
	s4 =	simm.s32 $0x0;
	s11 =	stileid.u32  }
0x4: {  	s5 =	srdreg.scid;
	s19 =	simm.s32 $0x1000;
	s20 =	simm.s32 $0x3  }
0x5: {  	s21 =	simm.s32 $0x800;
	s22 =	simm.s32 $0x80;
	s2 =	smul.u32 $0xA00, s11  }
0x6: {  	s12 =	simm.s32 $0x880;
	[smem:$0x7FF] =	sst s4;
	s7 =	smul.u32 $0x4F000, s11  }
0x7: {  	s6 =	sand.u32 $0x1, s5;
	s5 =	sadd.s32 $0x4A600, s0;
	s8 =	smul.u32 $0x2780, s11  }
0x8: {  	s28 =	sadd.s32 $0x128400, s3;
	s29 =	sadd.s32 $0x96880, s0;
	p1 =	seq.s32 s11, $0xF  }
0x9: {  	_ =	strace $0x8000004A;
	s9 =	ssub.s32 $0x2, s6;
	[dreg:$0xa] =	wrdreg s28  }
0xa: {  	p0 =	seq.s32 s6, $0x1;
	[dreg:$0xb] =	wrdreg s29;
	s2 =	sadd.s32 s2, s0  }
0xb: {  	s7 =	sshrl.u32 s7, $0x2;
	s8 =	sadd.s32 s8, s0;
	s0 =	sadd.s32 $0xBDA80, s0  }
0xc: {  	s10 =	sshrl.u32 s9, $0x1;
	s7 =	sadd.s32 s7, s3;
	[dreg:$0xd] =	wrdreg s0  }
0xd: {  	s9 =	ssub.s32 s9, s10;
	s26 =	sadd.s32 $0x71800, s8;
	[dreg:$0x4] =	wrdreg s7  }
0xe: {  	s30 =	sadd.s32 $0x98A00, s8;
	s17 =	sadd.s32 $0xF400, s2;
	[dreg:$0x9] =	wrdreg s26  }
0xf: {  	s18 =	sadd.s32 $0x19400, s2;
	s23 =	sadd.s32 $0x4000, s7;
	[dreg:$0xc] =	wrdreg s30  }
.Ltmp0:
0x10: {  	s24 =	sadd.s32 $0x8000, s7;
	[dreg:$0x5] =	wrdreg s23;
	(pc) =	sbr.rel .LBB2_1-.Ltmp0, $4  }
0x11: {  	s10 =	simm.s32 $0x100;
	s25 =	sadd.s32 $0xC000, s7;
	[dreg:$0x6] =	wrdreg s24  }
0x12: {  	s0 =	simm.s32 $0x0;
	s7 =	sadd.s32 $0x10000, s7;
	[dreg:$0x7] =	wrdreg s25  }
0x13: {  	s31 =	smax.u32 s9, $0x1;
	s26 =	simm.s32 $0x2;
	[dreg:$0x8] =	wrdreg s7  }
0x14: {  	v0 =	vimm.f32 $0.0e+00;
	[dreg:$0xe] =	wrdreg s31;
	s23 =	simm.s32 $0x5000;
	s24 =	simm.s32 $0x1  }
.LBB2_6:
0x15: {  	s8 =	sadd.s32 s7, s18;
	[sflag:s20] =	ssyncadd.s32 $0xFFFFC000  }
0x16: {  	[tilespmem:s4], [sflag:$0x3] =	stream.linear.gather [hbm4b:s8+s4], $0x800, $0x38;
	[tilespmem:$0x1CC00] =	vst v63  }
0x17: {  	_ =	swait.ge [sflag:s20], $0x800  }
0x18: {  	[sflag:s20] =	ssyncset.done $0x0  }
0x19: {  	s9 =	sadd.s32 s7, s17;
	[sflag:s20] =	ssyncadd.s32 $0xFFFFF800  }
0x1a: {  	[tilespmem:s21], [sflag:$0x3] =	stream.linear.gather [hbm4b:s9+s4], $0x800, $0x38;
	[tilespmem:$0x1CC00] =	vst v63  }
0x1b: {  	_ =	swait.ge [sflag:s20], $0x800  }
0x1c: {  	[sflag:s20] =	ssyncset.done $0x0  }
0x1d: {  	[sflag:s20] =	ssyncadd.s32 $0xFFFFF800  }
0x1e: {  	[tilespmem:s19], [sflag:$0x1] =	stream.indirect.gather [hbm4b:s1+s22], $0x80, s4, s22, $0xb8;
	[tilespmem:$0x1CC00] =	vst v63  }
0x1f: {  	_ = 	snop  }
0x20: {  	[tilespmem:s23], [sflag:$0x2] =	stream.indirect.gather [hbm4b:s1+s22], $0x80, s22, s22, $0xb8;
	[tilespmem:$0x1CC00] =	vst v63  }
0x21: {  	_ =	swait.ge [sflag:s24], $0x4000  }
0x22: {  	[sflag:s24] =	ssyncset.done $0x0  }
0x23: {  	[sflag:s24] =	ssyncadd.s32 $0xFFFFC000  }
0x24: {  	[spmem:s3] =	stream.indirect.scatter.add.f32 [tilespmem:s19], [sflag:$0x3], $0x80, s21, s22, $0xb8;
	[tilespmem:$0x1CC00] =	vst v63  }
0x25: {  	_ =	swait.ge [sflag:s20], $0x4000  }
0x26: {  	[sflag:s20] =	ssyncset.done $0x0  }
0x27: {  	[sflag:s20] =	ssyncadd.s32 $0xFFFFC000  }
0x28: {  	[tilespmem:s19], [sflag:$0x1] =	stream.indirect.gather [hbm4b:s1+s22], $0x80, s10, s22, $0xb8;
	[tilespmem:$0x1CC00] =	vst v63  }
0x29: {  	_ =	swait.ge [sflag:s26], $0x4000  }
0x2a: {  	[sflag:s26] =	ssyncset.done $0x0  }
0x2b: {  	[sflag:s26] =	ssyncadd.s32 $0xFFFFC000  }
0x2c: {  	[spmem:s3] =	stream.indirect.scatter.add.f32 [tilespmem:s23], [sflag:$0x3], $0x80, s12, s22, $0xb8;
	[tilespmem:$0x1CC00] =	vst v63  }
0x2d: {  	_ =	swait.ge [sflag:s20], $0x4000  }
0x2e: {  	[sflag:s20] =	ssyncset.done $0x0  }
0x2f: {  	[sflag:s20] =	ssyncadd.s32 $0xFFFFC000  }
0x30: {  	[tilespmem:s23], [sflag:$0x2] =	stream.indirect.gather [hbm4b:s1+s22], $0x80, s16, s22, $0xb8;
	[tilespmem:$0x1CC00] =	vst v63  }
0x31: {  	_ =	swait.ge [sflag:s24], $0x4000  }
0x32: {  	[sflag:s24] =	ssyncset.done $0x0  }
0x33: {  	[sflag:s24] =	ssyncadd.s32 $0xFFFFC000  }
0x34: {  	[spmem:s3] =	stream.indirect.scatter.add.f32 [tilespmem:s19], [sflag:$0x3], $0x80, s6, s22, $0xb8;
	[tilespmem:$0x1CC00] =	vst v63  }
0x35: {  	_ =	swait.ge [sflag:s20], $0x4000  }
0x36: {  	[sflag:s20] =	ssyncset.done $0x0  }
0x37: {  	[sflag:s20] =	ssyncadd.s32 $0xFFFFC000  }
0x38: {  	[tilespmem:s19], [sflag:$0x1] =	stream.indirect.gather [hbm4b:s1+s22], $0x80, s25, s22, $0xb8;
	[tilespmem:$0x1CC00] =	vst v63  }
0x39: {  	_ =	swait.ge [sflag:s26], $0x4000  }
0x3a: {  	[sflag:s26] =	ssyncset.done $0x0  }
0x3b: {  	[sflag:s26] =	ssyncadd.s32 $0xFFFFC000  }
0x3c: {  	[spmem:s3] =	stream.indirect.scatter.add.f32 [tilespmem:s23], [sflag:$0x3], $0x80, s28, s22, $0xb8;
	[tilespmem:$0x1CC00] =	vst v63  }
0x3d: {  	_ =	swait.ge [sflag:s20], $0x4000  }
0x3e: {  	[sflag:s20] =	ssyncset.done $0x0  }
0x3f: {  	[sflag:s20] =	ssyncadd.s32 $0xFFFFC000  }
0x40: {  	[tilespmem:s23], [sflag:$0x2] =	stream.indirect.gather [hbm4b:s1+s22], $0x80, s29, s22, $0xb8;
	[tilespmem:$0x1CC00] =	vst v63  }
0x41: {  	_ =	swait.ge [sflag:s24], $0x4000  }
0x42: {  	[sflag:s24] =	ssyncset.done $0x0  }
0x43: {  	[sflag:s24] =	ssyncadd.s32 $0xFFFFC000  }
0x44: {  	[spmem:s3] =	stream.indirect.scatter.add.f32 [tilespmem:s19], [sflag:$0x3], $0x80, s30, s22, $0xb8;
	[tilespmem:$0x1CC00] =	vst v63  }
0x45: {  	_ =	swait.ge [sflag:s20], $0x4000  }
0x46: {  	[sflag:s20] =	ssyncset.done $0x0  }
0x47: {  	[sflag:s20] =	ssyncadd.s32 $0xFFFFC000  }
0x48: {  	[tilespmem:s19], [sflag:$0x1] =	stream.indirect.gather [hbm4b:s1+s22], $0x80, s31, s22, $0xb8;
	[tilespmem:$0x1CC00] =	vst v63  }
0x49: {  	_ =	swait.ge [sflag:s26], $0x4000  }
0x4a: {  	[sflag:s26] =	ssyncset.done $0x0  }
0x4b: {  	[sflag:s26] =	ssyncadd.s32 $0xFFFFC000  }
0x4c: {  	[spmem:s3] =	stream.indirect.scatter.add.f32 [tilespmem:s23], [sflag:$0x3], $0x80, s0, s22, $0xb8;
	[tilespmem:$0x1CC00] =	vst v63  }
0x4d: {  	_ =	swait.ge [sflag:s20], $0x4000  }
0x4e: {  	[sflag:s20] =	ssyncset.done $0x0  }
0x4f: {  	[sflag:s20] =	ssyncadd.s32 $0xFFFFC000  }
0x50: {  	[tilespmem:s23], [sflag:$0x2] =	stream.indirect.gather [hbm4b:s1+s22], $0x80, s11, s22, $0xb8;
	[tilespmem:$0x1CC00] =	vst v63  }
0x51: {  	_ =	swait.ge [sflag:s24], $0x4000  }
0x52: {  	[sflag:s24] =	ssyncset.done $0x0  }
0x53: {  	[sflag:s24] =	ssyncadd.s32 $0xFFFFC000  }
0x54: {  	[spmem:s3] =	stream.indirect.scatter.add.f32 [tilespmem:s19], [sflag:$0x3], $0x80, s13, s22, $0xb8;
	[tilespmem:$0x1CC00] =	vst v63  }
0x55: {  	_ =	swait.ge [sflag:s20], $0x4000  }
0x56: {  	[sflag:s20] =	ssyncset.done $0x0  }
0x57: {  	[sflag:s20] =	ssyncadd.s32 $0xFFFFC000  }
0x58: {  	[tilespmem:s19], [sflag:$0x1] =	stream.indirect.gather [hbm4b:s1+s22], $0x80, s14, s22, $0xb8;
	[tilespmem:$0x1CC00] =	vst v63  }
0x59: {  	_ =	swait.ge [sflag:s26], $0x4000  }
0x5a: {  	[sflag:s26] =	ssyncset.done $0x0  }
0x5b: {  	[sflag:s26] =	ssyncadd.s32 $0xFFFFC000  }
0x5c: {  	[spmem:s3] =	stream.indirect.scatter.add.f32 [tilespmem:s23], [sflag:$0x3], $0x80, s15, s22, $0xb8;
	[tilespmem:$0x1CC00] =	vst v63  }
0x5d: {  	_ =	swait.ge [sflag:s20], $0x4000  }
0x5e: {  	[sflag:s20] =	ssyncset.done $0x0  }
0x5f: {  	[sflag:s20] =	ssyncadd.s32 $0xFFFFC000  }
0x60: {  	[tilespmem:s23], [sflag:$0x2] =	stream.indirect.gather [hbm4b:s1+s22], $0x80, s2, s22, $0xb8;
	[tilespmem:$0x1CC00] =	vst v63  }
0x61: {  	_ =	swait.ge [sflag:s24], $0x4000  }
0x62: {  	[sflag:s24] =	ssyncset.done $0x0  }
0x63: {  	s6 =	simm.s32 $0xC00;
	[sflag:s24] =	ssyncadd.s32 $0xFFFFC000  }
0x64: {  	[spmem:s3] =	stream.indirect.scatter.add.f32 [tilespmem:s19], [sflag:$0x3], $0x80, s6, s22, $0xb8;
	[tilespmem:$0x1CC00] =	vst v63  }
0x65: {  	_ =	swait.ge [sflag:s20], $0x4000  }
0x66: {  	[sflag:s20] =	ssyncset.done $0x0  }
0x67: {  	s7 =	simm.s32 $0x500;
	[sflag:s20] =	ssyncadd.s32 $0xFFFFC000  }
0x68: {  	[tilespmem:s19], [sflag:$0x1] =	stream.indirect.gather [hbm4b:s1+s22], $0x80, s7, s22, $0xb8;
	[tilespmem:$0x1CC00] =	vst v63  }
0x69: {  	_ =	swait.ge [sflag:s26], $0x4000  }
0x6a: {  	[sflag:s26] =	ssyncset.done $0x0  }
0x6b: {  	s8 =	simm.s32 $0xC80;
	[sflag:s26] =	ssyncadd.s32 $0xFFFFC000  }
0x6c: {  	[spmem:s3] =	stream.indirect.scatter.add.f32 [tilespmem:s23], [sflag:$0x3], $0x80, s8, s22, $0xb8;
	[tilespmem:$0x1CC00] =	vst v63  }
0x6d: {  	_ =	swait.ge [sflag:s20], $0x4000  }
0x6e: {  	[sflag:s20] =	ssyncset.done $0x0  }
0x6f: {  	s9 =	simm.s32 $0x580;
	[sflag:s20] =	ssyncadd.s32 $0xFFFFC000  }
0x70: {  	[tilespmem:s23], [sflag:$0x2] =	stream.indirect.gather [hbm4b:s1+s22], $0x80, s9, s22, $0xb8;
	[tilespmem:$0x1CC00] =	vst v63  }
0x71: {  	_ =	swait.ge [sflag:s24], $0x4000  }
0x72: {  	[sflag:s24] =	ssyncset.done $0x0  }
0x73: {  	s11 =	simm.s32 $0xD00;
	[sflag:s24] =	ssyncadd.s32 $0xFFFFC000  }
0x74: {  	[spmem:s3] =	stream.indirect.scatter.add.f32 [tilespmem:s19], [sflag:$0x3], $0x80, s11, s22, $0xb8;
	[tilespmem:$0x1CC00] =	vst v63  }
0x75: {  	_ =	swait.ge [sflag:s20], $0x4000  }
0x76: {  	[sflag:s20] =	ssyncset.done $0x0  }
0x77: {  	s13 =	simm.s32 $0x600;
	[sflag:s20] =	ssyncadd.s32 $0xFFFFC000  }
0x78: {  	[tilespmem:s19], [sflag:$0x1] =	stream.indirect.gather [hbm4b:s1+s22], $0x80, s13, s22, $0xb8;
	[tilespmem:$0x1CC00] =	vst v63  }
0x79: {  	_ =	swait.ge [sflag:s26], $0x4000  }
0x7a: {  	[sflag:s26] =	ssyncset.done $0x0  }
0x7b: {  	s14 =	simm.s32 $0xD80;
	[sflag:s26] =	ssyncadd.s32 $0xFFFFC000  }
0x7c: {  	[spmem:s3] =	stream.indirect.scatter.add.f32 [tilespmem:s23], [sflag:$0x3], $0x80, s14, s22, $0xb8;
	[tilespmem:$0x1CC00] =	vst v63  }
0x7d: {  	_ =	swait.ge [sflag:s20], $0x4000  }
0x7e: {  	[sflag:s20] =	ssyncset.done $0x0  }
0x7f: {  	s15 =	simm.s32 $0x680;
	[sflag:s20] =	ssyncadd.s32 $0xFFFFC000  }
0x80: {  	[tilespmem:s23], [sflag:$0x2] =	stream.indirect.gather [hbm4b:s1+s22], $0x80, s15, s22, $0xb8;
	[tilespmem:$0x1CC00] =	vst v63  }
0x81: {  	_ =	swait.ge [sflag:s24], $0x4000  }
0x82: {  	[sflag:s24] =	ssyncset.done $0x0  }
0x83: {  	s16 =	simm.s32 $0xE00;
	[sflag:s24] =	ssyncadd.s32 $0xFFFFC000  }
0x84: {  	[spmem:s3] =	stream.indirect.scatter.add.f32 [tilespmem:s19], [sflag:$0x3], $0x80, s16, s22, $0xb8;
	[tilespmem:$0x1CC00] =	vst v63  }
0x85: {  	_ =	swait.ge [sflag:s20], $0x4000  }
0x86: {  	[sflag:s20] =	ssyncset.done $0x0  }
0x87: {  	s25 =	simm.s32 $0x700;
	[sflag:s20] =	ssyncadd.s32 $0xFFFFC000  }
0x88: {  	[tilespmem:s19], [sflag:$0x1] =	stream.indirect.gather [hbm4b:s1+s22], $0x80, s25, s22, $0xb8;
	[tilespmem:$0x1CC00] =	vst v63  }
0x89: {  	_ =	swait.ge [sflag:s26], $0x4000  }
0x8a: {  	[sflag:s26] =	ssyncset.done $0x0  }
0x8b: {  	s28 =	simm.s32 $0xE80;
	[sflag:s26] =	ssyncadd.s32 $0xFFFFC000  }
0x8c: {  	[spmem:s3] =	stream.indirect.scatter.add.f32 [tilespmem:s23], [sflag:$0x3], $0x80, s28, s22, $0xb8;
	[tilespmem:$0x1CC00] =	vst v63  }
0x8d: {  	_ =	swait.ge [sflag:s20], $0x4000  }
0x8e: {  	[sflag:s20] =	ssyncset.done $0x0  }
0x8f: {  	s29 =	simm.s32 $0x780;
	[sflag:s20] =	ssyncadd.s32 $0xFFFFC000  }
0x90: {  	[tilespmem:s23], [sflag:$0x2] =	stream.indirect.gather [hbm4b:s1+s22], $0x80, s29, s22, $0xb8;
	[tilespmem:$0x1CC00] =	vst v63  }
0x91: {  	_ =	swait.ge [sflag:s24], $0x4000  }
0x92: {  	[sflag:s24] =	ssyncset.done $0x0  }
0x93: {  	s30 =	simm.s32 $0xF00;
	[sflag:s24] =	ssyncadd.s32 $0xFFFFC000  }
0x94: {  	[spmem:s3] =	stream.indirect.scatter.add.f32 [tilespmem:s19], [sflag:$0x3], $0x80, s30, s22, $0xb8;
	[tilespmem:$0x1CC00] =	vst v63  }
0x95: {  	_ =	swait.ge [sflag:s20], $0x4000  }
0x96: {  	[sflag:s20] =	ssyncset.done $0x0  }
0x97: {  	[sflag:s20] =	ssyncadd.s32 $0xFFFFC000  }
0x98: {  	_ =	swait.ge [sflag:s26], $0x4000  }
0x99: {  	[sflag:s26] =	ssyncset.done $0x0  }
0x9a: {  	s31 =	simm.s32 $0xF80;
	[sflag:s26] =	ssyncadd.s32 $0xFFFFC000  }
0x9b: {  	[spmem:s3] =	stream.indirect.scatter.add.f32 [tilespmem:s23], [sflag:$0x3], $0x80, s31, s22, $0xb8;
	[tilespmem:$0x1CC00] =	vst v63  }
0x9c: {  	_ =	swait.ge [sflag:s20], $0x4000  }
0x9d: {  	[sflag:s20] =	ssyncset.done $0x0  }
0x9e: {  	[sflag:s20] =	ssyncadd.s32 $0xFFFFC000  }
0x9f: {  	[bflag:$0x0] =	sbarrier.arrive $0xFFFF  }
0xa0: {  	s8 =	rddreg [dreg:$0xb]  }
0xa1: {  	s7 =	simm.s32 @p1 $0x1FC3;
	s0 =	rddreg [dreg:$0x12]  }
0xa2: {  	[hbm:s8], [sflag:s7] =	dma.local @p1 [spmem:s0], $0x2080  }
0xa3: {  	s7 =	simm.s32 @p1 $0x3  }
0xa4: {  	_ =	swait.ge @p1 [sflag:s7], $0x2080  }
0xa5: {  	s0 =	rddreg [dreg:$0x10]  }
0xa6: {  	[sflag:s7] =	ssyncset.done @p1 $0x0;
	s2 =	rddreg [dreg:$0x11]  }
0xa7: {  	[sflag:s7] =	ssyncadd.s32 @p1 $0xFFFFDF80;
	s7 =	rddreg [dreg:$0x9]  }
0xa8: {  	[hbm:s7], [sflag:s2] =	dma.local @!p1 [spmem:s0], $0x2780  }
0xa9: {  	s7 =	simm.s32 @!p1 $0x3  }
0xaa: {  	_ =	swait.ge @!p1 [sflag:s7], $0x2780  }
0xab: {  	[sflag:s7] =	ssyncset.done @!p1 $0x0  }
0xac: {  	s0 =	rddreg [dreg:$0xf];
	[sflag:s7] =	ssyncadd.s32 @!p1 $0xFFFFD880  }
.LBB2_10:
0xad: {  	s0 =	sadd.s32 $0x1, s0;
	s7 =	rddreg [dreg:$0xe]  }
0xae: {  	p2 =	sne.s32 s0, s7  }
.Ltmp1:
0xaf: {  	_ = 	snop;
	(pc) =	sbr.rel @!p2 .LBB2_11-.Ltmp1, $1  }
0xb0: {  	_ =	sdelay $0x3  }
.LBB2_1:
0xb1: {  	s7 =	simm.s32 $0x0;
	s8 =	simm.s32 $0x200  }
.LBB2_2:
0xb2: {  	p2 =	sne.s32 s8, $0xFE00;
	[tilespmem:s7+$0x1070] =	vst v0  }
0xb3: {  	[tilespmem:s7+$0x1000] =	vst v0  }
0xb4: {  	[tilespmem:s7+$0x1010] =	vst v0  }
.Ltmp2:
0xb5: {  	[tilespmem:s7+$0x1020] =	vst v0;
	(pc) =	sbr.rel @p2 .LBB2_2-.Ltmp2, $4  }
0xb6: {  	[tilespmem:s7+$0x1030] =	vst v0  }
0xb7: {  	[tilespmem:s7+$0x1040] =	vst v0  }
0xb8: {  	[tilespmem:s7+$0x1050] =	vst v0  }
0xb9: {  	[tilespmem:s7+$0x1060] =	vst v0;
	s7 =	sshra.s32 s8, $0x2;
	s8 =	sadd.s32 $0x200, s8  }
0xba: {  	[tilespmem:s7+$0x1070] =	vst v0  }
0xbb: {  	[tilespmem:s7+$0x1000] =	vst v0  }
0xbc: {  	[tilespmem:s7+$0x1010] =	vst v0  }
0xbd: {  	[tilespmem:s7+$0x1020] =	vst v0  }
0xbe: {  	[tilespmem:s7+$0x1030] =	vst v0  }
0xbf: {  	[tilespmem:s7+$0x1040] =	vst v0  }
0xc0: {  	[dreg:$0xf] =	wrdreg s0;
	[tilespmem:s7+$0x1050] =	vst v0  }
0xc1: {  	[tilespmem:s7+$0x1060] =	vst v0;
	s8 =	rddreg [dreg:$0x4]  }
0xc2: {  	[spmem:s8] =	stream.linear.scatter [tilespmem:s19], [sflag:$0x3], $0x4000, $0x38;
	[tilespmem:$0x1CC00] =	vst v63  }
0xc3: {  	_ =	swait.ge [sflag:s20], $0x4000  }
0xc4: {  	[sflag:s20] =	ssyncset.done $0x0  }
0xc5: {  	s28 =	rddreg [dreg:$0x5];
	[sflag:s20] =	ssyncadd.s32 $0xFFFFC000  }
0xc6: {  	[spmem:s28] =	stream.linear.scatter [tilespmem:s19], [sflag:$0x3], $0x4000, $0x38;
	[tilespmem:$0x1CC00] =	vst v63  }
0xc7: {  	_ =	swait.ge [sflag:s20], $0x4000  }
0xc8: {  	[sflag:s20] =	ssyncset.done $0x0  }
0xc9: {  	s29 =	rddreg [dreg:$0x6];
	[sflag:s20] =	ssyncadd.s32 $0xFFFFC000  }
0xca: {  	[spmem:s29] =	stream.linear.scatter [tilespmem:s19], [sflag:$0x3], $0x4000, $0x38;
	[tilespmem:$0x1CC00] =	vst v63  }
0xcb: {  	_ =	swait.ge [sflag:s20], $0x4000  }
0xcc: {  	[sflag:s20] =	ssyncset.done $0x0  }
0xcd: {  	s30 =	rddreg [dreg:$0x7];
	[sflag:s20] =	ssyncadd.s32 $0xFFFFC000  }
0xce: {  	[spmem:s30] =	stream.linear.scatter [tilespmem:s19], [sflag:$0x3], $0x4000, $0x38;
	[tilespmem:$0x1CC00] =	vst v63  }
0xcf: {  	_ =	swait.ge [sflag:s20], $0x4000  }
0xd0: {  	[sflag:s20] =	ssyncset.done $0x0  }
0xd1: {  	s31 =	rddreg [dreg:$0x8];
	[sflag:s20] =	ssyncadd.s32 $0xFFFFC000  }
0xd2: {  	[spmem:s31] =	stream.linear.scatter [tilespmem:s19], [sflag:$0x3], $0x3C00, $0x38;
	[tilespmem:$0x1CC00] =	vst v63  }
0xd3: {  	_ =	swait.ge [sflag:s20], $0x3C00  }
0xd4: {  	[sflag:s20] =	ssyncset.done $0x0  }
0xd5: {  	[sflag:s20] =	ssyncadd.s32 $0xFFFFC400  }
0xd6: {  	[bflag:$0x0] =	sbarrier.arrive $0xFFFF  }
.Ltmp3:
0xd7: {  	s9 =	rddreg [dreg:$0xa];
	(pc) =	sbr.rel @!p0 .LBB2_4-.Ltmp3, $4  }
0xd8: {  	s7 =	stileid.u32;
	s0 =	sshrl.u32 @p1 s9, $0x3  }
0xd9: {  	s7 =	sshll.u32 @!p1 s7, $0x6;
	[dreg:$0x12] =	wrdreg s0;
	s0 =	sshrl.u32 @!p1 s8, $0x3  }
0xda: {  	[dreg:$0x10] =	wrdreg s0;
	s0 =	sor.u32 @!p1 $0x1C03, s7  }
0xdb: {  	s7 =	sadd.s32 $0x0, s18;
	[dreg:$0x11] =	wrdreg s0  }
0xdc: {  	[tilespmem:s4], [sflag:$0x3] =	stream.linear.gather [hbm4b:s7+s4], $0x800, $0x38;
	[tilespmem:$0x1CC00] =	vst v63  }
0xdd: {  	_ =	swait.ge [sflag:s20], $0x800  }
0xde: {  	[sflag:s20] =	ssyncset.done $0x0  }
0xdf: {  	s9 =	sadd.s32 $0x0, s17;
	[sflag:s20] =	ssyncadd.s32 $0xFFFFF800  }
0xe0: {  	[tilespmem:s21], [sflag:$0x3] =	stream.linear.gather [hbm4b:s9+s4], $0x800, $0x38;
	[tilespmem:$0x1CC00] =	vst v63  }
0xe1: {  	_ =	swait.ge [sflag:s20], $0x800  }
0xe2: {  	[sflag:s20] =	ssyncset.done $0x0  }
0xe3: {  	[sflag:s20] =	ssyncadd.s32 $0xFFFFF800  }
0xe4: {  	[tilespmem:s19], [sflag:$0x1] =	stream.indirect.gather [hbm4b:s5+s22], $0x80, s4, s22, $0xb8;
	[tilespmem:$0x1CC00] =	vst v63  }
0xe5: {  	_ = 	snop  }
0xe6: {  	[tilespmem:s23], [sflag:$0x2] =	stream.indirect.gather [hbm4b:s5+s22], $0x80, s22, s22, $0xb8;
	[tilespmem:$0x1CC00] =	vst v63  }
0xe7: {  	_ =	swait.ge [sflag:s24], $0x4000  }
0xe8: {  	[sflag:s24] =	ssyncset.done $0x0  }
0xe9: {  	[sflag:s24] =	ssyncadd.s32 $0xFFFFC000  }
0xea: {  	[spmem:s3] =	stream.indirect.scatter.add.f32 [tilespmem:s19], [sflag:$0x3], $0x80, s21, s22, $0xb8;
	[tilespmem:$0x1CC00] =	vst v63  }
0xeb: {  	_ =	swait.ge [sflag:s20], $0x4000  }
0xec: {  	[sflag:s20] =	ssyncset.done $0x0  }
0xed: {  	[sflag:s20] =	ssyncadd.s32 $0xFFFFC000  }
0xee: {  	[tilespmem:s19], [sflag:$0x1] =	stream.indirect.gather [hbm4b:s5+s22], $0x80, s10, s22, $0xb8;
	[tilespmem:$0x1CC00] =	vst v63  }
0xef: {  	_ =	swait.ge [sflag:s26], $0x4000  }
0xf0: {  	[sflag:s26] =	ssyncset.done $0x0  }
0xf1: {  	[sflag:s26] =	ssyncadd.s32 $0xFFFFC000  }
0xf2: {  	[spmem:s3] =	stream.indirect.scatter.add.f32 [tilespmem:s23], [sflag:$0x3], $0x80, s12, s22, $0xb8;
	[tilespmem:$0x1CC00] =	vst v63  }
0xf3: {  	_ =	swait.ge [sflag:s20], $0x4000  }
0xf4: {  	[sflag:s20] =	ssyncset.done $0x0  }
0xf5: {  	s16 =	simm.s32 $0x180;
	[sflag:s20] =	ssyncadd.s32 $0xFFFFC000  }
0xf6: {  	[tilespmem:s23], [sflag:$0x2] =	stream.indirect.gather [hbm4b:s5+s22], $0x80, s16, s22, $0xb8;
	[tilespmem:$0x1CC00] =	vst v63  }
0xf7: {  	_ =	swait.ge [sflag:s24], $0x4000  }
0xf8: {  	[sflag:s24] =	ssyncset.done $0x0  }
0xf9: {  	s6 =	simm.s32 $0x900;
	[sflag:s24] =	ssyncadd.s32 $0xFFFFC000  }
0xfa: {  	[spmem:s3] =	stream.indirect.scatter.add.f32 [tilespmem:s19], [sflag:$0x3], $0x80, s6, s22, $0xb8;
	[tilespmem:$0x1CC00] =	vst v63  }
0xfb: {  	_ =	swait.ge [sflag:s20], $0x4000  }
0xfc: {  	[sflag:s20] =	ssyncset.done $0x0  }
0xfd: {  	s25 =	simm.s32 $0x200;
	[sflag:s20] =	ssyncadd.s32 $0xFFFFC000  }
0xfe: {  	[tilespmem:s19], [sflag:$0x1] =	stream.indirect.gather [hbm4b:s5+s22], $0x80, s25, s22, $0xb8;
	[tilespmem:$0x1CC00] =	vst v63  }
0xff: {  	_ =	swait.ge [sflag:s26], $0x4000  }
0x100: {  	[sflag:s26] =	ssyncset.done $0x0  }
0x101: {  	s28 =	simm.s32 $0x980;
	[sflag:s26] =	ssyncadd.s32 $0xFFFFC000  }
0x102: {  	[spmem:s3] =	stream.indirect.scatter.add.f32 [tilespmem:s23], [sflag:$0x3], $0x80, s28, s22, $0xb8;
	[tilespmem:$0x1CC00] =	vst v63  }
0x103: {  	_ =	swait.ge [sflag:s20], $0x4000  }
0x104: {  	[sflag:s20] =	ssyncset.done $0x0  }
0x105: {  	s29 =	simm.s32 $0x280;
	[sflag:s20] =	ssyncadd.s32 $0xFFFFC000  }
0x106: {  	[tilespmem:s23], [sflag:$0x2] =	stream.indirect.gather [hbm4b:s5+s22], $0x80, s29, s22, $0xb8;
	[tilespmem:$0x1CC00] =	vst v63  }
0x107: {  	_ =	swait.ge [sflag:s24], $0x4000  }
0x108: {  	[sflag:s24] =	ssyncset.done $0x0  }
0x109: {  	s30 =	simm.s32 $0xA00;
	[sflag:s24] =	ssyncadd.s32 $0xFFFFC000  }
0x10a: {  	[spmem:s3] =	stream.indirect.scatter.add.f32 [tilespmem:s19], [sflag:$0x3], $0x80, s30, s22, $0xb8;
	[tilespmem:$0x1CC00] =	vst v63  }
0x10b: {  	_ =	swait.ge [sflag:s20], $0x4000  }
0x10c: {  	[sflag:s20] =	ssyncset.done $0x0  }
0x10d: {  	s31 =	simm.s32 $0x300;
	[sflag:s20] =	ssyncadd.s32 $0xFFFFC000  }
0x10e: {  	[tilespmem:s19], [sflag:$0x1] =	stream.indirect.gather [hbm4b:s5+s22], $0x80, s31, s22, $0xb8;
	[tilespmem:$0x1CC00] =	vst v63  }
0x10f: {  	_ =	swait.ge [sflag:s26], $0x4000  }
0x110: {  	[sflag:s26] =	ssyncset.done $0x0  }
0x111: {  	s0 =	simm.s32 $0xA80;
	[sflag:s26] =	ssyncadd.s32 $0xFFFFC000  }
0x112: {  	[spmem:s3] =	stream.indirect.scatter.add.f32 [tilespmem:s23], [sflag:$0x3], $0x80, s0, s22, $0xb8;
	[tilespmem:$0x1CC00] =	vst v63  }
0x113: {  	_ =	swait.ge [sflag:s20], $0x4000  }
0x114: {  	[sflag:s20] =	ssyncset.done $0x0  }
0x115: {  	s11 =	simm.s32 $0x380;
	[sflag:s20] =	ssyncadd.s32 $0xFFFFC000  }
0x116: {  	[tilespmem:s23], [sflag:$0x2] =	stream.indirect.gather [hbm4b:s5+s22], $0x80, s11, s22, $0xb8;
	[tilespmem:$0x1CC00] =	vst v63  }
0x117: {  	_ =	swait.ge [sflag:s24], $0x4000  }
0x118: {  	[sflag:s24] =	ssyncset.done $0x0  }
0x119: {  	s13 =	simm.s32 $0xB00;
	[sflag:s24] =	ssyncadd.s32 $0xFFFFC000  }
0x11a: {  	[spmem:s3] =	stream.indirect.scatter.add.f32 [tilespmem:s19], [sflag:$0x3], $0x80, s13, s22, $0xb8;
	[tilespmem:$0x1CC00] =	vst v63  }
0x11b: {  	_ =	swait.ge [sflag:s20], $0x4000  }
0x11c: {  	[sflag:s20] =	ssyncset.done $0x0  }
0x11d: {  	s14 =	simm.s32 $0x400;
	[sflag:s20] =	ssyncadd.s32 $0xFFFFC000  }
0x11e: {  	[tilespmem:s19], [sflag:$0x1] =	stream.indirect.gather [hbm4b:s5+s22], $0x80, s14, s22, $0xb8;
	[tilespmem:$0x1CC00] =	vst v63  }
0x11f: {  	_ =	swait.ge [sflag:s26], $0x4000  }
0x120: {  	[sflag:s26] =	ssyncset.done $0x0  }
0x121: {  	s15 =	simm.s32 $0xB80;
	[sflag:s26] =	ssyncadd.s32 $0xFFFFC000  }
0x122: {  	[spmem:s3] =	stream.indirect.scatter.add.f32 [tilespmem:s23], [sflag:$0x3], $0x80, s15, s22, $0xb8;
	[tilespmem:$0x1CC00] =	vst v63  }
0x123: {  	_ =	swait.ge [sflag:s20], $0x4000  }
0x124: {  	[sflag:s20] =	ssyncset.done $0x0  }
0x125: {  	s2 =	simm.s32 $0x480;
	[sflag:s20] =	ssyncadd.s32 $0xFFFFC000  }
0x126: {  	[tilespmem:s23], [sflag:$0x2] =	stream.indirect.gather [hbm4b:s5+s22], $0x80, s2, s22, $0xb8;
	[tilespmem:$0x1CC00] =	vst v63  }
0x127: {  	_ =	swait.ge [sflag:s24], $0x4000  }
0x128: {  	[sflag:s24] =	ssyncset.done $0x0  }
0x129: {  	s10 =	simm.s32 $0xC00;
	[sflag:s24] =	ssyncadd.s32 $0xFFFFC000  }
0x12a: {  	[spmem:s3] =	stream.indirect.scatter.add.f32 [tilespmem:s19], [sflag:$0x3], $0x80, s10, s22, $0xb8;
	[tilespmem:$0x1CC00] =	vst v63  }
0x12b: {  	_ =	swait.ge [sflag:s20], $0x4000  }
0x12c: {  	[sflag:s20] =	ssyncset.done $0x0  }
0x12d: {  	s12 =	simm.s32 $0x500;
	[sflag:s20] =	ssyncadd.s32 $0xFFFFC000  }
0x12e: {  	[tilespmem:s19], [sflag:$0x1] =	stream.indirect.gather [hbm4b:s5+s22], $0x80, s12, s22, $0xb8;
	[tilespmem:$0x1CC00] =	vst v63  }
0x12f: {  	_ =	swait.ge [sflag:s26], $0x4000  }
0x130: {  	[sflag:s26] =	ssyncset.done $0x0  }
0x131: {  	s8 =	simm.s32 $0xC80;
	[sflag:s26] =	ssyncadd.s32 $0xFFFFC000  }
0x132: {  	[spmem:s3] =	stream.indirect.scatter.add.f32 [tilespmem:s23], [sflag:$0x3], $0x80, s8, s22, $0xb8;
	[tilespmem:$0x1CC00] =	vst v63  }
0x133: {  	_ =	swait.ge [sflag:s20], $0x4000  }
0x134: {  	[sflag:s20] =	ssyncset.done $0x0  }
0x135: {  	s9 =	simm.s32 $0x580;
	[sflag:s20] =	ssyncadd.s32 $0xFFFFC000  }
0x136: {  	[tilespmem:s23], [sflag:$0x2] =	stream.indirect.gather [hbm4b:s5+s22], $0x80, s9, s22, $0xb8;
	[tilespmem:$0x1CC00] =	vst v63  }
0x137: {  	_ =	swait.ge [sflag:s24], $0x4000  }
0x138: {  	[sflag:s24] =	ssyncset.done $0x0  }
0x139: {  	s10 =	simm.s32 $0xD00;
	[sflag:s24] =	ssyncadd.s32 $0xFFFFC000  }
0x13a: {  	[spmem:s3] =	stream.indirect.scatter.add.f32 [tilespmem:s19], [sflag:$0x3], $0x80, s10, s22, $0xb8;
	[tilespmem:$0x1CC00] =	vst v63  }
0x13b: {  	_ =	swait.ge [sflag:s20], $0x4000  }
0x13c: {  	[sflag:s20] =	ssyncset.done $0x0  }
0x13d: {  	s12 =	simm.s32 $0x600;
	[sflag:s20] =	ssyncadd.s32 $0xFFFFC000  }
0x13e: {  	[tilespmem:s19], [sflag:$0x1] =	stream.indirect.gather [hbm4b:s5+s22], $0x80, s12, s22, $0xb8;
	[tilespmem:$0x1CC00] =	vst v63  }
0x13f: {  	_ =	swait.ge [sflag:s26], $0x4000  }
0x140: {  	[sflag:s26] =	ssyncset.done $0x0  }
0x141: {  	s8 =	simm.s32 $0xD80;
	[sflag:s26] =	ssyncadd.s32 $0xFFFFC000  }
0x142: {  	[spmem:s3] =	stream.indirect.scatter.add.f32 [tilespmem:s23], [sflag:$0x3], $0x80, s8, s22, $0xb8;
	[tilespmem:$0x1CC00] =	vst v63  }
0x143: {  	_ =	swait.ge [sflag:s20], $0x4000  }
0x144: {  	[sflag:s20] =	ssyncset.done $0x0  }
0x145: {  	s9 =	simm.s32 $0x680;
	[sflag:s20] =	ssyncadd.s32 $0xFFFFC000  }
0x146: {  	[tilespmem:s23], [sflag:$0x2] =	stream.indirect.gather [hbm4b:s5+s22], $0x80, s9, s22, $0xb8;
	[tilespmem:$0x1CC00] =	vst v63  }
0x147: {  	_ =	swait.ge [sflag:s24], $0x4000  }
0x148: {  	[sflag:s24] =	ssyncset.done $0x0  }
0x149: {  	s10 =	simm.s32 $0xE00;
	[sflag:s24] =	ssyncadd.s32 $0xFFFFC000  }
0x14a: {  	[spmem:s3] =	stream.indirect.scatter.add.f32 [tilespmem:s19], [sflag:$0x3], $0x80, s10, s22, $0xb8;
	[tilespmem:$0x1CC00] =	vst v63  }
0x14b: {  	_ =	swait.ge [sflag:s20], $0x4000  }
0x14c: {  	[sflag:s20] =	ssyncset.done $0x0  }
0x14d: {  	s12 =	simm.s32 $0x700;
	[sflag:s20] =	ssyncadd.s32 $0xFFFFC000  }
0x14e: {  	[tilespmem:s19], [sflag:$0x1] =	stream.indirect.gather [hbm4b:s5+s22], $0x80, s12, s22, $0xb8;
	[tilespmem:$0x1CC00] =	vst v63  }
0x14f: {  	_ =	swait.ge [sflag:s26], $0x4000  }
0x150: {  	[sflag:s26] =	ssyncset.done $0x0  }
0x151: {  	s8 =	simm.s32 $0xE80;
	[sflag:s26] =	ssyncadd.s32 $0xFFFFC000  }
0x152: {  	[spmem:s3] =	stream.indirect.scatter.add.f32 [tilespmem:s23], [sflag:$0x3], $0x80, s8, s22, $0xb8;
	[tilespmem:$0x1CC00] =	vst v63  }
0x153: {  	_ =	swait.ge [sflag:s20], $0x4000  }
0x154: {  	[sflag:s20] =	ssyncset.done $0x0  }
0x155: {  	s9 =	simm.s32 $0x780;
	[sflag:s20] =	ssyncadd.s32 $0xFFFFC000  }
0x156: {  	[tilespmem:s23], [sflag:$0x2] =	stream.indirect.gather [hbm4b:s5+s22], $0x80, s9, s22, $0xb8;
	[tilespmem:$0x1CC00] =	vst v63  }
0x157: {  	_ =	swait.ge [sflag:s24], $0x4000  }
0x158: {  	[sflag:s24] =	ssyncset.done $0x0  }
0x159: {  	s10 =	simm.s32 $0xF00;
	[sflag:s24] =	ssyncadd.s32 $0xFFFFC000  }
0x15a: {  	[spmem:s3] =	stream.indirect.scatter.add.f32 [tilespmem:s19], [sflag:$0x3], $0x80, s10, s22, $0xb8;
	[tilespmem:$0x1CC00] =	vst v63  }
0x15b: {  	_ =	swait.ge [sflag:s20], $0x4000  }
0x15c: {  	[sflag:s20] =	ssyncset.done $0x0  }
0x15d: {  	[sflag:s20] =	ssyncadd.s32 $0xFFFFC000  }
0x15e: {  	_ =	swait.ge [sflag:s26], $0x4000  }
0x15f: {  	[sflag:s26] =	ssyncset.done $0x0  }
0x160: {  	s12 =	simm.s32 $0xF80;
	[sflag:s26] =	ssyncadd.s32 $0xFFFFC000  }
0x161: {  	[spmem:s3] =	stream.indirect.scatter.add.f32 [tilespmem:s23], [sflag:$0x3], $0x80, s12, s22, $0xb8;
	[tilespmem:$0x1CC00] =	vst v63  }
0x162: {  	_ =	swait.ge [sflag:s20], $0x4000  }
0x163: {  	s7 =	simm.s32 $0x100;
	s9 =	simm.s32 $0x200;
	[sflag:s20] =	ssyncset.done $0x0  }
.LBB2_8:
0x164: {  	s10 =	sadd.s32 s7, s18  }
0x165: {  	[sflag:s20] =	ssyncadd.s32 $0xFFFFC000;
	s12 =	smov.u32 s9;
	s8 =	sadd.s32 $0x100, s9  }
0x166: {  	[tilespmem:s4], [sflag:$0x3] =	stream.linear.gather [hbm4b:s10+s4], $0x800, $0x38;
	[tilespmem:$0x1CC00] =	vst v63  }
0x167: {  	s10 =	simm.s32 $0x100  }
0x168: {  	p2 =	sne.s32 s9, $0x900;
	_ =	swait.ge [sflag:s20], $0x800  }
0x169: {  	s9 =	sadd.s32 s7, s17;
	[sflag:s20] =	ssyncset.done $0x0  }
0x16a: {  	s7 =	smov.u32 s12;
	s12 =	simm.s32 $0x880;
	[sflag:s20] =	ssyncadd.s32 $0xFFFFF800  }
0x16b: {  	[tilespmem:s21], [sflag:$0x3] =	stream.linear.gather [hbm4b:s9+s4], $0x800, $0x38;
	[tilespmem:$0x1CC00] =	vst v63  }
0x16c: {  	_ =	swait.ge [sflag:s20], $0x800  }
0x16d: {  	[sflag:s20] =	ssyncset.done $0x0  }
0x16e: {  	[sflag:s20] =	ssyncadd.s32 $0xFFFFF800  }
0x16f: {  	[tilespmem:s19], [sflag:$0x1] =	stream.indirect.gather [hbm4b:s5+s22], $0x80, s4, s22, $0xb8;
	[tilespmem:$0x1CC00] =	vst v63  }
0x170: {  	_ = 	snop  }
0x171: {  	[tilespmem:s23], [sflag:$0x2] =	stream.indirect.gather [hbm4b:s5+s22], $0x80, s22, s22, $0xb8;
	[tilespmem:$0x1CC00] =	vst v63  }
0x172: {  	_ =	swait.ge [sflag:s24], $0x4000  }
0x173: {  	[sflag:s24] =	ssyncset.done $0x0  }
0x174: {  	[sflag:s24] =	ssyncadd.s32 $0xFFFFC000  }
0x175: {  	[spmem:s3] =	stream.indirect.scatter.add.f32 [tilespmem:s19], [sflag:$0x3], $0x80, s21, s22, $0xb8;
	[tilespmem:$0x1CC00] =	vst v63  }
0x176: {  	_ =	swait.ge [sflag:s20], $0x4000  }
0x177: {  	[sflag:s20] =	ssyncset.done $0x0  }
0x178: {  	[sflag:s20] =	ssyncadd.s32 $0xFFFFC000  }
0x179: {  	[tilespmem:s19], [sflag:$0x1] =	stream.indirect.gather [hbm4b:s5+s22], $0x80, s10, s22, $0xb8;
	[tilespmem:$0x1CC00] =	vst v63  }
0x17a: {  	_ =	swait.ge [sflag:s26], $0x4000  }
0x17b: {  	[sflag:s26] =	ssyncset.done $0x0  }
0x17c: {  	[sflag:s26] =	ssyncadd.s32 $0xFFFFC000  }
0x17d: {  	[spmem:s3] =	stream.indirect.scatter.add.f32 [tilespmem:s23], [sflag:$0x3], $0x80, s12, s22, $0xb8;
	[tilespmem:$0x1CC00] =	vst v63  }
0x17e: {  	_ =	swait.ge [sflag:s20], $0x4000  }
0x17f: {  	[sflag:s20] =	ssyncset.done $0x0  }
0x180: {  	[sflag:s20] =	ssyncadd.s32 $0xFFFFC000  }
0x181: {  	[tilespmem:s23], [sflag:$0x2] =	stream.indirect.gather [hbm4b:s5+s22], $0x80, s16, s22, $0xb8;
	[tilespmem:$0x1CC00] =	vst v63  }
0x182: {  	_ =	swait.ge [sflag:s24], $0x4000  }
0x183: {  	[sflag:s24] =	ssyncset.done $0x0  }
0x184: {  	[sflag:s24] =	ssyncadd.s32 $0xFFFFC000  }
0x185: {  	[spmem:s3] =	stream.indirect.scatter.add.f32 [tilespmem:s19], [sflag:$0x3], $0x80, s6, s22, $0xb8;
	[tilespmem:$0x1CC00] =	vst v63  }
0x186: {  	_ =	swait.ge [sflag:s20], $0x4000  }
0x187: {  	[sflag:s20] =	ssyncset.done $0x0  }
0x188: {  	[sflag:s20] =	ssyncadd.s32 $0xFFFFC000  }
0x189: {  	[tilespmem:s19], [sflag:$0x1] =	stream.indirect.gather [hbm4b:s5+s22], $0x80, s25, s22, $0xb8;
	[tilespmem:$0x1CC00] =	vst v63  }
0x18a: {  	_ =	swait.ge [sflag:s26], $0x4000  }
0x18b: {  	[sflag:s26] =	ssyncset.done $0x0  }
0x18c: {  	[sflag:s26] =	ssyncadd.s32 $0xFFFFC000  }
0x18d: {  	[spmem:s3] =	stream.indirect.scatter.add.f32 [tilespmem:s23], [sflag:$0x3], $0x80, s28, s22, $0xb8;
	[tilespmem:$0x1CC00] =	vst v63  }
0x18e: {  	_ =	swait.ge [sflag:s20], $0x4000  }
0x18f: {  	[sflag:s20] =	ssyncset.done $0x0  }
0x190: {  	[sflag:s20] =	ssyncadd.s32 $0xFFFFC000  }
0x191: {  	[tilespmem:s23], [sflag:$0x2] =	stream.indirect.gather [hbm4b:s5+s22], $0x80, s29, s22, $0xb8;
	[tilespmem:$0x1CC00] =	vst v63  }
0x192: {  	_ =	swait.ge [sflag:s24], $0x4000  }
0x193: {  	[sflag:s24] =	ssyncset.done $0x0  }
0x194: {  	[sflag:s24] =	ssyncadd.s32 $0xFFFFC000  }
0x195: {  	[spmem:s3] =	stream.indirect.scatter.add.f32 [tilespmem:s19], [sflag:$0x3], $0x80, s30, s22, $0xb8;
	[tilespmem:$0x1CC00] =	vst v63  }
0x196: {  	_ =	swait.ge [sflag:s20], $0x4000  }
0x197: {  	[sflag:s20] =	ssyncset.done $0x0  }
0x198: {  	[sflag:s20] =	ssyncadd.s32 $0xFFFFC000  }
0x199: {  	[tilespmem:s19], [sflag:$0x1] =	stream.indirect.gather [hbm4b:s5+s22], $0x80, s31, s22, $0xb8;
	[tilespmem:$0x1CC00] =	vst v63  }
0x19a: {  	_ =	swait.ge [sflag:s26], $0x4000  }
0x19b: {  	[sflag:s26] =	ssyncset.done $0x0  }
0x19c: {  	[sflag:s26] =	ssyncadd.s32 $0xFFFFC000  }
0x19d: {  	[spmem:s3] =	stream.indirect.scatter.add.f32 [tilespmem:s23], [sflag:$0x3], $0x80, s0, s22, $0xb8;
	[tilespmem:$0x1CC00] =	vst v63  }
0x19e: {  	_ =	swait.ge [sflag:s20], $0x4000  }
0x19f: {  	[sflag:s20] =	ssyncset.done $0x0  }
0x1a0: {  	[sflag:s20] =	ssyncadd.s32 $0xFFFFC000  }
0x1a1: {  	[tilespmem:s23], [sflag:$0x2] =	stream.indirect.gather [hbm4b:s5+s22], $0x80, s11, s22, $0xb8;
	[tilespmem:$0x1CC00] =	vst v63  }
0x1a2: {  	_ =	swait.ge [sflag:s24], $0x4000  }
0x1a3: {  	[sflag:s24] =	ssyncset.done $0x0  }
0x1a4: {  	[sflag:s24] =	ssyncadd.s32 $0xFFFFC000  }
0x1a5: {  	[spmem:s3] =	stream.indirect.scatter.add.f32 [tilespmem:s19], [sflag:$0x3], $0x80, s13, s22, $0xb8;
	[tilespmem:$0x1CC00] =	vst v63  }
0x1a6: {  	_ =	swait.ge [sflag:s20], $0x4000  }
0x1a7: {  	[sflag:s20] =	ssyncset.done $0x0  }
0x1a8: {  	[sflag:s20] =	ssyncadd.s32 $0xFFFFC000  }
0x1a9: {  	[tilespmem:s19], [sflag:$0x1] =	stream.indirect.gather [hbm4b:s5+s22], $0x80, s14, s22, $0xb8;
	[tilespmem:$0x1CC00] =	vst v63  }
0x1aa: {  	_ =	swait.ge [sflag:s26], $0x4000  }
0x1ab: {  	[sflag:s26] =	ssyncset.done $0x0  }
0x1ac: {  	[sflag:s26] =	ssyncadd.s32 $0xFFFFC000  }
0x1ad: {  	[spmem:s3] =	stream.indirect.scatter.add.f32 [tilespmem:s23], [sflag:$0x3], $0x80, s15, s22, $0xb8;
	[tilespmem:$0x1CC00] =	vst v63  }
0x1ae: {  	_ =	swait.ge [sflag:s20], $0x4000  }
0x1af: {  	[sflag:s20] =	ssyncset.done $0x0  }
0x1b0: {  	[sflag:s20] =	ssyncadd.s32 $0xFFFFC000  }
0x1b1: {  	[tilespmem:s23], [sflag:$0x2] =	stream.indirect.gather [hbm4b:s5+s22], $0x80, s2, s22, $0xb8;
	[tilespmem:$0x1CC00] =	vst v63  }
0x1b2: {  	_ =	swait.ge [sflag:s24], $0x4000  }
0x1b3: {  	[sflag:s24] =	ssyncset.done $0x0  }
0x1b4: {  	s9 =	simm.s32 $0xC00;
	[sflag:s24] =	ssyncadd.s32 $0xFFFFC000  }
0x1b5: {  	[spmem:s3] =	stream.indirect.scatter.add.f32 [tilespmem:s19], [sflag:$0x3], $0x80, s9, s22, $0xb8;
	[tilespmem:$0x1CC00] =	vst v63  }
0x1b6: {  	_ =	swait.ge [sflag:s20], $0x4000  }
0x1b7: {  	[sflag:s20] =	ssyncset.done $0x0  }
0x1b8: {  	s9 =	simm.s32 $0x500;
	[sflag:s20] =	ssyncadd.s32 $0xFFFFC000  }
0x1b9: {  	[tilespmem:s19], [sflag:$0x1] =	stream.indirect.gather [hbm4b:s5+s22], $0x80, s9, s22, $0xb8;
	[tilespmem:$0x1CC00] =	vst v63  }
0x1ba: {  	_ =	swait.ge [sflag:s26], $0x4000  }
0x1bb: {  	[sflag:s26] =	ssyncset.done $0x0  }
0x1bc: {  	s9 =	simm.s32 $0xC80;
	[sflag:s26] =	ssyncadd.s32 $0xFFFFC000  }
0x1bd: {  	[spmem:s3] =	stream.indirect.scatter.add.f32 [tilespmem:s23], [sflag:$0x3], $0x80, s9, s22, $0xb8;
	[tilespmem:$0x1CC00] =	vst v63  }
0x1be: {  	_ =	swait.ge [sflag:s20], $0x4000  }
0x1bf: {  	[sflag:s20] =	ssyncset.done $0x0  }
0x1c0: {  	s9 =	simm.s32 $0x580;
	[sflag:s20] =	ssyncadd.s32 $0xFFFFC000  }
0x1c1: {  	[tilespmem:s23], [sflag:$0x2] =	stream.indirect.gather [hbm4b:s5+s22], $0x80, s9, s22, $0xb8;
	[tilespmem:$0x1CC00] =	vst v63  }
0x1c2: {  	_ =	swait.ge [sflag:s24], $0x4000  }
0x1c3: {  	[sflag:s24] =	ssyncset.done $0x0  }
0x1c4: {  	s9 =	simm.s32 $0xD00;
	[sflag:s24] =	ssyncadd.s32 $0xFFFFC000  }
0x1c5: {  	[spmem:s3] =	stream.indirect.scatter.add.f32 [tilespmem:s19], [sflag:$0x3], $0x80, s9, s22, $0xb8;
	[tilespmem:$0x1CC00] =	vst v63  }
0x1c6: {  	_ =	swait.ge [sflag:s20], $0x4000  }
0x1c7: {  	[sflag:s20] =	ssyncset.done $0x0  }
0x1c8: {  	s9 =	simm.s32 $0x600;
	[sflag:s20] =	ssyncadd.s32 $0xFFFFC000  }
0x1c9: {  	[tilespmem:s19], [sflag:$0x1] =	stream.indirect.gather [hbm4b:s5+s22], $0x80, s9, s22, $0xb8;
	[tilespmem:$0x1CC00] =	vst v63  }
0x1ca: {  	_ =	swait.ge [sflag:s26], $0x4000  }
0x1cb: {  	[sflag:s26] =	ssyncset.done $0x0  }
0x1cc: {  	s9 =	simm.s32 $0xD80;
	[sflag:s26] =	ssyncadd.s32 $0xFFFFC000  }
0x1cd: {  	[spmem:s3] =	stream.indirect.scatter.add.f32 [tilespmem:s23], [sflag:$0x3], $0x80, s9, s22, $0xb8;
	[tilespmem:$0x1CC00] =	vst v63  }
0x1ce: {  	_ =	swait.ge [sflag:s20], $0x4000  }
0x1cf: {  	[sflag:s20] =	ssyncset.done $0x0  }
0x1d0: {  	s9 =	simm.s32 $0x680;
	[sflag:s20] =	ssyncadd.s32 $0xFFFFC000  }
0x1d1: {  	[tilespmem:s23], [sflag:$0x2] =	stream.indirect.gather [hbm4b:s5+s22], $0x80, s9, s22, $0xb8;
	[tilespmem:$0x1CC00] =	vst v63  }
0x1d2: {  	_ =	swait.ge [sflag:s24], $0x4000  }
0x1d3: {  	[sflag:s24] =	ssyncset.done $0x0  }
0x1d4: {  	s9 =	simm.s32 $0xE00;
	[sflag:s24] =	ssyncadd.s32 $0xFFFFC000  }
0x1d5: {  	[spmem:s3] =	stream.indirect.scatter.add.f32 [tilespmem:s19], [sflag:$0x3], $0x80, s9, s22, $0xb8;
	[tilespmem:$0x1CC00] =	vst v63  }
0x1d6: {  	_ =	swait.ge [sflag:s20], $0x4000  }
0x1d7: {  	[sflag:s20] =	ssyncset.done $0x0  }
0x1d8: {  	s9 =	simm.s32 $0x700;
	[sflag:s20] =	ssyncadd.s32 $0xFFFFC000  }
0x1d9: {  	[tilespmem:s19], [sflag:$0x1] =	stream.indirect.gather [hbm4b:s5+s22], $0x80, s9, s22, $0xb8;
	[tilespmem:$0x1CC00] =	vst v63  }
0x1da: {  	_ =	swait.ge [sflag:s26], $0x4000  }
0x1db: {  	[sflag:s26] =	ssyncset.done $0x0  }
0x1dc: {  	s9 =	simm.s32 $0xE80;
	[sflag:s26] =	ssyncadd.s32 $0xFFFFC000  }
0x1dd: {  	[spmem:s3] =	stream.indirect.scatter.add.f32 [tilespmem:s23], [sflag:$0x3], $0x80, s9, s22, $0xb8;
	[tilespmem:$0x1CC00] =	vst v63  }
0x1de: {  	_ =	swait.ge [sflag:s20], $0x4000  }
0x1df: {  	[sflag:s20] =	ssyncset.done $0x0  }
0x1e0: {  	s9 =	simm.s32 $0x780;
	[sflag:s20] =	ssyncadd.s32 $0xFFFFC000  }
0x1e1: {  	[tilespmem:s23], [sflag:$0x2] =	stream.indirect.gather [hbm4b:s5+s22], $0x80, s9, s22, $0xb8;
	[tilespmem:$0x1CC00] =	vst v63  }
0x1e2: {  	_ =	swait.ge [sflag:s24], $0x4000  }
0x1e3: {  	[sflag:s24] =	ssyncset.done $0x0  }
0x1e4: {  	s9 =	simm.s32 $0xF00;
	[sflag:s24] =	ssyncadd.s32 $0xFFFFC000  }
0x1e5: {  	[spmem:s3] =	stream.indirect.scatter.add.f32 [tilespmem:s19], [sflag:$0x3], $0x80, s9, s22, $0xb8;
	[tilespmem:$0x1CC00] =	vst v63  }
0x1e6: {  	_ =	swait.ge [sflag:s20], $0x4000  }
0x1e7: {  	[sflag:s20] =	ssyncset.done $0x0  }
0x1e8: {  	[sflag:s20] =	ssyncadd.s32 $0xFFFFC000  }
0x1e9: {  	_ =	swait.ge [sflag:s26], $0x4000  }
.Ltmp4:
0x1ea: {  	[sflag:s26] =	ssyncset.done $0x0;
	(pc) =	sbr.rel @p2 .LBB2_8-.Ltmp4, $4  }
0x1eb: {  	s9 =	simm.s32 $0xF80;
	[sflag:s26] =	ssyncadd.s32 $0xFFFFC000  }
0x1ec: {  	[spmem:s3] =	stream.indirect.scatter.add.f32 [tilespmem:s23], [sflag:$0x3], $0x80, s9, s22, $0xb8;
	[tilespmem:$0x1CC00] =	vst v63  }
0x1ed: {  	_ =	swait.ge [sflag:s20], $0x4000  }
0x1ee: {  	s9 =	smov.u32 s8;
	[sflag:s20] =	ssyncset.done $0x0  }
0x1ef: {  	s8 =	sadd.s32 s7, s18;
	[sflag:s20] =	ssyncadd.s32 $0xFFFFC000  }
0x1f0: {  	[tilespmem:s4], [sflag:$0x3] =	stream.linear.gather [hbm4b:s8+s4], $0x800, $0x38;
	[tilespmem:$0x1CC00] =	vst v63  }
0x1f1: {  	_ =	swait.ge [sflag:s20], $0x800  }
0x1f2: {  	[sflag:s20] =	ssyncset.done $0x0  }
0x1f3: {  	s9 =	sadd.s32 s7, s17;
	[sflag:s20] =	ssyncadd.s32 $0xFFFFF800  }
0x1f4: {  	[tilespmem:s21], [sflag:$0x3] =	stream.linear.gather [hbm4b:s9+s4], $0x800, $0x38;
	[tilespmem:$0x1CC00] =	vst v63  }
0x1f5: {  	_ =	swait.ge [sflag:s20], $0x800  }
0x1f6: {  	[sflag:s20] =	ssyncset.done $0x0  }
0x1f7: {  	[sflag:s20] =	ssyncadd.s32 $0xFFFFF800  }
0x1f8: {  	[tilespmem:s19], [sflag:$0x1] =	stream.indirect.gather [hbm4b:s5+s22], $0x80, s4, s22, $0xb8;
	[tilespmem:$0x1CC00] =	vst v63  }
0x1f9: {  	_ = 	snop  }
0x1fa: {  	[tilespmem:s23], [sflag:$0x2] =	stream.indirect.gather [hbm4b:s5+s22], $0x80, s22, s22, $0xb8;
	[tilespmem:$0x1CC00] =	vst v63  }
0x1fb: {  	_ =	swait.ge [sflag:s24], $0x4000  }
0x1fc: {  	[sflag:s24] =	ssyncset.done $0x0  }
0x1fd: {  	[sflag:s24] =	ssyncadd.s32 $0xFFFFC000  }
0x1fe: {  	[spmem:s3] =	stream.indirect.scatter.add.f32 [tilespmem:s19], [sflag:$0x3], $0x80, s21, s22, $0xb8;
	[tilespmem:$0x1CC00] =	vst v63  }
0x1ff: {  	_ =	swait.ge [sflag:s20], $0x4000  }
0x200: {  	[sflag:s20] =	ssyncset.done $0x0  }
0x201: {  	[sflag:s20] =	ssyncadd.s32 $0xFFFFC000  }
0x202: {  	[tilespmem:s19], [sflag:$0x1] =	stream.indirect.gather [hbm4b:s5+s22], $0x80, s10, s22, $0xb8;
	[tilespmem:$0x1CC00] =	vst v63  }
0x203: {  	_ =	swait.ge [sflag:s26], $0x4000  }
0x204: {  	[sflag:s26] =	ssyncset.done $0x0  }
0x205: {  	[sflag:s26] =	ssyncadd.s32 $0xFFFFC000  }
0x206: {  	[spmem:s3] =	stream.indirect.scatter.add.f32 [tilespmem:s23], [sflag:$0x3], $0x80, s12, s22, $0xb8;
	[tilespmem:$0x1CC00] =	vst v63  }
0x207: {  	_ =	swait.ge [sflag:s20], $0x4000  }
0x208: {  	[sflag:s20] =	ssyncset.done $0x0  }
0x209: {  	[sflag:s20] =	ssyncadd.s32 $0xFFFFC000  }
0x20a: {  	[tilespmem:s23], [sflag:$0x2] =	stream.indirect.gather [hbm4b:s5+s22], $0x80, s16, s22, $0xb8;
	[tilespmem:$0x1CC00] =	vst v63  }
0x20b: {  	_ =	swait.ge [sflag:s24], $0x4000  }
0x20c: {  	[sflag:s24] =	ssyncset.done $0x0  }
0x20d: {  	[sflag:s24] =	ssyncadd.s32 $0xFFFFC000  }
0x20e: {  	[spmem:s3] =	stream.indirect.scatter.add.f32 [tilespmem:s19], [sflag:$0x3], $0x80, s6, s22, $0xb8;
	[tilespmem:$0x1CC00] =	vst v63  }
0x20f: {  	_ =	swait.ge [sflag:s20], $0x4000  }
0x210: {  	[sflag:s20] =	ssyncset.done $0x0  }
0x211: {  	[sflag:s20] =	ssyncadd.s32 $0xFFFFC000  }
0x212: {  	[tilespmem:s19], [sflag:$0x1] =	stream.indirect.gather [hbm4b:s5+s22], $0x80, s25, s22, $0xb8;
	[tilespmem:$0x1CC00] =	vst v63  }
0x213: {  	_ =	swait.ge [sflag:s26], $0x4000  }
0x214: {  	[sflag:s26] =	ssyncset.done $0x0  }
0x215: {  	[sflag:s26] =	ssyncadd.s32 $0xFFFFC000  }
0x216: {  	[spmem:s3] =	stream.indirect.scatter.add.f32 [tilespmem:s23], [sflag:$0x3], $0x80, s28, s22, $0xb8;
	[tilespmem:$0x1CC00] =	vst v63  }
0x217: {  	_ =	swait.ge [sflag:s20], $0x4000  }
0x218: {  	[sflag:s20] =	ssyncset.done $0x0  }
0x219: {  	[sflag:s20] =	ssyncadd.s32 $0xFFFFC000  }
0x21a: {  	[tilespmem:s23], [sflag:$0x2] =	stream.indirect.gather [hbm4b:s5+s22], $0x80, s29, s22, $0xb8;
	[tilespmem:$0x1CC00] =	vst v63  }
0x21b: {  	_ =	swait.ge [sflag:s24], $0x4000  }
0x21c: {  	[sflag:s24] =	ssyncset.done $0x0  }
0x21d: {  	[sflag:s24] =	ssyncadd.s32 $0xFFFFC000  }
0x21e: {  	[spmem:s3] =	stream.indirect.scatter.add.f32 [tilespmem:s19], [sflag:$0x3], $0x80, s30, s22, $0xb8;
	[tilespmem:$0x1CC00] =	vst v63  }
0x21f: {  	_ =	swait.ge [sflag:s20], $0x4000  }
0x220: {  	[sflag:s20] =	ssyncset.done $0x0  }
0x221: {  	[sflag:s20] =	ssyncadd.s32 $0xFFFFC000  }
0x222: {  	[tilespmem:s19], [sflag:$0x1] =	stream.indirect.gather [hbm4b:s5+s22], $0x80, s31, s22, $0xb8;
	[tilespmem:$0x1CC00] =	vst v63  }
0x223: {  	_ =	swait.ge [sflag:s26], $0x4000  }
0x224: {  	[sflag:s26] =	ssyncset.done $0x0  }
0x225: {  	[sflag:s26] =	ssyncadd.s32 $0xFFFFC000  }
0x226: {  	[spmem:s3] =	stream.indirect.scatter.add.f32 [tilespmem:s23], [sflag:$0x3], $0x80, s0, s22, $0xb8;
	[tilespmem:$0x1CC00] =	vst v63  }
0x227: {  	_ =	swait.ge [sflag:s20], $0x4000  }
0x228: {  	[sflag:s20] =	ssyncset.done $0x0  }
0x229: {  	[sflag:s20] =	ssyncadd.s32 $0xFFFFC000  }
0x22a: {  	[tilespmem:s23], [sflag:$0x2] =	stream.indirect.gather [hbm4b:s5+s22], $0x80, s11, s22, $0xb8;
	[tilespmem:$0x1CC00] =	vst v63  }
0x22b: {  	_ =	swait.ge [sflag:s24], $0x4000  }
0x22c: {  	[sflag:s24] =	ssyncset.done $0x0  }
0x22d: {  	[sflag:s24] =	ssyncadd.s32 $0xFFFFC000  }
0x22e: {  	[spmem:s3] =	stream.indirect.scatter.add.f32 [tilespmem:s19], [sflag:$0x3], $0x80, s13, s22, $0xb8;
	[tilespmem:$0x1CC00] =	vst v63  }
0x22f: {  	_ =	swait.ge [sflag:s20], $0x4000  }
0x230: {  	[sflag:s20] =	ssyncset.done $0x0  }
0x231: {  	[sflag:s20] =	ssyncadd.s32 $0xFFFFC000  }
0x232: {  	[tilespmem:s19], [sflag:$0x1] =	stream.indirect.gather [hbm4b:s5+s22], $0x80, s14, s22, $0xb8;
	[tilespmem:$0x1CC00] =	vst v63  }
0x233: {  	_ =	swait.ge [sflag:s26], $0x4000  }
0x234: {  	[sflag:s26] =	ssyncset.done $0x0  }
0x235: {  	[sflag:s26] =	ssyncadd.s32 $0xFFFFC000  }
0x236: {  	[spmem:s3] =	stream.indirect.scatter.add.f32 [tilespmem:s23], [sflag:$0x3], $0x80, s15, s22, $0xb8;
	[tilespmem:$0x1CC00] =	vst v63  }
0x237: {  	_ =	swait.ge [sflag:s20], $0x4000  }
0x238: {  	[sflag:s20] =	ssyncset.done $0x0  }
0x239: {  	[sflag:s20] =	ssyncadd.s32 $0xFFFFC000  }
0x23a: {  	[tilespmem:s23], [sflag:$0x2] =	stream.indirect.gather [hbm4b:s5+s22], $0x80, s2, s22, $0xb8;
	[tilespmem:$0x1CC00] =	vst v63  }
0x23b: {  	_ =	swait.ge [sflag:s24], $0x4000  }
0x23c: {  	[sflag:s24] =	ssyncset.done $0x0  }
0x23d: {  	s6 =	simm.s32 $0xC00;
	[sflag:s24] =	ssyncadd.s32 $0xFFFFC000  }
0x23e: {  	[spmem:s3] =	stream.indirect.scatter.add.f32 [tilespmem:s19], [sflag:$0x3], $0x80, s6, s22, $0xb8;
	[tilespmem:$0x1CC00] =	vst v63  }
0x23f: {  	_ =	swait.ge [sflag:s20], $0x4000  }
0x240: {  	[sflag:s20] =	ssyncset.done $0x0  }
0x241: {  	s7 =	simm.s32 $0x500;
	[sflag:s20] =	ssyncadd.s32 $0xFFFFC000  }
0x242: {  	[tilespmem:s19], [sflag:$0x1] =	stream.indirect.gather [hbm4b:s5+s22], $0x80, s7, s22, $0xb8;
	[tilespmem:$0x1CC00] =	vst v63  }
0x243: {  	_ =	swait.ge [sflag:s26], $0x4000  }
0x244: {  	[sflag:s26] =	ssyncset.done $0x0  }
0x245: {  	s8 =	simm.s32 $0xC80;
	[sflag:s26] =	ssyncadd.s32 $0xFFFFC000  }
0x246: {  	[spmem:s3] =	stream.indirect.scatter.add.f32 [tilespmem:s23], [sflag:$0x3], $0x80, s8, s22, $0xb8;
	[tilespmem:$0x1CC00] =	vst v63  }
0x247: {  	_ =	swait.ge [sflag:s20], $0x4000  }
0x248: {  	[sflag:s20] =	ssyncset.done $0x0  }
0x249: {  	s9 =	simm.s32 $0x580;
	[sflag:s20] =	ssyncadd.s32 $0xFFFFC000  }
0x24a: {  	[tilespmem:s23], [sflag:$0x2] =	stream.indirect.gather [hbm4b:s5+s22], $0x80, s9, s22, $0xb8;
	[tilespmem:$0x1CC00] =	vst v63  }
0x24b: {  	_ =	swait.ge [sflag:s24], $0x4000  }
0x24c: {  	[sflag:s24] =	ssyncset.done $0x0  }
0x24d: {  	s11 =	simm.s32 $0xD00;
	[sflag:s24] =	ssyncadd.s32 $0xFFFFC000  }
0x24e: {  	[spmem:s3] =	stream.indirect.scatter.add.f32 [tilespmem:s19], [sflag:$0x3], $0x80, s11, s22, $0xb8;
	[tilespmem:$0x1CC00] =	vst v63  }
0x24f: {  	_ =	swait.ge [sflag:s20], $0x4000  }
0x250: {  	[sflag:s20] =	ssyncset.done $0x0  }
0x251: {  	s13 =	simm.s32 $0x600;
	[sflag:s20] =	ssyncadd.s32 $0xFFFFC000  }
0x252: {  	[tilespmem:s19], [sflag:$0x1] =	stream.indirect.gather [hbm4b:s5+s22], $0x80, s13, s22, $0xb8;
	[tilespmem:$0x1CC00] =	vst v63  }
0x253: {  	_ =	swait.ge [sflag:s26], $0x4000  }
0x254: {  	[sflag:s26] =	ssyncset.done $0x0  }
0x255: {  	s14 =	simm.s32 $0xD80;
	[sflag:s26] =	ssyncadd.s32 $0xFFFFC000  }
0x256: {  	[spmem:s3] =	stream.indirect.scatter.add.f32 [tilespmem:s23], [sflag:$0x3], $0x80, s14, s22, $0xb8;
	[tilespmem:$0x1CC00] =	vst v63  }
0x257: {  	_ =	swait.ge [sflag:s20], $0x4000  }
0x258: {  	[sflag:s20] =	ssyncset.done $0x0  }
0x259: {  	s15 =	simm.s32 $0x680;
	[sflag:s20] =	ssyncadd.s32 $0xFFFFC000  }
0x25a: {  	[tilespmem:s23], [sflag:$0x2] =	stream.indirect.gather [hbm4b:s5+s22], $0x80, s15, s22, $0xb8;
	[tilespmem:$0x1CC00] =	vst v63  }
0x25b: {  	_ =	swait.ge [sflag:s24], $0x4000  }
0x25c: {  	[sflag:s24] =	ssyncset.done $0x0  }
0x25d: {  	s16 =	simm.s32 $0xE00;
	[sflag:s24] =	ssyncadd.s32 $0xFFFFC000  }
0x25e: {  	[spmem:s3] =	stream.indirect.scatter.add.f32 [tilespmem:s19], [sflag:$0x3], $0x80, s16, s22, $0xb8;
	[tilespmem:$0x1CC00] =	vst v63  }
0x25f: {  	_ =	swait.ge [sflag:s20], $0x4000  }
0x260: {  	[sflag:s20] =	ssyncset.done $0x0  }
0x261: {  	s25 =	simm.s32 $0x700;
	[sflag:s20] =	ssyncadd.s32 $0xFFFFC000  }
0x262: {  	[tilespmem:s19], [sflag:$0x1] =	stream.indirect.gather [hbm4b:s5+s22], $0x80, s25, s22, $0xb8;
	[tilespmem:$0x1CC00] =	vst v63  }
0x263: {  	_ =	swait.ge [sflag:s26], $0x4000  }
0x264: {  	[sflag:s26] =	ssyncset.done $0x0  }
0x265: {  	s28 =	simm.s32 $0xE80;
	[sflag:s26] =	ssyncadd.s32 $0xFFFFC000  }
0x266: {  	[spmem:s3] =	stream.indirect.scatter.add.f32 [tilespmem:s23], [sflag:$0x3], $0x80, s28, s22, $0xb8;
	[tilespmem:$0x1CC00] =	vst v63  }
0x267: {  	_ =	swait.ge [sflag:s20], $0x4000  }
0x268: {  	[sflag:s20] =	ssyncset.done $0x0  }
0x269: {  	s29 =	simm.s32 $0x780;
	[sflag:s20] =	ssyncadd.s32 $0xFFFFC000  }
0x26a: {  	[tilespmem:s23], [sflag:$0x2] =	stream.indirect.gather [hbm4b:s5+s22], $0x80, s29, s22, $0xb8;
	[tilespmem:$0x1CC00] =	vst v63  }
0x26b: {  	_ =	swait.ge [sflag:s24], $0x4000  }
0x26c: {  	[sflag:s24] =	ssyncset.done $0x0  }
0x26d: {  	s30 =	simm.s32 $0xF00;
	[sflag:s24] =	ssyncadd.s32 $0xFFFFC000  }
0x26e: {  	[spmem:s3] =	stream.indirect.scatter.add.f32 [tilespmem:s19], [sflag:$0x3], $0x80, s30, s22, $0xb8;
	[tilespmem:$0x1CC00] =	vst v63  }
0x26f: {  	_ =	swait.ge [sflag:s20], $0x4000  }
0x270: {  	[sflag:s20] =	ssyncset.done $0x0  }
0x271: {  	[sflag:s20] =	ssyncadd.s32 $0xFFFFC000  }
0x272: {  	_ =	swait.ge [sflag:s26], $0x4000  }
0x273: {  	[sflag:s26] =	ssyncset.done $0x0  }
0x274: {  	s31 =	simm.s32 $0xF80;
	[sflag:s26] =	ssyncadd.s32 $0xFFFFC000  }
0x275: {  	[spmem:s3] =	stream.indirect.scatter.add.f32 [tilespmem:s23], [sflag:$0x3], $0x80, s31, s22, $0xb8;
	[tilespmem:$0x1CC00] =	vst v63  }
0x276: {  	_ =	swait.ge [sflag:s20], $0x4000  }
0x277: {  	[sflag:s20] =	ssyncset.done $0x0  }
0x278: {  	[sflag:s20] =	ssyncadd.s32 $0xFFFFC000  }
0x279: {  	[bflag:$0x0] =	sbarrier.arrive $0xFFFF  }
0x27a: {  	s8 =	rddreg [dreg:$0xd]  }
0x27b: {  	s7 =	simm.s32 @p1 $0x1FC3;
	s0 =	rddreg [dreg:$0x12]  }
0x27c: {  	[hbm:s8], [sflag:s7] =	dma.local @p1 [spmem:s0], $0x2080  }
0x27d: {  	s7 =	simm.s32 @p1 $0x3  }
0x27e: {  	_ =	swait.ge @p1 [sflag:s7], $0x2080  }
0x27f: {  	s0 =	rddreg [dreg:$0x10]  }
0x280: {  	[sflag:s7] =	ssyncset.done @p1 $0x0;
	s2 =	rddreg [dreg:$0x11]  }
0x281: {  	[sflag:s7] =	ssyncadd.s32 @p1 $0xFFFFDF80;
	s7 =	rddreg [dreg:$0xc]  }
0x282: {  	[hbm:s7], [sflag:s2] =	dma.local @!p1 [spmem:s0], $0x2780  }
.Ltmp5:
0x283: {  	_ = 	snop;
	(pc) =	sbr.rel .LBB2_10-.Ltmp5, $4  }
0x284: {  	s7 =	simm.s32 @!p1 $0x3  }
0x285: {  	_ =	swait.ge @!p1 [sflag:s7], $0x2780  }
0x286: {  	[sflag:s7] =	ssyncset.done @!p1 $0x0  }
0x287: {  	s0 =	rddreg [dreg:$0xf];
	[sflag:s7] =	ssyncadd.s32 @!p1 $0xFFFFD880  }
.LBB2_4:
0x288: {  	[tilespmem:s4], [sflag:$0x3] =	stream.linear.gather [hbm4b:s7+s4], $0x800, $0x38;
	[tilespmem:$0x1CC00] =	vst v63  }
0x289: {  	_ =	swait.ge [sflag:s20], $0x800  }
0x28a: {  	[sflag:s20] =	ssyncset.done $0x0  }
0x28b: {  	s9 =	sadd.s32 $0x0, s17;
	[sflag:s20] =	ssyncadd.s32 $0xFFFFF800  }
0x28c: {  	[tilespmem:s21], [sflag:$0x3] =	stream.linear.gather [hbm4b:s9+s4], $0x800, $0x38;
	[tilespmem:$0x1CC00] =	vst v63  }
0x28d: {  	_ =	swait.ge [sflag:s20], $0x800  }
0x28e: {  	[sflag:s20] =	ssyncset.done $0x0  }
0x28f: {  	[sflag:s20] =	ssyncadd.s32 $0xFFFFF800  }
0x290: {  	[tilespmem:s19], [sflag:$0x1] =	stream.indirect.gather [hbm4b:s1+s22], $0x80, s4, s22, $0xb8;
	[tilespmem:$0x1CC00] =	vst v63  }
0x291: {  	_ = 	snop  }
0x292: {  	[tilespmem:s23], [sflag:$0x2] =	stream.indirect.gather [hbm4b:s1+s22], $0x80, s22, s22, $0xb8;
	[tilespmem:$0x1CC00] =	vst v63  }
0x293: {  	_ =	swait.ge [sflag:s24], $0x4000  }
0x294: {  	[sflag:s24] =	ssyncset.done $0x0  }
0x295: {  	[sflag:s24] =	ssyncadd.s32 $0xFFFFC000  }
0x296: {  	[spmem:s3] =	stream.indirect.scatter.add.f32 [tilespmem:s19], [sflag:$0x3], $0x80, s21, s22, $0xb8;
	[tilespmem:$0x1CC00] =	vst v63  }
0x297: {  	_ =	swait.ge [sflag:s20], $0x4000  }
0x298: {  	[sflag:s20] =	ssyncset.done $0x0  }
0x299: {  	[sflag:s20] =	ssyncadd.s32 $0xFFFFC000  }
0x29a: {  	[tilespmem:s19], [sflag:$0x1] =	stream.indirect.gather [hbm4b:s1+s22], $0x80, s10, s22, $0xb8;
	[tilespmem:$0x1CC00] =	vst v63  }
0x29b: {  	_ =	swait.ge [sflag:s26], $0x4000  }
0x29c: {  	[sflag:s26] =	ssyncset.done $0x0  }
0x29d: {  	[sflag:s26] =	ssyncadd.s32 $0xFFFFC000  }
0x29e: {  	[spmem:s3] =	stream.indirect.scatter.add.f32 [tilespmem:s23], [sflag:$0x3], $0x80, s12, s22, $0xb8;
	[tilespmem:$0x1CC00] =	vst v63  }
0x29f: {  	_ =	swait.ge [sflag:s20], $0x4000  }
0x2a0: {  	[sflag:s20] =	ssyncset.done $0x0  }
0x2a1: {  	s16 =	simm.s32 $0x180;
	[sflag:s20] =	ssyncadd.s32 $0xFFFFC000  }
0x2a2: {  	[tilespmem:s23], [sflag:$0x2] =	stream.indirect.gather [hbm4b:s1+s22], $0x80, s16, s22, $0xb8;
	[tilespmem:$0x1CC00] =	vst v63  }
0x2a3: {  	_ =	swait.ge [sflag:s24], $0x4000  }
0x2a4: {  	[sflag:s24] =	ssyncset.done $0x0  }
0x2a5: {  	s6 =	simm.s32 $0x900;
	[sflag:s24] =	ssyncadd.s32 $0xFFFFC000  }
0x2a6: {  	[spmem:s3] =	stream.indirect.scatter.add.f32 [tilespmem:s19], [sflag:$0x3], $0x80, s6, s22, $0xb8;
	[tilespmem:$0x1CC00] =	vst v63  }
0x2a7: {  	_ =	swait.ge [sflag:s20], $0x4000  }
0x2a8: {  	[sflag:s20] =	ssyncset.done $0x0  }
0x2a9: {  	s25 =	simm.s32 $0x200;
	[sflag:s20] =	ssyncadd.s32 $0xFFFFC000  }
0x2aa: {  	[tilespmem:s19], [sflag:$0x1] =	stream.indirect.gather [hbm4b:s1+s22], $0x80, s25, s22, $0xb8;
	[tilespmem:$0x1CC00] =	vst v63  }
0x2ab: {  	_ =	swait.ge [sflag:s26], $0x4000  }
0x2ac: {  	[sflag:s26] =	ssyncset.done $0x0  }
0x2ad: {  	s28 =	simm.s32 $0x980;
	[sflag:s26] =	ssyncadd.s32 $0xFFFFC000  }
0x2ae: {  	[spmem:s3] =	stream.indirect.scatter.add.f32 [tilespmem:s23], [sflag:$0x3], $0x80, s28, s22, $0xb8;
	[tilespmem:$0x1CC00] =	vst v63  }
0x2af: {  	_ =	swait.ge [sflag:s20], $0x4000  }
0x2b0: {  	[sflag:s20] =	ssyncset.done $0x0  }
0x2b1: {  	s29 =	simm.s32 $0x280;
	[sflag:s20] =	ssyncadd.s32 $0xFFFFC000  }
0x2b2: {  	[tilespmem:s23], [sflag:$0x2] =	stream.indirect.gather [hbm4b:s1+s22], $0x80, s29, s22, $0xb8;
	[tilespmem:$0x1CC00] =	vst v63  }
0x2b3: {  	_ =	swait.ge [sflag:s24], $0x4000  }
0x2b4: {  	[sflag:s24] =	ssyncset.done $0x0  }
0x2b5: {  	s30 =	simm.s32 $0xA00;
	[sflag:s24] =	ssyncadd.s32 $0xFFFFC000  }
0x2b6: {  	[spmem:s3] =	stream.indirect.scatter.add.f32 [tilespmem:s19], [sflag:$0x3], $0x80, s30, s22, $0xb8;
	[tilespmem:$0x1CC00] =	vst v63  }
0x2b7: {  	_ =	swait.ge [sflag:s20], $0x4000  }
0x2b8: {  	[sflag:s20] =	ssyncset.done $0x0  }
0x2b9: {  	s31 =	simm.s32 $0x300;
	[sflag:s20] =	ssyncadd.s32 $0xFFFFC000  }
0x2ba: {  	[tilespmem:s19], [sflag:$0x1] =	stream.indirect.gather [hbm4b:s1+s22], $0x80, s31, s22, $0xb8;
	[tilespmem:$0x1CC00] =	vst v63  }
0x2bb: {  	_ =	swait.ge [sflag:s26], $0x4000  }
0x2bc: {  	[sflag:s26] =	ssyncset.done $0x0  }
0x2bd: {  	s0 =	simm.s32 $0xA80;
	[sflag:s26] =	ssyncadd.s32 $0xFFFFC000  }
0x2be: {  	[spmem:s3] =	stream.indirect.scatter.add.f32 [tilespmem:s23], [sflag:$0x3], $0x80, s0, s22, $0xb8;
	[tilespmem:$0x1CC00] =	vst v63  }
0x2bf: {  	_ =	swait.ge [sflag:s20], $0x4000  }
0x2c0: {  	[sflag:s20] =	ssyncset.done $0x0  }
0x2c1: {  	s11 =	simm.s32 $0x380;
	[sflag:s20] =	ssyncadd.s32 $0xFFFFC000  }
0x2c2: {  	[tilespmem:s23], [sflag:$0x2] =	stream.indirect.gather [hbm4b:s1+s22], $0x80, s11, s22, $0xb8;
	[tilespmem:$0x1CC00] =	vst v63  }
0x2c3: {  	_ =	swait.ge [sflag:s24], $0x4000  }
0x2c4: {  	[sflag:s24] =	ssyncset.done $0x0  }
0x2c5: {  	s13 =	simm.s32 $0xB00;
	[sflag:s24] =	ssyncadd.s32 $0xFFFFC000  }
0x2c6: {  	[spmem:s3] =	stream.indirect.scatter.add.f32 [tilespmem:s19], [sflag:$0x3], $0x80, s13, s22, $0xb8;
	[tilespmem:$0x1CC00] =	vst v63  }
0x2c7: {  	_ =	swait.ge [sflag:s20], $0x4000  }
0x2c8: {  	[sflag:s20] =	ssyncset.done $0x0  }
0x2c9: {  	s14 =	simm.s32 $0x400;
	[sflag:s20] =	ssyncadd.s32 $0xFFFFC000  }
0x2ca: {  	[tilespmem:s19], [sflag:$0x1] =	stream.indirect.gather [hbm4b:s1+s22], $0x80, s14, s22, $0xb8;
	[tilespmem:$0x1CC00] =	vst v63  }
0x2cb: {  	_ =	swait.ge [sflag:s26], $0x4000  }
0x2cc: {  	[sflag:s26] =	ssyncset.done $0x0  }
0x2cd: {  	s15 =	simm.s32 $0xB80;
	[sflag:s26] =	ssyncadd.s32 $0xFFFFC000  }
0x2ce: {  	[spmem:s3] =	stream.indirect.scatter.add.f32 [tilespmem:s23], [sflag:$0x3], $0x80, s15, s22, $0xb8;
	[tilespmem:$0x1CC00] =	vst v63  }
0x2cf: {  	_ =	swait.ge [sflag:s20], $0x4000  }
0x2d0: {  	[sflag:s20] =	ssyncset.done $0x0  }
0x2d1: {  	s2 =	simm.s32 $0x480;
	[sflag:s20] =	ssyncadd.s32 $0xFFFFC000  }
0x2d2: {  	[tilespmem:s23], [sflag:$0x2] =	stream.indirect.gather [hbm4b:s1+s22], $0x80, s2, s22, $0xb8;
	[tilespmem:$0x1CC00] =	vst v63  }
0x2d3: {  	_ =	swait.ge [sflag:s24], $0x4000  }
0x2d4: {  	[sflag:s24] =	ssyncset.done $0x0  }
0x2d5: {  	s10 =	simm.s32 $0xC00;
	[sflag:s24] =	ssyncadd.s32 $0xFFFFC000  }
0x2d6: {  	[spmem:s3] =	stream.indirect.scatter.add.f32 [tilespmem:s19], [sflag:$0x3], $0x80, s10, s22, $0xb8;
	[tilespmem:$0x1CC00] =	vst v63  }
0x2d7: {  	_ =	swait.ge [sflag:s20], $0x4000  }
0x2d8: {  	[sflag:s20] =	ssyncset.done $0x0  }
0x2d9: {  	s12 =	simm.s32 $0x500;
	[sflag:s20] =	ssyncadd.s32 $0xFFFFC000  }
0x2da: {  	[tilespmem:s19], [sflag:$0x1] =	stream.indirect.gather [hbm4b:s1+s22], $0x80, s12, s22, $0xb8;
	[tilespmem:$0x1CC00] =	vst v63  }
0x2db: {  	_ =	swait.ge [sflag:s26], $0x4000  }
0x2dc: {  	[sflag:s26] =	ssyncset.done $0x0  }
0x2dd: {  	s8 =	simm.s32 $0xC80;
	[sflag:s26] =	ssyncadd.s32 $0xFFFFC000  }
0x2de: {  	[spmem:s3] =	stream.indirect.scatter.add.f32 [tilespmem:s23], [sflag:$0x3], $0x80, s8, s22, $0xb8;
	[tilespmem:$0x1CC00] =	vst v63  }
0x2df: {  	_ =	swait.ge [sflag:s20], $0x4000  }
0x2e0: {  	[sflag:s20] =	ssyncset.done $0x0  }
0x2e1: {  	s9 =	simm.s32 $0x580;
	[sflag:s20] =	ssyncadd.s32 $0xFFFFC000  }
0x2e2: {  	[tilespmem:s23], [sflag:$0x2] =	stream.indirect.gather [hbm4b:s1+s22], $0x80, s9, s22, $0xb8;
	[tilespmem:$0x1CC00] =	vst v63  }
0x2e3: {  	_ =	swait.ge [sflag:s24], $0x4000  }
0x2e4: {  	[sflag:s24] =	ssyncset.done $0x0  }
0x2e5: {  	s10 =	simm.s32 $0xD00;
	[sflag:s24] =	ssyncadd.s32 $0xFFFFC000  }
0x2e6: {  	[spmem:s3] =	stream.indirect.scatter.add.f32 [tilespmem:s19], [sflag:$0x3], $0x80, s10, s22, $0xb8;
	[tilespmem:$0x1CC00] =	vst v63  }
0x2e7: {  	_ =	swait.ge [sflag:s20], $0x4000  }
0x2e8: {  	[sflag:s20] =	ssyncset.done $0x0  }
0x2e9: {  	s12 =	simm.s32 $0x600;
	[sflag:s20] =	ssyncadd.s32 $0xFFFFC000  }
0x2ea: {  	[tilespmem:s19], [sflag:$0x1] =	stream.indirect.gather [hbm4b:s1+s22], $0x80, s12, s22, $0xb8;
	[tilespmem:$0x1CC00] =	vst v63  }
0x2eb: {  	_ =	swait.ge [sflag:s26], $0x4000  }
0x2ec: {  	[sflag:s26] =	ssyncset.done $0x0  }
0x2ed: {  	s8 =	simm.s32 $0xD80;
	[sflag:s26] =	ssyncadd.s32 $0xFFFFC000  }
0x2ee: {  	[spmem:s3] =	stream.indirect.scatter.add.f32 [tilespmem:s23], [sflag:$0x3], $0x80, s8, s22, $0xb8;
	[tilespmem:$0x1CC00] =	vst v63  }
0x2ef: {  	_ =	swait.ge [sflag:s20], $0x4000  }
0x2f0: {  	[sflag:s20] =	ssyncset.done $0x0  }
0x2f1: {  	s9 =	simm.s32 $0x680;
	[sflag:s20] =	ssyncadd.s32 $0xFFFFC000  }
0x2f2: {  	[tilespmem:s23], [sflag:$0x2] =	stream.indirect.gather [hbm4b:s1+s22], $0x80, s9, s22, $0xb8;
	[tilespmem:$0x1CC00] =	vst v63  }
0x2f3: {  	_ =	swait.ge [sflag:s24], $0x4000  }
0x2f4: {  	[sflag:s24] =	ssyncset.done $0x0  }
0x2f5: {  	s10 =	simm.s32 $0xE00;
	[sflag:s24] =	ssyncadd.s32 $0xFFFFC000  }
0x2f6: {  	[spmem:s3] =	stream.indirect.scatter.add.f32 [tilespmem:s19], [sflag:$0x3], $0x80, s10, s22, $0xb8;
	[tilespmem:$0x1CC00] =	vst v63  }
0x2f7: {  	_ =	swait.ge [sflag:s20], $0x4000  }
0x2f8: {  	[sflag:s20] =	ssyncset.done $0x0  }
0x2f9: {  	s12 =	simm.s32 $0x700;
	[sflag:s20] =	ssyncadd.s32 $0xFFFFC000  }
0x2fa: {  	[tilespmem:s19], [sflag:$0x1] =	stream.indirect.gather [hbm4b:s1+s22], $0x80, s12, s22, $0xb8;
	[tilespmem:$0x1CC00] =	vst v63  }
0x2fb: {  	_ =	swait.ge [sflag:s26], $0x4000  }
0x2fc: {  	[sflag:s26] =	ssyncset.done $0x0  }
0x2fd: {  	s8 =	simm.s32 $0xE80;
	[sflag:s26] =	ssyncadd.s32 $0xFFFFC000  }
0x2fe: {  	[spmem:s3] =	stream.indirect.scatter.add.f32 [tilespmem:s23], [sflag:$0x3], $0x80, s8, s22, $0xb8;
	[tilespmem:$0x1CC00] =	vst v63  }
0x2ff: {  	_ =	swait.ge [sflag:s20], $0x4000  }
0x300: {  	[sflag:s20] =	ssyncset.done $0x0  }
0x301: {  	s9 =	simm.s32 $0x780;
	[sflag:s20] =	ssyncadd.s32 $0xFFFFC000  }
0x302: {  	[tilespmem:s23], [sflag:$0x2] =	stream.indirect.gather [hbm4b:s1+s22], $0x80, s9, s22, $0xb8;
	[tilespmem:$0x1CC00] =	vst v63  }
0x303: {  	_ =	swait.ge [sflag:s24], $0x4000  }
0x304: {  	[sflag:s24] =	ssyncset.done $0x0  }
0x305: {  	s10 =	simm.s32 $0xF00;
	[sflag:s24] =	ssyncadd.s32 $0xFFFFC000  }
0x306: {  	[spmem:s3] =	stream.indirect.scatter.add.f32 [tilespmem:s19], [sflag:$0x3], $0x80, s10, s22, $0xb8;
	[tilespmem:$0x1CC00] =	vst v63  }
0x307: {  	_ =	swait.ge [sflag:s20], $0x4000  }
0x308: {  	[sflag:s20] =	ssyncset.done $0x0  }
0x309: {  	[sflag:s20] =	ssyncadd.s32 $0xFFFFC000  }
0x30a: {  	_ =	swait.ge [sflag:s26], $0x4000  }
0x30b: {  	[sflag:s26] =	ssyncset.done $0x0  }
0x30c: {  	s12 =	simm.s32 $0xF80;
	[sflag:s26] =	ssyncadd.s32 $0xFFFFC000  }
0x30d: {  	[spmem:s3] =	stream.indirect.scatter.add.f32 [tilespmem:s23], [sflag:$0x3], $0x80, s12, s22, $0xb8;
	[tilespmem:$0x1CC00] =	vst v63  }
0x30e: {  	_ =	swait.ge [sflag:s20], $0x4000  }
0x30f: {  	s7 =	simm.s32 $0x100;
	s8 =	simm.s32 $0x200;
	[sflag:s20] =	ssyncset.done $0x0  }
.LBB2_5:
0x310: {  	s10 =	sadd.s32 s7, s18  }
0x311: {  	[sflag:s20] =	ssyncadd.s32 $0xFFFFC000;
	s12 =	smov.u32 s8;
	s9 =	sadd.s32 $0x100, s8  }
0x312: {  	[tilespmem:s4], [sflag:$0x3] =	stream.linear.gather [hbm4b:s10+s4], $0x800, $0x38;
	[tilespmem:$0x1CC00] =	vst v63  }
0x313: {  	s10 =	simm.s32 $0x100  }
0x314: {  	p2 =	sne.s32 s8, $0x900;
	_ =	swait.ge [sflag:s20], $0x800  }
0x315: {  	s8 =	sadd.s32 s7, s17;
	[sflag:s20] =	ssyncset.done $0x0  }
0x316: {  	s7 =	smov.u32 s12;
	s12 =	simm.s32 $0x880;
	[sflag:s20] =	ssyncadd.s32 $0xFFFFF800  }
0x317: {  	[tilespmem:s21], [sflag:$0x3] =	stream.linear.gather [hbm4b:s8+s4], $0x800, $0x38;
	[tilespmem:$0x1CC00] =	vst v63  }
0x318: {  	_ =	swait.ge [sflag:s20], $0x800  }
0x319: {  	[sflag:s20] =	ssyncset.done $0x0  }
0x31a: {  	[sflag:s20] =	ssyncadd.s32 $0xFFFFF800  }
0x31b: {  	[tilespmem:s19], [sflag:$0x1] =	stream.indirect.gather [hbm4b:s1+s22], $0x80, s4, s22, $0xb8;
	[tilespmem:$0x1CC00] =	vst v63  }
0x31c: {  	_ = 	snop  }
0x31d: {  	[tilespmem:s23], [sflag:$0x2] =	stream.indirect.gather [hbm4b:s1+s22], $0x80, s22, s22, $0xb8;
	[tilespmem:$0x1CC00] =	vst v63  }
0x31e: {  	_ =	swait.ge [sflag:s24], $0x4000  }
0x31f: {  	[sflag:s24] =	ssyncset.done $0x0  }
0x320: {  	[sflag:s24] =	ssyncadd.s32 $0xFFFFC000  }
0x321: {  	[spmem:s3] =	stream.indirect.scatter.add.f32 [tilespmem:s19], [sflag:$0x3], $0x80, s21, s22, $0xb8;
	[tilespmem:$0x1CC00] =	vst v63  }
0x322: {  	_ =	swait.ge [sflag:s20], $0x4000  }
0x323: {  	[sflag:s20] =	ssyncset.done $0x0  }
0x324: {  	[sflag:s20] =	ssyncadd.s32 $0xFFFFC000  }
0x325: {  	[tilespmem:s19], [sflag:$0x1] =	stream.indirect.gather [hbm4b:s1+s22], $0x80, s10, s22, $0xb8;
	[tilespmem:$0x1CC00] =	vst v63  }
0x326: {  	_ =	swait.ge [sflag:s26], $0x4000  }
0x327: {  	[sflag:s26] =	ssyncset.done $0x0  }
0x328: {  	[sflag:s26] =	ssyncadd.s32 $0xFFFFC000  }
0x329: {  	[spmem:s3] =	stream.indirect.scatter.add.f32 [tilespmem:s23], [sflag:$0x3], $0x80, s12, s22, $0xb8;
	[tilespmem:$0x1CC00] =	vst v63  }
0x32a: {  	_ =	swait.ge [sflag:s20], $0x4000  }
0x32b: {  	[sflag:s20] =	ssyncset.done $0x0  }
0x32c: {  	[sflag:s20] =	ssyncadd.s32 $0xFFFFC000  }
0x32d: {  	[tilespmem:s23], [sflag:$0x2] =	stream.indirect.gather [hbm4b:s1+s22], $0x80, s16, s22, $0xb8;
	[tilespmem:$0x1CC00] =	vst v63  }
0x32e: {  	_ =	swait.ge [sflag:s24], $0x4000  }
0x32f: {  	[sflag:s24] =	ssyncset.done $0x0  }
0x330: {  	[sflag:s24] =	ssyncadd.s32 $0xFFFFC000  }
0x331: {  	[spmem:s3] =	stream.indirect.scatter.add.f32 [tilespmem:s19], [sflag:$0x3], $0x80, s6, s22, $0xb8;
	[tilespmem:$0x1CC00] =	vst v63  }
0x332: {  	_ =	swait.ge [sflag:s20], $0x4000  }
0x333: {  	[sflag:s20] =	ssyncset.done $0x0  }
0x334: {  	[sflag:s20] =	ssyncadd.s32 $0xFFFFC000  }
0x335: {  	[tilespmem:s19], [sflag:$0x1] =	stream.indirect.gather [hbm4b:s1+s22], $0x80, s25, s22, $0xb8;
	[tilespmem:$0x1CC00] =	vst v63  }
0x336: {  	_ =	swait.ge [sflag:s26], $0x4000  }
0x337: {  	[sflag:s26] =	ssyncset.done $0x0  }
0x338: {  	[sflag:s26] =	ssyncadd.s32 $0xFFFFC000  }
0x339: {  	[spmem:s3] =	stream.indirect.scatter.add.f32 [tilespmem:s23], [sflag:$0x3], $0x80, s28, s22, $0xb8;
	[tilespmem:$0x1CC00] =	vst v63  }
0x33a: {  	_ =	swait.ge [sflag:s20], $0x4000  }
0x33b: {  	[sflag:s20] =	ssyncset.done $0x0  }
0x33c: {  	[sflag:s20] =	ssyncadd.s32 $0xFFFFC000  }
0x33d: {  	[tilespmem:s23], [sflag:$0x2] =	stream.indirect.gather [hbm4b:s1+s22], $0x80, s29, s22, $0xb8;
	[tilespmem:$0x1CC00] =	vst v63  }
0x33e: {  	_ =	swait.ge [sflag:s24], $0x4000  }
0x33f: {  	[sflag:s24] =	ssyncset.done $0x0  }
0x340: {  	[sflag:s24] =	ssyncadd.s32 $0xFFFFC000  }
0x341: {  	[spmem:s3] =	stream.indirect.scatter.add.f32 [tilespmem:s19], [sflag:$0x3], $0x80, s30, s22, $0xb8;
	[tilespmem:$0x1CC00] =	vst v63  }
0x342: {  	_ =	swait.ge [sflag:s20], $0x4000  }
0x343: {  	[sflag:s20] =	ssyncset.done $0x0  }
0x344: {  	[sflag:s20] =	ssyncadd.s32 $0xFFFFC000  }
0x345: {  	[tilespmem:s19], [sflag:$0x1] =	stream.indirect.gather [hbm4b:s1+s22], $0x80, s31, s22, $0xb8;
	[tilespmem:$0x1CC00] =	vst v63  }
0x346: {  	_ =	swait.ge [sflag:s26], $0x4000  }
0x347: {  	[sflag:s26] =	ssyncset.done $0x0  }
0x348: {  	[sflag:s26] =	ssyncadd.s32 $0xFFFFC000  }
0x349: {  	[spmem:s3] =	stream.indirect.scatter.add.f32 [tilespmem:s23], [sflag:$0x3], $0x80, s0, s22, $0xb8;
	[tilespmem:$0x1CC00] =	vst v63  }
0x34a: {  	_ =	swait.ge [sflag:s20], $0x4000  }
0x34b: {  	[sflag:s20] =	ssyncset.done $0x0  }
0x34c: {  	[sflag:s20] =	ssyncadd.s32 $0xFFFFC000  }
0x34d: {  	[tilespmem:s23], [sflag:$0x2] =	stream.indirect.gather [hbm4b:s1+s22], $0x80, s11, s22, $0xb8;
	[tilespmem:$0x1CC00] =	vst v63  }
0x34e: {  	_ =	swait.ge [sflag:s24], $0x4000  }
0x34f: {  	[sflag:s24] =	ssyncset.done $0x0  }
0x350: {  	[sflag:s24] =	ssyncadd.s32 $0xFFFFC000  }
0x351: {  	[spmem:s3] =	stream.indirect.scatter.add.f32 [tilespmem:s19], [sflag:$0x3], $0x80, s13, s22, $0xb8;
	[tilespmem:$0x1CC00] =	vst v63  }
0x352: {  	_ =	swait.ge [sflag:s20], $0x4000  }
0x353: {  	[sflag:s20] =	ssyncset.done $0x0  }
0x354: {  	[sflag:s20] =	ssyncadd.s32 $0xFFFFC000  }
0x355: {  	[tilespmem:s19], [sflag:$0x1] =	stream.indirect.gather [hbm4b:s1+s22], $0x80, s14, s22, $0xb8;
	[tilespmem:$0x1CC00] =	vst v63  }
0x356: {  	_ =	swait.ge [sflag:s26], $0x4000  }
0x357: {  	[sflag:s26] =	ssyncset.done $0x0  }
0x358: {  	[sflag:s26] =	ssyncadd.s32 $0xFFFFC000  }
0x359: {  	[spmem:s3] =	stream.indirect.scatter.add.f32 [tilespmem:s23], [sflag:$0x3], $0x80, s15, s22, $0xb8;
	[tilespmem:$0x1CC00] =	vst v63  }
0x35a: {  	_ =	swait.ge [sflag:s20], $0x4000  }
0x35b: {  	[sflag:s20] =	ssyncset.done $0x0  }
0x35c: {  	[sflag:s20] =	ssyncadd.s32 $0xFFFFC000  }
0x35d: {  	[tilespmem:s23], [sflag:$0x2] =	stream.indirect.gather [hbm4b:s1+s22], $0x80, s2, s22, $0xb8;
	[tilespmem:$0x1CC00] =	vst v63  }
0x35e: {  	_ =	swait.ge [sflag:s24], $0x4000  }
0x35f: {  	[sflag:s24] =	ssyncset.done $0x0  }
0x360: {  	s8 =	simm.s32 $0xC00;
	[sflag:s24] =	ssyncadd.s32 $0xFFFFC000  }
0x361: {  	[spmem:s3] =	stream.indirect.scatter.add.f32 [tilespmem:s19], [sflag:$0x3], $0x80, s8, s22, $0xb8;
	[tilespmem:$0x1CC00] =	vst v63  }
0x362: {  	_ =	swait.ge [sflag:s20], $0x4000  }
0x363: {  	[sflag:s20] =	ssyncset.done $0x0  }
0x364: {  	s8 =	simm.s32 $0x500;
	[sflag:s20] =	ssyncadd.s32 $0xFFFFC000  }
0x365: {  	[tilespmem:s19], [sflag:$0x1] =	stream.indirect.gather [hbm4b:s1+s22], $0x80, s8, s22, $0xb8;
	[tilespmem:$0x1CC00] =	vst v63  }
0x366: {  	_ =	swait.ge [sflag:s26], $0x4000  }
0x367: {  	[sflag:s26] =	ssyncset.done $0x0  }
0x368: {  	s8 =	simm.s32 $0xC80;
	[sflag:s26] =	ssyncadd.s32 $0xFFFFC000  }
0x369: {  	[spmem:s3] =	stream.indirect.scatter.add.f32 [tilespmem:s23], [sflag:$0x3], $0x80, s8, s22, $0xb8;
	[tilespmem:$0x1CC00] =	vst v63  }
0x36a: {  	_ =	swait.ge [sflag:s20], $0x4000  }
0x36b: {  	[sflag:s20] =	ssyncset.done $0x0  }
0x36c: {  	s8 =	simm.s32 $0x580;
	[sflag:s20] =	ssyncadd.s32 $0xFFFFC000  }
0x36d: {  	[tilespmem:s23], [sflag:$0x2] =	stream.indirect.gather [hbm4b:s1+s22], $0x80, s8, s22, $0xb8;
	[tilespmem:$0x1CC00] =	vst v63  }
0x36e: {  	_ =	swait.ge [sflag:s24], $0x4000  }
0x36f: {  	[sflag:s24] =	ssyncset.done $0x0  }
0x370: {  	s8 =	simm.s32 $0xD00;
	[sflag:s24] =	ssyncadd.s32 $0xFFFFC000  }
0x371: {  	[spmem:s3] =	stream.indirect.scatter.add.f32 [tilespmem:s19], [sflag:$0x3], $0x80, s8, s22, $0xb8;
	[tilespmem:$0x1CC00] =	vst v63  }
0x372: {  	_ =	swait.ge [sflag:s20], $0x4000  }
0x373: {  	[sflag:s20] =	ssyncset.done $0x0  }
0x374: {  	s8 =	simm.s32 $0x600;
	[sflag:s20] =	ssyncadd.s32 $0xFFFFC000  }
0x375: {  	[tilespmem:s19], [sflag:$0x1] =	stream.indirect.gather [hbm4b:s1+s22], $0x80, s8, s22, $0xb8;
	[tilespmem:$0x1CC00] =	vst v63  }
0x376: {  	_ =	swait.ge [sflag:s26], $0x4000  }
0x377: {  	[sflag:s26] =	ssyncset.done $0x0  }
0x378: {  	s8 =	simm.s32 $0xD80;
	[sflag:s26] =	ssyncadd.s32 $0xFFFFC000  }
0x379: {  	[spmem:s3] =	stream.indirect.scatter.add.f32 [tilespmem:s23], [sflag:$0x3], $0x80, s8, s22, $0xb8;
	[tilespmem:$0x1CC00] =	vst v63  }
0x37a: {  	_ =	swait.ge [sflag:s20], $0x4000  }
0x37b: {  	[sflag:s20] =	ssyncset.done $0x0  }
0x37c: {  	s8 =	simm.s32 $0x680;
	[sflag:s20] =	ssyncadd.s32 $0xFFFFC000  }
0x37d: {  	[tilespmem:s23], [sflag:$0x2] =	stream.indirect.gather [hbm4b:s1+s22], $0x80, s8, s22, $0xb8;
	[tilespmem:$0x1CC00] =	vst v63  }
0x37e: {  	_ =	swait.ge [sflag:s24], $0x4000  }
0x37f: {  	[sflag:s24] =	ssyncset.done $0x0  }
0x380: {  	s8 =	simm.s32 $0xE00;
	[sflag:s24] =	ssyncadd.s32 $0xFFFFC000  }
0x381: {  	[spmem:s3] =	stream.indirect.scatter.add.f32 [tilespmem:s19], [sflag:$0x3], $0x80, s8, s22, $0xb8;
	[tilespmem:$0x1CC00] =	vst v63  }
0x382: {  	_ =	swait.ge [sflag:s20], $0x4000  }
0x383: {  	[sflag:s20] =	ssyncset.done $0x0  }
0x384: {  	s8 =	simm.s32 $0x700;
	[sflag:s20] =	ssyncadd.s32 $0xFFFFC000  }
0x385: {  	[tilespmem:s19], [sflag:$0x1] =	stream.indirect.gather [hbm4b:s1+s22], $0x80, s8, s22, $0xb8;
	[tilespmem:$0x1CC00] =	vst v63  }
0x386: {  	_ =	swait.ge [sflag:s26], $0x4000  }
0x387: {  	[sflag:s26] =	ssyncset.done $0x0  }
0x388: {  	s8 =	simm.s32 $0xE80;
	[sflag:s26] =	ssyncadd.s32 $0xFFFFC000  }
0x389: {  	[spmem:s3] =	stream.indirect.scatter.add.f32 [tilespmem:s23], [sflag:$0x3], $0x80, s8, s22, $0xb8;
	[tilespmem:$0x1CC00] =	vst v63  }
0x38a: {  	_ =	swait.ge [sflag:s20], $0x4000  }
0x38b: {  	[sflag:s20] =	ssyncset.done $0x0  }
0x38c: {  	s8 =	simm.s32 $0x780;
	[sflag:s20] =	ssyncadd.s32 $0xFFFFC000  }
0x38d: {  	[tilespmem:s23], [sflag:$0x2] =	stream.indirect.gather [hbm4b:s1+s22], $0x80, s8, s22, $0xb8;
	[tilespmem:$0x1CC00] =	vst v63  }
0x38e: {  	_ =	swait.ge [sflag:s24], $0x4000  }
0x38f: {  	[sflag:s24] =	ssyncset.done $0x0  }
0x390: {  	s8 =	simm.s32 $0xF00;
	[sflag:s24] =	ssyncadd.s32 $0xFFFFC000  }
0x391: {  	[spmem:s3] =	stream.indirect.scatter.add.f32 [tilespmem:s19], [sflag:$0x3], $0x80, s8, s22, $0xb8;
	[tilespmem:$0x1CC00] =	vst v63  }
0x392: {  	_ =	swait.ge [sflag:s20], $0x4000  }
0x393: {  	[sflag:s20] =	ssyncset.done $0x0  }
0x394: {  	[sflag:s20] =	ssyncadd.s32 $0xFFFFC000  }
0x395: {  	_ =	swait.ge [sflag:s26], $0x4000  }
.Ltmp6:
0x396: {  	[sflag:s26] =	ssyncset.done $0x0;
	(pc) =	sbr.rel @p2 .LBB2_5-.Ltmp6, $4  }
0x397: {  	s8 =	simm.s32 $0xF80;
	[sflag:s26] =	ssyncadd.s32 $0xFFFFC000  }
0x398: {  	[spmem:s3] =	stream.indirect.scatter.add.f32 [tilespmem:s23], [sflag:$0x3], $0x80, s8, s22, $0xb8;
	[tilespmem:$0x1CC00] =	vst v63  }
0x399: {  	_ =	swait.ge [sflag:s20], $0x4000  }
0x39a: {  	s8 =	smov.u32 s9;
	[sflag:s20] =	ssyncset.done $0x0  }
.Ltmp7:
0x39b: {  	_ = 	snop;
	(pc) =	sbr.rel .LBB2_6-.Ltmp7, $1  }
0x39c: {  	_ =	sdelay $0x3  }
.LBB2_11:
0x39d: {  	_ =	sfence.sel $0x180000  }
0x39e: {  	[bflag:$0x0] =	sbarrier.arrive $0xFFFF  }
0x39f: {  	_ =	strace $0x9000004A  }
0x3a0: {  	s0 =	stileid.u32;
	[bflag:$0x2] =	sbarrier.arrive $0xFFFF  }
0x3a1: {  	p0 =	sne.s32 s0, $0x0;
	s0 =	rddreg [dreg:$0x3]  }
0x3a2: {  	s0 =	sadd.s32 @!p0 $0x100000, s0  }
0x3a3: {  	[sflag:s0] =	ssyncadd.tile.s32 @!p0 $0x1;
	_ =	shalt  }
.Lfunc_end2:
_tile_overlayer_lowered:
.L_overlay_start_2:
0x3a4: {  	(tag) =	ssettag $0x2  }
0x3a5: {  	s0 =	rddreg [dreg:$0x0];
	s2 =	stileid.u32  }
0x3a6: {  	s1 =	rddreg [dreg:$0x1];
	p0 =	sne.s32 s2, $0x0  }
0x3a7: {  	s3 =	rddreg [dreg:$0x2];
	[bflag:$0x3] =	sbarrier.arrive $0xFFFF;
	s2 =	simm.s32 @!p0 $0x1C03  }
0x3a8: {  	[timem:s3], [sflag:s2] =	dma.local @!p0 [hbm:s0], s1  }
0x3a9: {  	s0 =	simm.s32 @!p0 $0x3  }
0x3aa: {  	_ =	swait.ge @!p0 [sflag:s0], s1  }
0x3ab: {  	s1 =	ssub.s32 @!p0 $0x0, s1;
	[sflag:s0] =	ssyncset.done @!p0 $0x0  }
0x3ac: {  	[sflag:s0] =	ssyncadd.s32 @!p0 s1  }
0x3ad: {  	[bflag:$0x3] =	sbarrier.arrive $0xFFFF  }
0x3ae: {  	_ =	shalt  }

// kernel: gcn_sc_agg.8.cloned.1.call-start
scs
__scs_entry_jumppad:
0x0: {  	(pc) =	sbr.rel $0x88, $3  }
0x1: {  	(tag) =	ssettag $0x0;
	lr =	simm.s32 $0x1  }
0x2: {  	[smem:$0x3F99] =	sst lr;
	_ =	strace $0xD0000000  }
0x3: {  	_ = 	snop  }
0x4: {  	_ = 	snop  }
0x5: {  	_ = 	snop  }
0x6: {  	_ = 	snop  }
0x7: {  	_ = 	snop  }
__scs_overlays_trampoline_lowered:
0x8: {  	[smem:$0x3FA8] =	sst s0  }
0x9: {  	[smem:$0x3FA9] =	sst s1  }
0xa: {  	[smem:$0x3FAA] =	sst s2  }
0xb: {  	[smem:$0x3FAB] =	sst s3  }
0xc: {  	[smem:$0x3FAC] =	sst s4  }
0xd: {  	[smem:$0x3FAD] =	sst s5  }
0xe: {  	[smem:$0x3FAE] =	sst s6  }
0xf: {  	[smem:$0x3FAF] =	sst s7  }
0x10: {  	[smem:$0x3FB0] =	sst s8  }
0x11: {  	[smem:$0x3FB1] =	sst s9;
	s0 =	simm.s32 @!p0 $0x0  }
0x12: {  	s1 =	sld [smem:$0x3F97];
	s0 =	simm.s32 @p0 $0x1  }
0x13: {  	[smem:$0x3FB2] =	sst s0;
	s0 =	simm.s32 @!p1 $0x0  }
0x14: {  	s2 =	sld [smem:$0x3F96];
	s0 =	simm.s32 @p1 $0x1  }
0x15: {  	[smem:$0x3FB3] =	sst s0;
	s0 =	simm.s32 @!p2 $0x0  }
0x16: {  	s3 =	sld [smem:$0x3FDB];
	s0 =	simm.s32 @p2 $0x1  }
0x17: {  	s4 =	simm.s32 $0x1BF5;
	[smem:$0x3FB5] =	sst s0  }
0x18: {  	s0 =	sld [smem:$0x3F98];
	_ =	swait.ge [sflag:s4], $0x0  }
0x19: {  	s7 =	sld [smem:$0x3F99]  }
0x1a: {  	s8 =	sadd.s32 $0xFFFFE003, lr  }
0x1b: {  	s9 =	sadd.s32 $0xFFFFFEF7, lr;
	s5 =	simm.s32 $0xFFFFFFFF;
	p2 =	slt.u32 s8, $0xFFFFF086  }
0x1c: {  	p1 =	slt.u32 s9, $0xF7A;
	s5 =	simm.s32 @!p2 $0x0  }
0x1d: {  	s5 =	simm.s32 @p1 $0x1;
	p0 =	seq.s32 s7, s2  }
0x1e: {  	s7 =	smul.u32 @!p0 $0xF7A, s2;
	p2 =	seq.s32 @!p0 s5, $0x0  }
0x1f: {  	s9 =	smul.u32 $0xF7A, s1;
	s8 =	simm.s32 @!p0 $0x1BF5;
	p2 =	por !p2, p0  }
0x20: {  	[sflag:s8] =	ssyncset.s32 @!p0 $0xFFFFF086;
	s6 =	sadd.s32 @!p0 s3, s7;
	s7 =	simm.s32 @!p0 $0x108  }
0x21: {  	s3 =	sadd.s32 s3, s9;
	s6 =	sadd.s32 @!p0 $0x88, s6;
	s7 =	simm.s32 @p2 $0x1082  }
0x22: {  	[simem:s7], [sflag:s8] =	dma.local @!p0 [hbm:s6], $0xF7A  }
0x23: {  	s9 =	sor.u32 $0xD0000000, s2;
	s6 =	simm.s32 $0x108;
	_ =	swait.ge @!p0 [sflag:s8], $0x0  }
0x24: {  	s3 =	sadd.s32 $0x88, s3;
	s6 =	simm.s32 @!p1 $0x1082;
	[sflag:s4] =	ssyncset.s32 $0xFFFFF086  }
0x25: {  	[simem:s6], [sflag:s4] =	dma.local [hbm:s3], $0xF7A  }
0x26: {  	[smem:$0x3F99] =	sst s1;
	(tag) =	ssettag s2;
	_ =	strace s9  }
0x27: {  	s1 =	sld [smem:$0x3FA9]  }
0x28: {  	s2 =	sld [smem:$0x3FAA]  }
0x29: {  	s4 =	sld [smem:$0x3FAC]  }
0x2a: {  	p0 =	seq.s32 s5, $0x0;
	s5 =	sld [smem:$0x3FAD]  }
0x2b: {  	s6 =	sld [smem:$0x3FAE]  }
0x2c: {  	s7 =	sld [smem:$0x3FAF]  }
0x2d: {  	s3 =	simm.s32 $0x108;
	s8 =	sld [smem:$0x3FB0]  }
0x2e: {  	s3 =	simm.s32 @!p0 $0x1082;
	s9 =	sld [smem:$0x3FB1]  }
0x2f: {  	lr =	sadd.s32 s0, s3;
	s0 =	sld [smem:$0x3FA8]  }
0x30: {  	s3 =	sld [smem:$0x3FAB]  }
0x31: {  	[smem:$0x3FB4] =	sst s10  }
0x32: {  	s10 =	sld [smem:$0x3FB2];
	_ =	sdelay $0x3  }
0x33: {  	p0 =	seq.s32 s10, $0x1;
	s10 =	sld [smem:$0x3FB4];
	_ =	sdelay $0x3  }
0x34: {  	[smem:$0x3FB4] =	sst s10  }
0x35: {  	s10 =	sld [smem:$0x3FB3];
	_ =	sdelay $0x3  }
0x36: {  	p1 =	seq.s32 s10, $0x1;
	s10 =	sld [smem:$0x3FB4];
	_ =	sdelay $0x3  }
0x37: {  	[smem:$0x3FB4] =	sst s10  }
0x38: {  	s10 =	sld [smem:$0x3FB5]  }
0x39: {  	_ = 	snop;
	(pc) =	sbr.ind lr, $3  }
0x3a: {  	_ = 	snop  }
0x3b: {  	_ = 	snop  }
0x3c: {  	p2 =	seq.s32 s10, $0x1;
	s10 =	sld [smem:$0x3FB4]  }
0x3d: {  	_ =	shalt  }
0x3e: {  	_ =	shalt  }
0x3f: {  	_ =	shalt  }
0x40: {  	_ =	shalt  }
0x41: {  	_ =	shalt  }
0x42: {  	_ =	shalt  }
0x43: {  	_ =	shalt  }
0x44: {  	_ =	shalt  }
0x45: {  	_ =	shalt  }
0x46: {  	_ =	shalt  }
0x47: {  	_ =	shalt  }
0x48: {  	_ =	shalt  }
0x49: {  	_ =	shalt  }
0x4a: {  	_ =	shalt  }
0x4b: {  	_ =	shalt  }
0x4c: {  	_ =	shalt  }
0x4d: {  	_ =	shalt  }
0x4e: {  	_ =	shalt  }
0x4f: {  	_ =	shalt  }
0x50: {  	_ =	shalt  }
0x51: {  	_ =	shalt  }
0x52: {  	_ =	shalt  }
0x53: {  	_ =	shalt  }
0x54: {  	_ =	shalt  }
0x55: {  	_ =	shalt  }
0x56: {  	_ =	shalt  }
0x57: {  	_ =	shalt  }
0x58: {  	_ =	shalt  }
0x59: {  	_ =	shalt  }
0x5a: {  	_ =	shalt  }
0x5b: {  	_ =	shalt  }
0x5c: {  	_ =	shalt  }
0x5d: {  	_ =	shalt  }
0x5e: {  	_ =	shalt  }
0x5f: {  	_ =	shalt  }
0x60: {  	_ =	shalt  }
0x61: {  	_ =	shalt  }
0x62: {  	_ =	shalt  }
0x63: {  	_ =	shalt  }
0x64: {  	_ =	shalt  }
0x65: {  	_ =	shalt  }
0x66: {  	_ =	shalt  }
0x67: {  	_ =	shalt  }
0x68: {  	_ =	shalt  }
0x69: {  	_ =	shalt  }
0x6a: {  	_ =	shalt  }
0x6b: {  	_ =	shalt  }
0x6c: {  	_ =	shalt  }
0x6d: {  	_ =	shalt  }
0x6e: {  	_ =	shalt  }
0x6f: {  	_ =	shalt  }
0x70: {  	_ =	shalt  }
0x71: {  	_ =	shalt  }
0x72: {  	_ =	shalt  }
0x73: {  	_ =	shalt  }
0x74: {  	_ =	shalt  }
0x75: {  	_ =	shalt  }
0x76: {  	_ =	shalt  }
0x77: {  	_ =	shalt  }
0x78: {  	_ =	shalt  }
0x79: {  	_ =	shalt  }
0x7a: {  	_ =	shalt  }
0x7b: {  	_ =	shalt  }
0x7c: {  	_ =	shalt  }
0x7d: {  	_ =	shalt  }
0x7e: {  	_ =	shalt  }
0x7f: {  	_ =	shalt  }
0x80: {  	_ =	shalt  }
0x81: {  	_ =	shalt  }
0x82: {  	_ =	shalt  }
0x83: {  	_ =	shalt  }
0x84: {  	_ =	shalt  }
0x85: {  	_ =	shalt  }
0x86: {  	_ =	shalt  }
0x87: {  	_ =	shalt  }
.Lfunc_end0:
.L_simem_size_0:
called_computation.2_lowered:
.L_overlay_start_0:
0x88: {  	s2 =	sld [smem:$0x3FD9]  }
0x89: {  	s3 =	sld [smem:$0x3FFE];
	_ =	sdelay $0x1  }
0x8a: {  	s1 =	srdreg.scid  }
0x8b: {  	s0 =	sand.u32 $0x1, s1  }
0x8c: {  	s17 =	sshll.u32 s0, $0xA;
	s2 =	sadd.s32 s3, s2  }
0x8d: {  	s2 =	sadd.s32 s2, s17  }
0x8e: {  	[smem:$0x3FC0] =	sst s2  }
0x8f: {  	_ = 	snop  }
0x90: {  	s2 =	sld [smem:$0x3FD0];
	(tm) =	ssettm $0x1  }
0x91: {  	s18 =	sld [smem:$0x3FFB];
	_ =	sdelay $0x3  }
0x92: {  	_ =	strace s18  }
0x93: {  	s3 =	sld [smem:$0x3FFC];
	_ =	sdelay $0x3  }
0x94: {  	_ =	strace s3  }
0x95: {  	s3 =	sld [smem:$0x3FFD];
	_ =	sdelay $0x3  }
0x96: {  	_ =	strace s3  }
0x97: {  	_ =	strace $0x8FFFFFFF  }
0x98: {  	s19 =	sld [smem:$0x3FDB];
	_ =	sdelay $0x1  }
0x99: {  	s4 =	simm.s32 $_scs_section_size  }
0x9a: {  	s5 =	simm.s32 $_size__tile_overlayer_lowered;
	s6 =	simm.s32 $_tile_overlayer_lowered  }
0x9b: {  	s22 =	simm.s32 $0x1BFF;
	s21 =	sshll.u32 s6, $0x1;
	s3 =	sadd.s32 s4, s19  }
0x9c: {  	s7 =	simm.s32 $0x0;
	s20 =	sshll.u32 s5, $0x1;
	s5 =	sadd.s32 s21, s3  }
0x9d: {  	[timem:s7], [sflag:s22] =	dma.local [hbm:s5], s20  }
0x9e: {  	_ =	swait.ge [sflag:s22], s20  }
0x9f: {  	s4 =	ssub.s32 $0x0, s20;
	[sflag:s22] =	ssyncset.done $0x0  }
0xa0: {  	[sflag:s22] =	ssyncadd.s32 s4;
	_ =	sdelay $0x1  }
0xa1: {  	s23 =	simm.s32 $0x1B8B  }
0xa2: {  	_ =	swait.ge [sflag:s23], $0x1  }
0xa3: {  	[sflag:s23] =	ssyncset.done $0x0  }
0xa4: {  	s25 =	simm.s32 $0x1B8E;
	s24 =	sld [smem:$0x3FFE];
	[sflag:s23] =	ssyncadd.s32 $0xFFFFFFFF  }
0xa5: {  	s26 =	simm.s32 $execute0_lowered;
	[smem:$0x3FD2] =	sst s25  }
0xa6: {  	s5 =	sshll.u32 s26, $0x1;
	_ =	strace $0x8000004C;
	[dreg:$0x1] =	wrdreg $0xFFFFFFFF  }
0xa7: {  	s28 =	simm.s32 $_size_execute0_lowered;
	s3 =	sadd.s32 s3, s5;
	[dreg:$0x0] =	wrdreg $0x0  }
0xa8: {  	s5 =	sshll.u32 s28, $0x1;
	[dreg:$0x2] =	wrdreg s3  }
0xa9: {  	[dreg:$0x3] =	wrdreg s5  }
0xaa: {  	[dreg:$0x4] =	wrdreg $0xC0  }
0xab: {  	_ =	task [dreg:s7], $0x5FFFF  }
0xac: {  	[dreg:$0x1] =	wrdreg $0xFFFFFFFF  }
0xad: {  	[dreg:$0x0] =	wrdreg $0x60  }
0xae: {  	[dreg:$0x2] =	wrdreg s2  }
0xaf: {  	[dreg:$0x3] =	wrdreg s24  }
0xb0: {  	[dreg:$0x4] =	wrdreg $0x90000  }
0xb1: {  	[dreg:$0x5] =	wrdreg $0x9  }
0xb2: {  	_ =	task.clear_ibuf [dreg:s7], $0x6FFFF;
	_ =	strace $0x9000004C  }
0xb3: {  	s29 =	simm.s32 $0x9;
	_ =	strace $0x8000004E  }
0xb4: {  	_ =	swait.ge [sflag:s29], $0x1  }
0xb5: {  	[sflag:s29] =	ssyncadd.s32 $0xFFFFFFFF  }
0xb6: {  	_ =	strace $0x9000004E  }
0xb7: {  	_ =	sfence  }
0xb8: {  	s30 =	sld [smem:$0x0];
	_ =	sdelay $0x2  }
0xb9: {  	s31 =	sshll.u32 s1, $0xD;
	s1 =	sshrl.u32 s1, $0x2  }
0xba: {  	s3 =	sand.u32 $0x4000, s31;
	s1 =	sadd.s32 s1, s30  }
0xbb: {  	s0 =	sor.u32 s3, s0;
	s1 =	sshll.u32 s1, $0x11  }
0xbc: {  	s0 =	sor.u32 s1, s0  }
0xbd: {  	s0 =	sadd.s32 $0x8F2B, s0  }
0xbe: {  	[sflag:s0] =	ssyncadd.remote.s32 $0x1  }
0xbf: {  	_ =	sfence.sel $0xFFFF  }
0xc0: {  	[dreg:$0x0] =	wrdreg $0xFFFFFFFF;
	(pc) =	sbr.abs _section_cstart, $3  }
0xc1: {  	[dreg:$0x1] =	wrdreg $0xFFFFFFFF  }
0xc2: {  	_ =	task.clear_ibuf [dreg:s7], $0x2FFFF;
	_ =	strace $0x9FFFFFFF  }
0xc3: {  	(tm) =	ssettm $0x7FFFFFFF  }
tec
execute0_lowered:
.L_overlay_start_1:
0x0: {  	(tag) =	ssettag $0x1  }
0x1: {  	s1 =	rddreg [dreg:$0x0]  }
0x2: {  	s0 =	rddreg [dreg:$0x1]  }
0x3: {  	s3 =	rddreg [dreg:$0x2];
	s4 =	simm.s32 $0x0;
	s11 =	stileid.u32  }
0x4: {  	s5 =	srdreg.scid;
	s19 =	simm.s32 $0x1000;
	s20 =	simm.s32 $0x3  }
0x5: {  	s21 =	simm.s32 $0x800;
	s22 =	simm.s32 $0x80;
	s2 =	smul.u32 $0xA00, s11  }
0x6: {  	s12 =	simm.s32 $0x880;
	[smem:$0x7FF] =	sst s4;
	s7 =	smul.u32 $0x4F000, s11  }
0x7: {  	s6 =	sand.u32 $0x1, s5;
	s5 =	sadd.s32 $0x4A600, s0;
	s8 =	smul.u32 $0x2780, s11  }
0x8: {  	s28 =	sadd.s32 $0x128400, s3;
	s29 =	sadd.s32 $0x96880, s0;
	p1 =	seq.s32 s11, $0xF  }
0x9: {  	_ =	strace $0x8000004D;
	s9 =	ssub.s32 $0x2, s6;
	[dreg:$0xa] =	wrdreg s28  }
0xa: {  	p0 =	seq.s32 s6, $0x1;
	[dreg:$0xb] =	wrdreg s29;
	s2 =	sadd.s32 s2, s0  }
0xb: {  	s7 =	sshrl.u32 s7, $0x2;
	s8 =	sadd.s32 s8, s0;
	s0 =	sadd.s32 $0xBDA80, s0  }
0xc: {  	s10 =	sshrl.u32 s9, $0x1;
	s7 =	sadd.s32 s7, s3;
	[dreg:$0xd] =	wrdreg s0  }
0xd: {  	s9 =	ssub.s32 s9, s10;
	s26 =	sadd.s32 $0x71800, s8;
	[dreg:$0x4] =	wrdreg s7  }
0xe: {  	s30 =	sadd.s32 $0x98A00, s8;
	s17 =	sadd.s32 $0xF400, s2;
	[dreg:$0x9] =	wrdreg s26  }
0xf: {  	s18 =	sadd.s32 $0x19400, s2;
	s23 =	sadd.s32 $0x4000, s7;
	[dreg:$0xc] =	wrdreg s30  }
.Ltmp0:
0x10: {  	s24 =	sadd.s32 $0x8000, s7;
	[dreg:$0x5] =	wrdreg s23;
	(pc) =	sbr.rel .LBB2_1-.Ltmp0, $4  }
0x11: {  	s10 =	simm.s32 $0x100;
	s25 =	sadd.s32 $0xC000, s7;
	[dreg:$0x6] =	wrdreg s24  }
0x12: {  	s0 =	simm.s32 $0x0;
	s7 =	sadd.s32 $0x10000, s7;
	[dreg:$0x7] =	wrdreg s25  }
0x13: {  	s31 =	smax.u32 s9, $0x1;
	s26 =	simm.s32 $0x2;
	[dreg:$0x8] =	wrdreg s7  }
0x14: {  	v0 =	vimm.f32 $0.0e+00;
	[dreg:$0xe] =	wrdreg s31;
	s23 =	simm.s32 $0x5000;
	s24 =	simm.s32 $0x1  }
.LBB2_6:
0x15: {  	s8 =	sadd.s32 s7, s18;
	[sflag:s20] =	ssyncadd.s32 $0xFFFFC000  }
0x16: {  	[tilespmem:s4], [sflag:$0x3] =	stream.linear.gather [hbm4b:s8+s4], $0x800, $0x38;
	[tilespmem:$0x1CC00] =	vst v63  }
0x17: {  	_ =	swait.ge [sflag:s20], $0x800  }
0x18: {  	[sflag:s20] =	ssyncset.done $0x0  }
0x19: {  	s9 =	sadd.s32 s7, s17;
	[sflag:s20] =	ssyncadd.s32 $0xFFFFF800  }
0x1a: {  	[tilespmem:s21], [sflag:$0x3] =	stream.linear.gather [hbm4b:s9+s4], $0x800, $0x38;
	[tilespmem:$0x1CC00] =	vst v63  }
0x1b: {  	_ =	swait.ge [sflag:s20], $0x800  }
0x1c: {  	[sflag:s20] =	ssyncset.done $0x0  }
0x1d: {  	[sflag:s20] =	ssyncadd.s32 $0xFFFFF800  }
0x1e: {  	[tilespmem:s19], [sflag:$0x1] =	stream.indirect.gather [hbm4b:s1+s22], $0x80, s4, s22, $0xb8;
	[tilespmem:$0x1CC00] =	vst v63  }
0x1f: {  	_ = 	snop  }
0x20: {  	[tilespmem:s23], [sflag:$0x2] =	stream.indirect.gather [hbm4b:s1+s22], $0x80, s22, s22, $0xb8;
	[tilespmem:$0x1CC00] =	vst v63  }
0x21: {  	_ =	swait.ge [sflag:s24], $0x4000  }
0x22: {  	[sflag:s24] =	ssyncset.done $0x0  }
0x23: {  	[sflag:s24] =	ssyncadd.s32 $0xFFFFC000  }
0x24: {  	[spmem:s3] =	stream.indirect.scatter.add.f32 [tilespmem:s19], [sflag:$0x3], $0x80, s21, s22, $0xb8;
	[tilespmem:$0x1CC00] =	vst v63  }
0x25: {  	_ =	swait.ge [sflag:s20], $0x4000  }
0x26: {  	[sflag:s20] =	ssyncset.done $0x0  }
0x27: {  	[sflag:s20] =	ssyncadd.s32 $0xFFFFC000  }
0x28: {  	[tilespmem:s19], [sflag:$0x1] =	stream.indirect.gather [hbm4b:s1+s22], $0x80, s10, s22, $0xb8;
	[tilespmem:$0x1CC00] =	vst v63  }
0x29: {  	_ =	swait.ge [sflag:s26], $0x4000  }
0x2a: {  	[sflag:s26] =	ssyncset.done $0x0  }
0x2b: {  	[sflag:s26] =	ssyncadd.s32 $0xFFFFC000  }
0x2c: {  	[spmem:s3] =	stream.indirect.scatter.add.f32 [tilespmem:s23], [sflag:$0x3], $0x80, s12, s22, $0xb8;
	[tilespmem:$0x1CC00] =	vst v63  }
0x2d: {  	_ =	swait.ge [sflag:s20], $0x4000  }
0x2e: {  	[sflag:s20] =	ssyncset.done $0x0  }
0x2f: {  	[sflag:s20] =	ssyncadd.s32 $0xFFFFC000  }
0x30: {  	[tilespmem:s23], [sflag:$0x2] =	stream.indirect.gather [hbm4b:s1+s22], $0x80, s16, s22, $0xb8;
	[tilespmem:$0x1CC00] =	vst v63  }
0x31: {  	_ =	swait.ge [sflag:s24], $0x4000  }
0x32: {  	[sflag:s24] =	ssyncset.done $0x0  }
0x33: {  	[sflag:s24] =	ssyncadd.s32 $0xFFFFC000  }
0x34: {  	[spmem:s3] =	stream.indirect.scatter.add.f32 [tilespmem:s19], [sflag:$0x3], $0x80, s6, s22, $0xb8;
	[tilespmem:$0x1CC00] =	vst v63  }
0x35: {  	_ =	swait.ge [sflag:s20], $0x4000  }
0x36: {  	[sflag:s20] =	ssyncset.done $0x0  }
0x37: {  	[sflag:s20] =	ssyncadd.s32 $0xFFFFC000  }
0x38: {  	[tilespmem:s19], [sflag:$0x1] =	stream.indirect.gather [hbm4b:s1+s22], $0x80, s25, s22, $0xb8;
	[tilespmem:$0x1CC00] =	vst v63  }
0x39: {  	_ =	swait.ge [sflag:s26], $0x4000  }
0x3a: {  	[sflag:s26] =	ssyncset.done $0x0  }
0x3b: {  	[sflag:s26] =	ssyncadd.s32 $0xFFFFC000  }
0x3c: {  	[spmem:s3] =	stream.indirect.scatter.add.f32 [tilespmem:s23], [sflag:$0x3], $0x80, s28, s22, $0xb8;
	[tilespmem:$0x1CC00] =	vst v63  }
0x3d: {  	_ =	swait.ge [sflag:s20], $0x4000  }
0x3e: {  	[sflag:s20] =	ssyncset.done $0x0  }
0x3f: {  	[sflag:s20] =	ssyncadd.s32 $0xFFFFC000  }
0x40: {  	[tilespmem:s23], [sflag:$0x2] =	stream.indirect.gather [hbm4b:s1+s22], $0x80, s29, s22, $0xb8;
	[tilespmem:$0x1CC00] =	vst v63  }
0x41: {  	_ =	swait.ge [sflag:s24], $0x4000  }
0x42: {  	[sflag:s24] =	ssyncset.done $0x0  }
0x43: {  	[sflag:s24] =	ssyncadd.s32 $0xFFFFC000  }
0x44: {  	[spmem:s3] =	stream.indirect.scatter.add.f32 [tilespmem:s19], [sflag:$0x3], $0x80, s30, s22, $0xb8;
	[tilespmem:$0x1CC00] =	vst v63  }
0x45: {  	_ =	swait.ge [sflag:s20], $0x4000  }
0x46: {  	[sflag:s20] =	ssyncset.done $0x0  }
0x47: {  	[sflag:s20] =	ssyncadd.s32 $0xFFFFC000  }
0x48: {  	[tilespmem:s19], [sflag:$0x1] =	stream.indirect.gather [hbm4b:s1+s22], $0x80, s31, s22, $0xb8;
	[tilespmem:$0x1CC00] =	vst v63  }
0x49: {  	_ =	swait.ge [sflag:s26], $0x4000  }
0x4a: {  	[sflag:s26] =	ssyncset.done $0x0  }
0x4b: {  	[sflag:s26] =	ssyncadd.s32 $0xFFFFC000  }
0x4c: {  	[spmem:s3] =	stream.indirect.scatter.add.f32 [tilespmem:s23], [sflag:$0x3], $0x80, s0, s22, $0xb8;
	[tilespmem:$0x1CC00] =	vst v63  }
0x4d: {  	_ =	swait.ge [sflag:s20], $0x4000  }
0x4e: {  	[sflag:s20] =	ssyncset.done $0x0  }
0x4f: {  	[sflag:s20] =	ssyncadd.s32 $0xFFFFC000  }
0x50: {  	[tilespmem:s23], [sflag:$0x2] =	stream.indirect.gather [hbm4b:s1+s22], $0x80, s11, s22, $0xb8;
	[tilespmem:$0x1CC00] =	vst v63  }
0x51: {  	_ =	swait.ge [sflag:s24], $0x4000  }
0x52: {  	[sflag:s24] =	ssyncset.done $0x0  }
0x53: {  	[sflag:s24] =	ssyncadd.s32 $0xFFFFC000  }
0x54: {  	[spmem:s3] =	stream.indirect.scatter.add.f32 [tilespmem:s19], [sflag:$0x3], $0x80, s13, s22, $0xb8;
	[tilespmem:$0x1CC00] =	vst v63  }
0x55: {  	_ =	swait.ge [sflag:s20], $0x4000  }
0x56: {  	[sflag:s20] =	ssyncset.done $0x0  }
0x57: {  	[sflag:s20] =	ssyncadd.s32 $0xFFFFC000  }
0x58: {  	[tilespmem:s19], [sflag:$0x1] =	stream.indirect.gather [hbm4b:s1+s22], $0x80, s14, s22, $0xb8;
	[tilespmem:$0x1CC00] =	vst v63  }
0x59: {  	_ =	swait.ge [sflag:s26], $0x4000  }
0x5a: {  	[sflag:s26] =	ssyncset.done $0x0  }
0x5b: {  	[sflag:s26] =	ssyncadd.s32 $0xFFFFC000  }
0x5c: {  	[spmem:s3] =	stream.indirect.scatter.add.f32 [tilespmem:s23], [sflag:$0x3], $0x80, s15, s22, $0xb8;
	[tilespmem:$0x1CC00] =	vst v63  }
0x5d: {  	_ =	swait.ge [sflag:s20], $0x4000  }
0x5e: {  	[sflag:s20] =	ssyncset.done $0x0  }
0x5f: {  	[sflag:s20] =	ssyncadd.s32 $0xFFFFC000  }
0x60: {  	[tilespmem:s23], [sflag:$0x2] =	stream.indirect.gather [hbm4b:s1+s22], $0x80, s2, s22, $0xb8;
	[tilespmem:$0x1CC00] =	vst v63  }
0x61: {  	_ =	swait.ge [sflag:s24], $0x4000  }
0x62: {  	[sflag:s24] =	ssyncset.done $0x0  }
0x63: {  	s6 =	simm.s32 $0xC00;
	[sflag:s24] =	ssyncadd.s32 $0xFFFFC000  }
0x64: {  	[spmem:s3] =	stream.indirect.scatter.add.f32 [tilespmem:s19], [sflag:$0x3], $0x80, s6, s22, $0xb8;
	[tilespmem:$0x1CC00] =	vst v63  }
0x65: {  	_ =	swait.ge [sflag:s20], $0x4000  }
0x66: {  	[sflag:s20] =	ssyncset.done $0x0  }
0x67: {  	s7 =	simm.s32 $0x500;
	[sflag:s20] =	ssyncadd.s32 $0xFFFFC000  }
0x68: {  	[tilespmem:s19], [sflag:$0x1] =	stream.indirect.gather [hbm4b:s1+s22], $0x80, s7, s22, $0xb8;
	[tilespmem:$0x1CC00] =	vst v63  }
0x69: {  	_ =	swait.ge [sflag:s26], $0x4000  }
0x6a: {  	[sflag:s26] =	ssyncset.done $0x0  }
0x6b: {  	s8 =	simm.s32 $0xC80;
	[sflag:s26] =	ssyncadd.s32 $0xFFFFC000  }
0x6c: {  	[spmem:s3] =	stream.indirect.scatter.add.f32 [tilespmem:s23], [sflag:$0x3], $0x80, s8, s22, $0xb8;
	[tilespmem:$0x1CC00] =	vst v63  }
0x6d: {  	_ =	swait.ge [sflag:s20], $0x4000  }
0x6e: {  	[sflag:s20] =	ssyncset.done $0x0  }
0x6f: {  	s9 =	simm.s32 $0x580;
	[sflag:s20] =	ssyncadd.s32 $0xFFFFC000  }
0x70: {  	[tilespmem:s23], [sflag:$0x2] =	stream.indirect.gather [hbm4b:s1+s22], $0x80, s9, s22, $0xb8;
	[tilespmem:$0x1CC00] =	vst v63  }
0x71: {  	_ =	swait.ge [sflag:s24], $0x4000  }
0x72: {  	[sflag:s24] =	ssyncset.done $0x0  }
0x73: {  	s11 =	simm.s32 $0xD00;
	[sflag:s24] =	ssyncadd.s32 $0xFFFFC000  }
0x74: {  	[spmem:s3] =	stream.indirect.scatter.add.f32 [tilespmem:s19], [sflag:$0x3], $0x80, s11, s22, $0xb8;
	[tilespmem:$0x1CC00] =	vst v63  }
0x75: {  	_ =	swait.ge [sflag:s20], $0x4000  }
0x76: {  	[sflag:s20] =	ssyncset.done $0x0  }
0x77: {  	s13 =	simm.s32 $0x600;
	[sflag:s20] =	ssyncadd.s32 $0xFFFFC000  }
0x78: {  	[tilespmem:s19], [sflag:$0x1] =	stream.indirect.gather [hbm4b:s1+s22], $0x80, s13, s22, $0xb8;
	[tilespmem:$0x1CC00] =	vst v63  }
0x79: {  	_ =	swait.ge [sflag:s26], $0x4000  }
0x7a: {  	[sflag:s26] =	ssyncset.done $0x0  }
0x7b: {  	s14 =	simm.s32 $0xD80;
	[sflag:s26] =	ssyncadd.s32 $0xFFFFC000  }
0x7c: {  	[spmem:s3] =	stream.indirect.scatter.add.f32 [tilespmem:s23], [sflag:$0x3], $0x80, s14, s22, $0xb8;
	[tilespmem:$0x1CC00] =	vst v63  }
0x7d: {  	_ =	swait.ge [sflag:s20], $0x4000  }
0x7e: {  	[sflag:s20] =	ssyncset.done $0x0  }
0x7f: {  	s15 =	simm.s32 $0x680;
	[sflag:s20] =	ssyncadd.s32 $0xFFFFC000  }
0x80: {  	[tilespmem:s23], [sflag:$0x2] =	stream.indirect.gather [hbm4b:s1+s22], $0x80, s15, s22, $0xb8;
	[tilespmem:$0x1CC00] =	vst v63  }
0x81: {  	_ =	swait.ge [sflag:s24], $0x4000  }
0x82: {  	[sflag:s24] =	ssyncset.done $0x0  }
0x83: {  	s16 =	simm.s32 $0xE00;
	[sflag:s24] =	ssyncadd.s32 $0xFFFFC000  }
0x84: {  	[spmem:s3] =	stream.indirect.scatter.add.f32 [tilespmem:s19], [sflag:$0x3], $0x80, s16, s22, $0xb8;
	[tilespmem:$0x1CC00] =	vst v63  }
0x85: {  	_ =	swait.ge [sflag:s20], $0x4000  }
0x86: {  	[sflag:s20] =	ssyncset.done $0x0  }
0x87: {  	s25 =	simm.s32 $0x700;
	[sflag:s20] =	ssyncadd.s32 $0xFFFFC000  }
0x88: {  	[tilespmem:s19], [sflag:$0x1] =	stream.indirect.gather [hbm4b:s1+s22], $0x80, s25, s22, $0xb8;
	[tilespmem:$0x1CC00] =	vst v63  }
0x89: {  	_ =	swait.ge [sflag:s26], $0x4000  }
0x8a: {  	[sflag:s26] =	ssyncset.done $0x0  }
0x8b: {  	s28 =	simm.s32 $0xE80;
	[sflag:s26] =	ssyncadd.s32 $0xFFFFC000  }
0x8c: {  	[spmem:s3] =	stream.indirect.scatter.add.f32 [tilespmem:s23], [sflag:$0x3], $0x80, s28, s22, $0xb8;
	[tilespmem:$0x1CC00] =	vst v63  }
0x8d: {  	_ =	swait.ge [sflag:s20], $0x4000  }
0x8e: {  	[sflag:s20] =	ssyncset.done $0x0  }
0x8f: {  	s29 =	simm.s32 $0x780;
	[sflag:s20] =	ssyncadd.s32 $0xFFFFC000  }
0x90: {  	[tilespmem:s23], [sflag:$0x2] =	stream.indirect.gather [hbm4b:s1+s22], $0x80, s29, s22, $0xb8;
	[tilespmem:$0x1CC00] =	vst v63  }
0x91: {  	_ =	swait.ge [sflag:s24], $0x4000  }
0x92: {  	[sflag:s24] =	ssyncset.done $0x0  }
0x93: {  	s30 =	simm.s32 $0xF00;
	[sflag:s24] =	ssyncadd.s32 $0xFFFFC000  }
0x94: {  	[spmem:s3] =	stream.indirect.scatter.add.f32 [tilespmem:s19], [sflag:$0x3], $0x80, s30, s22, $0xb8;
	[tilespmem:$0x1CC00] =	vst v63  }
0x95: {  	_ =	swait.ge [sflag:s20], $0x4000  }
0x96: {  	[sflag:s20] =	ssyncset.done $0x0  }
0x97: {  	[sflag:s20] =	ssyncadd.s32 $0xFFFFC000  }
0x98: {  	_ =	swait.ge [sflag:s26], $0x4000  }
0x99: {  	[sflag:s26] =	ssyncset.done $0x0  }
0x9a: {  	s31 =	simm.s32 $0xF80;
	[sflag:s26] =	ssyncadd.s32 $0xFFFFC000  }
0x9b: {  	[spmem:s3] =	stream.indirect.scatter.add.f32 [tilespmem:s23], [sflag:$0x3], $0x80, s31, s22, $0xb8;
	[tilespmem:$0x1CC00] =	vst v63  }
0x9c: {  	_ =	swait.ge [sflag:s20], $0x4000  }
0x9d: {  	[sflag:s20] =	ssyncset.done $0x0  }
0x9e: {  	[sflag:s20] =	ssyncadd.s32 $0xFFFFC000  }
0x9f: {  	[bflag:$0x0] =	sbarrier.arrive $0xFFFF  }
0xa0: {  	s8 =	rddreg [dreg:$0xb]  }
0xa1: {  	s7 =	simm.s32 @p1 $0x1FC3;
	s0 =	rddreg [dreg:$0x12]  }
0xa2: {  	[hbm:s8], [sflag:s7] =	dma.local @p1 [spmem:s0], $0x2080  }
0xa3: {  	s7 =	simm.s32 @p1 $0x3  }
0xa4: {  	_ =	swait.ge @p1 [sflag:s7], $0x2080  }
0xa5: {  	s0 =	rddreg [dreg:$0x10]  }
0xa6: {  	[sflag:s7] =	ssyncset.done @p1 $0x0;
	s2 =	rddreg [dreg:$0x11]  }
0xa7: {  	[sflag:s7] =	ssyncadd.s32 @p1 $0xFFFFDF80;
	s7 =	rddreg [dreg:$0x9]  }
0xa8: {  	[hbm:s7], [sflag:s2] =	dma.local @!p1 [spmem:s0], $0x2780  }
0xa9: {  	s7 =	simm.s32 @!p1 $0x3  }
0xaa: {  	_ =	swait.ge @!p1 [sflag:s7], $0x2780  }
0xab: {  	[sflag:s7] =	ssyncset.done @!p1 $0x0  }
0xac: {  	s0 =	rddreg [dreg:$0xf];
	[sflag:s7] =	ssyncadd.s32 @!p1 $0xFFFFD880  }
.LBB2_10:
0xad: {  	s0 =	sadd.s32 $0x1, s0;
	s7 =	rddreg [dreg:$0xe]  }
0xae: {  	p2 =	sne.s32 s0, s7  }
.Ltmp1:
0xaf: {  	_ = 	snop;
	(pc) =	sbr.rel @!p2 .LBB2_11-.Ltmp1, $1  }
0xb0: {  	_ =	sdelay $0x3  }
.LBB2_1:
0xb1: {  	s7 =	simm.s32 $0x0;
	s8 =	simm.s32 $0x200  }
.LBB2_2:
0xb2: {  	p2 =	sne.s32 s8, $0xFE00;
	[tilespmem:s7+$0x1070] =	vst v0  }
0xb3: {  	[tilespmem:s7+$0x1000] =	vst v0  }
0xb4: {  	[tilespmem:s7+$0x1010] =	vst v0  }
.Ltmp2:
0xb5: {  	[tilespmem:s7+$0x1020] =	vst v0;
	(pc) =	sbr.rel @p2 .LBB2_2-.Ltmp2, $4  }
0xb6: {  	[tilespmem:s7+$0x1030] =	vst v0  }
0xb7: {  	[tilespmem:s7+$0x1040] =	vst v0  }
0xb8: {  	[tilespmem:s7+$0x1050] =	vst v0  }
0xb9: {  	[tilespmem:s7+$0x1060] =	vst v0;
	s7 =	sshra.s32 s8, $0x2;
	s8 =	sadd.s32 $0x200, s8  }
0xba: {  	[tilespmem:s7+$0x1070] =	vst v0  }
0xbb: {  	[tilespmem:s7+$0x1000] =	vst v0  }
0xbc: {  	[tilespmem:s7+$0x1010] =	vst v0  }
0xbd: {  	[tilespmem:s7+$0x1020] =	vst v0  }
0xbe: {  	[tilespmem:s7+$0x1030] =	vst v0  }
0xbf: {  	[tilespmem:s7+$0x1040] =	vst v0  }
0xc0: {  	[dreg:$0xf] =	wrdreg s0;
	[tilespmem:s7+$0x1050] =	vst v0  }
0xc1: {  	[tilespmem:s7+$0x1060] =	vst v0;
	s8 =	rddreg [dreg:$0x4]  }
0xc2: {  	[spmem:s8] =	stream.linear.scatter [tilespmem:s19], [sflag:$0x3], $0x4000, $0x38;
	[tilespmem:$0x1CC00] =	vst v63  }
0xc3: {  	_ =	swait.ge [sflag:s20], $0x4000  }
0xc4: {  	[sflag:s20] =	ssyncset.done $0x0  }
0xc5: {  	s28 =	rddreg [dreg:$0x5];
	[sflag:s20] =	ssyncadd.s32 $0xFFFFC000  }
0xc6: {  	[spmem:s28] =	stream.linear.scatter [tilespmem:s19], [sflag:$0x3], $0x4000, $0x38;
	[tilespmem:$0x1CC00] =	vst v63  }
0xc7: {  	_ =	swait.ge [sflag:s20], $0x4000  }
0xc8: {  	[sflag:s20] =	ssyncset.done $0x0  }
0xc9: {  	s29 =	rddreg [dreg:$0x6];
	[sflag:s20] =	ssyncadd.s32 $0xFFFFC000  }
0xca: {  	[spmem:s29] =	stream.linear.scatter [tilespmem:s19], [sflag:$0x3], $0x4000, $0x38;
	[tilespmem:$0x1CC00] =	vst v63  }
0xcb: {  	_ =	swait.ge [sflag:s20], $0x4000  }
0xcc: {  	[sflag:s20] =	ssyncset.done $0x0  }
0xcd: {  	s30 =	rddreg [dreg:$0x7];
	[sflag:s20] =	ssyncadd.s32 $0xFFFFC000  }
0xce: {  	[spmem:s30] =	stream.linear.scatter [tilespmem:s19], [sflag:$0x3], $0x4000, $0x38;
	[tilespmem:$0x1CC00] =	vst v63  }
0xcf: {  	_ =	swait.ge [sflag:s20], $0x4000  }
0xd0: {  	[sflag:s20] =	ssyncset.done $0x0  }
0xd1: {  	s31 =	rddreg [dreg:$0x8];
	[sflag:s20] =	ssyncadd.s32 $0xFFFFC000  }
0xd2: {  	[spmem:s31] =	stream.linear.scatter [tilespmem:s19], [sflag:$0x3], $0x3C00, $0x38;
	[tilespmem:$0x1CC00] =	vst v63  }
0xd3: {  	_ =	swait.ge [sflag:s20], $0x3C00  }
0xd4: {  	[sflag:s20] =	ssyncset.done $0x0  }
0xd5: {  	[sflag:s20] =	ssyncadd.s32 $0xFFFFC400  }
0xd6: {  	[bflag:$0x0] =	sbarrier.arrive $0xFFFF  }
.Ltmp3:
0xd7: {  	s9 =	rddreg [dreg:$0xa];
	(pc) =	sbr.rel @!p0 .LBB2_4-.Ltmp3, $4  }
0xd8: {  	s7 =	stileid.u32;
	s0 =	sshrl.u32 @p1 s9, $0x3  }
0xd9: {  	s7 =	sshll.u32 @!p1 s7, $0x6;
	[dreg:$0x12] =	wrdreg s0;
	s0 =	sshrl.u32 @!p1 s8, $0x3  }
0xda: {  	[dreg:$0x10] =	wrdreg s0;
	s0 =	sor.u32 @!p1 $0x1C03, s7  }
0xdb: {  	s7 =	sadd.s32 $0x0, s18;
	[dreg:$0x11] =	wrdreg s0  }
0xdc: {  	[tilespmem:s4], [sflag:$0x3] =	stream.linear.gather [hbm4b:s7+s4], $0x800, $0x38;
	[tilespmem:$0x1CC00] =	vst v63  }
0xdd: {  	_ =	swait.ge [sflag:s20], $0x800  }
0xde: {  	[sflag:s20] =	ssyncset.done $0x0  }
0xdf: {  	s9 =	sadd.s32 $0x0, s17;
	[sflag:s20] =	ssyncadd.s32 $0xFFFFF800  }
0xe0: {  	[tilespmem:s21], [sflag:$0x3] =	stream.linear.gather [hbm4b:s9+s4], $0x800, $0x38;
	[tilespmem:$0x1CC00] =	vst v63  }
0xe1: {  	_ =	swait.ge [sflag:s20], $0x800  }
0xe2: {  	[sflag:s20] =	ssyncset.done $0x0  }
0xe3: {  	[sflag:s20] =	ssyncadd.s32 $0xFFFFF800  }
0xe4: {  	[tilespmem:s19], [sflag:$0x1] =	stream.indirect.gather [hbm4b:s5+s22], $0x80, s4, s22, $0xb8;
	[tilespmem:$0x1CC00] =	vst v63  }
0xe5: {  	_ = 	snop  }
0xe6: {  	[tilespmem:s23], [sflag:$0x2] =	stream.indirect.gather [hbm4b:s5+s22], $0x80, s22, s22, $0xb8;
	[tilespmem:$0x1CC00] =	vst v63  }
0xe7: {  	_ =	swait.ge [sflag:s24], $0x4000  }
0xe8: {  	[sflag:s24] =	ssyncset.done $0x0  }
0xe9: {  	[sflag:s24] =	ssyncadd.s32 $0xFFFFC000  }
0xea: {  	[spmem:s3] =	stream.indirect.scatter.add.f32 [tilespmem:s19], [sflag:$0x3], $0x80, s21, s22, $0xb8;
	[tilespmem:$0x1CC00] =	vst v63  }
0xeb: {  	_ =	swait.ge [sflag:s20], $0x4000  }
0xec: {  	[sflag:s20] =	ssyncset.done $0x0  }
0xed: {  	[sflag:s20] =	ssyncadd.s32 $0xFFFFC000  }
0xee: {  	[tilespmem:s19], [sflag:$0x1] =	stream.indirect.gather [hbm4b:s5+s22], $0x80, s10, s22, $0xb8;
	[tilespmem:$0x1CC00] =	vst v63  }
0xef: {  	_ =	swait.ge [sflag:s26], $0x4000  }
0xf0: {  	[sflag:s26] =	ssyncset.done $0x0  }
0xf1: {  	[sflag:s26] =	ssyncadd.s32 $0xFFFFC000  }
0xf2: {  	[spmem:s3] =	stream.indirect.scatter.add.f32 [tilespmem:s23], [sflag:$0x3], $0x80, s12, s22, $0xb8;
	[tilespmem:$0x1CC00] =	vst v63  }
0xf3: {  	_ =	swait.ge [sflag:s20], $0x4000  }
0xf4: {  	[sflag:s20] =	ssyncset.done $0x0  }
0xf5: {  	s16 =	simm.s32 $0x180;
	[sflag:s20] =	ssyncadd.s32 $0xFFFFC000  }
0xf6: {  	[tilespmem:s23], [sflag:$0x2] =	stream.indirect.gather [hbm4b:s5+s22], $0x80, s16, s22, $0xb8;
	[tilespmem:$0x1CC00] =	vst v63  }
0xf7: {  	_ =	swait.ge [sflag:s24], $0x4000  }
0xf8: {  	[sflag:s24] =	ssyncset.done $0x0  }
0xf9: {  	s6 =	simm.s32 $0x900;
	[sflag:s24] =	ssyncadd.s32 $0xFFFFC000  }
0xfa: {  	[spmem:s3] =	stream.indirect.scatter.add.f32 [tilespmem:s19], [sflag:$0x3], $0x80, s6, s22, $0xb8;
	[tilespmem:$0x1CC00] =	vst v63  }
0xfb: {  	_ =	swait.ge [sflag:s20], $0x4000  }
0xfc: {  	[sflag:s20] =	ssyncset.done $0x0  }
0xfd: {  	s25 =	simm.s32 $0x200;
	[sflag:s20] =	ssyncadd.s32 $0xFFFFC000  }
0xfe: {  	[tilespmem:s19], [sflag:$0x1] =	stream.indirect.gather [hbm4b:s5+s22], $0x80, s25, s22, $0xb8;
	[tilespmem:$0x1CC00] =	vst v63  }
0xff: {  	_ =	swait.ge [sflag:s26], $0x4000  }
0x100: {  	[sflag:s26] =	ssyncset.done $0x0  }
0x101: {  	s28 =	simm.s32 $0x980;
	[sflag:s26] =	ssyncadd.s32 $0xFFFFC000  }
0x102: {  	[spmem:s3] =	stream.indirect.scatter.add.f32 [tilespmem:s23], [sflag:$0x3], $0x80, s28, s22, $0xb8;
	[tilespmem:$0x1CC00] =	vst v63  }
0x103: {  	_ =	swait.ge [sflag:s20], $0x4000  }
0x104: {  	[sflag:s20] =	ssyncset.done $0x0  }
0x105: {  	s29 =	simm.s32 $0x280;
	[sflag:s20] =	ssyncadd.s32 $0xFFFFC000  }
0x106: {  	[tilespmem:s23], [sflag:$0x2] =	stream.indirect.gather [hbm4b:s5+s22], $0x80, s29, s22, $0xb8;
	[tilespmem:$0x1CC00] =	vst v63  }
0x107: {  	_ =	swait.ge [sflag:s24], $0x4000  }
0x108: {  	[sflag:s24] =	ssyncset.done $0x0  }
0x109: {  	s30 =	simm.s32 $0xA00;
	[sflag:s24] =	ssyncadd.s32 $0xFFFFC000  }
0x10a: {  	[spmem:s3] =	stream.indirect.scatter.add.f32 [tilespmem:s19], [sflag:$0x3], $0x80, s30, s22, $0xb8;
	[tilespmem:$0x1CC00] =	vst v63  }
0x10b: {  	_ =	swait.ge [sflag:s20], $0x4000  }
0x10c: {  	[sflag:s20] =	ssyncset.done $0x0  }
0x10d: {  	s31 =	simm.s32 $0x300;
	[sflag:s20] =	ssyncadd.s32 $0xFFFFC000  }
0x10e: {  	[tilespmem:s19], [sflag:$0x1] =	stream.indirect.gather [hbm4b:s5+s22], $0x80, s31, s22, $0xb8;
	[tilespmem:$0x1CC00] =	vst v63  }
0x10f: {  	_ =	swait.ge [sflag:s26], $0x4000  }
0x110: {  	[sflag:s26] =	ssyncset.done $0x0  }
0x111: {  	s0 =	simm.s32 $0xA80;
	[sflag:s26] =	ssyncadd.s32 $0xFFFFC000  }
0x112: {  	[spmem:s3] =	stream.indirect.scatter.add.f32 [tilespmem:s23], [sflag:$0x3], $0x80, s0, s22, $0xb8;
	[tilespmem:$0x1CC00] =	vst v63  }
0x113: {  	_ =	swait.ge [sflag:s20], $0x4000  }
0x114: {  	[sflag:s20] =	ssyncset.done $0x0  }
0x115: {  	s11 =	simm.s32 $0x380;
	[sflag:s20] =	ssyncadd.s32 $0xFFFFC000  }
0x116: {  	[tilespmem:s23], [sflag:$0x2] =	stream.indirect.gather [hbm4b:s5+s22], $0x80, s11, s22, $0xb8;
	[tilespmem:$0x1CC00] =	vst v63  }
0x117: {  	_ =	swait.ge [sflag:s24], $0x4000  }
0x118: {  	[sflag:s24] =	ssyncset.done $0x0  }
0x119: {  	s13 =	simm.s32 $0xB00;
	[sflag:s24] =	ssyncadd.s32 $0xFFFFC000  }
0x11a: {  	[spmem:s3] =	stream.indirect.scatter.add.f32 [tilespmem:s19], [sflag:$0x3], $0x80, s13, s22, $0xb8;
	[tilespmem:$0x1CC00] =	vst v63  }
0x11b: {  	_ =	swait.ge [sflag:s20], $0x4000  }
0x11c: {  	[sflag:s20] =	ssyncset.done $0x0  }
0x11d: {  	s14 =	simm.s32 $0x400;
	[sflag:s20] =	ssyncadd.s32 $0xFFFFC000  }
0x11e: {  	[tilespmem:s19], [sflag:$0x1] =	stream.indirect.gather [hbm4b:s5+s22], $0x80, s14, s22, $0xb8;
	[tilespmem:$0x1CC00] =	vst v63  }
0x11f: {  	_ =	swait.ge [sflag:s26], $0x4000  }
0x120: {  	[sflag:s26] =	ssyncset.done $0x0  }
0x121: {  	s15 =	simm.s32 $0xB80;
	[sflag:s26] =	ssyncadd.s32 $0xFFFFC000  }
0x122: {  	[spmem:s3] =	stream.indirect.scatter.add.f32 [tilespmem:s23], [sflag:$0x3], $0x80, s15, s22, $0xb8;
	[tilespmem:$0x1CC00] =	vst v63  }
0x123: {  	_ =	swait.ge [sflag:s20], $0x4000  }
0x124: {  	[sflag:s20] =	ssyncset.done $0x0  }
0x125: {  	s2 =	simm.s32 $0x480;
	[sflag:s20] =	ssyncadd.s32 $0xFFFFC000  }
0x126: {  	[tilespmem:s23], [sflag:$0x2] =	stream.indirect.gather [hbm4b:s5+s22], $0x80, s2, s22, $0xb8;
	[tilespmem:$0x1CC00] =	vst v63  }
0x127: {  	_ =	swait.ge [sflag:s24], $0x4000  }
0x128: {  	[sflag:s24] =	ssyncset.done $0x0  }
0x129: {  	s10 =	simm.s32 $0xC00;
	[sflag:s24] =	ssyncadd.s32 $0xFFFFC000  }
0x12a: {  	[spmem:s3] =	stream.indirect.scatter.add.f32 [tilespmem:s19], [sflag:$0x3], $0x80, s10, s22, $0xb8;
	[tilespmem:$0x1CC00] =	vst v63  }
0x12b: {  	_ =	swait.ge [sflag:s20], $0x4000  }
0x12c: {  	[sflag:s20] =	ssyncset.done $0x0  }
0x12d: {  	s12 =	simm.s32 $0x500;
	[sflag:s20] =	ssyncadd.s32 $0xFFFFC000  }
0x12e: {  	[tilespmem:s19], [sflag:$0x1] =	stream.indirect.gather [hbm4b:s5+s22], $0x80, s12, s22, $0xb8;
	[tilespmem:$0x1CC00] =	vst v63  }
0x12f: {  	_ =	swait.ge [sflag:s26], $0x4000  }
0x130: {  	[sflag:s26] =	ssyncset.done $0x0  }
0x131: {  	s8 =	simm.s32 $0xC80;
	[sflag:s26] =	ssyncadd.s32 $0xFFFFC000  }
0x132: {  	[spmem:s3] =	stream.indirect.scatter.add.f32 [tilespmem:s23], [sflag:$0x3], $0x80, s8, s22, $0xb8;
	[tilespmem:$0x1CC00] =	vst v63  }
0x133: {  	_ =	swait.ge [sflag:s20], $0x4000  }
0x134: {  	[sflag:s20] =	ssyncset.done $0x0  }
0x135: {  	s9 =	simm.s32 $0x580;
	[sflag:s20] =	ssyncadd.s32 $0xFFFFC000  }
0x136: {  	[tilespmem:s23], [sflag:$0x2] =	stream.indirect.gather [hbm4b:s5+s22], $0x80, s9, s22, $0xb8;
	[tilespmem:$0x1CC00] =	vst v63  }
0x137: {  	_ =	swait.ge [sflag:s24], $0x4000  }
0x138: {  	[sflag:s24] =	ssyncset.done $0x0  }
0x139: {  	s10 =	simm.s32 $0xD00;
	[sflag:s24] =	ssyncadd.s32 $0xFFFFC000  }
0x13a: {  	[spmem:s3] =	stream.indirect.scatter.add.f32 [tilespmem:s19], [sflag:$0x3], $0x80, s10, s22, $0xb8;
	[tilespmem:$0x1CC00] =	vst v63  }
0x13b: {  	_ =	swait.ge [sflag:s20], $0x4000  }
0x13c: {  	[sflag:s20] =	ssyncset.done $0x0  }
0x13d: {  	s12 =	simm.s32 $0x600;
	[sflag:s20] =	ssyncadd.s32 $0xFFFFC000  }
0x13e: {  	[tilespmem:s19], [sflag:$0x1] =	stream.indirect.gather [hbm4b:s5+s22], $0x80, s12, s22, $0xb8;
	[tilespmem:$0x1CC00] =	vst v63  }
0x13f: {  	_ =	swait.ge [sflag:s26], $0x4000  }
0x140: {  	[sflag:s26] =	ssyncset.done $0x0  }
0x141: {  	s8 =	simm.s32 $0xD80;
	[sflag:s26] =	ssyncadd.s32 $0xFFFFC000  }
0x142: {  	[spmem:s3] =	stream.indirect.scatter.add.f32 [tilespmem:s23], [sflag:$0x3], $0x80, s8, s22, $0xb8;
	[tilespmem:$0x1CC00] =	vst v63  }
0x143: {  	_ =	swait.ge [sflag:s20], $0x4000  }
0x144: {  	[sflag:s20] =	ssyncset.done $0x0  }
0x145: {  	s9 =	simm.s32 $0x680;
	[sflag:s20] =	ssyncadd.s32 $0xFFFFC000  }
0x146: {  	[tilespmem:s23], [sflag:$0x2] =	stream.indirect.gather [hbm4b:s5+s22], $0x80, s9, s22, $0xb8;
	[tilespmem:$0x1CC00] =	vst v63  }
0x147: {  	_ =	swait.ge [sflag:s24], $0x4000  }
0x148: {  	[sflag:s24] =	ssyncset.done $0x0  }
0x149: {  	s10 =	simm.s32 $0xE00;
	[sflag:s24] =	ssyncadd.s32 $0xFFFFC000  }
0x14a: {  	[spmem:s3] =	stream.indirect.scatter.add.f32 [tilespmem:s19], [sflag:$0x3], $0x80, s10, s22, $0xb8;
	[tilespmem:$0x1CC00] =	vst v63  }
0x14b: {  	_ =	swait.ge [sflag:s20], $0x4000  }
0x14c: {  	[sflag:s20] =	ssyncset.done $0x0  }
0x14d: {  	s12 =	simm.s32 $0x700;
	[sflag:s20] =	ssyncadd.s32 $0xFFFFC000  }
0x14e: {  	[tilespmem:s19], [sflag:$0x1] =	stream.indirect.gather [hbm4b:s5+s22], $0x80, s12, s22, $0xb8;
	[tilespmem:$0x1CC00] =	vst v63  }
0x14f: {  	_ =	swait.ge [sflag:s26], $0x4000  }
0x150: {  	[sflag:s26] =	ssyncset.done $0x0  }
0x151: {  	s8 =	simm.s32 $0xE80;
	[sflag:s26] =	ssyncadd.s32 $0xFFFFC000  }
0x152: {  	[spmem:s3] =	stream.indirect.scatter.add.f32 [tilespmem:s23], [sflag:$0x3], $0x80, s8, s22, $0xb8;
	[tilespmem:$0x1CC00] =	vst v63  }
0x153: {  	_ =	swait.ge [sflag:s20], $0x4000  }
0x154: {  	[sflag:s20] =	ssyncset.done $0x0  }
0x155: {  	s9 =	simm.s32 $0x780;
	[sflag:s20] =	ssyncadd.s32 $0xFFFFC000  }
0x156: {  	[tilespmem:s23], [sflag:$0x2] =	stream.indirect.gather [hbm4b:s5+s22], $0x80, s9, s22, $0xb8;
	[tilespmem:$0x1CC00] =	vst v63  }
0x157: {  	_ =	swait.ge [sflag:s24], $0x4000  }
0x158: {  	[sflag:s24] =	ssyncset.done $0x0  }
0x159: {  	s10 =	simm.s32 $0xF00;
	[sflag:s24] =	ssyncadd.s32 $0xFFFFC000  }
0x15a: {  	[spmem:s3] =	stream.indirect.scatter.add.f32 [tilespmem:s19], [sflag:$0x3], $0x80, s10, s22, $0xb8;
	[tilespmem:$0x1CC00] =	vst v63  }
0x15b: {  	_ =	swait.ge [sflag:s20], $0x4000  }
0x15c: {  	[sflag:s20] =	ssyncset.done $0x0  }
0x15d: {  	[sflag:s20] =	ssyncadd.s32 $0xFFFFC000  }
0x15e: {  	_ =	swait.ge [sflag:s26], $0x4000  }
0x15f: {  	[sflag:s26] =	ssyncset.done $0x0  }
0x160: {  	s12 =	simm.s32 $0xF80;
	[sflag:s26] =	ssyncadd.s32 $0xFFFFC000  }
0x161: {  	[spmem:s3] =	stream.indirect.scatter.add.f32 [tilespmem:s23], [sflag:$0x3], $0x80, s12, s22, $0xb8;
	[tilespmem:$0x1CC00] =	vst v63  }
0x162: {  	_ =	swait.ge [sflag:s20], $0x4000  }
0x163: {  	s7 =	simm.s32 $0x100;
	s9 =	simm.s32 $0x200;
	[sflag:s20] =	ssyncset.done $0x0  }
.LBB2_8:
0x164: {  	s10 =	sadd.s32 s7, s18  }
0x165: {  	[sflag:s20] =	ssyncadd.s32 $0xFFFFC000;
	s12 =	smov.u32 s9;
	s8 =	sadd.s32 $0x100, s9  }
0x166: {  	[tilespmem:s4], [sflag:$0x3] =	stream.linear.gather [hbm4b:s10+s4], $0x800, $0x38;
	[tilespmem:$0x1CC00] =	vst v63  }
0x167: {  	s10 =	simm.s32 $0x100  }
0x168: {  	p2 =	sne.s32 s9, $0x900;
	_ =	swait.ge [sflag:s20], $0x800  }
0x169: {  	s9 =	sadd.s32 s7, s17;
	[sflag:s20] =	ssyncset.done $0x0  }
0x16a: {  	s7 =	smov.u32 s12;
	s12 =	simm.s32 $0x880;
	[sflag:s20] =	ssyncadd.s32 $0xFFFFF800  }
0x16b: {  	[tilespmem:s21], [sflag:$0x3] =	stream.linear.gather [hbm4b:s9+s4], $0x800, $0x38;
	[tilespmem:$0x1CC00] =	vst v63  }
0x16c: {  	_ =	swait.ge [sflag:s20], $0x800  }
0x16d: {  	[sflag:s20] =	ssyncset.done $0x0  }
0x16e: {  	[sflag:s20] =	ssyncadd.s32 $0xFFFFF800  }
0x16f: {  	[tilespmem:s19], [sflag:$0x1] =	stream.indirect.gather [hbm4b:s5+s22], $0x80, s4, s22, $0xb8;
	[tilespmem:$0x1CC00] =	vst v63  }
0x170: {  	_ = 	snop  }
0x171: {  	[tilespmem:s23], [sflag:$0x2] =	stream.indirect.gather [hbm4b:s5+s22], $0x80, s22, s22, $0xb8;
	[tilespmem:$0x1CC00] =	vst v63  }
0x172: {  	_ =	swait.ge [sflag:s24], $0x4000  }
0x173: {  	[sflag:s24] =	ssyncset.done $0x0  }
0x174: {  	[sflag:s24] =	ssyncadd.s32 $0xFFFFC000  }
0x175: {  	[spmem:s3] =	stream.indirect.scatter.add.f32 [tilespmem:s19], [sflag:$0x3], $0x80, s21, s22, $0xb8;
	[tilespmem:$0x1CC00] =	vst v63  }
0x176: {  	_ =	swait.ge [sflag:s20], $0x4000  }
0x177: {  	[sflag:s20] =	ssyncset.done $0x0  }
0x178: {  	[sflag:s20] =	ssyncadd.s32 $0xFFFFC000  }
0x179: {  	[tilespmem:s19], [sflag:$0x1] =	stream.indirect.gather [hbm4b:s5+s22], $0x80, s10, s22, $0xb8;
	[tilespmem:$0x1CC00] =	vst v63  }
0x17a: {  	_ =	swait.ge [sflag:s26], $0x4000  }
0x17b: {  	[sflag:s26] =	ssyncset.done $0x0  }
0x17c: {  	[sflag:s26] =	ssyncadd.s32 $0xFFFFC000  }
0x17d: {  	[spmem:s3] =	stream.indirect.scatter.add.f32 [tilespmem:s23], [sflag:$0x3], $0x80, s12, s22, $0xb8;
	[tilespmem:$0x1CC00] =	vst v63  }
0x17e: {  	_ =	swait.ge [sflag:s20], $0x4000  }
0x17f: {  	[sflag:s20] =	ssyncset.done $0x0  }
0x180: {  	[sflag:s20] =	ssyncadd.s32 $0xFFFFC000  }
0x181: {  	[tilespmem:s23], [sflag:$0x2] =	stream.indirect.gather [hbm4b:s5+s22], $0x80, s16, s22, $0xb8;
	[tilespmem:$0x1CC00] =	vst v63  }
0x182: {  	_ =	swait.ge [sflag:s24], $0x4000  }
0x183: {  	[sflag:s24] =	ssyncset.done $0x0  }
0x184: {  	[sflag:s24] =	ssyncadd.s32 $0xFFFFC000  }
0x185: {  	[spmem:s3] =	stream.indirect.scatter.add.f32 [tilespmem:s19], [sflag:$0x3], $0x80, s6, s22, $0xb8;
	[tilespmem:$0x1CC00] =	vst v63  }
0x186: {  	_ =	swait.ge [sflag:s20], $0x4000  }
0x187: {  	[sflag:s20] =	ssyncset.done $0x0  }
0x188: {  	[sflag:s20] =	ssyncadd.s32 $0xFFFFC000  }
0x189: {  	[tilespmem:s19], [sflag:$0x1] =	stream.indirect.gather [hbm4b:s5+s22], $0x80, s25, s22, $0xb8;
	[tilespmem:$0x1CC00] =	vst v63  }
0x18a: {  	_ =	swait.ge [sflag:s26], $0x4000  }
0x18b: {  	[sflag:s26] =	ssyncset.done $0x0  }
0x18c: {  	[sflag:s26] =	ssyncadd.s32 $0xFFFFC000  }
0x18d: {  	[spmem:s3] =	stream.indirect.scatter.add.f32 [tilespmem:s23], [sflag:$0x3], $0x80, s28, s22, $0xb8;
	[tilespmem:$0x1CC00] =	vst v63  }
0x18e: {  	_ =	swait.ge [sflag:s20], $0x4000  }
0x18f: {  	[sflag:s20] =	ssyncset.done $0x0  }
0x190: {  	[sflag:s20] =	ssyncadd.s32 $0xFFFFC000  }
0x191: {  	[tilespmem:s23], [sflag:$0x2] =	stream.indirect.gather [hbm4b:s5+s22], $0x80, s29, s22, $0xb8;
	[tilespmem:$0x1CC00] =	vst v63  }
0x192: {  	_ =	swait.ge [sflag:s24], $0x4000  }
0x193: {  	[sflag:s24] =	ssyncset.done $0x0  }
0x194: {  	[sflag:s24] =	ssyncadd.s32 $0xFFFFC000  }
0x195: {  	[spmem:s3] =	stream.indirect.scatter.add.f32 [tilespmem:s19], [sflag:$0x3], $0x80, s30, s22, $0xb8;
	[tilespmem:$0x1CC00] =	vst v63  }
0x196: {  	_ =	swait.ge [sflag:s20], $0x4000  }
0x197: {  	[sflag:s20] =	ssyncset.done $0x0  }
0x198: {  	[sflag:s20] =	ssyncadd.s32 $0xFFFFC000  }
0x199: {  	[tilespmem:s19], [sflag:$0x1] =	stream.indirect.gather [hbm4b:s5+s22], $0x80, s31, s22, $0xb8;
	[tilespmem:$0x1CC00] =	vst v63  }
0x19a: {  	_ =	swait.ge [sflag:s26], $0x4000  }
0x19b: {  	[sflag:s26] =	ssyncset.done $0x0  }
0x19c: {  	[sflag:s26] =	ssyncadd.s32 $0xFFFFC000  }
0x19d: {  	[spmem:s3] =	stream.indirect.scatter.add.f32 [tilespmem:s23], [sflag:$0x3], $0x80, s0, s22, $0xb8;
	[tilespmem:$0x1CC00] =	vst v63  }
0x19e: {  	_ =	swait.ge [sflag:s20], $0x4000  }
0x19f: {  	[sflag:s20] =	ssyncset.done $0x0  }
0x1a0: {  	[sflag:s20] =	ssyncadd.s32 $0xFFFFC000  }
0x1a1: {  	[tilespmem:s23], [sflag:$0x2] =	stream.indirect.gather [hbm4b:s5+s22], $0x80, s11, s22, $0xb8;
	[tilespmem:$0x1CC00] =	vst v63  }
0x1a2: {  	_ =	swait.ge [sflag:s24], $0x4000  }
0x1a3: {  	[sflag:s24] =	ssyncset.done $0x0  }
0x1a4: {  	[sflag:s24] =	ssyncadd.s32 $0xFFFFC000  }
0x1a5: {  	[spmem:s3] =	stream.indirect.scatter.add.f32 [tilespmem:s19], [sflag:$0x3], $0x80, s13, s22, $0xb8;
	[tilespmem:$0x1CC00] =	vst v63  }
0x1a6: {  	_ =	swait.ge [sflag:s20], $0x4000  }
0x1a7: {  	[sflag:s20] =	ssyncset.done $0x0  }
0x1a8: {  	[sflag:s20] =	ssyncadd.s32 $0xFFFFC000  }
0x1a9: {  	[tilespmem:s19], [sflag:$0x1] =	stream.indirect.gather [hbm4b:s5+s22], $0x80, s14, s22, $0xb8;
	[tilespmem:$0x1CC00] =	vst v63  }
0x1aa: {  	_ =	swait.ge [sflag:s26], $0x4000  }
0x1ab: {  	[sflag:s26] =	ssyncset.done $0x0  }
0x1ac: {  	[sflag:s26] =	ssyncadd.s32 $0xFFFFC000  }
0x1ad: {  	[spmem:s3] =	stream.indirect.scatter.add.f32 [tilespmem:s23], [sflag:$0x3], $0x80, s15, s22, $0xb8;
	[tilespmem:$0x1CC00] =	vst v63  }
0x1ae: {  	_ =	swait.ge [sflag:s20], $0x4000  }
0x1af: {  	[sflag:s20] =	ssyncset.done $0x0  }
0x1b0: {  	[sflag:s20] =	ssyncadd.s32 $0xFFFFC000  }
0x1b1: {  	[tilespmem:s23], [sflag:$0x2] =	stream.indirect.gather [hbm4b:s5+s22], $0x80, s2, s22, $0xb8;
	[tilespmem:$0x1CC00] =	vst v63  }
0x1b2: {  	_ =	swait.ge [sflag:s24], $0x4000  }
0x1b3: {  	[sflag:s24] =	ssyncset.done $0x0  }
0x1b4: {  	s9 =	simm.s32 $0xC00;
	[sflag:s24] =	ssyncadd.s32 $0xFFFFC000  }
0x1b5: {  	[spmem:s3] =	stream.indirect.scatter.add.f32 [tilespmem:s19], [sflag:$0x3], $0x80, s9, s22, $0xb8;
	[tilespmem:$0x1CC00] =	vst v63  }
0x1b6: {  	_ =	swait.ge [sflag:s20], $0x4000  }
0x1b7: {  	[sflag:s20] =	ssyncset.done $0x0  }
0x1b8: {  	s9 =	simm.s32 $0x500;
	[sflag:s20] =	ssyncadd.s32 $0xFFFFC000  }
0x1b9: {  	[tilespmem:s19], [sflag:$0x1] =	stream.indirect.gather [hbm4b:s5+s22], $0x80, s9, s22, $0xb8;
	[tilespmem:$0x1CC00] =	vst v63  }
0x1ba: {  	_ =	swait.ge [sflag:s26], $0x4000  }
0x1bb: {  	[sflag:s26] =	ssyncset.done $0x0  }
0x1bc: {  	s9 =	simm.s32 $0xC80;
	[sflag:s26] =	ssyncadd.s32 $0xFFFFC000  }
0x1bd: {  	[spmem:s3] =	stream.indirect.scatter.add.f32 [tilespmem:s23], [sflag:$0x3], $0x80, s9, s22, $0xb8;
	[tilespmem:$0x1CC00] =	vst v63  }
0x1be: {  	_ =	swait.ge [sflag:s20], $0x4000  }
0x1bf: {  	[sflag:s20] =	ssyncset.done $0x0  }
0x1c0: {  	s9 =	simm.s32 $0x580;
	[sflag:s20] =	ssyncadd.s32 $0xFFFFC000  }
0x1c1: {  	[tilespmem:s23], [sflag:$0x2] =	stream.indirect.gather [hbm4b:s5+s22], $0x80, s9, s22, $0xb8;
	[tilespmem:$0x1CC00] =	vst v63  }
0x1c2: {  	_ =	swait.ge [sflag:s24], $0x4000  }
0x1c3: {  	[sflag:s24] =	ssyncset.done $0x0  }
0x1c4: {  	s9 =	simm.s32 $0xD00;
	[sflag:s24] =	ssyncadd.s32 $0xFFFFC000  }
0x1c5: {  	[spmem:s3] =	stream.indirect.scatter.add.f32 [tilespmem:s19], [sflag:$0x3], $0x80, s9, s22, $0xb8;
	[tilespmem:$0x1CC00] =	vst v63  }
0x1c6: {  	_ =	swait.ge [sflag:s20], $0x4000  }
0x1c7: {  	[sflag:s20] =	ssyncset.done $0x0  }
0x1c8: {  	s9 =	simm.s32 $0x600;
	[sflag:s20] =	ssyncadd.s32 $0xFFFFC000  }
0x1c9: {  	[tilespmem:s19], [sflag:$0x1] =	stream.indirect.gather [hbm4b:s5+s22], $0x80, s9, s22, $0xb8;
	[tilespmem:$0x1CC00] =	vst v63  }
0x1ca: {  	_ =	swait.ge [sflag:s26], $0x4000  }
0x1cb: {  	[sflag:s26] =	ssyncset.done $0x0  }
0x1cc: {  	s9 =	simm.s32 $0xD80;
	[sflag:s26] =	ssyncadd.s32 $0xFFFFC000  }
0x1cd: {  	[spmem:s3] =	stream.indirect.scatter.add.f32 [tilespmem:s23], [sflag:$0x3], $0x80, s9, s22, $0xb8;
	[tilespmem:$0x1CC00] =	vst v63  }
0x1ce: {  	_ =	swait.ge [sflag:s20], $0x4000  }
0x1cf: {  	[sflag:s20] =	ssyncset.done $0x0  }
0x1d0: {  	s9 =	simm.s32 $0x680;
	[sflag:s20] =	ssyncadd.s32 $0xFFFFC000  }
0x1d1: {  	[tilespmem:s23], [sflag:$0x2] =	stream.indirect.gather [hbm4b:s5+s22], $0x80, s9, s22, $0xb8;
	[tilespmem:$0x1CC00] =	vst v63  }
0x1d2: {  	_ =	swait.ge [sflag:s24], $0x4000  }
0x1d3: {  	[sflag:s24] =	ssyncset.done $0x0  }
0x1d4: {  	s9 =	simm.s32 $0xE00;
	[sflag:s24] =	ssyncadd.s32 $0xFFFFC000  }
0x1d5: {  	[spmem:s3] =	stream.indirect.scatter.add.f32 [tilespmem:s19], [sflag:$0x3], $0x80, s9, s22, $0xb8;
	[tilespmem:$0x1CC00] =	vst v63  }
0x1d6: {  	_ =	swait.ge [sflag:s20], $0x4000  }
0x1d7: {  	[sflag:s20] =	ssyncset.done $0x0  }
0x1d8: {  	s9 =	simm.s32 $0x700;
	[sflag:s20] =	ssyncadd.s32 $0xFFFFC000  }
0x1d9: {  	[tilespmem:s19], [sflag:$0x1] =	stream.indirect.gather [hbm4b:s5+s22], $0x80, s9, s22, $0xb8;
	[tilespmem:$0x1CC00] =	vst v63  }
0x1da: {  	_ =	swait.ge [sflag:s26], $0x4000  }
0x1db: {  	[sflag:s26] =	ssyncset.done $0x0  }
0x1dc: {  	s9 =	simm.s32 $0xE80;
	[sflag:s26] =	ssyncadd.s32 $0xFFFFC000  }
0x1dd: {  	[spmem:s3] =	stream.indirect.scatter.add.f32 [tilespmem:s23], [sflag:$0x3], $0x80, s9, s22, $0xb8;
	[tilespmem:$0x1CC00] =	vst v63  }
0x1de: {  	_ =	swait.ge [sflag:s20], $0x4000  }
0x1df: {  	[sflag:s20] =	ssyncset.done $0x0  }
0x1e0: {  	s9 =	simm.s32 $0x780;
	[sflag:s20] =	ssyncadd.s32 $0xFFFFC000  }
0x1e1: {  	[tilespmem:s23], [sflag:$0x2] =	stream.indirect.gather [hbm4b:s5+s22], $0x80, s9, s22, $0xb8;
	[tilespmem:$0x1CC00] =	vst v63  }
0x1e2: {  	_ =	swait.ge [sflag:s24], $0x4000  }
0x1e3: {  	[sflag:s24] =	ssyncset.done $0x0  }
0x1e4: {  	s9 =	simm.s32 $0xF00;
	[sflag:s24] =	ssyncadd.s32 $0xFFFFC000  }
0x1e5: {  	[spmem:s3] =	stream.indirect.scatter.add.f32 [tilespmem:s19], [sflag:$0x3], $0x80, s9, s22, $0xb8;
	[tilespmem:$0x1CC00] =	vst v63  }
0x1e6: {  	_ =	swait.ge [sflag:s20], $0x4000  }
0x1e7: {  	[sflag:s20] =	ssyncset.done $0x0  }
0x1e8: {  	[sflag:s20] =	ssyncadd.s32 $0xFFFFC000  }
0x1e9: {  	_ =	swait.ge [sflag:s26], $0x4000  }
.Ltmp4:
0x1ea: {  	[sflag:s26] =	ssyncset.done $0x0;
	(pc) =	sbr.rel @p2 .LBB2_8-.Ltmp4, $4  }
0x1eb: {  	s9 =	simm.s32 $0xF80;
	[sflag:s26] =	ssyncadd.s32 $0xFFFFC000  }
0x1ec: {  	[spmem:s3] =	stream.indirect.scatter.add.f32 [tilespmem:s23], [sflag:$0x3], $0x80, s9, s22, $0xb8;
	[tilespmem:$0x1CC00] =	vst v63  }
0x1ed: {  	_ =	swait.ge [sflag:s20], $0x4000  }
0x1ee: {  	s9 =	smov.u32 s8;
	[sflag:s20] =	ssyncset.done $0x0  }
0x1ef: {  	s8 =	sadd.s32 s7, s18;
	[sflag:s20] =	ssyncadd.s32 $0xFFFFC000  }
0x1f0: {  	[tilespmem:s4], [sflag:$0x3] =	stream.linear.gather [hbm4b:s8+s4], $0x800, $0x38;
	[tilespmem:$0x1CC00] =	vst v63  }
0x1f1: {  	_ =	swait.ge [sflag:s20], $0x800  }
0x1f2: {  	[sflag:s20] =	ssyncset.done $0x0  }
0x1f3: {  	s9 =	sadd.s32 s7, s17;
	[sflag:s20] =	ssyncadd.s32 $0xFFFFF800  }
0x1f4: {  	[tilespmem:s21], [sflag:$0x3] =	stream.linear.gather [hbm4b:s9+s4], $0x800, $0x38;
	[tilespmem:$0x1CC00] =	vst v63  }
0x1f5: {  	_ =	swait.ge [sflag:s20], $0x800  }
0x1f6: {  	[sflag:s20] =	ssyncset.done $0x0  }
0x1f7: {  	[sflag:s20] =	ssyncadd.s32 $0xFFFFF800  }
0x1f8: {  	[tilespmem:s19], [sflag:$0x1] =	stream.indirect.gather [hbm4b:s5+s22], $0x80, s4, s22, $0xb8;
	[tilespmem:$0x1CC00] =	vst v63  }
0x1f9: {  	_ = 	snop  }
0x1fa: {  	[tilespmem:s23], [sflag:$0x2] =	stream.indirect.gather [hbm4b:s5+s22], $0x80, s22, s22, $0xb8;
	[tilespmem:$0x1CC00] =	vst v63  }
0x1fb: {  	_ =	swait.ge [sflag:s24], $0x4000  }
0x1fc: {  	[sflag:s24] =	ssyncset.done $0x0  }
0x1fd: {  	[sflag:s24] =	ssyncadd.s32 $0xFFFFC000  }
0x1fe: {  	[spmem:s3] =	stream.indirect.scatter.add.f32 [tilespmem:s19], [sflag:$0x3], $0x80, s21, s22, $0xb8;
	[tilespmem:$0x1CC00] =	vst v63  }
0x1ff: {  	_ =	swait.ge [sflag:s20], $0x4000  }
0x200: {  	[sflag:s20] =	ssyncset.done $0x0  }
0x201: {  	[sflag:s20] =	ssyncadd.s32 $0xFFFFC000  }
0x202: {  	[tilespmem:s19], [sflag:$0x1] =	stream.indirect.gather [hbm4b:s5+s22], $0x80, s10, s22, $0xb8;
	[tilespmem:$0x1CC00] =	vst v63  }
0x203: {  	_ =	swait.ge [sflag:s26], $0x4000  }
0x204: {  	[sflag:s26] =	ssyncset.done $0x0  }
0x205: {  	[sflag:s26] =	ssyncadd.s32 $0xFFFFC000  }
0x206: {  	[spmem:s3] =	stream.indirect.scatter.add.f32 [tilespmem:s23], [sflag:$0x3], $0x80, s12, s22, $0xb8;
	[tilespmem:$0x1CC00] =	vst v63  }
0x207: {  	_ =	swait.ge [sflag:s20], $0x4000  }
0x208: {  	[sflag:s20] =	ssyncset.done $0x0  }
0x209: {  	[sflag:s20] =	ssyncadd.s32 $0xFFFFC000  }
0x20a: {  	[tilespmem:s23], [sflag:$0x2] =	stream.indirect.gather [hbm4b:s5+s22], $0x80, s16, s22, $0xb8;
	[tilespmem:$0x1CC00] =	vst v63  }
0x20b: {  	_ =	swait.ge [sflag:s24], $0x4000  }
0x20c: {  	[sflag:s24] =	ssyncset.done $0x0  }
0x20d: {  	[sflag:s24] =	ssyncadd.s32 $0xFFFFC000  }
0x20e: {  	[spmem:s3] =	stream.indirect.scatter.add.f32 [tilespmem:s19], [sflag:$0x3], $0x80, s6, s22, $0xb8;
	[tilespmem:$0x1CC00] =	vst v63  }
0x20f: {  	_ =	swait.ge [sflag:s20], $0x4000  }
0x210: {  	[sflag:s20] =	ssyncset.done $0x0  }
0x211: {  	[sflag:s20] =	ssyncadd.s32 $0xFFFFC000  }
0x212: {  	[tilespmem:s19], [sflag:$0x1] =	stream.indirect.gather [hbm4b:s5+s22], $0x80, s25, s22, $0xb8;
	[tilespmem:$0x1CC00] =	vst v63  }
0x213: {  	_ =	swait.ge [sflag:s26], $0x4000  }
0x214: {  	[sflag:s26] =	ssyncset.done $0x0  }
0x215: {  	[sflag:s26] =	ssyncadd.s32 $0xFFFFC000  }
0x216: {  	[spmem:s3] =	stream.indirect.scatter.add.f32 [tilespmem:s23], [sflag:$0x3], $0x80, s28, s22, $0xb8;
	[tilespmem:$0x1CC00] =	vst v63  }
0x217: {  	_ =	swait.ge [sflag:s20], $0x4000  }
0x218: {  	[sflag:s20] =	ssyncset.done $0x0  }
0x219: {  	[sflag:s20] =	ssyncadd.s32 $0xFFFFC000  }
0x21a: {  	[tilespmem:s23], [sflag:$0x2] =	stream.indirect.gather [hbm4b:s5+s22], $0x80, s29, s22, $0xb8;
	[tilespmem:$0x1CC00] =	vst v63  }
0x21b: {  	_ =	swait.ge [sflag:s24], $0x4000  }
0x21c: {  	[sflag:s24] =	ssyncset.done $0x0  }
0x21d: {  	[sflag:s24] =	ssyncadd.s32 $0xFFFFC000  }
0x21e: {  	[spmem:s3] =	stream.indirect.scatter.add.f32 [tilespmem:s19], [sflag:$0x3], $0x80, s30, s22, $0xb8;
	[tilespmem:$0x1CC00] =	vst v63  }
0x21f: {  	_ =	swait.ge [sflag:s20], $0x4000  }
0x220: {  	[sflag:s20] =	ssyncset.done $0x0  }
0x221: {  	[sflag:s20] =	ssyncadd.s32 $0xFFFFC000  }
0x222: {  	[tilespmem:s19], [sflag:$0x1] =	stream.indirect.gather [hbm4b:s5+s22], $0x80, s31, s22, $0xb8;
	[tilespmem:$0x1CC00] =	vst v63  }
0x223: {  	_ =	swait.ge [sflag:s26], $0x4000  }
0x224: {  	[sflag:s26] =	ssyncset.done $0x0  }
0x225: {  	[sflag:s26] =	ssyncadd.s32 $0xFFFFC000  }
0x226: {  	[spmem:s3] =	stream.indirect.scatter.add.f32 [tilespmem:s23], [sflag:$0x3], $0x80, s0, s22, $0xb8;
	[tilespmem:$0x1CC00] =	vst v63  }
0x227: {  	_ =	swait.ge [sflag:s20], $0x4000  }
0x228: {  	[sflag:s20] =	ssyncset.done $0x0  }
0x229: {  	[sflag:s20] =	ssyncadd.s32 $0xFFFFC000  }
0x22a: {  	[tilespmem:s23], [sflag:$0x2] =	stream.indirect.gather [hbm4b:s5+s22], $0x80, s11, s22, $0xb8;
	[tilespmem:$0x1CC00] =	vst v63  }
0x22b: {  	_ =	swait.ge [sflag:s24], $0x4000  }
0x22c: {  	[sflag:s24] =	ssyncset.done $0x0  }
0x22d: {  	[sflag:s24] =	ssyncadd.s32 $0xFFFFC000  }
0x22e: {  	[spmem:s3] =	stream.indirect.scatter.add.f32 [tilespmem:s19], [sflag:$0x3], $0x80, s13, s22, $0xb8;
	[tilespmem:$0x1CC00] =	vst v63  }
0x22f: {  	_ =	swait.ge [sflag:s20], $0x4000  }
0x230: {  	[sflag:s20] =	ssyncset.done $0x0  }
0x231: {  	[sflag:s20] =	ssyncadd.s32 $0xFFFFC000  }
0x232: {  	[tilespmem:s19], [sflag:$0x1] =	stream.indirect.gather [hbm4b:s5+s22], $0x80, s14, s22, $0xb8;
	[tilespmem:$0x1CC00] =	vst v63  }
0x233: {  	_ =	swait.ge [sflag:s26], $0x4000  }
0x234: {  	[sflag:s26] =	ssyncset.done $0x0  }
0x235: {  	[sflag:s26] =	ssyncadd.s32 $0xFFFFC000  }
0x236: {  	[spmem:s3] =	stream.indirect.scatter.add.f32 [tilespmem:s23], [sflag:$0x3], $0x80, s15, s22, $0xb8;
	[tilespmem:$0x1CC00] =	vst v63  }
0x237: {  	_ =	swait.ge [sflag:s20], $0x4000  }
0x238: {  	[sflag:s20] =	ssyncset.done $0x0  }
0x239: {  	[sflag:s20] =	ssyncadd.s32 $0xFFFFC000  }
0x23a: {  	[tilespmem:s23], [sflag:$0x2] =	stream.indirect.gather [hbm4b:s5+s22], $0x80, s2, s22, $0xb8;
	[tilespmem:$0x1CC00] =	vst v63  }
0x23b: {  	_ =	swait.ge [sflag:s24], $0x4000  }
0x23c: {  	[sflag:s24] =	ssyncset.done $0x0  }
0x23d: {  	s6 =	simm.s32 $0xC00;
	[sflag:s24] =	ssyncadd.s32 $0xFFFFC000  }
0x23e: {  	[spmem:s3] =	stream.indirect.scatter.add.f32 [tilespmem:s19], [sflag:$0x3], $0x80, s6, s22, $0xb8;
	[tilespmem:$0x1CC00] =	vst v63  }
0x23f: {  	_ =	swait.ge [sflag:s20], $0x4000  }
0x240: {  	[sflag:s20] =	ssyncset.done $0x0  }
0x241: {  	s7 =	simm.s32 $0x500;
	[sflag:s20] =	ssyncadd.s32 $0xFFFFC000  }
0x242: {  	[tilespmem:s19], [sflag:$0x1] =	stream.indirect.gather [hbm4b:s5+s22], $0x80, s7, s22, $0xb8;
	[tilespmem:$0x1CC00] =	vst v63  }
0x243: {  	_ =	swait.ge [sflag:s26], $0x4000  }
0x244: {  	[sflag:s26] =	ssyncset.done $0x0  }
0x245: {  	s8 =	simm.s32 $0xC80;
	[sflag:s26] =	ssyncadd.s32 $0xFFFFC000  }
0x246: {  	[spmem:s3] =	stream.indirect.scatter.add.f32 [tilespmem:s23], [sflag:$0x3], $0x80, s8, s22, $0xb8;
	[tilespmem:$0x1CC00] =	vst v63  }
0x247: {  	_ =	swait.ge [sflag:s20], $0x4000  }
0x248: {  	[sflag:s20] =	ssyncset.done $0x0  }
0x249: {  	s9 =	simm.s32 $0x580;
	[sflag:s20] =	ssyncadd.s32 $0xFFFFC000  }
0x24a: {  	[tilespmem:s23], [sflag:$0x2] =	stream.indirect.gather [hbm4b:s5+s22], $0x80, s9, s22, $0xb8;
	[tilespmem:$0x1CC00] =	vst v63  }
0x24b: {  	_ =	swait.ge [sflag:s24], $0x4000  }
0x24c: {  	[sflag:s24] =	ssyncset.done $0x0  }
0x24d: {  	s11 =	simm.s32 $0xD00;
	[sflag:s24] =	ssyncadd.s32 $0xFFFFC000  }
0x24e: {  	[spmem:s3] =	stream.indirect.scatter.add.f32 [tilespmem:s19], [sflag:$0x3], $0x80, s11, s22, $0xb8;
	[tilespmem:$0x1CC00] =	vst v63  }
0x24f: {  	_ =	swait.ge [sflag:s20], $0x4000  }
0x250: {  	[sflag:s20] =	ssyncset.done $0x0  }
0x251: {  	s13 =	simm.s32 $0x600;
	[sflag:s20] =	ssyncadd.s32 $0xFFFFC000  }
0x252: {  	[tilespmem:s19], [sflag:$0x1] =	stream.indirect.gather [hbm4b:s5+s22], $0x80, s13, s22, $0xb8;
	[tilespmem:$0x1CC00] =	vst v63  }
0x253: {  	_ =	swait.ge [sflag:s26], $0x4000  }
0x254: {  	[sflag:s26] =	ssyncset.done $0x0  }
0x255: {  	s14 =	simm.s32 $0xD80;
	[sflag:s26] =	ssyncadd.s32 $0xFFFFC000  }
0x256: {  	[spmem:s3] =	stream.indirect.scatter.add.f32 [tilespmem:s23], [sflag:$0x3], $0x80, s14, s22, $0xb8;
	[tilespmem:$0x1CC00] =	vst v63  }
0x257: {  	_ =	swait.ge [sflag:s20], $0x4000  }
0x258: {  	[sflag:s20] =	ssyncset.done $0x0  }
0x259: {  	s15 =	simm.s32 $0x680;
	[sflag:s20] =	ssyncadd.s32 $0xFFFFC000  }
0x25a: {  	[tilespmem:s23], [sflag:$0x2] =	stream.indirect.gather [hbm4b:s5+s22], $0x80, s15, s22, $0xb8;
	[tilespmem:$0x1CC00] =	vst v63  }
0x25b: {  	_ =	swait.ge [sflag:s24], $0x4000  }
0x25c: {  	[sflag:s24] =	ssyncset.done $0x0  }
0x25d: {  	s16 =	simm.s32 $0xE00;
	[sflag:s24] =	ssyncadd.s32 $0xFFFFC000  }
0x25e: {  	[spmem:s3] =	stream.indirect.scatter.add.f32 [tilespmem:s19], [sflag:$0x3], $0x80, s16, s22, $0xb8;
	[tilespmem:$0x1CC00] =	vst v63  }
0x25f: {  	_ =	swait.ge [sflag:s20], $0x4000  }
0x260: {  	[sflag:s20] =	ssyncset.done $0x0  }
0x261: {  	s25 =	simm.s32 $0x700;
	[sflag:s20] =	ssyncadd.s32 $0xFFFFC000  }
0x262: {  	[tilespmem:s19], [sflag:$0x1] =	stream.indirect.gather [hbm4b:s5+s22], $0x80, s25, s22, $0xb8;
	[tilespmem:$0x1CC00] =	vst v63  }
0x263: {  	_ =	swait.ge [sflag:s26], $0x4000  }
0x264: {  	[sflag:s26] =	ssyncset.done $0x0  }
0x265: {  	s28 =	simm.s32 $0xE80;
	[sflag:s26] =	ssyncadd.s32 $0xFFFFC000  }
0x266: {  	[spmem:s3] =	stream.indirect.scatter.add.f32 [tilespmem:s23], [sflag:$0x3], $0x80, s28, s22, $0xb8;
	[tilespmem:$0x1CC00] =	vst v63  }
0x267: {  	_ =	swait.ge [sflag:s20], $0x4000  }
0x268: {  	[sflag:s20] =	ssyncset.done $0x0  }
0x269: {  	s29 =	simm.s32 $0x780;
	[sflag:s20] =	ssyncadd.s32 $0xFFFFC000  }
0x26a: {  	[tilespmem:s23], [sflag:$0x2] =	stream.indirect.gather [hbm4b:s5+s22], $0x80, s29, s22, $0xb8;
	[tilespmem:$0x1CC00] =	vst v63  }
0x26b: {  	_ =	swait.ge [sflag:s24], $0x4000  }
0x26c: {  	[sflag:s24] =	ssyncset.done $0x0  }
0x26d: {  	s30 =	simm.s32 $0xF00;
	[sflag:s24] =	ssyncadd.s32 $0xFFFFC000  }
0x26e: {  	[spmem:s3] =	stream.indirect.scatter.add.f32 [tilespmem:s19], [sflag:$0x3], $0x80, s30, s22, $0xb8;
	[tilespmem:$0x1CC00] =	vst v63  }
0x26f: {  	_ =	swait.ge [sflag:s20], $0x4000  }
0x270: {  	[sflag:s20] =	ssyncset.done $0x0  }
0x271: {  	[sflag:s20] =	ssyncadd.s32 $0xFFFFC000  }
0x272: {  	_ =	swait.ge [sflag:s26], $0x4000  }
0x273: {  	[sflag:s26] =	ssyncset.done $0x0  }
0x274: {  	s31 =	simm.s32 $0xF80;
	[sflag:s26] =	ssyncadd.s32 $0xFFFFC000  }
0x275: {  	[spmem:s3] =	stream.indirect.scatter.add.f32 [tilespmem:s23], [sflag:$0x3], $0x80, s31, s22, $0xb8;
	[tilespmem:$0x1CC00] =	vst v63  }
0x276: {  	_ =	swait.ge [sflag:s20], $0x4000  }
0x277: {  	[sflag:s20] =	ssyncset.done $0x0  }
0x278: {  	[sflag:s20] =	ssyncadd.s32 $0xFFFFC000  }
0x279: {  	[bflag:$0x0] =	sbarrier.arrive $0xFFFF  }
0x27a: {  	s8 =	rddreg [dreg:$0xd]  }
0x27b: {  	s7 =	simm.s32 @p1 $0x1FC3;
	s0 =	rddreg [dreg:$0x12]  }
0x27c: {  	[hbm:s8], [sflag:s7] =	dma.local @p1 [spmem:s0], $0x2080  }
0x27d: {  	s7 =	simm.s32 @p1 $0x3  }
0x27e: {  	_ =	swait.ge @p1 [sflag:s7], $0x2080  }
0x27f: {  	s0 =	rddreg [dreg:$0x10]  }
0x280: {  	[sflag:s7] =	ssyncset.done @p1 $0x0;
	s2 =	rddreg [dreg:$0x11]  }
0x281: {  	[sflag:s7] =	ssyncadd.s32 @p1 $0xFFFFDF80;
	s7 =	rddreg [dreg:$0xc]  }
0x282: {  	[hbm:s7], [sflag:s2] =	dma.local @!p1 [spmem:s0], $0x2780  }
.Ltmp5:
0x283: {  	_ = 	snop;
	(pc) =	sbr.rel .LBB2_10-.Ltmp5, $4  }
0x284: {  	s7 =	simm.s32 @!p1 $0x3  }
0x285: {  	_ =	swait.ge @!p1 [sflag:s7], $0x2780  }
0x286: {  	[sflag:s7] =	ssyncset.done @!p1 $0x0  }
0x287: {  	s0 =	rddreg [dreg:$0xf];
	[sflag:s7] =	ssyncadd.s32 @!p1 $0xFFFFD880  }
.LBB2_4:
0x288: {  	[tilespmem:s4], [sflag:$0x3] =	stream.linear.gather [hbm4b:s7+s4], $0x800, $0x38;
	[tilespmem:$0x1CC00] =	vst v63  }
0x289: {  	_ =	swait.ge [sflag:s20], $0x800  }
0x28a: {  	[sflag:s20] =	ssyncset.done $0x0  }
0x28b: {  	s9 =	sadd.s32 $0x0, s17;
	[sflag:s20] =	ssyncadd.s32 $0xFFFFF800  }
0x28c: {  	[tilespmem:s21], [sflag:$0x3] =	stream.linear.gather [hbm4b:s9+s4], $0x800, $0x38;
	[tilespmem:$0x1CC00] =	vst v63  }
0x28d: {  	_ =	swait.ge [sflag:s20], $0x800  }
0x28e: {  	[sflag:s20] =	ssyncset.done $0x0  }
0x28f: {  	[sflag:s20] =	ssyncadd.s32 $0xFFFFF800  }
0x290: {  	[tilespmem:s19], [sflag:$0x1] =	stream.indirect.gather [hbm4b:s1+s22], $0x80, s4, s22, $0xb8;
	[tilespmem:$0x1CC00] =	vst v63  }
0x291: {  	_ = 	snop  }
0x292: {  	[tilespmem:s23], [sflag:$0x2] =	stream.indirect.gather [hbm4b:s1+s22], $0x80, s22, s22, $0xb8;
	[tilespmem:$0x1CC00] =	vst v63  }
0x293: {  	_ =	swait.ge [sflag:s24], $0x4000  }
0x294: {  	[sflag:s24] =	ssyncset.done $0x0  }
0x295: {  	[sflag:s24] =	ssyncadd.s32 $0xFFFFC000  }
0x296: {  	[spmem:s3] =	stream.indirect.scatter.add.f32 [tilespmem:s19], [sflag:$0x3], $0x80, s21, s22, $0xb8;
	[tilespmem:$0x1CC00] =	vst v63  }
0x297: {  	_ =	swait.ge [sflag:s20], $0x4000  }
0x298: {  	[sflag:s20] =	ssyncset.done $0x0  }
0x299: {  	[sflag:s20] =	ssyncadd.s32 $0xFFFFC000  }
0x29a: {  	[tilespmem:s19], [sflag:$0x1] =	stream.indirect.gather [hbm4b:s1+s22], $0x80, s10, s22, $0xb8;
	[tilespmem:$0x1CC00] =	vst v63  }
0x29b: {  	_ =	swait.ge [sflag:s26], $0x4000  }
0x29c: {  	[sflag:s26] =	ssyncset.done $0x0  }
0x29d: {  	[sflag:s26] =	ssyncadd.s32 $0xFFFFC000  }
0x29e: {  	[spmem:s3] =	stream.indirect.scatter.add.f32 [tilespmem:s23], [sflag:$0x3], $0x80, s12, s22, $0xb8;
	[tilespmem:$0x1CC00] =	vst v63  }
0x29f: {  	_ =	swait.ge [sflag:s20], $0x4000  }
0x2a0: {  	[sflag:s20] =	ssyncset.done $0x0  }
0x2a1: {  	s16 =	simm.s32 $0x180;
	[sflag:s20] =	ssyncadd.s32 $0xFFFFC000  }
0x2a2: {  	[tilespmem:s23], [sflag:$0x2] =	stream.indirect.gather [hbm4b:s1+s22], $0x80, s16, s22, $0xb8;
	[tilespmem:$0x1CC00] =	vst v63  }
0x2a3: {  	_ =	swait.ge [sflag:s24], $0x4000  }
0x2a4: {  	[sflag:s24] =	ssyncset.done $0x0  }
0x2a5: {  	s6 =	simm.s32 $0x900;
	[sflag:s24] =	ssyncadd.s32 $0xFFFFC000  }
0x2a6: {  	[spmem:s3] =	stream.indirect.scatter.add.f32 [tilespmem:s19], [sflag:$0x3], $0x80, s6, s22, $0xb8;
	[tilespmem:$0x1CC00] =	vst v63  }
0x2a7: {  	_ =	swait.ge [sflag:s20], $0x4000  }
0x2a8: {  	[sflag:s20] =	ssyncset.done $0x0  }
0x2a9: {  	s25 =	simm.s32 $0x200;
	[sflag:s20] =	ssyncadd.s32 $0xFFFFC000  }
0x2aa: {  	[tilespmem:s19], [sflag:$0x1] =	stream.indirect.gather [hbm4b:s1+s22], $0x80, s25, s22, $0xb8;
	[tilespmem:$0x1CC00] =	vst v63  }
0x2ab: {  	_ =	swait.ge [sflag:s26], $0x4000  }
0x2ac: {  	[sflag:s26] =	ssyncset.done $0x0  }
0x2ad: {  	s28 =	simm.s32 $0x980;
	[sflag:s26] =	ssyncadd.s32 $0xFFFFC000  }
0x2ae: {  	[spmem:s3] =	stream.indirect.scatter.add.f32 [tilespmem:s23], [sflag:$0x3], $0x80, s28, s22, $0xb8;
	[tilespmem:$0x1CC00] =	vst v63  }
0x2af: {  	_ =	swait.ge [sflag:s20], $0x4000  }
0x2b0: {  	[sflag:s20] =	ssyncset.done $0x0  }
0x2b1: {  	s29 =	simm.s32 $0x280;
	[sflag:s20] =	ssyncadd.s32 $0xFFFFC000  }
0x2b2: {  	[tilespmem:s23], [sflag:$0x2] =	stream.indirect.gather [hbm4b:s1+s22], $0x80, s29, s22, $0xb8;
	[tilespmem:$0x1CC00] =	vst v63  }
0x2b3: {  	_ =	swait.ge [sflag:s24], $0x4000  }
0x2b4: {  	[sflag:s24] =	ssyncset.done $0x0  }
0x2b5: {  	s30 =	simm.s32 $0xA00;
	[sflag:s24] =	ssyncadd.s32 $0xFFFFC000  }
0x2b6: {  	[spmem:s3] =	stream.indirect.scatter.add.f32 [tilespmem:s19], [sflag:$0x3], $0x80, s30, s22, $0xb8;
	[tilespmem:$0x1CC00] =	vst v63  }
0x2b7: {  	_ =	swait.ge [sflag:s20], $0x4000  }
0x2b8: {  	[sflag:s20] =	ssyncset.done $0x0  }
0x2b9: {  	s31 =	simm.s32 $0x300;
	[sflag:s20] =	ssyncadd.s32 $0xFFFFC000  }
0x2ba: {  	[tilespmem:s19], [sflag:$0x1] =	stream.indirect.gather [hbm4b:s1+s22], $0x80, s31, s22, $0xb8;
	[tilespmem:$0x1CC00] =	vst v63  }
0x2bb: {  	_ =	swait.ge [sflag:s26], $0x4000  }
0x2bc: {  	[sflag:s26] =	ssyncset.done $0x0  }
0x2bd: {  	s0 =	simm.s32 $0xA80;
	[sflag:s26] =	ssyncadd.s32 $0xFFFFC000  }
0x2be: {  	[spmem:s3] =	stream.indirect.scatter.add.f32 [tilespmem:s23], [sflag:$0x3], $0x80, s0, s22, $0xb8;
	[tilespmem:$0x1CC00] =	vst v63  }
0x2bf: {  	_ =	swait.ge [sflag:s20], $0x4000  }
0x2c0: {  	[sflag:s20] =	ssyncset.done $0x0  }
0x2c1: {  	s11 =	simm.s32 $0x380;
	[sflag:s20] =	ssyncadd.s32 $0xFFFFC000  }
0x2c2: {  	[tilespmem:s23], [sflag:$0x2] =	stream.indirect.gather [hbm4b:s1+s22], $0x80, s11, s22, $0xb8;
	[tilespmem:$0x1CC00] =	vst v63  }
0x2c3: {  	_ =	swait.ge [sflag:s24], $0x4000  }
0x2c4: {  	[sflag:s24] =	ssyncset.done $0x0  }
0x2c5: {  	s13 =	simm.s32 $0xB00;
	[sflag:s24] =	ssyncadd.s32 $0xFFFFC000  }
0x2c6: {  	[spmem:s3] =	stream.indirect.scatter.add.f32 [tilespmem:s19], [sflag:$0x3], $0x80, s13, s22, $0xb8;
	[tilespmem:$0x1CC00] =	vst v63  }
0x2c7: {  	_ =	swait.ge [sflag:s20], $0x4000  }
0x2c8: {  	[sflag:s20] =	ssyncset.done $0x0  }
0x2c9: {  	s14 =	simm.s32 $0x400;
	[sflag:s20] =	ssyncadd.s32 $0xFFFFC000  }
0x2ca: {  	[tilespmem:s19], [sflag:$0x1] =	stream.indirect.gather [hbm4b:s1+s22], $0x80, s14, s22, $0xb8;
	[tilespmem:$0x1CC00] =	vst v63  }
0x2cb: {  	_ =	swait.ge [sflag:s26], $0x4000  }
0x2cc: {  	[sflag:s26] =	ssyncset.done $0x0  }
0x2cd: {  	s15 =	simm.s32 $0xB80;
	[sflag:s26] =	ssyncadd.s32 $0xFFFFC000  }
0x2ce: {  	[spmem:s3] =	stream.indirect.scatter.add.f32 [tilespmem:s23], [sflag:$0x3], $0x80, s15, s22, $0xb8;
	[tilespmem:$0x1CC00] =	vst v63  }
0x2cf: {  	_ =	swait.ge [sflag:s20], $0x4000  }
0x2d0: {  	[sflag:s20] =	ssyncset.done $0x0  }
0x2d1: {  	s2 =	simm.s32 $0x480;
	[sflag:s20] =	ssyncadd.s32 $0xFFFFC000  }
0x2d2: {  	[tilespmem:s23], [sflag:$0x2] =	stream.indirect.gather [hbm4b:s1+s22], $0x80, s2, s22, $0xb8;
	[tilespmem:$0x1CC00] =	vst v63  }
0x2d3: {  	_ =	swait.ge [sflag:s24], $0x4000  }
0x2d4: {  	[sflag:s24] =	ssyncset.done $0x0  }
0x2d5: {  	s10 =	simm.s32 $0xC00;
	[sflag:s24] =	ssyncadd.s32 $0xFFFFC000  }
0x2d6: {  	[spmem:s3] =	stream.indirect.scatter.add.f32 [tilespmem:s19], [sflag:$0x3], $0x80, s10, s22, $0xb8;
	[tilespmem:$0x1CC00] =	vst v63  }
0x2d7: {  	_ =	swait.ge [sflag:s20], $0x4000  }
0x2d8: {  	[sflag:s20] =	ssyncset.done $0x0  }
0x2d9: {  	s12 =	simm.s32 $0x500;
	[sflag:s20] =	ssyncadd.s32 $0xFFFFC000  }
0x2da: {  	[tilespmem:s19], [sflag:$0x1] =	stream.indirect.gather [hbm4b:s1+s22], $0x80, s12, s22, $0xb8;
	[tilespmem:$0x1CC00] =	vst v63  }
0x2db: {  	_ =	swait.ge [sflag:s26], $0x4000  }
0x2dc: {  	[sflag:s26] =	ssyncset.done $0x0  }
0x2dd: {  	s8 =	simm.s32 $0xC80;
	[sflag:s26] =	ssyncadd.s32 $0xFFFFC000  }
0x2de: {  	[spmem:s3] =	stream.indirect.scatter.add.f32 [tilespmem:s23], [sflag:$0x3], $0x80, s8, s22, $0xb8;
	[tilespmem:$0x1CC00] =	vst v63  }
0x2df: {  	_ =	swait.ge [sflag:s20], $0x4000  }
0x2e0: {  	[sflag:s20] =	ssyncset.done $0x0  }
0x2e1: {  	s9 =	simm.s32 $0x580;
	[sflag:s20] =	ssyncadd.s32 $0xFFFFC000  }
0x2e2: {  	[tilespmem:s23], [sflag:$0x2] =	stream.indirect.gather [hbm4b:s1+s22], $0x80, s9, s22, $0xb8;
	[tilespmem:$0x1CC00] =	vst v63  }
0x2e3: {  	_ =	swait.ge [sflag:s24], $0x4000  }
0x2e4: {  	[sflag:s24] =	ssyncset.done $0x0  }
0x2e5: {  	s10 =	simm.s32 $0xD00;
	[sflag:s24] =	ssyncadd.s32 $0xFFFFC000  }
0x2e6: {  	[spmem:s3] =	stream.indirect.scatter.add.f32 [tilespmem:s19], [sflag:$0x3], $0x80, s10, s22, $0xb8;
	[tilespmem:$0x1CC00] =	vst v63  }
0x2e7: {  	_ =	swait.ge [sflag:s20], $0x4000  }
0x2e8: {  	[sflag:s20] =	ssyncset.done $0x0  }
0x2e9: {  	s12 =	simm.s32 $0x600;
	[sflag:s20] =	ssyncadd.s32 $0xFFFFC000  }
0x2ea: {  	[tilespmem:s19], [sflag:$0x1] =	stream.indirect.gather [hbm4b:s1+s22], $0x80, s12, s22, $0xb8;
	[tilespmem:$0x1CC00] =	vst v63  }
0x2eb: {  	_ =	swait.ge [sflag:s26], $0x4000  }
0x2ec: {  	[sflag:s26] =	ssyncset.done $0x0  }
0x2ed: {  	s8 =	simm.s32 $0xD80;
	[sflag:s26] =	ssyncadd.s32 $0xFFFFC000  }
0x2ee: {  	[spmem:s3] =	stream.indirect.scatter.add.f32 [tilespmem:s23], [sflag:$0x3], $0x80, s8, s22, $0xb8;
	[tilespmem:$0x1CC00] =	vst v63  }
0x2ef: {  	_ =	swait.ge [sflag:s20], $0x4000  }
0x2f0: {  	[sflag:s20] =	ssyncset.done $0x0  }
0x2f1: {  	s9 =	simm.s32 $0x680;
	[sflag:s20] =	ssyncadd.s32 $0xFFFFC000  }
0x2f2: {  	[tilespmem:s23], [sflag:$0x2] =	stream.indirect.gather [hbm4b:s1+s22], $0x80, s9, s22, $0xb8;
	[tilespmem:$0x1CC00] =	vst v63  }
0x2f3: {  	_ =	swait.ge [sflag:s24], $0x4000  }
0x2f4: {  	[sflag:s24] =	ssyncset.done $0x0  }
0x2f5: {  	s10 =	simm.s32 $0xE00;
	[sflag:s24] =	ssyncadd.s32 $0xFFFFC000  }
0x2f6: {  	[spmem:s3] =	stream.indirect.scatter.add.f32 [tilespmem:s19], [sflag:$0x3], $0x80, s10, s22, $0xb8;
	[tilespmem:$0x1CC00] =	vst v63  }
0x2f7: {  	_ =	swait.ge [sflag:s20], $0x4000  }
0x2f8: {  	[sflag:s20] =	ssyncset.done $0x0  }
0x2f9: {  	s12 =	simm.s32 $0x700;
	[sflag:s20] =	ssyncadd.s32 $0xFFFFC000  }
0x2fa: {  	[tilespmem:s19], [sflag:$0x1] =	stream.indirect.gather [hbm4b:s1+s22], $0x80, s12, s22, $0xb8;
	[tilespmem:$0x1CC00] =	vst v63  }
0x2fb: {  	_ =	swait.ge [sflag:s26], $0x4000  }
0x2fc: {  	[sflag:s26] =	ssyncset.done $0x0  }
0x2fd: {  	s8 =	simm.s32 $0xE80;
	[sflag:s26] =	ssyncadd.s32 $0xFFFFC000  }
0x2fe: {  	[spmem:s3] =	stream.indirect.scatter.add.f32 [tilespmem:s23], [sflag:$0x3], $0x80, s8, s22, $0xb8;
	[tilespmem:$0x1CC00] =	vst v63  }
0x2ff: {  	_ =	swait.ge [sflag:s20], $0x4000  }
0x300: {  	[sflag:s20] =	ssyncset.done $0x0  }
0x301: {  	s9 =	simm.s32 $0x780;
	[sflag:s20] =	ssyncadd.s32 $0xFFFFC000  }
0x302: {  	[tilespmem:s23], [sflag:$0x2] =	stream.indirect.gather [hbm4b:s1+s22], $0x80, s9, s22, $0xb8;
	[tilespmem:$0x1CC00] =	vst v63  }
0x303: {  	_ =	swait.ge [sflag:s24], $0x4000  }
0x304: {  	[sflag:s24] =	ssyncset.done $0x0  }
0x305: {  	s10 =	simm.s32 $0xF00;
	[sflag:s24] =	ssyncadd.s32 $0xFFFFC000  }
0x306: {  	[spmem:s3] =	stream.indirect.scatter.add.f32 [tilespmem:s19], [sflag:$0x3], $0x80, s10, s22, $0xb8;
	[tilespmem:$0x1CC00] =	vst v63  }
0x307: {  	_ =	swait.ge [sflag:s20], $0x4000  }
0x308: {  	[sflag:s20] =	ssyncset.done $0x0  }
0x309: {  	[sflag:s20] =	ssyncadd.s32 $0xFFFFC000  }
0x30a: {  	_ =	swait.ge [sflag:s26], $0x4000  }
0x30b: {  	[sflag:s26] =	ssyncset.done $0x0  }
0x30c: {  	s12 =	simm.s32 $0xF80;
	[sflag:s26] =	ssyncadd.s32 $0xFFFFC000  }
0x30d: {  	[spmem:s3] =	stream.indirect.scatter.add.f32 [tilespmem:s23], [sflag:$0x3], $0x80, s12, s22, $0xb8;
	[tilespmem:$0x1CC00] =	vst v63  }
0x30e: {  	_ =	swait.ge [sflag:s20], $0x4000  }
0x30f: {  	s7 =	simm.s32 $0x100;
	s8 =	simm.s32 $0x200;
	[sflag:s20] =	ssyncset.done $0x0  }
.LBB2_5:
0x310: {  	s10 =	sadd.s32 s7, s18  }
0x311: {  	[sflag:s20] =	ssyncadd.s32 $0xFFFFC000;
	s12 =	smov.u32 s8;
	s9 =	sadd.s32 $0x100, s8  }
0x312: {  	[tilespmem:s4], [sflag:$0x3] =	stream.linear.gather [hbm4b:s10+s4], $0x800, $0x38;
	[tilespmem:$0x1CC00] =	vst v63  }
0x313: {  	s10 =	simm.s32 $0x100  }
0x314: {  	p2 =	sne.s32 s8, $0x900;
	_ =	swait.ge [sflag:s20], $0x800  }
0x315: {  	s8 =	sadd.s32 s7, s17;
	[sflag:s20] =	ssyncset.done $0x0  }
0x316: {  	s7 =	smov.u32 s12;
	s12 =	simm.s32 $0x880;
	[sflag:s20] =	ssyncadd.s32 $0xFFFFF800  }
0x317: {  	[tilespmem:s21], [sflag:$0x3] =	stream.linear.gather [hbm4b:s8+s4], $0x800, $0x38;
	[tilespmem:$0x1CC00] =	vst v63  }
0x318: {  	_ =	swait.ge [sflag:s20], $0x800  }
0x319: {  	[sflag:s20] =	ssyncset.done $0x0  }
0x31a: {  	[sflag:s20] =	ssyncadd.s32 $0xFFFFF800  }
0x31b: {  	[tilespmem:s19], [sflag:$0x1] =	stream.indirect.gather [hbm4b:s1+s22], $0x80, s4, s22, $0xb8;
	[tilespmem:$0x1CC00] =	vst v63  }
0x31c: {  	_ = 	snop  }
0x31d: {  	[tilespmem:s23], [sflag:$0x2] =	stream.indirect.gather [hbm4b:s1+s22], $0x80, s22, s22, $0xb8;
	[tilespmem:$0x1CC00] =	vst v63  }
0x31e: {  	_ =	swait.ge [sflag:s24], $0x4000  }
0x31f: {  	[sflag:s24] =	ssyncset.done $0x0  }
0x320: {  	[sflag:s24] =	ssyncadd.s32 $0xFFFFC000  }
0x321: {  	[spmem:s3] =	stream.indirect.scatter.add.f32 [tilespmem:s19], [sflag:$0x3], $0x80, s21, s22, $0xb8;
	[tilespmem:$0x1CC00] =	vst v63  }
0x322: {  	_ =	swait.ge [sflag:s20], $0x4000  }
0x323: {  	[sflag:s20] =	ssyncset.done $0x0  }
0x324: {  	[sflag:s20] =	ssyncadd.s32 $0xFFFFC000  }
0x325: {  	[tilespmem:s19], [sflag:$0x1] =	stream.indirect.gather [hbm4b:s1+s22], $0x80, s10, s22, $0xb8;
	[tilespmem:$0x1CC00] =	vst v63  }
0x326: {  	_ =	swait.ge [sflag:s26], $0x4000  }
0x327: {  	[sflag:s26] =	ssyncset.done $0x0  }
0x328: {  	[sflag:s26] =	ssyncadd.s32 $0xFFFFC000  }
0x329: {  	[spmem:s3] =	stream.indirect.scatter.add.f32 [tilespmem:s23], [sflag:$0x3], $0x80, s12, s22, $0xb8;
	[tilespmem:$0x1CC00] =	vst v63  }
0x32a: {  	_ =	swait.ge [sflag:s20], $0x4000  }
0x32b: {  	[sflag:s20] =	ssyncset.done $0x0  }
0x32c: {  	[sflag:s20] =	ssyncadd.s32 $0xFFFFC000  }
0x32d: {  	[tilespmem:s23], [sflag:$0x2] =	stream.indirect.gather [hbm4b:s1+s22], $0x80, s16, s22, $0xb8;
	[tilespmem:$0x1CC00] =	vst v63  }
0x32e: {  	_ =	swait.ge [sflag:s24], $0x4000  }
0x32f: {  	[sflag:s24] =	ssyncset.done $0x0  }
0x330: {  	[sflag:s24] =	ssyncadd.s32 $0xFFFFC000  }
0x331: {  	[spmem:s3] =	stream.indirect.scatter.add.f32 [tilespmem:s19], [sflag:$0x3], $0x80, s6, s22, $0xb8;
	[tilespmem:$0x1CC00] =	vst v63  }
0x332: {  	_ =	swait.ge [sflag:s20], $0x4000  }
0x333: {  	[sflag:s20] =	ssyncset.done $0x0  }
0x334: {  	[sflag:s20] =	ssyncadd.s32 $0xFFFFC000  }
0x335: {  	[tilespmem:s19], [sflag:$0x1] =	stream.indirect.gather [hbm4b:s1+s22], $0x80, s25, s22, $0xb8;
	[tilespmem:$0x1CC00] =	vst v63  }
0x336: {  	_ =	swait.ge [sflag:s26], $0x4000  }
0x337: {  	[sflag:s26] =	ssyncset.done $0x0  }
0x338: {  	[sflag:s26] =	ssyncadd.s32 $0xFFFFC000  }
0x339: {  	[spmem:s3] =	stream.indirect.scatter.add.f32 [tilespmem:s23], [sflag:$0x3], $0x80, s28, s22, $0xb8;
	[tilespmem:$0x1CC00] =	vst v63  }
0x33a: {  	_ =	swait.ge [sflag:s20], $0x4000  }
0x33b: {  	[sflag:s20] =	ssyncset.done $0x0  }
0x33c: {  	[sflag:s20] =	ssyncadd.s32 $0xFFFFC000  }
0x33d: {  	[tilespmem:s23], [sflag:$0x2] =	stream.indirect.gather [hbm4b:s1+s22], $0x80, s29, s22, $0xb8;
	[tilespmem:$0x1CC00] =	vst v63  }
0x33e: {  	_ =	swait.ge [sflag:s24], $0x4000  }
0x33f: {  	[sflag:s24] =	ssyncset.done $0x0  }
0x340: {  	[sflag:s24] =	ssyncadd.s32 $0xFFFFC000  }
0x341: {  	[spmem:s3] =	stream.indirect.scatter.add.f32 [tilespmem:s19], [sflag:$0x3], $0x80, s30, s22, $0xb8;
	[tilespmem:$0x1CC00] =	vst v63  }
0x342: {  	_ =	swait.ge [sflag:s20], $0x4000  }
0x343: {  	[sflag:s20] =	ssyncset.done $0x0  }
0x344: {  	[sflag:s20] =	ssyncadd.s32 $0xFFFFC000  }
0x345: {  	[tilespmem:s19], [sflag:$0x1] =	stream.indirect.gather [hbm4b:s1+s22], $0x80, s31, s22, $0xb8;
	[tilespmem:$0x1CC00] =	vst v63  }
0x346: {  	_ =	swait.ge [sflag:s26], $0x4000  }
0x347: {  	[sflag:s26] =	ssyncset.done $0x0  }
0x348: {  	[sflag:s26] =	ssyncadd.s32 $0xFFFFC000  }
0x349: {  	[spmem:s3] =	stream.indirect.scatter.add.f32 [tilespmem:s23], [sflag:$0x3], $0x80, s0, s22, $0xb8;
	[tilespmem:$0x1CC00] =	vst v63  }
0x34a: {  	_ =	swait.ge [sflag:s20], $0x4000  }
0x34b: {  	[sflag:s20] =	ssyncset.done $0x0  }
0x34c: {  	[sflag:s20] =	ssyncadd.s32 $0xFFFFC000  }
0x34d: {  	[tilespmem:s23], [sflag:$0x2] =	stream.indirect.gather [hbm4b:s1+s22], $0x80, s11, s22, $0xb8;
	[tilespmem:$0x1CC00] =	vst v63  }
0x34e: {  	_ =	swait.ge [sflag:s24], $0x4000  }
0x34f: {  	[sflag:s24] =	ssyncset.done $0x0  }
0x350: {  	[sflag:s24] =	ssyncadd.s32 $0xFFFFC000  }
0x351: {  	[spmem:s3] =	stream.indirect.scatter.add.f32 [tilespmem:s19], [sflag:$0x3], $0x80, s13, s22, $0xb8;
	[tilespmem:$0x1CC00] =	vst v63  }
0x352: {  	_ =	swait.ge [sflag:s20], $0x4000  }
0x353: {  	[sflag:s20] =	ssyncset.done $0x0  }
0x354: {  	[sflag:s20] =	ssyncadd.s32 $0xFFFFC000  }
0x355: {  	[tilespmem:s19], [sflag:$0x1] =	stream.indirect.gather [hbm4b:s1+s22], $0x80, s14, s22, $0xb8;
	[tilespmem:$0x1CC00] =	vst v63  }
0x356: {  	_ =	swait.ge [sflag:s26], $0x4000  }
0x357: {  	[sflag:s26] =	ssyncset.done $0x0  }
0x358: {  	[sflag:s26] =	ssyncadd.s32 $0xFFFFC000  }
0x359: {  	[spmem:s3] =	stream.indirect.scatter.add.f32 [tilespmem:s23], [sflag:$0x3], $0x80, s15, s22, $0xb8;
	[tilespmem:$0x1CC00] =	vst v63  }
0x35a: {  	_ =	swait.ge [sflag:s20], $0x4000  }
0x35b: {  	[sflag:s20] =	ssyncset.done $0x0  }
0x35c: {  	[sflag:s20] =	ssyncadd.s32 $0xFFFFC000  }
0x35d: {  	[tilespmem:s23], [sflag:$0x2] =	stream.indirect.gather [hbm4b:s1+s22], $0x80, s2, s22, $0xb8;
	[tilespmem:$0x1CC00] =	vst v63  }
0x35e: {  	_ =	swait.ge [sflag:s24], $0x4000  }
0x35f: {  	[sflag:s24] =	ssyncset.done $0x0  }
0x360: {  	s8 =	simm.s32 $0xC00;
	[sflag:s24] =	ssyncadd.s32 $0xFFFFC000  }
0x361: {  	[spmem:s3] =	stream.indirect.scatter.add.f32 [tilespmem:s19], [sflag:$0x3], $0x80, s8, s22, $0xb8;
	[tilespmem:$0x1CC00] =	vst v63  }
0x362: {  	_ =	swait.ge [sflag:s20], $0x4000  }
0x363: {  	[sflag:s20] =	ssyncset.done $0x0  }
0x364: {  	s8 =	simm.s32 $0x500;
	[sflag:s20] =	ssyncadd.s32 $0xFFFFC000  }
0x365: {  	[tilespmem:s19], [sflag:$0x1] =	stream.indirect.gather [hbm4b:s1+s22], $0x80, s8, s22, $0xb8;
	[tilespmem:$0x1CC00] =	vst v63  }
0x366: {  	_ =	swait.ge [sflag:s26], $0x4000  }
0x367: {  	[sflag:s26] =	ssyncset.done $0x0  }
0x368: {  	s8 =	simm.s32 $0xC80;
	[sflag:s26] =	ssyncadd.s32 $0xFFFFC000  }
0x369: {  	[spmem:s3] =	stream.indirect.scatter.add.f32 [tilespmem:s23], [sflag:$0x3], $0x80, s8, s22, $0xb8;
	[tilespmem:$0x1CC00] =	vst v63  }
0x36a: {  	_ =	swait.ge [sflag:s20], $0x4000  }
0x36b: {  	[sflag:s20] =	ssyncset.done $0x0  }
0x36c: {  	s8 =	simm.s32 $0x580;
	[sflag:s20] =	ssyncadd.s32 $0xFFFFC000  }
0x36d: {  	[tilespmem:s23], [sflag:$0x2] =	stream.indirect.gather [hbm4b:s1+s22], $0x80, s8, s22, $0xb8;
	[tilespmem:$0x1CC00] =	vst v63  }
0x36e: {  	_ =	swait.ge [sflag:s24], $0x4000  }
0x36f: {  	[sflag:s24] =	ssyncset.done $0x0  }
0x370: {  	s8 =	simm.s32 $0xD00;
	[sflag:s24] =	ssyncadd.s32 $0xFFFFC000  }
0x371: {  	[spmem:s3] =	stream.indirect.scatter.add.f32 [tilespmem:s19], [sflag:$0x3], $0x80, s8, s22, $0xb8;
	[tilespmem:$0x1CC00] =	vst v63  }
0x372: {  	_ =	swait.ge [sflag:s20], $0x4000  }
0x373: {  	[sflag:s20] =	ssyncset.done $0x0  }
0x374: {  	s8 =	simm.s32 $0x600;
	[sflag:s20] =	ssyncadd.s32 $0xFFFFC000  }
0x375: {  	[tilespmem:s19], [sflag:$0x1] =	stream.indirect.gather [hbm4b:s1+s22], $0x80, s8, s22, $0xb8;
	[tilespmem:$0x1CC00] =	vst v63  }
0x376: {  	_ =	swait.ge [sflag:s26], $0x4000  }
0x377: {  	[sflag:s26] =	ssyncset.done $0x0  }
0x378: {  	s8 =	simm.s32 $0xD80;
	[sflag:s26] =	ssyncadd.s32 $0xFFFFC000  }
0x379: {  	[spmem:s3] =	stream.indirect.scatter.add.f32 [tilespmem:s23], [sflag:$0x3], $0x80, s8, s22, $0xb8;
	[tilespmem:$0x1CC00] =	vst v63  }
0x37a: {  	_ =	swait.ge [sflag:s20], $0x4000  }
0x37b: {  	[sflag:s20] =	ssyncset.done $0x0  }
0x37c: {  	s8 =	simm.s32 $0x680;
	[sflag:s20] =	ssyncadd.s32 $0xFFFFC000  }
0x37d: {  	[tilespmem:s23], [sflag:$0x2] =	stream.indirect.gather [hbm4b:s1+s22], $0x80, s8, s22, $0xb8;
	[tilespmem:$0x1CC00] =	vst v63  }
0x37e: {  	_ =	swait.ge [sflag:s24], $0x4000  }
0x37f: {  	[sflag:s24] =	ssyncset.done $0x0  }
0x380: {  	s8 =	simm.s32 $0xE00;
	[sflag:s24] =	ssyncadd.s32 $0xFFFFC000  }
0x381: {  	[spmem:s3] =	stream.indirect.scatter.add.f32 [tilespmem:s19], [sflag:$0x3], $0x80, s8, s22, $0xb8;
	[tilespmem:$0x1CC00] =	vst v63  }
0x382: {  	_ =	swait.ge [sflag:s20], $0x4000  }
0x383: {  	[sflag:s20] =	ssyncset.done $0x0  }
0x384: {  	s8 =	simm.s32 $0x700;
	[sflag:s20] =	ssyncadd.s32 $0xFFFFC000  }
0x385: {  	[tilespmem:s19], [sflag:$0x1] =	stream.indirect.gather [hbm4b:s1+s22], $0x80, s8, s22, $0xb8;
	[tilespmem:$0x1CC00] =	vst v63  }
0x386: {  	_ =	swait.ge [sflag:s26], $0x4000  }
0x387: {  	[sflag:s26] =	ssyncset.done $0x0  }
0x388: {  	s8 =	simm.s32 $0xE80;
	[sflag:s26] =	ssyncadd.s32 $0xFFFFC000  }
0x389: {  	[spmem:s3] =	stream.indirect.scatter.add.f32 [tilespmem:s23], [sflag:$0x3], $0x80, s8, s22, $0xb8;
	[tilespmem:$0x1CC00] =	vst v63  }
0x38a: {  	_ =	swait.ge [sflag:s20], $0x4000  }
0x38b: {  	[sflag:s20] =	ssyncset.done $0x0  }
0x38c: {  	s8 =	simm.s32 $0x780;
	[sflag:s20] =	ssyncadd.s32 $0xFFFFC000  }
0x38d: {  	[tilespmem:s23], [sflag:$0x2] =	stream.indirect.gather [hbm4b:s1+s22], $0x80, s8, s22, $0xb8;
	[tilespmem:$0x1CC00] =	vst v63  }
0x38e: {  	_ =	swait.ge [sflag:s24], $0x4000  }
0x38f: {  	[sflag:s24] =	ssyncset.done $0x0  }
0x390: {  	s8 =	simm.s32 $0xF00;
	[sflag:s24] =	ssyncadd.s32 $0xFFFFC000  }
0x391: {  	[spmem:s3] =	stream.indirect.scatter.add.f32 [tilespmem:s19], [sflag:$0x3], $0x80, s8, s22, $0xb8;
	[tilespmem:$0x1CC00] =	vst v63  }
0x392: {  	_ =	swait.ge [sflag:s20], $0x4000  }
0x393: {  	[sflag:s20] =	ssyncset.done $0x0  }
0x394: {  	[sflag:s20] =	ssyncadd.s32 $0xFFFFC000  }
0x395: {  	_ =	swait.ge [sflag:s26], $0x4000  }
.Ltmp6:
0x396: {  	[sflag:s26] =	ssyncset.done $0x0;
	(pc) =	sbr.rel @p2 .LBB2_5-.Ltmp6, $4  }
0x397: {  	s8 =	simm.s32 $0xF80;
	[sflag:s26] =	ssyncadd.s32 $0xFFFFC000  }
0x398: {  	[spmem:s3] =	stream.indirect.scatter.add.f32 [tilespmem:s23], [sflag:$0x3], $0x80, s8, s22, $0xb8;
	[tilespmem:$0x1CC00] =	vst v63  }
0x399: {  	_ =	swait.ge [sflag:s20], $0x4000  }
0x39a: {  	s8 =	smov.u32 s9;
	[sflag:s20] =	ssyncset.done $0x0  }
.Ltmp7:
0x39b: {  	_ = 	snop;
	(pc) =	sbr.rel .LBB2_6-.Ltmp7, $1  }
0x39c: {  	_ =	sdelay $0x3  }
.LBB2_11:
0x39d: {  	_ =	sfence.sel $0x180000  }
0x39e: {  	[bflag:$0x0] =	sbarrier.arrive $0xFFFF  }
0x39f: {  	_ =	strace $0x9000004D  }
0x3a0: {  	s0 =	stileid.u32;
	[bflag:$0x2] =	sbarrier.arrive $0xFFFF  }
0x3a1: {  	p0 =	sne.s32 s0, $0x0;
	s0 =	rddreg [dreg:$0x3]  }
0x3a2: {  	s0 =	sadd.s32 @!p0 $0x100000, s0  }
0x3a3: {  	[sflag:s0] =	ssyncadd.tile.s32 @!p0 $0x1;
	_ =	shalt  }
.Lfunc_end2:
_tile_overlayer_lowered:
.L_overlay_start_2:
0x3a4: {  	(tag) =	ssettag $0x2  }
0x3a5: {  	s0 =	rddreg [dreg:$0x0];
	s2 =	stileid.u32  }
0x3a6: {  	s1 =	rddreg [dreg:$0x1];
	p0 =	sne.s32 s2, $0x0  }
0x3a7: {  	s3 =	rddreg [dreg:$0x2];
	[bflag:$0x3] =	sbarrier.arrive $0xFFFF;
	s2 =	simm.s32 @!p0 $0x1C03  }
0x3a8: {  	[timem:s3], [sflag:s2] =	dma.local @!p0 [hbm:s0], s1  }
0x3a9: {  	s0 =	simm.s32 @!p0 $0x3  }
0x3aa: {  	_ =	swait.ge @!p0 [sflag:s0], s1  }
0x3ab: {  	s1 =	ssub.s32 @!p0 $0x0, s1;
	[sflag:s0] =	ssyncset.done @!p0 $0x0  }
0x3ac: {  	[sflag:s0] =	ssyncadd.s32 @!p0 s1  }
0x3ad: {  	[bflag:$0x3] =	sbarrier.arrive $0xFFFF  }
0x3ae: {  	_ =	shalt  }

// kernel: gcn_sc_deg.3.cloned.1.call-start
scs
__scs_entry_jumppad:
0x0: {  	(pc) =	sbr.rel $0x88, $3  }
0x1: {  	(tag) =	ssettag $0x0;
	lr =	simm.s32 $0x1  }
0x2: {  	[smem:$0x3F99] =	sst lr;
	_ =	strace $0xD0000000  }
0x3: {  	_ = 	snop  }
0x4: {  	_ = 	snop  }
0x5: {  	_ = 	snop  }
0x6: {  	_ = 	snop  }
0x7: {  	_ = 	snop  }
__scs_overlays_trampoline_lowered:
0x8: {  	[smem:$0x3FA8] =	sst s0  }
0x9: {  	[smem:$0x3FA9] =	sst s1  }
0xa: {  	[smem:$0x3FAA] =	sst s2  }
0xb: {  	[smem:$0x3FAB] =	sst s3  }
0xc: {  	[smem:$0x3FAC] =	sst s4  }
0xd: {  	[smem:$0x3FAD] =	sst s5  }
0xe: {  	[smem:$0x3FAE] =	sst s6  }
0xf: {  	[smem:$0x3FAF] =	sst s7  }
0x10: {  	[smem:$0x3FB0] =	sst s8  }
0x11: {  	[smem:$0x3FB1] =	sst s9;
	s0 =	simm.s32 @!p0 $0x0  }
0x12: {  	s1 =	sld [smem:$0x3F97];
	s0 =	simm.s32 @p0 $0x1  }
0x13: {  	[smem:$0x3FB2] =	sst s0;
	s0 =	simm.s32 @!p1 $0x0  }
0x14: {  	s2 =	sld [smem:$0x3F96];
	s0 =	simm.s32 @p1 $0x1  }
0x15: {  	[smem:$0x3FB3] =	sst s0;
	s0 =	simm.s32 @!p2 $0x0  }
0x16: {  	s3 =	sld [smem:$0x3FDB];
	s0 =	simm.s32 @p2 $0x1  }
0x17: {  	s4 =	simm.s32 $0x1BF5;
	[smem:$0x3FB5] =	sst s0  }
0x18: {  	s0 =	sld [smem:$0x3F98];
	_ =	swait.ge [sflag:s4], $0x0  }
0x19: {  	s7 =	sld [smem:$0x3F99]  }
0x1a: {  	s8 =	sadd.s32 $0xFFFFE003, lr  }
0x1b: {  	s9 =	sadd.s32 $0xFFFFFEF7, lr;
	s5 =	simm.s32 $0xFFFFFFFF;
	p2 =	slt.u32 s8, $0xFFFFF086  }
0x1c: {  	p1 =	slt.u32 s9, $0xF7A;
	s5 =	simm.s32 @!p2 $0x0  }
0x1d: {  	s5 =	simm.s32 @p1 $0x1;
	p0 =	seq.s32 s7, s2  }
0x1e: {  	s7 =	smul.u32 @!p0 $0xF7A, s2;
	p2 =	seq.s32 @!p0 s5, $0x0  }
0x1f: {  	s9 =	smul.u32 $0xF7A, s1;
	s8 =	simm.s32 @!p0 $0x1BF5;
	p2 =	por !p2, p0  }
0x20: {  	[sflag:s8] =	ssyncset.s32 @!p0 $0xFFFFF086;
	s6 =	sadd.s32 @!p0 s3, s7;
	s7 =	simm.s32 @!p0 $0x108  }
0x21: {  	s3 =	sadd.s32 s3, s9;
	s6 =	sadd.s32 @!p0 $0x88, s6;
	s7 =	simm.s32 @p2 $0x1082  }
0x22: {  	[simem:s7], [sflag:s8] =	dma.local @!p0 [hbm:s6], $0xF7A  }
0x23: {  	s9 =	sor.u32 $0xD0000000, s2;
	s6 =	simm.s32 $0x108;
	_ =	swait.ge @!p0 [sflag:s8], $0x0  }
0x24: {  	s3 =	sadd.s32 $0x88, s3;
	s6 =	simm.s32 @!p1 $0x1082;
	[sflag:s4] =	ssyncset.s32 $0xFFFFF086  }
0x25: {  	[simem:s6], [sflag:s4] =	dma.local [hbm:s3], $0xF7A  }
0x26: {  	[smem:$0x3F99] =	sst s1;
	(tag) =	ssettag s2;
	_ =	strace s9  }
0x27: {  	s1 =	sld [smem:$0x3FA9]  }
0x28: {  	s2 =	sld [smem:$0x3FAA]  }
0x29: {  	s4 =	sld [smem:$0x3FAC]  }
0x2a: {  	p0 =	seq.s32 s5, $0x0;
	s5 =	sld [smem:$0x3FAD]  }
0x2b: {  	s6 =	sld [smem:$0x3FAE]  }
0x2c: {  	s7 =	sld [smem:$0x3FAF]  }
0x2d: {  	s3 =	simm.s32 $0x108;
	s8 =	sld [smem:$0x3FB0]  }
0x2e: {  	s3 =	simm.s32 @!p0 $0x1082;
	s9 =	sld [smem:$0x3FB1]  }
0x2f: {  	lr =	sadd.s32 s0, s3;
	s0 =	sld [smem:$0x3FA8]  }
0x30: {  	s3 =	sld [smem:$0x3FAB]  }
0x31: {  	[smem:$0x3FB4] =	sst s10  }
0x32: {  	s10 =	sld [smem:$0x3FB2];
	_ =	sdelay $0x3  }
0x33: {  	p0 =	seq.s32 s10, $0x1;
	s10 =	sld [smem:$0x3FB4];
	_ =	sdelay $0x3  }
0x34: {  	[smem:$0x3FB4] =	sst s10  }
0x35: {  	s10 =	sld [smem:$0x3FB3];
	_ =	sdelay $0x3  }
0x36: {  	p1 =	seq.s32 s10, $0x1;
	s10 =	sld [smem:$0x3FB4];
	_ =	sdelay $0x3  }
0x37: {  	[smem:$0x3FB4] =	sst s10  }
0x38: {  	s10 =	sld [smem:$0x3FB5]  }
0x39: {  	_ = 	snop;
	(pc) =	sbr.ind lr, $3  }
0x3a: {  	_ = 	snop  }
0x3b: {  	_ = 	snop  }
0x3c: {  	p2 =	seq.s32 s10, $0x1;
	s10 =	sld [smem:$0x3FB4]  }
0x3d: {  	_ =	shalt  }
0x3e: {  	_ =	shalt  }
0x3f: {  	_ =	shalt  }
0x40: {  	_ =	shalt  }
0x41: {  	_ =	shalt  }
0x42: {  	_ =	shalt  }
0x43: {  	_ =	shalt  }
0x44: {  	_ =	shalt  }
0x45: {  	_ =	shalt  }
0x46: {  	_ =	shalt  }
0x47: {  	_ =	shalt  }
0x48: {  	_ =	shalt  }
0x49: {  	_ =	shalt  }
0x4a: {  	_ =	shalt  }
0x4b: {  	_ =	shalt  }
0x4c: {  	_ =	shalt  }
0x4d: {  	_ =	shalt  }
0x4e: {  	_ =	shalt  }
0x4f: {  	_ =	shalt  }
0x50: {  	_ =	shalt  }
0x51: {  	_ =	shalt  }
0x52: {  	_ =	shalt  }
0x53: {  	_ =	shalt  }
0x54: {  	_ =	shalt  }
0x55: {  	_ =	shalt  }
0x56: {  	_ =	shalt  }
0x57: {  	_ =	shalt  }
0x58: {  	_ =	shalt  }
0x59: {  	_ =	shalt  }
0x5a: {  	_ =	shalt  }
0x5b: {  	_ =	shalt  }
0x5c: {  	_ =	shalt  }
0x5d: {  	_ =	shalt  }
0x5e: {  	_ =	shalt  }
0x5f: {  	_ =	shalt  }
0x60: {  	_ =	shalt  }
0x61: {  	_ =	shalt  }
0x62: {  	_ =	shalt  }
0x63: {  	_ =	shalt  }
0x64: {  	_ =	shalt  }
0x65: {  	_ =	shalt  }
0x66: {  	_ =	shalt  }
0x67: {  	_ =	shalt  }
0x68: {  	_ =	shalt  }
0x69: {  	_ =	shalt  }
0x6a: {  	_ =	shalt  }
0x6b: {  	_ =	shalt  }
0x6c: {  	_ =	shalt  }
0x6d: {  	_ =	shalt  }
0x6e: {  	_ =	shalt  }
0x6f: {  	_ =	shalt  }
0x70: {  	_ =	shalt  }
0x71: {  	_ =	shalt  }
0x72: {  	_ =	shalt  }
0x73: {  	_ =	shalt  }
0x74: {  	_ =	shalt  }
0x75: {  	_ =	shalt  }
0x76: {  	_ =	shalt  }
0x77: {  	_ =	shalt  }
0x78: {  	_ =	shalt  }
0x79: {  	_ =	shalt  }
0x7a: {  	_ =	shalt  }
0x7b: {  	_ =	shalt  }
0x7c: {  	_ =	shalt  }
0x7d: {  	_ =	shalt  }
0x7e: {  	_ =	shalt  }
0x7f: {  	_ =	shalt  }
0x80: {  	_ =	shalt  }
0x81: {  	_ =	shalt  }
0x82: {  	_ =	shalt  }
0x83: {  	_ =	shalt  }
0x84: {  	_ =	shalt  }
0x85: {  	_ =	shalt  }
0x86: {  	_ =	shalt  }
0x87: {  	_ =	shalt  }
.Lfunc_end0:
.L_simem_size_0:
called_computation_lowered:
.L_overlay_start_0:
0x88: {  	s2 =	sld [smem:$0x3FD9]  }
0x89: {  	s3 =	sld [smem:$0x3FFE];
	_ =	sdelay $0x1  }
0x8a: {  	s1 =	srdreg.scid  }
0x8b: {  	s0 =	sand.u32 $0x1, s1  }
0x8c: {  	s17 =	sshll.u32 s0, $0xA;
	s2 =	sadd.s32 s3, s2  }
0x8d: {  	s2 =	sadd.s32 s2, s17  }
0x8e: {  	[smem:$0x3FC0] =	sst s2  }
0x8f: {  	_ = 	snop  }
0x90: {  	s2 =	sld [smem:$0x3FD0];
	(tm) =	ssettm $0x1  }
0x91: {  	s18 =	sld [smem:$0x3FFB];
	_ =	sdelay $0x3  }
0x92: {  	_ =	strace s18  }
0x93: {  	s3 =	sld [smem:$0x3FFC];
	_ =	sdelay $0x3  }
0x94: {  	_ =	strace s3  }
0x95: {  	s3 =	sld [smem:$0x3FFD];
	_ =	sdelay $0x3  }
0x96: {  	_ =	strace s3  }
0x97: {  	_ =	strace $0x8FFFFFFF  }
0x98: {  	s19 =	sld [smem:$0x3FDB];
	_ =	sdelay $0x1  }
0x99: {  	s4 =	simm.s32 $_scs_section_size  }
0x9a: {  	s5 =	simm.s32 $_size__tile_overlayer_lowered;
	s6 =	simm.s32 $_tile_overlayer_lowered  }
0x9b: {  	s22 =	simm.s32 $0x1BFF;
	s21 =	sshll.u32 s6, $0x1;
	s3 =	sadd.s32 s4, s19  }
0x9c: {  	s7 =	simm.s32 $0x0;
	s20 =	sshll.u32 s5, $0x1;
	s5 =	sadd.s32 s21, s3  }
0x9d: {  	[timem:s7], [sflag:s22] =	dma.local [hbm:s5], s20  }
0x9e: {  	_ =	swait.ge [sflag:s22], s20  }
0x9f: {  	s4 =	ssub.s32 $0x0, s20;
	[sflag:s22] =	ssyncset.done $0x0  }
0xa0: {  	[sflag:s22] =	ssyncadd.s32 s4;
	_ =	sdelay $0x1  }
0xa1: {  	s23 =	simm.s32 $0x1B8B  }
0xa2: {  	_ =	swait.ge [sflag:s23], $0x1  }
0xa3: {  	[sflag:s23] =	ssyncset.done $0x0  }
0xa4: {  	s25 =	simm.s32 $0x1B8E;
	s24 =	sld [smem:$0x3FFE];
	[sflag:s23] =	ssyncadd.s32 $0xFFFFFFFF  }
0xa5: {  	s26 =	simm.s32 $execute0_lowered;
	[smem:$0x3FD2] =	sst s25  }
0xa6: {  	s5 =	sshll.u32 s26, $0x1;
	_ =	strace $0x80000046;
	[dreg:$0x1] =	wrdreg $0xFFFFFFFF  }
0xa7: {  	s28 =	simm.s32 $_size_execute0_lowered;
	s3 =	sadd.s32 s3, s5;
	[dreg:$0x0] =	wrdreg $0x0  }
0xa8: {  	s5 =	sshll.u32 s28, $0x1;
	[dreg:$0x2] =	wrdreg s3  }
0xa9: {  	[dreg:$0x3] =	wrdreg s5  }
0xaa: {  	[dreg:$0x4] =	wrdreg $0xC0  }
0xab: {  	_ =	task [dreg:s7], $0x5FFFF  }
0xac: {  	[dreg:$0x1] =	wrdreg $0xFFFFFFFF  }
0xad: {  	[dreg:$0x0] =	wrdreg $0x60  }
0xae: {  	[dreg:$0x2] =	wrdreg s24  }
0xaf: {  	[dreg:$0x3] =	wrdreg s2  }
0xb0: {  	[dreg:$0x4] =	wrdreg $0x9  }
0xb1: {  	_ =	task.clear_ibuf [dreg:s7], $0x5FFFF;
	_ =	strace $0x90000046  }
0xb2: {  	s29 =	simm.s32 $0x9;
	_ =	strace $0x80000048  }
0xb3: {  	_ =	swait.ge [sflag:s29], $0x1  }
0xb4: {  	[sflag:s29] =	ssyncadd.s32 $0xFFFFFFFF  }
0xb5: {  	_ =	strace $0x90000048  }
0xb6: {  	_ =	sfence  }
0xb7: {  	s30 =	sld [smem:$0x0];
	_ =	sdelay $0x2  }
0xb8: {  	s31 =	sshll.u32 s1, $0xD;
	s1 =	sshrl.u32 s1, $0x2  }
0xb9: {  	s3 =	sand.u32 $0x4000, s31;
	s1 =	sadd.s32 s1, s30  }
0xba: {  	s0 =	sor.u32 s3, s0;
	s1 =	sshll.u32 s1, $0x11  }
0xbb: {  	s0 =	sor.u32 s1, s0  }
0xbc: {  	s0 =	sadd.s32 $0x8F2B, s0  }
0xbd: {  	[sflag:s0] =	ssyncadd.remote.s32 $0x1  }
0xbe: {  	_ =	sfence.sel $0xFFFF  }
0xbf: {  	[dreg:$0x0] =	wrdreg $0xFFFFFFFF;
	(pc) =	sbr.abs _section_cstart, $3  }
0xc0: {  	[dreg:$0x1] =	wrdreg $0xFFFFFFFF  }
0xc1: {  	_ =	task.clear_ibuf [dreg:s7], $0x2FFFF;
	_ =	strace $0x9FFFFFFF  }
0xc2: {  	(tm) =	ssettm $0x7FFFFFFF  }
0xc3: {  	_ =	shalt  }
tec
execute0_lowered:
.L_overlay_start_1:
0x0: {  	(tag) =	ssettag $0x1  }
0x1: {  	s3 =	rddreg [dreg:$0x0]  }
0x2: {  	s1 =	srdreg.scid;
	s0 =	stileid.u32  }
0x3: {  	s4 =	rddreg [dreg:$0x1];
	s9 =	simm.s32 $0x400;
	s10 =	simm.s32 $0x0  }
0x4: {  	s5 =	sand.u32 $0x1, s1;
	s2 =	sshll.u32 s0, $0x1;
	s1 =	rddreg [dreg:$0x2]  }
0x5: {  	s7 =	sshrl.u32 s0, $0x2;
	s6 =	sor.u32 s5, s2;
	s2 =	simm.s32 $0x0  }
0x6: {  	s7 =	smul.u32 $0x13C00, s7;
	s5 =	ssub.s32 $0x2, s5;
	s8 =	sshll.u32 s6, $0x7  }
0x7: {  	[smem:$0x7FF] =	sst s2;
	s6 =	smul.u32 $0x4E2, s6;
	s31 =	sshrl.u32 s5, $0x1  }
0x8: {  	s8 =	sand.u32 $0x380, s8;
	_ =	strace $0x80000047;
	s5 =	ssub.s32 s5, s31  }
0x9: {  	s7 =	sor.u32 s7, s8;
	s3 =	sadd.s32 s6, s3;
	s5 =	smax.u32 s5, $0x1  }
0xa: {  	s6 =	simm.s32 $0x1;
	s8 =	simm.s32 $0x80;
	s7 =	sshrl.u32 s7, $0x3  }
0xb: {  	v0 =	vimm.f32 $0.0e+00;
	v1 =	vimm.f32 $1.000000000e+00;
	s3 =	sadd.s32 $0x5600, s3;
	s4 =	sadd.s32 s4, s7;
	s7 =	simm.s32 $0x2780  }
.LBB2_1:
0xc: {  	[tilespmem:s2], [sflag:$0x1] =	stream.linear.gather [hbm4b:s3+s2], $0x2710, $0x38;
	[tilespmem:$0x4F00] =	vst v63  }
0xd: {  	_ =	swait.ge [sflag:s6], $0x2710  }
0xe: {  	[sflag:s6] =	ssyncset.done $0x0  }
0xf: {  	s11 =	simm.s32 $0x0;
	[sflag:s6] =	ssyncadd.s32 $0xFFFFD8F0  }
.LBB2_2:
0x10: {  	p0 =	sne.s32 s11, $0x9DC0  }
.Ltmp0:
0x11: {  	_ = 	snop;
	(pc) =	sbr.rel @p0 .LBB2_2-.Ltmp0, $3  }
0x12: {  	_ =	sdelay $0x1  }
0x13: {  	s12 =	sshra.s32 s11, $0x2  }
0x14: {  	s11 =	sadd.s32 $0x40, s11;
	[tilespmem:s12+$0x2780] =	vst v0  }
0x15: {  	s12 =	simm.s32 $0x0;
	s11 =	simm.s32 $0x40  }
.LBB2_4:
0x16: {  	p0 =	sne.s32 s11, $0x9C00;
	v2 =	vld [tilespmem:s12+$0x0];
	_ =	sdelay $0x3  }
.Ltmp1:
0x17: {  	(pc) =	sbr.rel @p0 .LBB2_4-.Ltmp1, $2  }
0x18: {  	_ =	sdelay $0x2  }
0x19: {  	s12 =	sshra.s32 s11, $0x2;
	s11 =	sadd.s32 $0x40, s11;
	[tilespmem:v2+s7+$0x0] =	vst.idx.add.f32.msk $0xffff, v1  }
0x1a: {  	v2 =	vld [tilespmem:s12+$0x0];
	_ =	sdelay $0x5  }
0x1b: {  	s10 =	sadd.s32 $0x1, s10  }
0x1c: {  	p0 =	sne.s32 s10, s5  }
.Ltmp2:
0x1d: {  	[tilespmem:v2+s7+$0x0] =	vst.idx.add.f32.msk $0xffff, v1;
	(pc) =	sbr.rel @p0 .LBB2_1-.Ltmp2, $4  }
0x1e: {  	[hbm4b:s4+s8] =	stream.strided.scatter [tilespmem:s7], [sflag:$0x1], $0x2780, s9, s8, $0x38;
	[tilespmem:$0x4F00] =	vst v63  }
0x1f: {  	_ =	swait.ge [sflag:s6], $0x2780  }
0x20: {  	[sflag:s6] =	ssyncset.done $0x0  }
0x21: {  	[sflag:s6] =	ssyncadd.s32 $0xFFFFD880  }
0x22: {  	_ =	sfence.sel $0x180000  }
0x23: {  	[bflag:$0x0] =	sbarrier.arrive $0xFFFF  }
0x24: {  	p0 =	sne.s32 s0, $0x0;
	_ =	strace $0x90000047  }
0x25: {  	s0 =	sadd.s32 @!p0 $0x100000, s1;
	[bflag:$0x2] =	sbarrier.arrive $0xFFFF  }
0x26: {  	[sflag:s0] =	ssyncadd.tile.s32 @!p0 $0x1;
	_ =	shalt  }
.Lfunc_end2:
_tile_overlayer_lowered:
.L_overlay_start_2:
0x27: {  	(tag) =	ssettag $0x2  }
0x28: {  	s0 =	rddreg [dreg:$0x0];
	s2 =	stileid.u32  }
0x29: {  	s1 =	rddreg [dreg:$0x1];
	p0 =	sne.s32 s2, $0x0  }
0x2a: {  	s3 =	rddreg [dreg:$0x2];
	[bflag:$0x3] =	sbarrier.arrive $0xFFFF;
	s2 =	simm.s32 @!p0 $0x1C01  }
0x2b: {  	[timem:s3], [sflag:s2] =	dma.local @!p0 [hbm:s0], s1  }
0x2c: {  	s0 =	simm.s32 @!p0 $0x1  }
0x2d: {  	_ =	swait.ge @!p0 [sflag:s0], s1  }
0x2e: {  	s1 =	ssub.s32 @!p0 $0x0, s1;
	[sflag:s0] =	ssyncset.done @!p0 $0x0  }
0x2f: {  	[sflag:s0] =	ssyncadd.s32 @!p0 s1  }
0x30: {  	[bflag:$0x3] =	sbarrier.arrive $0xFFFF  }
0x31: {  	_ =	shalt  }

</sc_bundles>
